<compile_context>
chip_gen: v7x
topology: tpu7x:2x2x1
jax: 0.10.2.dev20260603
libtpu: 0.0.44.dev20260713+nightly
codegen_flags: <defaults>
</compile_context>

<pallas_src>
import functools

import jax
import jax.numpy as jnp
from jax import lax
from jax.experimental import pallas as pl
from jax.experimental.pallas import tpu as pltpu
from jax.experimental.pallas import tpu_sc as plsc

H = 128
N_NODES = 10000
M_MSG = 160000
K_NEI = 4
B_TREE = 256
P_WORDS = 2 * H

_NC = 2
_NS = 16
_NW = _NC * _NS

_F32 = jnp.float32
_I32 = jnp.int32
_BF16 = jnp.bfloat16


def _wid():
    return lax.axis_index("s") * _NC + lax.axis_index("c")


def _sc_mesh():
    return plsc.VectorSubcoreMesh(core_axis_name="c", subcore_axis_name="s")


def _rnd_bf16_top(x):
    b = lax.bitcast_convert_type(x, _I32)
    return b + 0x7FFF + ((b >> 16) & 1)


def _pack_cols(x):
    w = x.shape[1] // 2
    lo = _rnd_bf16_top(x[:, :w])
    hi = _rnd_bf16_top(x[:, w:])
    return ((lo >> 16) & 0xFFFF) | (hi & jnp.int32(-65536))


def _unpack_cols(w):
    lo = lax.bitcast_convert_type(w << 16, _F32)
    hi = lax.bitcast_convert_type(w & jnp.int32(-65536), _F32)
    return jnp.concatenate([lo, hi], axis=1)


def _make_row_gather(total, d, chunk, active, dtype=_F32):
    per_w = total // active
    n_chunks = per_w // chunk
    assert per_w * active == total and n_chunks * chunk == per_w
    assert chunk % 8 == 0 and per_w % 8 == 0

    @functools.partial(
        pl.kernel,
        mesh=_sc_mesh(),
        out_type=jax.ShapeDtypeStruct((total, d), dtype),
        scratch_types=[
            pltpu.VMEM((per_w,), _I32),
            pltpu.VMEM((chunk, d), dtype),
            pltpu.VMEM((chunk, d), dtype),
            pltpu.SemaphoreType.DMA,
            pltpu.SemaphoreType.DMA,
        ],
    )
    def gather_k(table_hbm, idx_hbm, out_hbm, idx_v, rows_a, rows_b,
                 sem_a, sem_b):
        w = _wid()
        row_bufs = (rows_a, rows_b)
        sems = (sem_a, sem_b)

        @pl.when(w < active)
        def _():
            pltpu.sync_copy(idx_hbm.at[pl.ds(w * per_w, per_w)], idx_v)

            def issue(j, b):
                pltpu.make_async_copy(
                    table_hbm.at[idx_v.at[pl.ds(j * chunk, chunk)]],
                    row_bufs[b], sems[b]).start()

            issue(0, 0)

            def outer(j0, carry):
                for b in range(2):
                    j = 2 * j0 + b

                    @pl.when(j < n_chunks)
                    def _():
                        @pl.when(j + 1 < n_chunks)
                        def _():
                            issue(j + 1, 1 - b)

                        pltpu.make_async_copy(
                            table_hbm.at[idx_v.at[pl.ds(j * chunk, chunk)]],
                            row_bufs[b], sems[b]).wait()
                        base = w * per_w + j * chunk
                        pltpu.sync_copy(row_bufs[b],
                                        out_hbm.at[pl.ds(base, chunk)])

                return carry

            lax.fori_loop(0, (n_chunks + 1) // 2, outer, 0)

    return gather_k


def _make_xcat_gather(chunk):
    per_w = M_MSG // _NW
    n_chunks = per_w // chunk
    assert n_chunks * chunk == per_w and chunk % 8 == 0

    @functools.partial(
        pl.kernel,
        mesh=_sc_mesh(),
        out_type=(
            jax.ShapeDtypeStruct((M_MSG, P_WORDS), _I32),
            jax.ShapeDtypeStruct((M_MSG, H), _F32),
        ),
        scratch_types=[
            pltpu.VMEM((per_w,), _I32),
            pltpu.VMEM((chunk, P_WORDS), _I32),
            pltpu.VMEM((chunk, P_WORDS), _I32),
            pltpu.VMEM((chunk, H), _F32),
            pltpu.VMEM((chunk, H), _F32),
            pltpu.SemaphoreType.DMA,
            pltpu.SemaphoreType.DMA,
        ],
    )
    def xcat_k(pnode_hbm, h1node_hbm, fmess_hbm, xcat_hbm, h1_hbm,
               idx_v, p_a, p_b, h_a, h_b, sem_a, sem_b):
        w = _wid()
        p_bufs = (p_a, p_b)
        h_bufs = (h_a, h_b)
        sems = (sem_a, sem_b)

        pltpu.sync_copy(fmess_hbm.at[pl.ds(w * per_w, per_w)], idx_v)

        def issue(j, b):
            isl = idx_v.at[pl.ds(j * chunk, chunk)]
            pltpu.make_async_copy(pnode_hbm.at[isl], p_bufs[b],
                                  sems[b]).start()
            pltpu.make_async_copy(h1node_hbm.at[isl], h_bufs[b],
                                  sems[b]).start()

        issue(0, 0)

        def outer(j0, carry):
            for b in range(2):
                j = 2 * j0 + b

                @pl.when(j < n_chunks)
                def _():
                    @pl.when(j + 1 < n_chunks)
                    def _():
                        issue(j + 1, 1 - b)

                    isl = idx_v.at[pl.ds(j * chunk, chunk)]
                    pltpu.make_async_copy(pnode_hbm.at[isl], p_bufs[b],
                                          sems[b]).wait()
                    pltpu.make_async_copy(h1node_hbm.at[isl], h_bufs[b],
                                          sems[b]).wait()

                    @pl.when(jnp.logical_and(w == 0, j == 0))
                    def _():
                        for c in range(H // 16):
                            h_bufs[b][0, pl.ds(c * 16, 16)] = jnp.zeros(
                                (16,), _F32)

                    base = w * per_w + j * chunk
                    pltpu.sync_copy(p_bufs[b], xcat_hbm.at[pl.ds(base, chunk)])
                    pltpu.sync_copy(h_bufs[b], h1_hbm.at[pl.ds(base, chunk)])

            return carry

        lax.fori_loop(0, (n_chunks + 1) // 2, outer, 0)

    return xcat_k


def _make_final_gather():
    mb = (K_NEI * B_TREE) // _NW
    fb = B_TREE // _NS

    @functools.partial(
        pl.kernel,
        mesh=_sc_mesh(),
        out_type=(
            jax.ShapeDtypeStruct((K_NEI * B_TREE, H), _F32),
            jax.ShapeDtypeStruct((B_TREE, H), _F32),
        ),
        scratch_types=[
            pltpu.VMEM((mb,), _I32),
            pltpu.VMEM((mb, H), _F32),
            pltpu.VMEM((fb,), _I32),
            pltpu.VMEM((fb, H), _F32),
            pltpu.SemaphoreType.DMA,
        ],
    )
    def final_k(mess_hbm, femb_hbm, ngf_hbm, sidx_hbm, mess_s_hbm, femb_s_hbm,
                i1_v, r1_v, i2_v, r2_v, sem):
        w = _wid()
        base = w * mb
        pltpu.sync_copy(ngf_hbm.at[pl.ds(base, mb)], i1_v)
        pltpu.async_copy(mess_hbm.at[i1_v], r1_v, sem).wait()
        pltpu.sync_copy(r1_v, mess_s_hbm.at[pl.ds(base, mb)])

        @pl.when(w < _NS)
        def _():
            fbase = w * fb
            pltpu.sync_copy(sidx_hbm.at[pl.ds(fbase, fb)], i2_v)
            pltpu.async_copy(femb_hbm.at[i2_v], r2_v, sem).wait()
            pltpu.sync_copy(r2_v, femb_s_hbm.at[pl.ds(fbase, fb)])

    return final_k


def _pre_body(femb_ref, wcat_ref, bcat_ref, pnode_ref, h1n_ref):
    e = femb_ref[...]
    p = jnp.dot(e, wcat_ref[...], preferred_element_type=_F32) + bcat_ref[...]
    pnode_ref[:, :3 * H // 2] = _pack_cols(p)
    pnode_ref[:, 3 * H // 2:] = jnp.zeros(
        (e.shape[0], P_WORDS - 3 * H // 2), _I32)
    h1n_ref[...] = jax.nn.sigmoid(p[:, :H]) * jnp.tanh(p[:, 2 * H:])


def _precompute(femb, wcat, bcat):
    tn = 2000
    return pl.pallas_call(
        _pre_body,
        grid=(N_NODES // tn,),
        in_specs=[
            pl.BlockSpec((tn, H), lambda i: (i, 0)),
            pl.BlockSpec((H, 3 * H), lambda i: (0, 0)),
            pl.BlockSpec((1, 3 * H), lambda i: (0, 0)),
        ],
        out_specs=[
            pl.BlockSpec((tn, P_WORDS), lambda i: (i, 0)),
            pl.BlockSpec((tn, H), lambda i: (i, 0)),
        ],
        out_shape=[
            jax.ShapeDtypeStruct((N_NODES, P_WORDS), _I32),
            jax.ShapeDtypeStruct((N_NODES, H), _F32),
        ],
    )(femb, wcat, bcat)


_TM = 2000
_NSPLIT = 4
_M_PART = M_MSG // _NSPLIT
_PB = _M_PART // _TM


def _make_depth_part_body(off, with_prev):
    def body(*refs):
        if with_prev:
            (_prev_ref, xcat_ref, hn_ref, wzb_ref, ur_ref, bur_ref,
             whb_ref, hout_ref) = refs
        else:
            (xcat_ref, hn_ref, wzb_ref, ur_ref, bur_ref, whb_ref,
             hout_ref) = refs
        i = pl.program_id(0)
        x = _unpack_cols(xcat_ref[:, :3 * H // 2])
        xz = x[:, :H]
        xr = x[:, H:2 * H]
        xh = x[:, 2 * H:]
        h0 = hn_ref[0]
        h1 = hn_ref[1]
        h2 = hn_ref[2]
        h3 = hn_ref[3]
        sum_h = (h0 + h1) + (h2 + h3)
        z = jax.nn.sigmoid(xz + jnp.dot(sum_h, wzb_ref[...],
                                        preferred_element_type=_F32))
        ur = ur_ref[...]
        bur = bur_ref[...]
        sg = jnp.zeros_like(sum_h)
        for hk in (h0, h1, h2, h3):
            rk = jax.nn.sigmoid(
                xr + jnp.dot(hk, ur, preferred_element_type=_F32) + bur)
            sg = sg + rk * hk
        pre = jnp.tanh(xh + jnp.dot(sg, whb_ref[...],
                                    preferred_element_type=_F32))
        hnew = sum_h + z * (pre - sum_h)
        row = lax.broadcasted_iota(_I32, hnew.shape, 0) + (i + off) * _TM
        hout_ref[...] = jnp.where(row == 0, 0.0, hnew)

    return body


def _depth_part(part, xcat, hn, wzb, ur, bur, whb, prev=None):
    with_prev = prev is not None
    off = part * _PB
    half_specs = [
        pl.BlockSpec((_TM, P_WORDS), lambda i: (i + off, 0)),
        pl.BlockSpec((K_NEI, _TM, H), lambda i: (0, i, 0)),
        pl.BlockSpec((H, H), lambda i: (0, 0)),
        pl.BlockSpec((H, H), lambda i: (0, 0)),
        pl.BlockSpec((1, H), lambda i: (0, 0)),
        pl.BlockSpec((H, H), lambda i: (0, 0)),
    ]
    args = (xcat, hn, wzb, ur, bur, whb)
    if with_prev:
        half_specs = [pl.BlockSpec((8, H), lambda i: (0, 0))] + half_specs
        args = (prev,) + args
    return pl.pallas_call(
        _make_depth_part_body(off, with_prev),
        grid=(_PB,),
        in_specs=half_specs,
        out_specs=pl.BlockSpec((_TM, H), lambda i: (i + off, 0)),
        out_shape=jax.ShapeDtypeStruct((M_MSG, H), _F32),
        input_output_aliases={0: 0} if with_prev else {},
    )(*args)


def _out_body(mess_s_ref, femb_s_ref, wot_ref, wob_ref, bo_ref, tree_ref):
    nsum = (mess_s_ref[0] + mess_s_ref[1]) + (mess_s_ref[2] + mess_s_ref[3])
    acc = jnp.dot(femb_s_ref[...], wot_ref[...], preferred_element_type=_F32)
    acc = acc + jnp.dot(nsum, wob_ref[...], preferred_element_type=_F32)
    tree_ref[...] = jax.nn.relu(acc + bo_ref[...])


def _out_stage(mess_s, femb_s, wot, wob, bo):
    return pl.pallas_call(
        _out_body,
        out_shape=jax.ShapeDtypeStruct((B_TREE, H), _F32),
    )(mess_s, femb_s, wot, wob, bo)


def kernel(fnode, fmess, node_graph, mess_graph, scope, embedding,
           W_z, b_z, W_r, U_r, b_Ur, W_h, b_h, W_o, b_o):
    fnode = fnode.astype(_I32)
    fmess = fmess.astype(_I32)

    mg2 = mess_graph.T
    mgt_parts = [mg2[:, s * _M_PART:(s + 1) * _M_PART].reshape(-1)
                 for s in range(_NSPLIT)]
    sidx = scope[:, 0]
    ngf = jnp.take(node_graph, sidx, axis=0).T.reshape(-1)

    wcat = jnp.concatenate([W_z[:H], W_r, W_h[:H]], axis=1)
    bcat = jnp.concatenate(
        [b_z, jnp.zeros((H,), _F32), b_h]).reshape(1, 3 * H)

    femb = _make_row_gather(N_NODES, H, 400, 25)(embedding, fnode)
    pnode, h1node = _precompute(femb, wcat, bcat)
    xcat, h = _make_xcat_gather(40)(pnode, h1node, fmess)

    wzb = W_z[H:]
    whb = W_h[H:]
    bur = b_Ur.reshape(1, H)
    nei_gather = _make_row_gather(K_NEI * _M_PART, H, 200, _NW)
    for _ in range(2):
        hns = [nei_gather(h, mgt_parts[s]).reshape(K_NEI, _M_PART, H)
               for s in range(_NSPLIT)]
        hp = None
        for s in range(_NSPLIT):
            hp = _depth_part(s, xcat, hns[s], wzb, U_r, bur, whb, prev=hp)
        h = hp
    messages = h

    mess_s, femb_s = _make_final_gather()(messages, femb, ngf, sidx)
    tree_vecs = _out_stage(mess_s.reshape(K_NEI, B_TREE, H), femb_s,
                           W_o[:H], W_o[H:], b_o.reshape(1, H))
    return (tree_vecs, messages)

# --- scband reference (transcript-rebuilt; emitter-appended) ---
"""Pipeline reference for scband-jtnnencoder-64836826301013 (READ-ONLY COPY).

The authoritative reference and input builder live on the scoring server;
editing this copy changes nothing except your own understanding.
"""

import jax, jax.numpy as jnp
import numpy as np

H = 128
DEPTH = 3
VOCAB = 800
N = 10000
M = 160000
K = 4
B = 256


def setup_inputs(seed: int = 0) -> dict:
    key = jax.random.key(seed)
    ks = jax.random.split(key, 16)
    s_lin = 1.0 / np.sqrt(2 * H)
    s_sq = 1.0 / np.sqrt(H)
    inp = {
        'fnode': jax.random.randint(ks[0], (N,), 0, VOCAB, dtype=jnp.int64) if jax.config.jax_enable_x64 else jax.random.randint(ks[0], (N,), 0, VOCAB, dtype=jnp.int32),
        'fmess': jax.random.randint(ks[1], (M,), 0, N, dtype=jnp.int32),
        'node_graph': jax.random.randint(ks[2], (N, K), 0, M, dtype=jnp.int32),
        'mess_graph': jax.random.randint(ks[3], (M, K), 0, M, dtype=jnp.int32),
        'scope': jax.random.randint(ks[4], (B, 2), 0, N, dtype=jnp.int32),
        'embedding': jax.random.normal(ks[5], (VOCAB, H), dtype=jnp.float32) * 0.1,
        'W_z': jax.random.uniform(ks[6], (2 * H, H), minval=-s_lin, maxval=s_lin, dtype=jnp.float32),
        'b_z': jnp.zeros((H,), dtype=jnp.float32),
        'W_r': jax.random.uniform(ks[7], (H, H), minval=-s_sq, maxval=s_sq, dtype=jnp.float32),
        'U_r': jax.random.uniform(ks[8], (H, H), minval=-s_sq, maxval=s_sq, dtype=jnp.float32),
        'b_Ur': jnp.zeros((H,), dtype=jnp.float32),
        'W_h': jax.random.uniform(ks[9], (2 * H, H), minval=-s_lin, maxval=s_lin, dtype=jnp.float32),
        'b_h': jnp.zeros((H,), dtype=jnp.float32),
        'W_o': jax.random.uniform(ks[10], (2 * H, H), minval=-s_lin, maxval=s_lin, dtype=jnp.float32),
        'b_o': jnp.zeros((H,), dtype=jnp.float32),
    }
    return inp


def _graph_gru(h, x, mess_graph, W_z, b_z, W_r, U_r, b_Ur, W_h, b_h):
    mask = jnp.ones((h.shape[0], 1), dtype=h.dtype).at[0].set(0.0)
    for _ in range(DEPTH):
        h_nei = jnp.take(h, mess_graph, axis=0)            # [M, K, H] gather
        sum_h = h_nei.sum(axis=1)                           # [M, H]
        z_input = jnp.concatenate([x, sum_h], axis=1)
        z = jax.nn.sigmoid(z_input @ W_z + b_z)
        r_1 = (x @ W_r).reshape(-1, 1, H)
        r_2 = h_nei @ U_r + b_Ur
        r = jax.nn.sigmoid(r_1 + r_2)
        gated_h = r * h_nei
        sum_gated_h = gated_h.sum(axis=1)
        h_input = jnp.concatenate([x, sum_gated_h], axis=1)
        pre_h = jnp.tanh(h_input @ W_h + b_h)
        h = (1.0 - z) * sum_h + z * pre_h
        h = h * mask
    return h


def reference(fnode, fmess, node_graph, mess_graph, scope, embedding, W_z, b_z, W_r, U_r, b_Ur, W_h, b_h, W_o, b_o):
    fnode_emb = jnp.take(embedding, fnode, axis=0)          # [N, H] embedding lookup
    fmess_x = jnp.take(fnode_emb, fmess, axis=0)            # [M, H] gather
    messages = jnp.zeros((mess_graph.shape[0], H), dtype=jnp.float32)
    messages = _graph_gru(messages, fmess_x, mess_graph, W_z, b_z, W_r, U_r, b_Ur, W_h, b_h)
    mess_nei = jnp.take(messages, node_graph, axis=0)       # [N, K, H] gather
    node_vecs = jnp.concatenate([fnode_emb, mess_nei.sum(axis=1)], axis=-1)
    node_vecs = jax.nn.relu(node_vecs @ W_o + b_o)          # [N, H]
    tree_vecs = jnp.take(node_vecs, scope[:, 0], axis=0)    # [B, H]: node_vecs[st] for each (st, le)
    return (tree_vecs, messages)

if __name__ == "__main__":
    import jax
    _d = setup_inputs()
    print(jax.jit(kernel)(*tuple(_d.values())))

</pallas_src>

<mosaic_0001>
#map = affine_map<(d0, d1) -> (0, 0)>
#map1 = affine_map<(d0, d1) -> (0)>
module attributes {stable_mosaic.version = 14 : i64} {
  func.func @gather_k(%arg0: i32, %arg1: i32, %arg2: memref<160000x128xf32, #tpu.memory_space<hbm>>, %arg3: memref<160000xi32, #tpu.memory_space<hbm>>, %arg4: memref<160000x128xf32, #tpu.memory_space<hbm>>, %arg5: memref<5000xi32, #tpu.memory_space<vmem>>, %arg6: memref<200x128xf32, #tpu.memory_space<vmem>>, %arg7: memref<200x128xf32, #tpu.memory_space<vmem>>, %arg8: memref<!tpu.dma_semaphore, #tpu.memory_space<semaphore_mem>>, %arg9: memref<!tpu.dma_semaphore, #tpu.memory_space<semaphore_mem>>) attributes {dimension_semantics = [#tpu.dimension_semantics<core_parallel>, #tpu.dimension_semantics<subcore_parallel>], iteration_bounds = array<i64: 2, 16>, scalar_prefetch = 0 : i64, scratch_operands = 5 : i64, tpu.core_type = #tpu.core_type<sc_vector_subcore>, window_params = [{transform_indices = #map}, {transform_indices = #map1}, {transform_indices = #map}]} {
    %mul3A = arith.constant 2 : i32
    %mul3A_0 = arith.muli %arg1, %mul3A : i32
    %add3A = arith.addi %mul3A_0, %arg0 : i32
    %lt3A = arith.constant 32 : i32
    %lt3A_1 = arith.cmpi slt, %add3A, %lt3A : i32
    %convert_element_type3A = arith.extui %lt3A_1 : i1 to i32
    %cond3A = arith.constant 0 : i32
    %cond3A_2 = arith.cmpi ne, %convert_element_type3A, %cond3A : i32
    scf.if %cond3A_2 {
      %mul3A_3 = arith.constant 5000 : i32
      %mul3A_4 = arith.muli %add3A, %mul3A_3 : i32
      "tpu.region"() ({
        %run_scoped3A = tpu.sem_alloc : memref<!tpu.dma_semaphore, #tpu.memory_space<semaphore_mem>>
        %dma_start3A_14 = tpu.memref_slice %arg3[%mul3A_4] : memref<160000xi32, #tpu.memory_space<hbm>> -> memref<5000xi32, #tpu.memory_space<hbm>>
        %dma_start3A_15 = tpu.memref_slice %arg3[%mul3A_4] : memref<160000xi32, #tpu.memory_space<hbm>> -> memref<5000xi32, #tpu.memory_space<hbm>>
        tpu.enqueue_dma source(%dma_start3A_15 : memref<5000xi32, #tpu.memory_space<hbm>>) target(%arg5 : memref<5000xi32, #tpu.memory_space<vmem>>) target_semaphore(%run_scoped3A : memref<!tpu.dma_semaphore, #tpu.memory_space<semaphore_mem>>)
        %dma_wait3A = tpu.memref_slice %arg3[%mul3A_4] : memref<160000xi32, #tpu.memory_space<hbm>> -> memref<5000xi32, #tpu.memory_space<hbm>>
        %dma_wait3A_16 = tpu.memref_slice %arg3[%mul3A_4] : memref<160000xi32, #tpu.memory_space<hbm>> -> memref<5000xi32, #tpu.memory_space<hbm>>
        tpu.wait_dma2 semaphore(%run_scoped3A : memref<!tpu.dma_semaphore, #tpu.memory_space<semaphore_mem>>) src(%dma_wait3A_16 : memref<5000xi32, #tpu.memory_space<hbm>>) dst(%arg5 : memref<5000xi32, #tpu.memory_space<vmem>>)
        tpu.yield
      }) : () -> ()
      %dma_start3A = arith.constant 0 : i32
      %dma_start3A_5 = tpu.memref_slice %arg5[%dma_start3A] : memref<5000xi32, #tpu.memory_space<vmem>> -> memref<200xi32, #tpu.memory_space<vmem>>
      %dma_start3A_6 = arith.constant 0 : i32
      %dma_start3A_7 = arith.constant 0 : i32
      %dma_start3A_8 = tpu.memref_slice %arg2[%dma_start3A_6, %dma_start3A_7] : memref<160000x128xf32, #tpu.memory_space<hbm>> -> memref<160000x128xf32, #tpu.memory_space<hbm>>
      tpu.enqueue_indirect_dma source(%dma_start3A_8 : memref<160000x128xf32, #tpu.memory_space<hbm>>) target(%arg6 : memref<200x128xf32, #tpu.memory_space<vmem>>) offsets(%dma_start3A_5 : memref<200xi32, #tpu.memory_space<vmem>>) semaphore(%arg8 : memref<!tpu.dma_semaphore, #tpu.memory_space<semaphore_mem>>)
      %scan3A = arith.constant 0 : i32
      %scan3A_9 = arith.constant 0 : i32
      %scan3A_10 = arith.constant 13 : i32
      %scan3A_11 = arith.addi %scan3A_9, %scan3A_10 : i32
      %scan3A_12 = arith.constant 1 : i32
      scf.for %scan3A_14 = %scan3A_9 to %scan3A_11 step %scan3A_12  : i32 {
        %mul3A_15 = arith.constant 2 : i32
        %mul3A_16 = arith.muli %mul3A_15, %scan3A_14 : i32
        %add3A_17 = arith.constant 0 : i32
        %add3A_18 = arith.addi %mul3A_16, %add3A_17 : i32
        %lt3A_19 = arith.constant 25 : i32
        %lt3A_20 = arith.cmpi slt, %add3A_18, %lt3A_19 : i32
        %convert_element_type3A_21 = arith.extui %lt3A_20 : i1 to i32
        %cond3A_22 = arith.constant 0 : i32
        %cond3A_23 = arith.cmpi ne, %convert_element_type3A_21, %cond3A_22 : i32
        scf.if %cond3A_23 {
          %add3A_33 = arith.constant 1 : i32
          %add3A_34 = arith.addi %add3A_18, %add3A_33 : i32
          %lt3A_35 = arith.constant 25 : i32
          %lt3A_36 = arith.cmpi slt, %add3A_34, %lt3A_35 : i32
          %convert_element_type3A_37 = arith.extui %lt3A_36 : i1 to i32
          %cond3A_38 = arith.constant 0 : i32
          %cond3A_39 = arith.cmpi ne, %convert_element_type3A_37, %cond3A_38 : i32
          scf.if %cond3A_39 {
            %add3A_50 = arith.constant 1 : i32
            %add3A_51 = arith.addi %add3A_18, %add3A_50 : i32
            %mul3A_52 = arith.constant 200 : i32
            %mul3A_53 = arith.muli %add3A_51, %mul3A_52 : i32
            %dma_start3A_54 = tpu.memref_slice %arg5[%mul3A_53] : memref<5000xi32, #tpu.memory_space<vmem>> -> memref<200xi32, #tpu.memory_space<vmem>>
            %dma_start3A_55 = arith.constant 0 : i32
            %dma_start3A_56 = arith.constant 0 : i32
            %dma_start3A_57 = tpu.memref_slice %arg2[%dma_start3A_55, %dma_start3A_56] : memref<160000x128xf32, #tpu.memory_space<hbm>> -> memref<160000x128xf32, #tpu.memory_space<hbm>>
            tpu.enqueue_indirect_dma source(%dma_start3A_57 : memref<160000x128xf32, #tpu.memory_space<hbm>>) target(%arg7 : memref<200x128xf32, #tpu.memory_space<vmem>>) offsets(%dma_start3A_54 : memref<200xi32, #tpu.memory_space<vmem>>) semaphore(%arg9 : memref<!tpu.dma_semaphore, #tpu.memory_space<semaphore_mem>>)
          } else {
          }
          %mul3A_40 = arith.constant 200 : i32
          %mul3A_41 = arith.muli %add3A_18, %mul3A_40 : i32
          %dma_wait3A = tpu.memref_slice %arg5[%mul3A_41] : memref<5000xi32, #tpu.memory_space<vmem>> -> memref<200xi32, #tpu.memory_space<vmem>>
          %dma_wait3A_42 = arith.constant 0 : i32
          %dma_wait3A_43 = arith.constant 0 : i32
          %dma_wait3A_44 = tpu.memref_slice %arg2[%dma_wait3A_42, %dma_wait3A_43] : memref<160000x128xf32, #tpu.memory_space<hbm>> -> memref<160000x128xf32, #tpu.memory_space<hbm>>
          tpu.wait_indirect_dma semaphore(%arg8 : memref<!tpu.dma_semaphore, #tpu.memory_space<semaphore_mem>>) src(%dma_wait3A_44 : memref<160000x128xf32, #tpu.memory_space<hbm>>) dst(%arg6 : memref<200x128xf32, #tpu.memory_space<vmem>>)
          %mul3A_45 = arith.constant 5000 : i32
          %mul3A_46 = arith.muli %add3A, %mul3A_45 : i32
          %mul3A_47 = arith.constant 200 : i32
          %mul3A_48 = arith.muli %add3A_18, %mul3A_47 : i32
          %add3A_49 = arith.addi %mul3A_46, %mul3A_48 : i32
          "tpu.region"() ({
            %run_scoped3A = tpu.sem_alloc : memref<!tpu.dma_semaphore, #tpu.memory_space<semaphore_mem>>
            %dma_start3A_50 = arith.constant 0 : i32
            %dma_start3A_51 = tpu.memref_slice %arg4[%add3A_49, %dma_start3A_50] : memref<160000x128xf32, #tpu.memory_space<hbm>> -> memref<200x128xf32, #tpu.memory_space<hbm>>
            %dma_start3A_52 = arith.constant 0 : i32
            %dma_start3A_53 = tpu.memref_slice %arg4[%add3A_49, %dma_start3A_52] : memref<160000x128xf32, #tpu.memory_space<hbm>> -> memref<200x128xf32, #tpu.memory_space<hbm>>
            tpu.enqueue_dma source(%arg6 : memref<200x128xf32, #tpu.memory_space<vmem>>) target(%dma_start3A_53 : memref<200x128xf32, #tpu.memory_space<hbm>>) target_semaphore(%run_scoped3A : memref<!tpu.dma_semaphore, #tpu.memory_space<semaphore_mem>>)
            %dma_wait3A_54 = arith.constant 0 : i32
            %dma_wait3A_55 = tpu.memref_slice %arg4[%add3A_49, %dma_wait3A_54] : memref<160000x128xf32, #tpu.memory_space<hbm>> -> memref<200x128xf32, #tpu.memory_space<hbm>>
            %dma_wait3A_56 = arith.constant 0 : i32
            %dma_wait3A_57 = tpu.memref_slice %arg4[%add3A_49, %dma_wait3A_56] : memref<160000x128xf32, #tpu.memory_space<hbm>> -> memref<200x128xf32, #tpu.memory_space<hbm>>
            tpu.wait_dma2 semaphore(%run_scoped3A : memref<!tpu.dma_semaphore, #tpu.memory_space<semaphore_mem>>) src(%arg6 : memref<200x128xf32, #tpu.memory_space<vmem>>) dst(%dma_wait3A_57 : memref<200x128xf32, #tpu.memory_space<hbm>>)
            tpu.yield
          }) : () -> ()
        } else {
        }
        %mul3A_24 = arith.constant 2 : i32
        %mul3A_25 = arith.muli %mul3A_24, %scan3A_14 : i32
        %add3A_26 = arith.constant 1 : i32
        %add3A_27 = arith.addi %mul3A_25, %add3A_26 : i32
        %lt3A_28 = arith.constant 25 : i32
        %lt3A_29 = arith.cmpi slt, %add3A_27, %lt3A_28 : i32
        %convert_element_type3A_30 = arith.extui %lt3A_29 : i1 to i32
        %cond3A_31 = arith.constant 0 : i32
        %cond3A_32 = arith.cmpi ne, %convert_element_type3A_30, %cond3A_31 : i32
        scf.if %cond3A_32 {
          %add3A_33 = arith.constant 1 : i32
          %add3A_34 = arith.addi %add3A_27, %add3A_33 : i32
          %lt3A_35 = arith.constant 25 : i32
          %lt3A_36 = arith.cmpi slt, %add3A_34, %lt3A_35 : i32
          %convert_element_type3A_37 = arith.extui %lt3A_36 : i1 to i32
          %cond3A_38 = arith.constant 0 : i32
          %cond3A_39 = arith.cmpi ne, %convert_element_type3A_37, %cond3A_38 : i32
          scf.if %cond3A_39 {
            %add3A_50 = arith.constant 1 : i32
            %add3A_51 = arith.addi %add3A_27, %add3A_50 : i32
            %mul3A_52 = arith.constant 200 : i32
            %mul3A_53 = arith.muli %add3A_51, %mul3A_52 : i32
            %dma_start3A_54 = tpu.memref_slice %arg5[%mul3A_53] : memref<5000xi32, #tpu.memory_space<vmem>> -> memref<200xi32, #tpu.memory_space<vmem>>
            %dma_start3A_55 = arith.constant 0 : i32
            %dma_start3A_56 = arith.constant 0 : i32
            %dma_start3A_57 = tpu.memref_slice %arg2[%dma_start3A_55, %dma_start3A_56] : memref<160000x128xf32, #tpu.memory_space<hbm>> -> memref<160000x128xf32, #tpu.memory_space<hbm>>
            tpu.enqueue_indirect_dma source(%dma_start3A_57 : memref<160000x128xf32, #tpu.memory_space<hbm>>) target(%arg6 : memref<200x128xf32, #tpu.memory_space<vmem>>) offsets(%dma_start3A_54 : memref<200xi32, #tpu.memory_space<vmem>>) semaphore(%arg8 : memref<!tpu.dma_semaphore, #tpu.memory_space<semaphore_mem>>)
          } else {
          }
          %mul3A_40 = arith.constant 200 : i32
          %mul3A_41 = arith.muli %add3A_27, %mul3A_40 : i32
          %dma_wait3A = tpu.memref_slice %arg5[%mul3A_41] : memref<5000xi32, #tpu.memory_space<vmem>> -> memref<200xi32, #tpu.memory_space<vmem>>
          %dma_wait3A_42 = arith.constant 0 : i32
          %dma_wait3A_43 = arith.constant 0 : i32
          %dma_wait3A_44 = tpu.memref_slice %arg2[%dma_wait3A_42, %dma_wait3A_43] : memref<160000x128xf32, #tpu.memory_space<hbm>> -> memref<160000x128xf32, #tpu.memory_space<hbm>>
          tpu.wait_indirect_dma semaphore(%arg9 : memref<!tpu.dma_semaphore, #tpu.memory_space<semaphore_mem>>) src(%dma_wait3A_44 : memref<160000x128xf32, #tpu.memory_space<hbm>>) dst(%arg7 : memref<200x128xf32, #tpu.memory_space<vmem>>)
          %mul3A_45 = arith.constant 5000 : i32
          %mul3A_46 = arith.muli %add3A, %mul3A_45 : i32
          %mul3A_47 = arith.constant 200 : i32
          %mul3A_48 = arith.muli %add3A_27, %mul3A_47 : i32
          %add3A_49 = arith.addi %mul3A_46, %mul3A_48 : i32
          "tpu.region"() ({
            %run_scoped3A = tpu.sem_alloc : memref<!tpu.dma_semaphore, #tpu.memory_space<semaphore_mem>>
            %dma_start3A_50 = arith.constant 0 : i32
            %dma_start3A_51 = tpu.memref_slice %arg4[%add3A_49, %dma_start3A_50] : memref<160000x128xf32, #tpu.memory_space<hbm>> -> memref<200x128xf32, #tpu.memory_space<hbm>>
            %dma_start3A_52 = arith.constant 0 : i32
            %dma_start3A_53 = tpu.memref_slice %arg4[%add3A_49, %dma_start3A_52] : memref<160000x128xf32, #tpu.memory_space<hbm>> -> memref<200x128xf32, #tpu.memory_space<hbm>>
            tpu.enqueue_dma source(%arg7 : memref<200x128xf32, #tpu.memory_space<vmem>>) target(%dma_start3A_53 : memref<200x128xf32, #tpu.memory_space<hbm>>) target_semaphore(%run_scoped3A : memref<!tpu.dma_semaphore, #tpu.memory_space<semaphore_mem>>)
            %dma_wait3A_54 = arith.constant 0 : i32
            %dma_wait3A_55 = tpu.memref_slice %arg4[%add3A_49, %dma_wait3A_54] : memref<160000x128xf32, #tpu.memory_space<hbm>> -> memref<200x128xf32, #tpu.memory_space<hbm>>
            %dma_wait3A_56 = arith.constant 0 : i32
            %dma_wait3A_57 = tpu.memref_slice %arg4[%add3A_49, %dma_wait3A_56] : memref<160000x128xf32, #tpu.memory_space<hbm>> -> memref<200x128xf32, #tpu.memory_space<hbm>>
            tpu.wait_dma2 semaphore(%run_scoped3A : memref<!tpu.dma_semaphore, #tpu.memory_space<semaphore_mem>>) src(%arg7 : memref<200x128xf32, #tpu.memory_space<vmem>>) dst(%dma_wait3A_57 : memref<200x128xf32, #tpu.memory_space<hbm>>)
            tpu.yield
          }) : () -> ()
        } else {
        }
      }
      %scan3A_13 = arith.constant 13 : i32
    } else {
    }
    return
  }
}

#map = affine_map<(d0, d1) -> (0, 0)>
#map1 = affine_map<(d0, d1) -> (0)>
module attributes {stable_mosaic.version = 14 : i64} {
  func.func @gather_k(%arg0: i32, %arg1: i32, %arg2: memref<800x128xf32, #tpu.memory_space<hbm>>, %arg3: memref<10000xi32, #tpu.memory_space<hbm>>, %arg4: memref<10000x128xf32, #tpu.memory_space<hbm>>, %arg5: memref<400xi32, #tpu.memory_space<vmem>>, %arg6: memref<400x128xf32, #tpu.memory_space<vmem>>, %arg7: memref<400x128xf32, #tpu.memory_space<vmem>>, %arg8: memref<!tpu.dma_semaphore, #tpu.memory_space<semaphore_mem>>, %arg9: memref<!tpu.dma_semaphore, #tpu.memory_space<semaphore_mem>>) attributes {dimension_semantics = [#tpu.dimension_semantics<core_parallel>, #tpu.dimension_semantics<subcore_parallel>], iteration_bounds = array<i64: 2, 16>, scalar_prefetch = 0 : i64, scratch_operands = 5 : i64, tpu.core_type = #tpu.core_type<sc_vector_subcore>, window_params = [{transform_indices = #map}, {transform_indices = #map1}, {transform_indices = #map}]} {
    %mul3A = arith.constant 2 : i32
    %mul3A_0 = arith.muli %arg1, %mul3A : i32
    %add3A = arith.addi %mul3A_0, %arg0 : i32
    %lt3A = arith.constant 25 : i32
    %lt3A_1 = arith.cmpi slt, %add3A, %lt3A : i32
    %convert_element_type3A = arith.extui %lt3A_1 : i1 to i32
    %cond3A = arith.constant 0 : i32
    %cond3A_2 = arith.cmpi ne, %convert_element_type3A, %cond3A : i32
    scf.if %cond3A_2 {
      %mul3A_3 = arith.constant 400 : i32
      %mul3A_4 = arith.muli %add3A, %mul3A_3 : i32
      "tpu.region"() ({
        %run_scoped3A = tpu.sem_alloc : memref<!tpu.dma_semaphore, #tpu.memory_space<semaphore_mem>>
        %dma_start3A_29 = tpu.memref_slice %arg3[%mul3A_4] : memref<10000xi32, #tpu.memory_space<hbm>> -> memref<400xi32, #tpu.memory_space<hbm>>
        %dma_start3A_30 = tpu.memref_slice %arg3[%mul3A_4] : memref<10000xi32, #tpu.memory_space<hbm>> -> memref<400xi32, #tpu.memory_space<hbm>>
        tpu.enqueue_dma source(%dma_start3A_30 : memref<400xi32, #tpu.memory_space<hbm>>) target(%arg5 : memref<400xi32, #tpu.memory_space<vmem>>) target_semaphore(%run_scoped3A : memref<!tpu.dma_semaphore, #tpu.memory_space<semaphore_mem>>)
        %dma_wait3A = tpu.memref_slice %arg3[%mul3A_4] : memref<10000xi32, #tpu.memory_space<hbm>> -> memref<400xi32, #tpu.memory_space<hbm>>
        %dma_wait3A_31 = tpu.memref_slice %arg3[%mul3A_4] : memref<10000xi32, #tpu.memory_space<hbm>> -> memref<400xi32, #tpu.memory_space<hbm>>
        tpu.wait_dma2 semaphore(%run_scoped3A : memref<!tpu.dma_semaphore, #tpu.memory_space<semaphore_mem>>) src(%dma_wait3A_31 : memref<400xi32, #tpu.memory_space<hbm>>) dst(%arg5 : memref<400xi32, #tpu.memory_space<vmem>>)
        tpu.yield
      }) : () -> ()
      %dma_start3A = arith.constant 0 : i32
      %dma_start3A_5 = tpu.memref_slice %arg5[%dma_start3A] : memref<400xi32, #tpu.memory_space<vmem>> -> memref<400xi32, #tpu.memory_space<vmem>>
      %dma_start3A_6 = arith.constant 0 : i32
      %dma_start3A_7 = arith.constant 0 : i32
      %dma_start3A_8 = tpu.memref_slice %arg2[%dma_start3A_6, %dma_start3A_7] : memref<800x128xf32, #tpu.memory_space<hbm>> -> memref<800x128xf32, #tpu.memory_space<hbm>>
      tpu.enqueue_indirect_dma source(%dma_start3A_8 : memref<800x128xf32, #tpu.memory_space<hbm>>) target(%arg6 : memref<400x128xf32, #tpu.memory_space<vmem>>) offsets(%dma_start3A_5 : memref<400xi32, #tpu.memory_space<vmem>>) semaphore(%arg8 : memref<!tpu.dma_semaphore, #tpu.memory_space<semaphore_mem>>)
      %scan3A = arith.constant 0 : i32
      %scan3A_9 = arith.constant 0 : i32
      %mul3A_10 = arith.constant 2 : i32
      %mul3A_11 = arith.muli %mul3A_10, %scan3A_9 : i32
      %add3A_12 = arith.constant 0 : i32
      %add3A_13 = arith.addi %mul3A_11, %add3A_12 : i32
      %lt3A_14 = arith.constant 1 : i32
      %lt3A_15 = arith.cmpi slt, %add3A_13, %lt3A_14 : i32
      %convert_element_type3A_16 = arith.extui %lt3A_15 : i1 to i32
      %cond3A_17 = arith.constant 0 : i32
      %cond3A_18 = arith.cmpi ne, %convert_element_type3A_16, %cond3A_17 : i32
      scf.if %cond3A_18 {
        %add3A_29 = arith.constant 1 : i32
        %add3A_30 = arith.addi %add3A_13, %add3A_29 : i32
        %lt3A_31 = arith.constant 1 : i32
        %lt3A_32 = arith.cmpi slt, %add3A_30, %lt3A_31 : i32
        %convert_element_type3A_33 = arith.extui %lt3A_32 : i1 to i32
        %cond3A_34 = arith.constant 0 : i32
        %cond3A_35 = arith.cmpi ne, %convert_element_type3A_33, %cond3A_34 : i32
        scf.if %cond3A_35 {
          %add3A_46 = arith.constant 1 : i32
          %add3A_47 = arith.addi %add3A_13, %add3A_46 : i32
          %mul3A_48 = arith.constant 400 : i32
          %mul3A_49 = arith.muli %add3A_47, %mul3A_48 : i32
          %dma_start3A_50 = tpu.memref_slice %arg5[%mul3A_49] : memref<400xi32, #tpu.memory_space<vmem>> -> memref<400xi32, #tpu.memory_space<vmem>>
          %dma_start3A_51 = arith.constant 0 : i32
          %dma_start3A_52 = arith.constant 0 : i32
          %dma_start3A_53 = tpu.memref_slice %arg2[%dma_start3A_51, %dma_start3A_52] : memref<800x128xf32, #tpu.memory_space<hbm>> -> memref<800x128xf32, #tpu.memory_space<hbm>>
          tpu.enqueue_indirect_dma source(%dma_start3A_53 : memref<800x128xf32, #tpu.memory_space<hbm>>) target(%arg7 : memref<400x128xf32, #tpu.memory_space<vmem>>) offsets(%dma_start3A_50 : memref<400xi32, #tpu.memory_space<vmem>>) semaphore(%arg9 : memref<!tpu.dma_semaphore, #tpu.memory_space<semaphore_mem>>)
        } else {
        }
        %mul3A_36 = arith.constant 400 : i32
        %mul3A_37 = arith.muli %add3A_13, %mul3A_36 : i32
        %dma_wait3A = tpu.memref_slice %arg5[%mul3A_37] : memref<400xi32, #tpu.memory_space<vmem>> -> memref<400xi32, #tpu.memory_space<vmem>>
        %dma_wait3A_38 = arith.constant 0 : i32
        %dma_wait3A_39 = arith.constant 0 : i32
        %dma_wait3A_40 = tpu.memref_slice %arg2[%dma_wait3A_38, %dma_wait3A_39] : memref<800x128xf32, #tpu.memory_space<hbm>> -> memref<800x128xf32, #tpu.memory_space<hbm>>
        tpu.wait_indirect_dma semaphore(%arg8 : memref<!tpu.dma_semaphore, #tpu.memory_space<semaphore_mem>>) src(%dma_wait3A_40 : memref<800x128xf32, #tpu.memory_space<hbm>>) dst(%arg6 : memref<400x128xf32, #tpu.memory_space<vmem>>)
        %mul3A_41 = arith.constant 400 : i32
        %mul3A_42 = arith.muli %add3A, %mul3A_41 : i32
        %mul3A_43 = arith.constant 400 : i32
        %mul3A_44 = arith.muli %add3A_13, %mul3A_43 : i32
        %add3A_45 = arith.addi %mul3A_42, %mul3A_44 : i32
        "tpu.region"() ({
          %run_scoped3A = tpu.sem_alloc : memref<!tpu.dma_semaphore, #tpu.memory_space<semaphore_mem>>
          %dma_start3A_46 = arith.constant 0 : i32
          %dma_start3A_47 = tpu.memref_slice %arg4[%add3A_45, %dma_start3A_46] : memref<10000x128xf32, #tpu.memory_space<hbm>> -> memref<400x128xf32, #tpu.memory_space<hbm>>
          %dma_start3A_48 = arith.constant 0 : i32
          %dma_start3A_49 = tpu.memref_slice %arg4[%add3A_45, %dma_start3A_48] : memref<10000x128xf32, #tpu.memory_space<hbm>> -> memref<400x128xf32, #tpu.memory_space<hbm>>
          tpu.enqueue_dma source(%arg6 : memref<400x128xf32, #tpu.memory_space<vmem>>) target(%dma_start3A_49 : memref<400x128xf32, #tpu.memory_space<hbm>>) target_semaphore(%run_scoped3A : memref<!tpu.dma_semaphore, #tpu.memory_space<semaphore_mem>>)
          %dma_wait3A_50 = arith.constant 0 : i32
          %dma_wait3A_51 = tpu.memref_slice %arg4[%add3A_45, %dma_wait3A_50] : memref<10000x128xf32, #tpu.memory_space<hbm>> -> memref<400x128xf32, #tpu.memory_space<hbm>>
          %dma_wait3A_52 = arith.constant 0 : i32
          %dma_wait3A_53 = tpu.memref_slice %arg4[%add3A_45, %dma_wait3A_52] : memref<10000x128xf32, #tpu.memory_space<hbm>> -> memref<400x128xf32, #tpu.memory_space<hbm>>
          tpu.wait_dma2 semaphore(%run_scoped3A : memref<!tpu.dma_semaphore, #tpu.memory_space<semaphore_mem>>) src(%arg6 : memref<400x128xf32, #tpu.memory_space<vmem>>) dst(%dma_wait3A_53 : memref<400x128xf32, #tpu.memory_space<hbm>>)
          tpu.yield
        }) : () -> ()
      } else {
      }
      %mul3A_19 = arith.constant 2 : i32
      %mul3A_20 = arith.muli %mul3A_19, %scan3A_9 : i32
      %add3A_21 = arith.constant 1 : i32
      %add3A_22 = arith.addi %mul3A_20, %add3A_21 : i32
      %lt3A_23 = arith.constant 1 : i32
      %lt3A_24 = arith.cmpi slt, %add3A_22, %lt3A_23 : i32
      %convert_element_type3A_25 = arith.extui %lt3A_24 : i1 to i32
      %cond3A_26 = arith.constant 0 : i32
      %cond3A_27 = arith.cmpi ne, %convert_element_type3A_25, %cond3A_26 : i32
      scf.if %cond3A_27 {
        %add3A_29 = arith.constant 1 : i32
        %add3A_30 = arith.addi %add3A_22, %add3A_29 : i32
        %lt3A_31 = arith.constant 1 : i32
        %lt3A_32 = arith.cmpi slt, %add3A_30, %lt3A_31 : i32
        %convert_element_type3A_33 = arith.extui %lt3A_32 : i1 to i32
        %cond3A_34 = arith.constant 0 : i32
        %cond3A_35 = arith.cmpi ne, %convert_element_type3A_33, %cond3A_34 : i32
        scf.if %cond3A_35 {
          %add3A_46 = arith.constant 1 : i32
          %add3A_47 = arith.addi %add3A_22, %add3A_46 : i32
          %mul3A_48 = arith.constant 400 : i32
          %mul3A_49 = arith.muli %add3A_47, %mul3A_48 : i32
          %dma_start3A_50 = tpu.memref_slice %arg5[%mul3A_49] : memref<400xi32, #tpu.memory_space<vmem>> -> memref<400xi32, #tpu.memory_space<vmem>>
          %dma_start3A_51 = arith.constant 0 : i32
          %dma_start3A_52 = arith.constant 0 : i32
          %dma_start3A_53 = tpu.memref_slice %arg2[%dma_start3A_51, %dma_start3A_52] : memref<800x128xf32, #tpu.memory_space<hbm>> -> memref<800x128xf32, #tpu.memory_space<hbm>>
          tpu.enqueue_indirect_dma source(%dma_start3A_53 : memref<800x128xf32, #tpu.memory_space<hbm>>) target(%arg6 : memref<400x128xf32, #tpu.memory_space<vmem>>) offsets(%dma_start3A_50 : memref<400xi32, #tpu.memory_space<vmem>>) semaphore(%arg8 : memref<!tpu.dma_semaphore, #tpu.memory_space<semaphore_mem>>)
        } else {
        }
        %mul3A_36 = arith.constant 400 : i32
        %mul3A_37 = arith.muli %add3A_22, %mul3A_36 : i32
        %dma_wait3A = tpu.memref_slice %arg5[%mul3A_37] : memref<400xi32, #tpu.memory_space<vmem>> -> memref<400xi32, #tpu.memory_space<vmem>>
        %dma_wait3A_38 = arith.constant 0 : i32
        %dma_wait3A_39 = arith.constant 0 : i32
        %dma_wait3A_40 = tpu.memref_slice %arg2[%dma_wait3A_38, %dma_wait3A_39] : memref<800x128xf32, #tpu.memory_space<hbm>> -> memref<800x128xf32, #tpu.memory_space<hbm>>
        tpu.wait_indirect_dma semaphore(%arg9 : memref<!tpu.dma_semaphore, #tpu.memory_space<semaphore_mem>>) src(%dma_wait3A_40 : memref<800x128xf32, #tpu.memory_space<hbm>>) dst(%arg7 : memref<400x128xf32, #tpu.memory_space<vmem>>)
        %mul3A_41 = arith.constant 400 : i32
        %mul3A_42 = arith.muli %add3A, %mul3A_41 : i32
        %mul3A_43 = arith.constant 400 : i32
        %mul3A_44 = arith.muli %add3A_22, %mul3A_43 : i32
        %add3A_45 = arith.addi %mul3A_42, %mul3A_44 : i32
        "tpu.region"() ({
          %run_scoped3A = tpu.sem_alloc : memref<!tpu.dma_semaphore, #tpu.memory_space<semaphore_mem>>
          %dma_start3A_46 = arith.constant 0 : i32
          %dma_start3A_47 = tpu.memref_slice %arg4[%add3A_45, %dma_start3A_46] : memref<10000x128xf32, #tpu.memory_space<hbm>> -> memref<400x128xf32, #tpu.memory_space<hbm>>
          %dma_start3A_48 = arith.constant 0 : i32
          %dma_start3A_49 = tpu.memref_slice %arg4[%add3A_45, %dma_start3A_48] : memref<10000x128xf32, #tpu.memory_space<hbm>> -> memref<400x128xf32, #tpu.memory_space<hbm>>
          tpu.enqueue_dma source(%arg7 : memref<400x128xf32, #tpu.memory_space<vmem>>) target(%dma_start3A_49 : memref<400x128xf32, #tpu.memory_space<hbm>>) target_semaphore(%run_scoped3A : memref<!tpu.dma_semaphore, #tpu.memory_space<semaphore_mem>>)
          %dma_wait3A_50 = arith.constant 0 : i32
          %dma_wait3A_51 = tpu.memref_slice %arg4[%add3A_45, %dma_wait3A_50] : memref<10000x128xf32, #tpu.memory_space<hbm>> -> memref<400x128xf32, #tpu.memory_space<hbm>>
          %dma_wait3A_52 = arith.constant 0 : i32
          %dma_wait3A_53 = tpu.memref_slice %arg4[%add3A_45, %dma_wait3A_52] : memref<10000x128xf32, #tpu.memory_space<hbm>> -> memref<400x128xf32, #tpu.memory_space<hbm>>
          tpu.wait_dma2 semaphore(%run_scoped3A : memref<!tpu.dma_semaphore, #tpu.memory_space<semaphore_mem>>) src(%arg7 : memref<400x128xf32, #tpu.memory_space<vmem>>) dst(%dma_wait3A_53 : memref<400x128xf32, #tpu.memory_space<hbm>>)
          tpu.yield
        }) : () -> ()
      } else {
      }
      %scan3A_28 = arith.constant 1 : i32
    } else {
    }
    return
  }
}

#map = affine_map<(d0, d1) -> (0, 0)>
#map1 = affine_map<(d0, d1) -> (0)>
module attributes {stable_mosaic.version = 14 : i64} {
  func.func @xcat_k(%arg0: i32, %arg1: i32, %arg2: memref<10000x256xi32, #tpu.memory_space<hbm>>, %arg3: memref<10000x128xf32, #tpu.memory_space<hbm>>, %arg4: memref<160000xi32, #tpu.memory_space<hbm>>, %arg5: memref<160000x256xi32, #tpu.memory_space<hbm>>, %arg6: memref<160000x128xf32, #tpu.memory_space<hbm>>, %arg7: memref<5000xi32, #tpu.memory_space<vmem>>, %arg8: memref<40x256xi32, #tpu.memory_space<vmem>>, %arg9: memref<40x256xi32, #tpu.memory_space<vmem>>, %arg10: memref<40x128xf32, #tpu.memory_space<vmem>>, %arg11: memref<40x128xf32, #tpu.memory_space<vmem>>, %arg12: memref<!tpu.dma_semaphore, #tpu.memory_space<semaphore_mem>>, %arg13: memref<!tpu.dma_semaphore, #tpu.memory_space<semaphore_mem>>) attributes {dimension_semantics = [#tpu.dimension_semantics<core_parallel>, #tpu.dimension_semantics<subcore_parallel>], iteration_bounds = array<i64: 2, 16>, scalar_prefetch = 0 : i64, scratch_operands = 7 : i64, tpu.core_type = #tpu.core_type<sc_vector_subcore>, window_params = [{transform_indices = #map}, {transform_indices = #map}, {transform_indices = #map1}, {transform_indices = #map}, {transform_indices = #map}]} {
    %mul3A = arith.constant 2 : i32
    %mul3A_0 = arith.muli %arg1, %mul3A : i32
    %add3A = arith.addi %mul3A_0, %arg0 : i32
    %mul3A_1 = arith.constant 5000 : i32
    %mul3A_2 = arith.muli %add3A, %mul3A_1 : i32
    "tpu.region"() ({
      %run_scoped3A = tpu.sem_alloc : memref<!tpu.dma_semaphore, #tpu.memory_space<semaphore_mem>>
      %dma_start3A_17 = tpu.memref_slice %arg4[%mul3A_2] : memref<160000xi32, #tpu.memory_space<hbm>> -> memref<5000xi32, #tpu.memory_space<hbm>>
      %dma_start3A_18 = tpu.memref_slice %arg4[%mul3A_2] : memref<160000xi32, #tpu.memory_space<hbm>> -> memref<5000xi32, #tpu.memory_space<hbm>>
      tpu.enqueue_dma source(%dma_start3A_18 : memref<5000xi32, #tpu.memory_space<hbm>>) target(%arg7 : memref<5000xi32, #tpu.memory_space<vmem>>) target_semaphore(%run_scoped3A : memref<!tpu.dma_semaphore, #tpu.memory_space<semaphore_mem>>)
      %dma_wait3A = tpu.memref_slice %arg4[%mul3A_2] : memref<160000xi32, #tpu.memory_space<hbm>> -> memref<5000xi32, #tpu.memory_space<hbm>>
      %dma_wait3A_19 = tpu.memref_slice %arg4[%mul3A_2] : memref<160000xi32, #tpu.memory_space<hbm>> -> memref<5000xi32, #tpu.memory_space<hbm>>
      tpu.wait_dma2 semaphore(%run_scoped3A : memref<!tpu.dma_semaphore, #tpu.memory_space<semaphore_mem>>) src(%dma_wait3A_19 : memref<5000xi32, #tpu.memory_space<hbm>>) dst(%arg7 : memref<5000xi32, #tpu.memory_space<vmem>>)
      tpu.yield
    }) : () -> ()
    %dma_start3A = arith.constant 0 : i32
    %dma_start3A_3 = tpu.memref_slice %arg7[%dma_start3A] : memref<5000xi32, #tpu.memory_space<vmem>> -> memref<40xi32, #tpu.memory_space<vmem>>
    %dma_start3A_4 = arith.constant 0 : i32
    %dma_start3A_5 = arith.constant 0 : i32
    %dma_start3A_6 = tpu.memref_slice %arg2[%dma_start3A_4, %dma_start3A_5] : memref<10000x256xi32, #tpu.memory_space<hbm>> -> memref<10000x256xi32, #tpu.memory_space<hbm>>
    tpu.enqueue_indirect_dma source(%dma_start3A_6 : memref<10000x256xi32, #tpu.memory_space<hbm>>) target(%arg8 : memref<40x256xi32, #tpu.memory_space<vmem>>) offsets(%dma_start3A_3 : memref<40xi32, #tpu.memory_space<vmem>>) semaphore(%arg12 : memref<!tpu.dma_semaphore, #tpu.memory_space<semaphore_mem>>)
    %dma_start3A_7 = arith.constant 0 : i32
    %dma_start3A_8 = tpu.memref_slice %arg7[%dma_start3A_7] : memref<5000xi32, #tpu.memory_space<vmem>> -> memref<40xi32, #tpu.memory_space<vmem>>
    %dma_start3A_9 = arith.constant 0 : i32
    %dma_start3A_10 = arith.constant 0 : i32
    %dma_start3A_11 = tpu.memref_slice %arg3[%dma_start3A_9, %dma_start3A_10] : memref<10000x128xf32, #tpu.memory_space<hbm>> -> memref<10000x128xf32, #tpu.memory_space<hbm>>
    tpu.enqueue_indirect_dma source(%dma_start3A_11 : memref<10000x128xf32, #tpu.memory_space<hbm>>) target(%arg10 : memref<40x128xf32, #tpu.memory_space<vmem>>) offsets(%dma_start3A_8 : memref<40xi32, #tpu.memory_space<vmem>>) semaphore(%arg12 : memref<!tpu.dma_semaphore, #tpu.memory_space<semaphore_mem>>)
    %scan3A = arith.constant 0 : i32
    %scan3A_12 = arith.constant 0 : i32
    %scan3A_13 = arith.constant 63 : i32
    %scan3A_14 = arith.addi %scan3A_12, %scan3A_13 : i32
    %scan3A_15 = arith.constant 1 : i32
    scf.for %scan3A_17 = %scan3A_12 to %scan3A_14 step %scan3A_15  : i32 {
      %mul3A_18 = arith.constant 2 : i32
      %mul3A_19 = arith.muli %mul3A_18, %scan3A_17 : i32
      %add3A_20 = arith.constant 0 : i32
      %add3A_21 = arith.addi %mul3A_19, %add3A_20 : i32
      %lt3A = arith.constant 125 : i32
      %lt3A_22 = arith.cmpi slt, %add3A_21, %lt3A : i32
      %convert_element_type3A = arith.extui %lt3A_22 : i1 to i32
      %cond3A = arith.constant 0 : i32
      %cond3A_23 = arith.cmpi ne, %convert_element_type3A, %cond3A : i32
      scf.if %cond3A_23 {
        %add3A_33 = arith.constant 1 : i32
        %add3A_34 = arith.addi %add3A_21, %add3A_33 : i32
        %lt3A_35 = arith.constant 125 : i32
        %lt3A_36 = arith.cmpi slt, %add3A_34, %lt3A_35 : i32
        %convert_element_type3A_37 = arith.extui %lt3A_36 : i1 to i32
        %cond3A_38 = arith.constant 0 : i32
        %cond3A_39 = arith.cmpi ne, %convert_element_type3A_37, %cond3A_38 : i32
        scf.if %cond3A_39 {
          %add3A_60 = arith.constant 1 : i32
          %add3A_61 = arith.addi %add3A_21, %add3A_60 : i32
          %mul3A_62 = arith.constant 40 : i32
          %mul3A_63 = arith.muli %add3A_61, %mul3A_62 : i32
          %dma_start3A_64 = tpu.memref_slice %arg7[%mul3A_63] : memref<5000xi32, #tpu.memory_space<vmem>> -> memref<40xi32, #tpu.memory_space<vmem>>
          %dma_start3A_65 = arith.constant 0 : i32
          %dma_start3A_66 = arith.constant 0 : i32
          %dma_start3A_67 = tpu.memref_slice %arg2[%dma_start3A_65, %dma_start3A_66] : memref<10000x256xi32, #tpu.memory_space<hbm>> -> memref<10000x256xi32, #tpu.memory_space<hbm>>
          tpu.enqueue_indirect_dma source(%dma_start3A_67 : memref<10000x256xi32, #tpu.memory_space<hbm>>) target(%arg9 : memref<40x256xi32, #tpu.memory_space<vmem>>) offsets(%dma_start3A_64 : memref<40xi32, #tpu.memory_space<vmem>>) semaphore(%arg13 : memref<!tpu.dma_semaphore, #tpu.memory_space<semaphore_mem>>)
          %dma_start3A_68 = tpu.memref_slice %arg7[%mul3A_63] : memref<5000xi32, #tpu.memory_space<vmem>> -> memref<40xi32, #tpu.memory_space<vmem>>
          %dma_start3A_69 = arith.constant 0 : i32
          %dma_start3A_70 = arith.constant 0 : i32
          %dma_start3A_71 = tpu.memref_slice %arg3[%dma_start3A_69, %dma_start3A_70] : memref<10000x128xf32, #tpu.memory_space<hbm>> -> memref<10000x128xf32, #tpu.memory_space<hbm>>
          tpu.enqueue_indirect_dma source(%dma_start3A_71 : memref<10000x128xf32, #tpu.memory_space<hbm>>) target(%arg11 : memref<40x128xf32, #tpu.memory_space<vmem>>) offsets(%dma_start3A_68 : memref<40xi32, #tpu.memory_space<vmem>>) semaphore(%arg13 : memref<!tpu.dma_semaphore, #tpu.memory_space<semaphore_mem>>)
        } else {
        }
        %mul3A_40 = arith.constant 40 : i32
        %mul3A_41 = arith.muli %add3A_21, %mul3A_40 : i32
        %dma_wait3A = tpu.memref_slice %arg7[%mul3A_41] : memref<5000xi32, #tpu.memory_space<vmem>> -> memref<40xi32, #tpu.memory_space<vmem>>
        %dma_wait3A_42 = arith.constant 0 : i32
        %dma_wait3A_43 = arith.constant 0 : i32
        %dma_wait3A_44 = tpu.memref_slice %arg2[%dma_wait3A_42, %dma_wait3A_43] : memref<10000x256xi32, #tpu.memory_space<hbm>> -> memref<10000x256xi32, #tpu.memory_space<hbm>>
        tpu.wait_indirect_dma semaphore(%arg12 : memref<!tpu.dma_semaphore, #tpu.memory_space<semaphore_mem>>) src(%dma_wait3A_44 : memref<10000x256xi32, #tpu.memory_space<hbm>>) dst(%arg8 : memref<40x256xi32, #tpu.memory_space<vmem>>)
        %dma_wait3A_45 = tpu.memref_slice %arg7[%mul3A_41] : memref<5000xi32, #tpu.memory_space<vmem>> -> memref<40xi32, #tpu.memory_space<vmem>>
        %dma_wait3A_46 = arith.constant 0 : i32
        %dma_wait3A_47 = arith.constant 0 : i32
        %dma_wait3A_48 = tpu.memref_slice %arg3[%dma_wait3A_46, %dma_wait3A_47] : memref<10000x128xf32, #tpu.memory_space<hbm>> -> memref<10000x128xf32, #tpu.memory_space<hbm>>
        tpu.wait_indirect_dma semaphore(%arg12 : memref<!tpu.dma_semaphore, #tpu.memory_space<semaphore_mem>>) src(%dma_wait3A_48 : memref<10000x128xf32, #tpu.memory_space<hbm>>) dst(%arg10 : memref<40x128xf32, #tpu.memory_space<vmem>>)
        %eq3A = arith.constant 0 : i32
        %eq3A_49 = arith.cmpi eq, %add3A, %eq3A : i32
        %eq3A_50 = arith.constant 0 : i32
        %eq3A_51 = arith.cmpi eq, %add3A_21, %eq3A_50 : i32
        %and3A = arith.andi %eq3A_49, %eq3A_51 : i1
        %convert_element_type3A_52 = arith.extui %and3A : i1 to i32
        %cond3A_53 = arith.constant 0 : i32
        %cond3A_54 = arith.cmpi ne, %convert_element_type3A_52, %cond3A_53 : i32
        scf.if %cond3A_54 {
          %broadcast_in_dim3A = arith.constant 0.000000e+00 : f32
          %broadcast_in_dim3A_60 = vector.broadcast %broadcast_in_dim3A : f32 to vector<16xf32>
          %swap3A = arith.constant 0 : i32
          %swap3A_61 = arith.index_cast %swap3A : i32 to index
          %swap3A_62 = arith.constant 0 : index
          %swap3A_63 = tpu.vector_load %arg10[%swap3A_61, %swap3A_62] {strides = array<i32>} : memref<40x128xf32, #tpu.memory_space<vmem>>, vector<1x16xf32>,
          %swap3A_64 = vector.shape_cast %swap3A_63 : vector<1x16xf32> to vector<16xf32>
          %swap3A_65 = vector.shape_cast %broadcast_in_dim3A_60 : vector<16xf32> to vector<1x16xf32>
          tpu.vector_store %arg10[%swap3A_61, %swap3A_62], %swap3A_65 {strides = array<i32>} : memref<40x128xf32, #tpu.memory_space<vmem>>, vector<1x16xf32>,
          %broadcast_in_dim3A_66 = arith.constant 0.000000e+00 : f32
          %broadcast_in_dim3A_67 = vector.broadcast %broadcast_in_dim3A_66 : f32 to vector<16xf32>
          %swap3A_68 = arith.constant 0 : i32
          %swap3A_69 = arith.index_cast %swap3A_68 : i32 to index
          %swap3A_70 = arith.constant 16 : index
          %swap3A_71 = tpu.vector_load %arg10[%swap3A_69, %swap3A_70] {strides = array<i32>} : memref<40x128xf32, #tpu.memory_space<vmem>>, vector<1x16xf32>,
          %swap3A_72 = vector.shape_cast %swap3A_71 : vector<1x16xf32> to vector<16xf32>
          %swap3A_73 = vector.shape_cast %broadcast_in_dim3A_67 : vector<16xf32> to vector<1x16xf32>
          tpu.vector_store %arg10[%swap3A_69, %swap3A_70], %swap3A_73 {strides = array<i32>} : memref<40x128xf32, #tpu.memory_space<vmem>>, vector<1x16xf32>,
          %broadcast_in_dim3A_74 = arith.constant 0.000000e+00 : f32
          %broadcast_in_dim3A_75 = vector.broadcast %broadcast_in_dim3A_74 : f32 to vector<16xf32>
          %swap3A_76 = arith.constant 0 : i32
          %swap3A_77 = arith.index_cast %swap3A_76 : i32 to index
          %swap3A_78 = arith.constant 32 : index
          %swap3A_79 = tpu.vector_load %arg10[%swap3A_77, %swap3A_78] {strides = array<i32>} : memref<40x128xf32, #tpu.memory_space<vmem>>, vector<1x16xf32>,
          %swap3A_80 = vector.shape_cast %swap3A_79 : vector<1x16xf32> to vector<16xf32>
          %swap3A_81 = vector.shape_cast %broadcast_in_dim3A_75 : vector<16xf32> to vector<1x16xf32>
          tpu.vector_store %arg10[%swap3A_77, %swap3A_78], %swap3A_81 {strides = array<i32>} : memref<40x128xf32, #tpu.memory_space<vmem>>, vector<1x16xf32>,
          %broadcast_in_dim3A_82 = arith.constant 0.000000e+00 : f32
          %broadcast_in_dim3A_83 = vector.broadcast %broadcast_in_dim3A_82 : f32 to vector<16xf32>
          %swap3A_84 = arith.constant 0 : i32
          %swap3A_85 = arith.index_cast %swap3A_84 : i32 to index
          %swap3A_86 = arith.constant 48 : index
          %swap3A_87 = tpu.vector_load %arg10[%swap3A_85, %swap3A_86] {strides = array<i32>} : memref<40x128xf32, #tpu.memory_space<vmem>>, vector<1x16xf32>,
          %swap3A_88 = vector.shape_cast %swap3A_87 : vector<1x16xf32> to vector<16xf32>
          %swap3A_89 = vector.shape_cast %broadcast_in_dim3A_83 : vector<16xf32> to vector<1x16xf32>
          tpu.vector_store %arg10[%swap3A_85, %swap3A_86], %swap3A_89 {strides = array<i32>} : memref<40x128xf32, #tpu.memory_space<vmem>>, vector<1x16xf32>,
          %broadcast_in_dim3A_90 = arith.constant 0.000000e+00 : f32
          %broadcast_in_dim3A_91 = vector.broadcast %broadcast_in_dim3A_90 : f32 to vector<16xf32>
          %swap3A_92 = arith.constant 0 : i32
          %swap3A_93 = arith.index_cast %swap3A_92 : i32 to index
          %swap3A_94 = arith.constant 64 : index
          %swap3A_95 = tpu.vector_load %arg10[%swap3A_93, %swap3A_94] {strides = array<i32>} : memref<40x128xf32, #tpu.memory_space<vmem>>, vector<1x16xf32>,
          %swap3A_96 = vector.shape_cast %swap3A_95 : vector<1x16xf32> to vector<16xf32>
          %swap3A_97 = vector.shape_cast %broadcast_in_dim3A_91 : vector<16xf32> to vector<1x16xf32>
          tpu.vector_store %arg10[%swap3A_93, %swap3A_94], %swap3A_97 {strides = array<i32>} : memref<40x128xf32, #tpu.memory_space<vmem>>, vector<1x16xf32>,
          %broadcast_in_dim3A_98 = arith.constant 0.000000e+00 : f32
          %broadcast_in_dim3A_99 = vector.broadcast %broadcast_in_dim3A_98 : f32 to vector<16xf32>
          %swap3A_100 = arith.constant 0 : i32
          %swap3A_101 = arith.index_cast %swap3A_100 : i32 to index
          %swap3A_102 = arith.constant 80 : index
          %swap3A_103 = tpu.vector_load %arg10[%swap3A_101, %swap3A_102] {strides = array<i32>} : memref<40x128xf32, #tpu.memory_space<vmem>>, vector<1x16xf32>,
          %swap3A_104 = vector.shape_cast %swap3A_103 : vector<1x16xf32> to vector<16xf32>
          %swap3A_105 = vector.shape_cast %broadcast_in_dim3A_99 : vector<16xf32> to vector<1x16xf32>
          tpu.vector_store %arg10[%swap3A_101, %swap3A_102], %swap3A_105 {strides = array<i32>} : memref<40x128xf32, #tpu.memory_space<vmem>>, vector<1x16xf32>,
          %broadcast_in_dim3A_106 = arith.constant 0.000000e+00 : f32
          %broadcast_in_dim3A_107 = vector.broadcast %broadcast_in_dim3A_106 : f32 to vector<16xf32>
          %swap3A_108 = arith.constant 0 : i32
          %swap3A_109 = arith.index_cast %swap3A_108 : i32 to index
          %swap3A_110 = arith.constant 96 : index
          %swap3A_111 = tpu.vector_load %arg10[%swap3A_109, %swap3A_110] {strides = array<i32>} : memref<40x128xf32, #tpu.memory_space<vmem>>, vector<1x16xf32>,
          %swap3A_112 = vector.shape_cast %swap3A_111 : vector<1x16xf32> to vector<16xf32>
          %swap3A_113 = vector.shape_cast %broadcast_in_dim3A_107 : vector<16xf32> to vector<1x16xf32>
          tpu.vector_store %arg10[%swap3A_109, %swap3A_110], %swap3A_113 {strides = array<i32>} : memref<40x128xf32, #tpu.memory_space<vmem>>, vector<1x16xf32>,
          %broadcast_in_dim3A_114 = arith.constant 0.000000e+00 : f32
          %broadcast_in_dim3A_115 = vector.broadcast %broadcast_in_dim3A_114 : f32 to vector<16xf32>
          %swap3A_116 = arith.constant 0 : i32
          %swap3A_117 = arith.index_cast %swap3A_116 : i32 to index
          %swap3A_118 = arith.constant 112 : index
          %swap3A_119 = tpu.vector_load %arg10[%swap3A_117, %swap3A_118] {strides = array<i32>} : memref<40x128xf32, #tpu.memory_space<vmem>>, vector<1x16xf32>,
          %swap3A_120 = vector.shape_cast %swap3A_119 : vector<1x16xf32> to vector<16xf32>
          %swap3A_121 = vector.shape_cast %broadcast_in_dim3A_115 : vector<16xf32> to vector<1x16xf32>
          tpu.vector_store %arg10[%swap3A_117, %swap3A_118], %swap3A_121 {strides = array<i32>} : memref<40x128xf32, #tpu.memory_space<vmem>>, vector<1x16xf32>,
        } else {
        }
        %mul3A_55 = arith.constant 5000 : i32
        %mul3A_56 = arith.muli %add3A, %mul3A_55 : i32
        %mul3A_57 = arith.constant 40 : i32
        %mul3A_58 = arith.muli %add3A_21, %mul3A_57 : i32
        %add3A_59 = arith.addi %mul3A_56, %mul3A_58 : i32
        "tpu.region"() ({
          %run_scoped3A = tpu.sem_alloc : memref<!tpu.dma_semaphore, #tpu.memory_space<semaphore_mem>>
          %dma_start3A_60 = arith.constant 0 : i32
          %dma_start3A_61 = tpu.memref_slice %arg5[%add3A_59, %dma_start3A_60] : memref<160000x256xi32, #tpu.memory_space<hbm>> -> memref<40x256xi32, #tpu.memory_space<hbm>>
          %dma_start3A_62 = arith.constant 0 : i32
          %dma_start3A_63 = tpu.memref_slice %arg5[%add3A_59, %dma_start3A_62] : memref<160000x256xi32, #tpu.memory_space<hbm>> -> memref<40x256xi32, #tpu.memory_space<hbm>>
          tpu.enqueue_dma source(%arg8 : memref<40x256xi32, #tpu.memory_space<vmem>>) target(%dma_start3A_63 : memref<40x256xi32, #tpu.memory_space<hbm>>) target_semaphore(%run_scoped3A : memref<!tpu.dma_semaphore, #tpu.memory_space<semaphore_mem>>)
          %dma_wait3A_64 = arith.constant 0 : i32
          %dma_wait3A_65 = tpu.memref_slice %arg5[%add3A_59, %dma_wait3A_64] : memref<160000x256xi32, #tpu.memory_space<hbm>> -> memref<40x256xi32, #tpu.memory_space<hbm>>
          %dma_wait3A_66 = arith.constant 0 : i32
          %dma_wait3A_67 = tpu.memref_slice %arg5[%add3A_59, %dma_wait3A_66] : memref<160000x256xi32, #tpu.memory_space<hbm>> -> memref<40x256xi32, #tpu.memory_space<hbm>>
          tpu.wait_dma2 semaphore(%run_scoped3A : memref<!tpu.dma_semaphore, #tpu.memory_space<semaphore_mem>>) src(%arg8 : memref<40x256xi32, #tpu.memory_space<vmem>>) dst(%dma_wait3A_67 : memref<40x256xi32, #tpu.memory_space<hbm>>)
          tpu.yield
        }) : () -> ()
        "tpu.region"() ({
          %run_scoped3A = tpu.sem_alloc : memref<!tpu.dma_semaphore, #tpu.memory_space<semaphore_mem>>
          %dma_start3A_60 = arith.constant 0 : i32
          %dma_start3A_61 = tpu.memref_slice %arg6[%add3A_59, %dma_start3A_60] : memref<160000x128xf32, #tpu.memory_space<hbm>> -> memref<40x128xf32, #tpu.memory_space<hbm>>
          %dma_start3A_62 = arith.constant 0 : i32
          %dma_start3A_63 = tpu.memref_slice %arg6[%add3A_59, %dma_start3A_62] : memref<160000x128xf32, #tpu.memory_space<hbm>> -> memref<40x128xf32, #tpu.memory_space<hbm>>
          tpu.enqueue_dma source(%arg10 : memref<40x128xf32, #tpu.memory_space<vmem>>) target(%dma_start3A_63 : memref<40x128xf32, #tpu.memory_space<hbm>>) target_semaphore(%run_scoped3A : memref<!tpu.dma_semaphore, #tpu.memory_space<semaphore_mem>>)
          %dma_wait3A_64 = arith.constant 0 : i32
          %dma_wait3A_65 = tpu.memref_slice %arg6[%add3A_59, %dma_wait3A_64] : memref<160000x128xf32, #tpu.memory_space<hbm>> -> memref<40x128xf32, #tpu.memory_space<hbm>>
          %dma_wait3A_66 = arith.constant 0 : i32
          %dma_wait3A_67 = tpu.memref_slice %arg6[%add3A_59, %dma_wait3A_66] : memref<160000x128xf32, #tpu.memory_space<hbm>> -> memref<40x128xf32, #tpu.memory_space<hbm>>
          tpu.wait_dma2 semaphore(%run_scoped3A : memref<!tpu.dma_semaphore, #tpu.memory_space<semaphore_mem>>) src(%arg10 : memref<40x128xf32, #tpu.memory_space<vmem>>) dst(%dma_wait3A_67 : memref<40x128xf32, #tpu.memory_space<hbm>>)
          tpu.yield
        }) : () -> ()
      } else {
      }
      %mul3A_24 = arith.constant 2 : i32
      %mul3A_25 = arith.muli %mul3A_24, %scan3A_17 : i32
      %add3A_26 = arith.constant 1 : i32
      %add3A_27 = arith.addi %mul3A_25, %add3A_26 : i32
      %lt3A_28 = arith.constant 125 : i32
      %lt3A_29 = arith.cmpi slt, %add3A_27, %lt3A_28 : i32
      %convert_element_type3A_30 = arith.extui %lt3A_29 : i1 to i32
      %cond3A_31 = arith.constant 0 : i32
      %cond3A_32 = arith.cmpi ne, %convert_element_type3A_30, %cond3A_31 : i32
      scf.if %cond3A_32 {
        %add3A_33 = arith.constant 1 : i32
        %add3A_34 = arith.addi %add3A_27, %add3A_33 : i32
        %lt3A_35 = arith.constant 125 : i32
        %lt3A_36 = arith.cmpi slt, %add3A_34, %lt3A_35 : i32
        %convert_element_type3A_37 = arith.extui %lt3A_36 : i1 to i32
        %cond3A_38 = arith.constant 0 : i32
        %cond3A_39 = arith.cmpi ne, %convert_element_type3A_37, %cond3A_38 : i32
        scf.if %cond3A_39 {
          %add3A_60 = arith.constant 1 : i32
          %add3A_61 = arith.addi %add3A_27, %add3A_60 : i32
          %mul3A_62 = arith.constant 40 : i32
          %mul3A_63 = arith.muli %add3A_61, %mul3A_62 : i32
          %dma_start3A_64 = tpu.memref_slice %arg7[%mul3A_63] : memref<5000xi32, #tpu.memory_space<vmem>> -> memref<40xi32, #tpu.memory_space<vmem>>
          %dma_start3A_65 = arith.constant 0 : i32
          %dma_start3A_66 = arith.constant 0 : i32
          %dma_start3A_67 = tpu.memref_slice %arg2[%dma_start3A_65, %dma_start3A_66] : memref<10000x256xi32, #tpu.memory_space<hbm>> -> memref<10000x256xi32, #tpu.memory_space<hbm>>
          tpu.enqueue_indirect_dma source(%dma_start3A_67 : memref<10000x256xi32, #tpu.memory_space<hbm>>) target(%arg8 : memref<40x256xi32, #tpu.memory_space<vmem>>) offsets(%dma_start3A_64 : memref<40xi32, #tpu.memory_space<vmem>>) semaphore(%arg12 : memref<!tpu.dma_semaphore, #tpu.memory_space<semaphore_mem>>)
          %dma_start3A_68 = tpu.memref_slice %arg7[%mul3A_63] : memref<5000xi32, #tpu.memory_space<vmem>> -> memref<40xi32, #tpu.memory_space<vmem>>
          %dma_start3A_69 = arith.constant 0 : i32
          %dma_start3A_70 = arith.constant 0 : i32
          %dma_start3A_71 = tpu.memref_slice %arg3[%dma_start3A_69, %dma_start3A_70] : memref<10000x128xf32, #tpu.memory_space<hbm>> -> memref<10000x128xf32, #tpu.memory_space<hbm>>
          tpu.enqueue_indirect_dma source(%dma_start3A_71 : memref<10000x128xf32, #tpu.memory_space<hbm>>) target(%arg10 : memref<40x128xf32, #tpu.memory_space<vmem>>) offsets(%dma_start3A_68 : memref<40xi32, #tpu.memory_space<vmem>>) semaphore(%arg12 : memref<!tpu.dma_semaphore, #tpu.memory_space<semaphore_mem>>)
        } else {
        }
        %mul3A_40 = arith.constant 40 : i32
        %mul3A_41 = arith.muli %add3A_27, %mul3A_40 : i32
        %dma_wait3A = tpu.memref_slice %arg7[%mul3A_41] : memref<5000xi32, #tpu.memory_space<vmem>> -> memref<40xi32, #tpu.memory_space<vmem>>
        %dma_wait3A_42 = arith.constant 0 : i32
        %dma_wait3A_43 = arith.constant 0 : i32
        %dma_wait3A_44 = tpu.memref_slice %arg2[%dma_wait3A_42, %dma_wait3A_43] : memref<10000x256xi32, #tpu.memory_space<hbm>> -> memref<10000x256xi32, #tpu.memory_space<hbm>>
        tpu.wait_indirect_dma semaphore(%arg13 : memref<!tpu.dma_semaphore, #tpu.memory_space<semaphore_mem>>) src(%dma_wait3A_44 : memref<10000x256xi32, #tpu.memory_space<hbm>>) dst(%arg9 : memref<40x256xi32, #tpu.memory_space<vmem>>)
        %dma_wait3A_45 = tpu.memref_slice %arg7[%mul3A_41] : memref<5000xi32, #tpu.memory_space<vmem>> -> memref<40xi32, #tpu.memory_space<vmem>>
        %dma_wait3A_46 = arith.constant 0 : i32
        %dma_wait3A_47 = arith.constant 0 : i32
        %dma_wait3A_48 = tpu.memref_slice %arg3[%dma_wait3A_46, %dma_wait3A_47] : memref<10000x128xf32, #tpu.memory_space<hbm>> -> memref<10000x128xf32, #tpu.memory_space<hbm>>
        tpu.wait_indirect_dma semaphore(%arg13 : memref<!tpu.dma_semaphore, #tpu.memory_space<semaphore_mem>>) src(%dma_wait3A_48 : memref<10000x128xf32, #tpu.memory_space<hbm>>) dst(%arg11 : memref<40x128xf32, #tpu.memory_space<vmem>>)
        %eq3A = arith.constant 0 : i32
        %eq3A_49 = arith.cmpi eq, %add3A, %eq3A : i32
        %eq3A_50 = arith.constant 0 : i32
        %eq3A_51 = arith.cmpi eq, %add3A_27, %eq3A_50 : i32
        %and3A = arith.andi %eq3A_49, %eq3A_51 : i1
        %convert_element_type3A_52 = arith.extui %and3A : i1 to i32
        %cond3A_53 = arith.constant 0 : i32
        %cond3A_54 = arith.cmpi ne, %convert_element_type3A_52, %cond3A_53 : i32
        scf.if %cond3A_54 {
          %broadcast_in_dim3A = arith.constant 0.000000e+00 : f32
          %broadcast_in_dim3A_60 = vector.broadcast %broadcast_in_dim3A : f32 to vector<16xf32>
          %swap3A = arith.constant 0 : i32
          %swap3A_61 = arith.index_cast %swap3A : i32 to index
          %swap3A_62 = arith.constant 0 : index
          %swap3A_63 = tpu.vector_load %arg11[%swap3A_61, %swap3A_62] {strides = array<i32>} : memref<40x128xf32, #tpu.memory_space<vmem>>, vector<1x16xf32>,
          %swap3A_64 = vector.shape_cast %swap3A_63 : vector<1x16xf32> to vector<16xf32>
          %swap3A_65 = vector.shape_cast %broadcast_in_dim3A_60 : vector<16xf32> to vector<1x16xf32>
          tpu.vector_store %arg11[%swap3A_61, %swap3A_62], %swap3A_65 {strides = array<i32>} : memref<40x128xf32, #tpu.memory_space<vmem>>, vector<1x16xf32>,
          %broadcast_in_dim3A_66 = arith.constant 0.000000e+00 : f32
          %broadcast_in_dim3A_67 = vector.broadcast %broadcast_in_dim3A_66 : f32 to vector<16xf32>
          %swap3A_68 = arith.constant 0 : i32
          %swap3A_69 = arith.index_cast %swap3A_68 : i32 to index
          %swap3A_70 = arith.constant 16 : index
          %swap3A_71 = tpu.vector_load %arg11[%swap3A_69, %swap3A_70] {strides = array<i32>} : memref<40x128xf32, #tpu.memory_space<vmem>>, vector<1x16xf32>,
          %swap3A_72 = vector.shape_cast %swap3A_71 : vector<1x16xf32> to vector<16xf32>
          %swap3A_73 = vector.shape_cast %broadcast_in_dim3A_67 : vector<16xf32> to vector<1x16xf32>
          tpu.vector_store %arg11[%swap3A_69, %swap3A_70], %swap3A_73 {strides = array<i32>} : memref<40x128xf32, #tpu.memory_space<vmem>>, vector<1x16xf32>,
          %broadcast_in_dim3A_74 = arith.constant 0.000000e+00 : f32
          %broadcast_in_dim3A_75 = vector.broadcast %broadcast_in_dim3A_74 : f32 to vector<16xf32>
          %swap3A_76 = arith.constant 0 : i32
          %swap3A_77 = arith.index_cast %swap3A_76 : i32 to index
          %swap3A_78 = arith.constant 32 : index
          %swap3A_79 = tpu.vector_load %arg11[%swap3A_77, %swap3A_78] {strides = array<i32>} : memref<40x128xf32, #tpu.memory_space<vmem>>, vector<1x16xf32>,
          %swap3A_80 = vector.shape_cast %swap3A_79 : vector<1x16xf32> to vector<16xf32>
          %swap3A_81 = vector.shape_cast %broadcast_in_dim3A_75 : vector<16xf32> to vector<1x16xf32>
          tpu.vector_store %arg11[%swap3A_77, %swap3A_78], %swap3A_81 {strides = array<i32>} : memref<40x128xf32, #tpu.memory_space<vmem>>, vector<1x16xf32>,
          %broadcast_in_dim3A_82 = arith.constant 0.000000e+00 : f32
          %broadcast_in_dim3A_83 = vector.broadcast %broadcast_in_dim3A_82 : f32 to vector<16xf32>
          %swap3A_84 = arith.constant 0 : i32
          %swap3A_85 = arith.index_cast %swap3A_84 : i32 to index
          %swap3A_86 = arith.constant 48 : index
          %swap3A_87 = tpu.vector_load %arg11[%swap3A_85, %swap3A_86] {strides = array<i32>} : memref<40x128xf32, #tpu.memory_space<vmem>>, vector<1x16xf32>,
          %swap3A_88 = vector.shape_cast %swap3A_87 : vector<1x16xf32> to vector<16xf32>
          %swap3A_89 = vector.shape_cast %broadcast_in_dim3A_83 : vector<16xf32> to vector<1x16xf32>
          tpu.vector_store %arg11[%swap3A_85, %swap3A_86], %swap3A_89 {strides = array<i32>} : memref<40x128xf32, #tpu.memory_space<vmem>>, vector<1x16xf32>,
          %broadcast_in_dim3A_90 = arith.constant 0.000000e+00 : f32
          %broadcast_in_dim3A_91 = vector.broadcast %broadcast_in_dim3A_90 : f32 to vector<16xf32>
          %swap3A_92 = arith.constant 0 : i32
          %swap3A_93 = arith.index_cast %swap3A_92 : i32 to index
          %swap3A_94 = arith.constant 64 : index
          %swap3A_95 = tpu.vector_load %arg11[%swap3A_93, %swap3A_94] {strides = array<i32>} : memref<40x128xf32, #tpu.memory_space<vmem>>, vector<1x16xf32>,
          %swap3A_96 = vector.shape_cast %swap3A_95 : vector<1x16xf32> to vector<16xf32>
          %swap3A_97 = vector.shape_cast %broadcast_in_dim3A_91 : vector<16xf32> to vector<1x16xf32>
          tpu.vector_store %arg11[%swap3A_93, %swap3A_94], %swap3A_97 {strides = array<i32>} : memref<40x128xf32, #tpu.memory_space<vmem>>, vector<1x16xf32>,
          %broadcast_in_dim3A_98 = arith.constant 0.000000e+00 : f32
          %broadcast_in_dim3A_99 = vector.broadcast %broadcast_in_dim3A_98 : f32 to vector<16xf32>
          %swap3A_100 = arith.constant 0 : i32
          %swap3A_101 = arith.index_cast %swap3A_100 : i32 to index
          %swap3A_102 = arith.constant 80 : index
          %swap3A_103 = tpu.vector_load %arg11[%swap3A_101, %swap3A_102] {strides = array<i32>} : memref<40x128xf32, #tpu.memory_space<vmem>>, vector<1x16xf32>,
          %swap3A_104 = vector.shape_cast %swap3A_103 : vector<1x16xf32> to vector<16xf32>
          %swap3A_105 = vector.shape_cast %broadcast_in_dim3A_99 : vector<16xf32> to vector<1x16xf32>
          tpu.vector_store %arg11[%swap3A_101, %swap3A_102], %swap3A_105 {strides = array<i32>} : memref<40x128xf32, #tpu.memory_space<vmem>>, vector<1x16xf32>,
          %broadcast_in_dim3A_106 = arith.constant 0.000000e+00 : f32
          %broadcast_in_dim3A_107 = vector.broadcast %broadcast_in_dim3A_106 : f32 to vector<16xf32>
          %swap3A_108 = arith.constant 0 : i32
          %swap3A_109 = arith.index_cast %swap3A_108 : i32 to index
          %swap3A_110 = arith.constant 96 : index
          %swap3A_111 = tpu.vector_load %arg11[%swap3A_109, %swap3A_110] {strides = array<i32>} : memref<40x128xf32, #tpu.memory_space<vmem>>, vector<1x16xf32>,
          %swap3A_112 = vector.shape_cast %swap3A_111 : vector<1x16xf32> to vector<16xf32>
          %swap3A_113 = vector.shape_cast %broadcast_in_dim3A_107 : vector<16xf32> to vector<1x16xf32>
          tpu.vector_store %arg11[%swap3A_109, %swap3A_110], %swap3A_113 {strides = array<i32>} : memref<40x128xf32, #tpu.memory_space<vmem>>, vector<1x16xf32>,
          %broadcast_in_dim3A_114 = arith.constant 0.000000e+00 : f32
          %broadcast_in_dim3A_115 = vector.broadcast %broadcast_in_dim3A_114 : f32 to vector<16xf32>
          %swap3A_116 = arith.constant 0 : i32
          %swap3A_117 = arith.index_cast %swap3A_116 : i32 to index
          %swap3A_118 = arith.constant 112 : index
          %swap3A_119 = tpu.vector_load %arg11[%swap3A_117, %swap3A_118] {strides = array<i32>} : memref<40x128xf32, #tpu.memory_space<vmem>>, vector<1x16xf32>,
          %swap3A_120 = vector.shape_cast %swap3A_119 : vector<1x16xf32> to vector<16xf32>
          %swap3A_121 = vector.shape_cast %broadcast_in_dim3A_115 : vector<16xf32> to vector<1x16xf32>
          tpu.vector_store %arg11[%swap3A_117, %swap3A_118], %swap3A_121 {strides = array<i32>} : memref<40x128xf32, #tpu.memory_space<vmem>>, vector<1x16xf32>,
        } else {
        }
        %mul3A_55 = arith.constant 5000 : i32
        %mul3A_56 = arith.muli %add3A, %mul3A_55 : i32
        %mul3A_57 = arith.constant 40 : i32
        %mul3A_58 = arith.muli %add3A_27, %mul3A_57 : i32
        %add3A_59 = arith.addi %mul3A_56, %mul3A_58 : i32
        "tpu.region"() ({
          %run_scoped3A = tpu.sem_alloc : memref<!tpu.dma_semaphore, #tpu.memory_space<semaphore_mem>>
          %dma_start3A_60 = arith.constant 0 : i32
          %dma_start3A_61 = tpu.memref_slice %arg5[%add3A_59, %dma_start3A_60] : memref<160000x256xi32, #tpu.memory_space<hbm>> -> memref<40x256xi32, #tpu.memory_space<hbm>>
          %dma_start3A_62 = arith.constant 0 : i32
          %dma_start3A_63 = tpu.memref_slice %arg5[%add3A_59, %dma_start3A_62] : memref<160000x256xi32, #tpu.memory_space<hbm>> -> memref<40x256xi32, #tpu.memory_space<hbm>>
          tpu.enqueue_dma source(%arg9 : memref<40x256xi32, #tpu.memory_space<vmem>>) target(%dma_start3A_63 : memref<40x256xi32, #tpu.memory_space<hbm>>) target_semaphore(%run_scoped3A : memref<!tpu.dma_semaphore, #tpu.memory_space<semaphore_mem>>)
          %dma_wait3A_64 = arith.constant 0 : i32
          %dma_wait3A_65 = tpu.memref_slice %arg5[%add3A_59, %dma_wait3A_64] : memref<160000x256xi32, #tpu.memory_space<hbm>> -> memref<40x256xi32, #tpu.memory_space<hbm>>
          %dma_wait3A_66 = arith.constant 0 : i32
          %dma_wait3A_67 = tpu.memref_slice %arg5[%add3A_59, %dma_wait3A_66] : memref<160000x256xi32, #tpu.memory_space<hbm>> -> memref<40x256xi32, #tpu.memory_space<hbm>>
          tpu.wait_dma2 semaphore(%run_scoped3A : memref<!tpu.dma_semaphore, #tpu.memory_space<semaphore_mem>>) src(%arg9 : memref<40x256xi32, #tpu.memory_space<vmem>>) dst(%dma_wait3A_67 : memref<40x256xi32, #tpu.memory_space<hbm>>)
          tpu.yield
        }) : () -> ()
        "tpu.region"() ({
          %run_scoped3A = tpu.sem_alloc : memref<!tpu.dma_semaphore, #tpu.memory_space<semaphore_mem>>
          %dma_start3A_60 = arith.constant 0 : i32
          %dma_start3A_61 = tpu.memref_slice %arg6[%add3A_59, %dma_start3A_60] : memref<160000x128xf32, #tpu.memory_space<hbm>> -> memref<40x128xf32, #tpu.memory_space<hbm>>
          %dma_start3A_62 = arith.constant 0 : i32
          %dma_start3A_63 = tpu.memref_slice %arg6[%add3A_59, %dma_start3A_62] : memref<160000x128xf32, #tpu.memory_space<hbm>> -> memref<40x128xf32, #tpu.memory_space<hbm>>
          tpu.enqueue_dma source(%arg11 : memref<40x128xf32, #tpu.memory_space<vmem>>) target(%dma_start3A_63 : memref<40x128xf32, #tpu.memory_space<hbm>>) target_semaphore(%run_scoped3A : memref<!tpu.dma_semaphore, #tpu.memory_space<semaphore_mem>>)
          %dma_wait3A_64 = arith.constant 0 : i32
          %dma_wait3A_65 = tpu.memref_slice %arg6[%add3A_59, %dma_wait3A_64] : memref<160000x128xf32, #tpu.memory_space<hbm>> -> memref<40x128xf32, #tpu.memory_space<hbm>>
          %dma_wait3A_66 = arith.constant 0 : i32
          %dma_wait3A_67 = tpu.memref_slice %arg6[%add3A_59, %dma_wait3A_66] : memref<160000x128xf32, #tpu.memory_space<hbm>> -> memref<40x128xf32, #tpu.memory_space<hbm>>
          tpu.wait_dma2 semaphore(%run_scoped3A : memref<!tpu.dma_semaphore, #tpu.memory_space<semaphore_mem>>) src(%arg11 : memref<40x128xf32, #tpu.memory_space<vmem>>) dst(%dma_wait3A_67 : memref<40x128xf32, #tpu.memory_space<hbm>>)
          tpu.yield
        }) : () -> ()
      } else {
      }
    }
    %scan3A_16 = arith.constant 63 : i32
    return
  }
}

#map = affine_map<(d0, d1) -> (0, 0)>
#map1 = affine_map<(d0, d1) -> (0)>
module attributes {stable_mosaic.version = 14 : i64} {
  func.func @gather_k(%arg0: i32, %arg1: i32, %arg2: memref<160000x128xf32, #tpu.memory_space<hbm>>, %arg3: memref<160000xi32, #tpu.memory_space<hbm>>, %arg4: memref<160000x128xf32, #tpu.memory_space<hbm>>, %arg5: memref<5000xi32, #tpu.memory_space<vmem>>, %arg6: memref<200x128xf32, #tpu.memory_space<vmem>>, %arg7: memref<200x128xf32, #tpu.memory_space<vmem>>, %arg8: memref<!tpu.dma_semaphore, #tpu.memory_space<semaphore_mem>>, %arg9: memref<!tpu.dma_semaphore, #tpu.memory_space<semaphore_mem>>) attributes {dimension_semantics = [#tpu.dimension_semantics<core_parallel>, #tpu.dimension_semantics<subcore_parallel>], iteration_bounds = array<i64: 2, 16>, scalar_prefetch = 0 : i64, scratch_operands = 5 : i64, tpu.core_type = #tpu.core_type<sc_vector_subcore>, window_params = [{transform_indices = #map}, {transform_indices = #map1}, {transform_indices = #map}]} {
    %mul3A = arith.constant 2 : i32
    %mul3A_0 = arith.muli %arg1, %mul3A : i32
    %add3A = arith.addi %mul3A_0, %arg0 : i32
    %lt3A = arith.constant 32 : i32
    %lt3A_1 = arith.cmpi slt, %add3A, %lt3A : i32
    %convert_element_type3A = arith.extui %lt3A_1 : i1 to i32
    %cond3A = arith.constant 0 : i32
    %cond3A_2 = arith.cmpi ne, %convert_element_type3A, %cond3A : i32
    scf.if %cond3A_2 {
      %mul3A_3 = arith.constant 5000 : i32
      %mul3A_4 = arith.muli %add3A, %mul3A_3 : i32
      "tpu.region"() ({
        %run_scoped3A = tpu.sem_alloc : memref<!tpu.dma_semaphore, #tpu.memory_space<semaphore_mem>>
        %dma_start3A_14 = tpu.memref_slice %arg3[%mul3A_4] : memref<160000xi32, #tpu.memory_space<hbm>> -> memref<5000xi32, #tpu.memory_space<hbm>>
        %dma_start3A_15 = tpu.memref_slice %arg3[%mul3A_4] : memref<160000xi32, #tpu.memory_space<hbm>> -> memref<5000xi32, #tpu.memory_space<hbm>>
        tpu.enqueue_dma source(%dma_start3A_15 : memref<5000xi32, #tpu.memory_space<hbm>>) target(%arg5 : memref<5000xi32, #tpu.memory_space<vmem>>) target_semaphore(%run_scoped3A : memref<!tpu.dma_semaphore, #tpu.memory_space<semaphore_mem>>)
        %dma_wait3A = tpu.memref_slice %arg3[%mul3A_4] : memref<160000xi32, #tpu.memory_space<hbm>> -> memref<5000xi32, #tpu.memory_space<hbm>>
        %dma_wait3A_16 = tpu.memref_slice %arg3[%mul3A_4] : memref<160000xi32, #tpu.memory_space<hbm>> -> memref<5000xi32, #tpu.memory_space<hbm>>
        tpu.wait_dma2 semaphore(%run_scoped3A : memref<!tpu.dma_semaphore, #tpu.memory_space<semaphore_mem>>) src(%dma_wait3A_16 : memref<5000xi32, #tpu.memory_space<hbm>>) dst(%arg5 : memref<5000xi32, #tpu.memory_space<vmem>>)
        tpu.yield
      }) : () -> ()
      %dma_start3A = arith.constant 0 : i32
      %dma_start3A_5 = tpu.memref_slice %arg5[%dma_start3A] : memref<5000xi32, #tpu.memory_space<vmem>> -> memref<200xi32, #tpu.memory_space<vmem>>
      %dma_start3A_6 = arith.constant 0 : i32
      %dma_start3A_7 = arith.constant 0 : i32
      %dma_start3A_8 = tpu.memref_slice %arg2[%dma_start3A_6, %dma_start3A_7] : memref<160000x128xf32, #tpu.memory_space<hbm>> -> memref<160000x128xf32, #tpu.memory_space<hbm>>
      tpu.enqueue_indirect_dma source(%dma_start3A_8 : memref<160000x128xf32, #tpu.memory_space<hbm>>) target(%arg6 : memref<200x128xf32, #tpu.memory_space<vmem>>) offsets(%dma_start3A_5 : memref<200xi32, #tpu.memory_space<vmem>>) semaphore(%arg8 : memref<!tpu.dma_semaphore, #tpu.memory_space<semaphore_mem>>)
      %scan3A = arith.constant 0 : i32
      %scan3A_9 = arith.constant 0 : i32
      %scan3A_10 = arith.constant 13 : i32
      %scan3A_11 = arith.addi %scan3A_9, %scan3A_10 : i32
      %scan3A_12 = arith.constant 1 : i32
      scf.for %scan3A_14 = %scan3A_9 to %scan3A_11 step %scan3A_12  : i32 {
        %mul3A_15 = arith.constant 2 : i32
        %mul3A_16 = arith.muli %mul3A_15, %scan3A_14 : i32
        %add3A_17 = arith.constant 0 : i32
        %add3A_18 = arith.addi %mul3A_16, %add3A_17 : i32
        %lt3A_19 = arith.constant 25 : i32
        %lt3A_20 = arith.cmpi slt, %add3A_18, %lt3A_19 : i32
        %convert_element_type3A_21 = arith.extui %lt3A_20 : i1 to i32
        %cond3A_22 = arith.constant 0 : i32
        %cond3A_23 = arith.cmpi ne, %convert_element_type3A_21, %cond3A_22 : i32
        scf.if %cond3A_23 {
          %add3A_33 = arith.constant 1 : i32
          %add3A_34 = arith.addi %add3A_18, %add3A_33 : i32
          %lt3A_35 = arith.constant 25 : i32
          %lt3A_36 = arith.cmpi slt, %add3A_34, %lt3A_35 : i32
          %convert_element_type3A_37 = arith.extui %lt3A_36 : i1 to i32
          %cond3A_38 = arith.constant 0 : i32
          %cond3A_39 = arith.cmpi ne, %convert_element_type3A_37, %cond3A_38 : i32
          scf.if %cond3A_39 {
            %add3A_50 = arith.constant 1 : i32
            %add3A_51 = arith.addi %add3A_18, %add3A_50 : i32
            %mul3A_52 = arith.constant 200 : i32
            %mul3A_53 = arith.muli %add3A_51, %mul3A_52 : i32
            %dma_start3A_54 = tpu.memref_slice %arg5[%mul3A_53] : memref<5000xi32, #tpu.memory_space<vmem>> -> memref<200xi32, #tpu.memory_space<vmem>>
            %dma_start3A_55 = arith.constant 0 : i32
            %dma_start3A_56 = arith.constant 0 : i32
            %dma_start3A_57 = tpu.memref_slice %arg2[%dma_start3A_55, %dma_start3A_56] : memref<160000x128xf32, #tpu.memory_space<hbm>> -> memref<160000x128xf32, #tpu.memory_space<hbm>>
            tpu.enqueue_indirect_dma source(%dma_start3A_57 : memref<160000x128xf32, #tpu.memory_space<hbm>>) target(%arg7 : memref<200x128xf32, #tpu.memory_space<vmem>>) offsets(%dma_start3A_54 : memref<200xi32, #tpu.memory_space<vmem>>) semaphore(%arg9 : memref<!tpu.dma_semaphore, #tpu.memory_space<semaphore_mem>>)
          } else {
          }
          %mul3A_40 = arith.constant 200 : i32
          %mul3A_41 = arith.muli %add3A_18, %mul3A_40 : i32
          %dma_wait3A = tpu.memref_slice %arg5[%mul3A_41] : memref<5000xi32, #tpu.memory_space<vmem>> -> memref<200xi32, #tpu.memory_space<vmem>>
          %dma_wait3A_42 = arith.constant 0 : i32
          %dma_wait3A_43 = arith.constant 0 : i32
          %dma_wait3A_44 = tpu.memref_slice %arg2[%dma_wait3A_42, %dma_wait3A_43] : memref<160000x128xf32, #tpu.memory_space<hbm>> -> memref<160000x128xf32, #tpu.memory_space<hbm>>
          tpu.wait_indirect_dma semaphore(%arg8 : memref<!tpu.dma_semaphore, #tpu.memory_space<semaphore_mem>>) src(%dma_wait3A_44 : memref<160000x128xf32, #tpu.memory_space<hbm>>) dst(%arg6 : memref<200x128xf32, #tpu.memory_space<vmem>>)
          %mul3A_45 = arith.constant 5000 : i32
          %mul3A_46 = arith.muli %add3A, %mul3A_45 : i32
          %mul3A_47 = arith.constant 200 : i32
          %mul3A_48 = arith.muli %add3A_18, %mul3A_47 : i32
          %add3A_49 = arith.addi %mul3A_46, %mul3A_48 : i32
          "tpu.region"() ({
            %run_scoped3A = tpu.sem_alloc : memref<!tpu.dma_semaphore, #tpu.memory_space<semaphore_mem>>
            %dma_start3A_50 = arith.constant 0 : i32
            %dma_start3A_51 = tpu.memref_slice %arg4[%add3A_49, %dma_start3A_50] : memref<160000x128xf32, #tpu.memory_space<hbm>> -> memref<200x128xf32, #tpu.memory_space<hbm>>
            %dma_start3A_52 = arith.constant 0 : i32
            %dma_start3A_53 = tpu.memref_slice %arg4[%add3A_49, %dma_start3A_52] : memref<160000x128xf32, #tpu.memory_space<hbm>> -> memref<200x128xf32, #tpu.memory_space<hbm>>
            tpu.enqueue_dma source(%arg6 : memref<200x128xf32, #tpu.memory_space<vmem>>) target(%dma_start3A_53 : memref<200x128xf32, #tpu.memory_space<hbm>>) target_semaphore(%run_scoped3A : memref<!tpu.dma_semaphore, #tpu.memory_space<semaphore_mem>>)
            %dma_wait3A_54 = arith.constant 0 : i32
            %dma_wait3A_55 = tpu.memref_slice %arg4[%add3A_49, %dma_wait3A_54] : memref<160000x128xf32, #tpu.memory_space<hbm>> -> memref<200x128xf32, #tpu.memory_space<hbm>>
            %dma_wait3A_56 = arith.constant 0 : i32
            %dma_wait3A_57 = tpu.memref_slice %arg4[%add3A_49, %dma_wait3A_56] : memref<160000x128xf32, #tpu.memory_space<hbm>> -> memref<200x128xf32, #tpu.memory_space<hbm>>
            tpu.wait_dma2 semaphore(%run_scoped3A : memref<!tpu.dma_semaphore, #tpu.memory_space<semaphore_mem>>) src(%arg6 : memref<200x128xf32, #tpu.memory_space<vmem>>) dst(%dma_wait3A_57 : memref<200x128xf32, #tpu.memory_space<hbm>>)
            tpu.yield
          }) : () -> ()
        } else {
        }
        %mul3A_24 = arith.constant 2 : i32
        %mul3A_25 = arith.muli %mul3A_24, %scan3A_14 : i32
        %add3A_26 = arith.constant 1 : i32
        %add3A_27 = arith.addi %mul3A_25, %add3A_26 : i32
        %lt3A_28 = arith.constant 25 : i32
        %lt3A_29 = arith.cmpi slt, %add3A_27, %lt3A_28 : i32
        %convert_element_type3A_30 = arith.extui %lt3A_29 : i1 to i32
        %cond3A_31 = arith.constant 0 : i32
        %cond3A_32 = arith.cmpi ne, %convert_element_type3A_30, %cond3A_31 : i32
        scf.if %cond3A_32 {
          %add3A_33 = arith.constant 1 : i32
          %add3A_34 = arith.addi %add3A_27, %add3A_33 : i32
          %lt3A_35 = arith.constant 25 : i32
          %lt3A_36 = arith.cmpi slt, %add3A_34, %lt3A_35 : i32
          %convert_element_type3A_37 = arith.extui %lt3A_36 : i1 to i32
          %cond3A_38 = arith.constant 0 : i32
          %cond3A_39 = arith.cmpi ne, %convert_element_type3A_37, %cond3A_38 : i32
          scf.if %cond3A_39 {
            %add3A_50 = arith.constant 1 : i32
            %add3A_51 = arith.addi %add3A_27, %add3A_50 : i32
            %mul3A_52 = arith.constant 200 : i32
            %mul3A_53 = arith.muli %add3A_51, %mul3A_52 : i32
            %dma_start3A_54 = tpu.memref_slice %arg5[%mul3A_53] : memref<5000xi32, #tpu.memory_space<vmem>> -> memref<200xi32, #tpu.memory_space<vmem>>
            %dma_start3A_55 = arith.constant 0 : i32
            %dma_start3A_56 = arith.constant 0 : i32
            %dma_start3A_57 = tpu.memref_slice %arg2[%dma_start3A_55, %dma_start3A_56] : memref<160000x128xf32, #tpu.memory_space<hbm>> -> memref<160000x128xf32, #tpu.memory_space<hbm>>
            tpu.enqueue_indirect_dma source(%dma_start3A_57 : memref<160000x128xf32, #tpu.memory_space<hbm>>) target(%arg6 : memref<200x128xf32, #tpu.memory_space<vmem>>) offsets(%dma_start3A_54 : memref<200xi32, #tpu.memory_space<vmem>>) semaphore(%arg8 : memref<!tpu.dma_semaphore, #tpu.memory_space<semaphore_mem>>)
          } else {
          }
          %mul3A_40 = arith.constant 200 : i32
          %mul3A_41 = arith.muli %add3A_27, %mul3A_40 : i32
          %dma_wait3A = tpu.memref_slice %arg5[%mul3A_41] : memref<5000xi32, #tpu.memory_space<vmem>> -> memref<200xi32, #tpu.memory_space<vmem>>
          %dma_wait3A_42 = arith.constant 0 : i32
          %dma_wait3A_43 = arith.constant 0 : i32
          %dma_wait3A_44 = tpu.memref_slice %arg2[%dma_wait3A_42, %dma_wait3A_43] : memref<160000x128xf32, #tpu.memory_space<hbm>> -> memref<160000x128xf32, #tpu.memory_space<hbm>>
          tpu.wait_indirect_dma semaphore(%arg9 : memref<!tpu.dma_semaphore, #tpu.memory_space<semaphore_mem>>) src(%dma_wait3A_44 : memref<160000x128xf32, #tpu.memory_space<hbm>>) dst(%arg7 : memref<200x128xf32, #tpu.memory_space<vmem>>)
          %mul3A_45 = arith.constant 5000 : i32
          %mul3A_46 = arith.muli %add3A, %mul3A_45 : i32
          %mul3A_47 = arith.constant 200 : i32
          %mul3A_48 = arith.muli %add3A_27, %mul3A_47 : i32
          %add3A_49 = arith.addi %mul3A_46, %mul3A_48 : i32
          "tpu.region"() ({
            %run_scoped3A = tpu.sem_alloc : memref<!tpu.dma_semaphore, #tpu.memory_space<semaphore_mem>>
            %dma_start3A_50 = arith.constant 0 : i32
            %dma_start3A_51 = tpu.memref_slice %arg4[%add3A_49, %dma_start3A_50] : memref<160000x128xf32, #tpu.memory_space<hbm>> -> memref<200x128xf32, #tpu.memory_space<hbm>>
            %dma_start3A_52 = arith.constant 0 : i32
            %dma_start3A_53 = tpu.memref_slice %arg4[%add3A_49, %dma_start3A_52] : memref<160000x128xf32, #tpu.memory_space<hbm>> -> memref<200x128xf32, #tpu.memory_space<hbm>>
            tpu.enqueue_dma source(%arg7 : memref<200x128xf32, #tpu.memory_space<vmem>>) target(%dma_start3A_53 : memref<200x128xf32, #tpu.memory_space<hbm>>) target_semaphore(%run_scoped3A : memref<!tpu.dma_semaphore, #tpu.memory_space<semaphore_mem>>)
            %dma_wait3A_54 = arith.constant 0 : i32
            %dma_wait3A_55 = tpu.memref_slice %arg4[%add3A_49, %dma_wait3A_54] : memref<160000x128xf32, #tpu.memory_space<hbm>> -> memref<200x128xf32, #tpu.memory_space<hbm>>
            %dma_wait3A_56 = arith.constant 0 : i32
            %dma_wait3A_57 = tpu.memref_slice %arg4[%add3A_49, %dma_wait3A_56] : memref<160000x128xf32, #tpu.memory_space<hbm>> -> memref<200x128xf32, #tpu.memory_space<hbm>>
            tpu.wait_dma2 semaphore(%run_scoped3A : memref<!tpu.dma_semaphore, #tpu.memory_space<semaphore_mem>>) src(%arg7 : memref<200x128xf32, #tpu.memory_space<vmem>>) dst(%dma_wait3A_57 : memref<200x128xf32, #tpu.memory_space<hbm>>)
            tpu.yield
          }) : () -> ()
        } else {
        }
      }
      %scan3A_13 = arith.constant 13 : i32
    } else {
    }
    return
  }
}

#map = affine_map<(d0, d1) -> (0, 0)>
#map1 = affine_map<(d0, d1) -> (0)>
module attributes {stable_mosaic.version = 14 : i64} {
  func.func @gather_k(%arg0: i32, %arg1: i32, %arg2: memref<160000x128xf32, #tpu.memory_space<hbm>>, %arg3: memref<160000xi32, #tpu.memory_space<hbm>>, %arg4: memref<160000x128xf32, #tpu.memory_space<hbm>>, %arg5: memref<5000xi32, #tpu.memory_space<vmem>>, %arg6: memref<200x128xf32, #tpu.memory_space<vmem>>, %arg7: memref<200x128xf32, #tpu.memory_space<vmem>>, %arg8: memref<!tpu.dma_semaphore, #tpu.memory_space<semaphore_mem>>, %arg9: memref<!tpu.dma_semaphore, #tpu.memory_space<semaphore_mem>>) attributes {dimension_semantics = [#tpu.dimension_semantics<core_parallel>, #tpu.dimension_semantics<subcore_parallel>], iteration_bounds = array<i64: 2, 16>, scalar_prefetch = 0 : i64, scratch_operands = 5 : i64, tpu.core_type = #tpu.core_type<sc_vector_subcore>, window_params = [{transform_indices = #map}, {transform_indices = #map1}, {transform_indices = #map}]} {
    %mul3A = arith.constant 2 : i32
    %mul3A_0 = arith.muli %arg1, %mul3A : i32
    %add3A = arith.addi %mul3A_0, %arg0 : i32
    %lt3A = arith.constant 32 : i32
    %lt3A_1 = arith.cmpi slt, %add3A, %lt3A : i32
    %convert_element_type3A = arith.extui %lt3A_1 : i1 to i32
    %cond3A = arith.constant 0 : i32
    %cond3A_2 = arith.cmpi ne, %convert_element_type3A, %cond3A : i32
    scf.if %cond3A_2 {
      %mul3A_3 = arith.constant 5000 : i32
      %mul3A_4 = arith.muli %add3A, %mul3A_3 : i32
      "tpu.region"() ({
        %run_scoped3A = tpu.sem_alloc : memref<!tpu.dma_semaphore, #tpu.memory_space<semaphore_mem>>
        %dma_start3A_14 = tpu.memref_slice %arg3[%mul3A_4] : memref<160000xi32, #tpu.memory_space<hbm>> -> memref<5000xi32, #tpu.memory_space<hbm>>
        %dma_start3A_15 = tpu.memref_slice %arg3[%mul3A_4] : memref<160000xi32, #tpu.memory_space<hbm>> -> memref<5000xi32, #tpu.memory_space<hbm>>
        tpu.enqueue_dma source(%dma_start3A_15 : memref<5000xi32, #tpu.memory_space<hbm>>) target(%arg5 : memref<5000xi32, #tpu.memory_space<vmem>>) target_semaphore(%run_scoped3A : memref<!tpu.dma_semaphore, #tpu.memory_space<semaphore_mem>>)
        %dma_wait3A = tpu.memref_slice %arg3[%mul3A_4] : memref<160000xi32, #tpu.memory_space<hbm>> -> memref<5000xi32, #tpu.memory_space<hbm>>
        %dma_wait3A_16 = tpu.memref_slice %arg3[%mul3A_4] : memref<160000xi32, #tpu.memory_space<hbm>> -> memref<5000xi32, #tpu.memory_space<hbm>>
        tpu.wait_dma2 semaphore(%run_scoped3A : memref<!tpu.dma_semaphore, #tpu.memory_space<semaphore_mem>>) src(%dma_wait3A_16 : memref<5000xi32, #tpu.memory_space<hbm>>) dst(%arg5 : memref<5000xi32, #tpu.memory_space<vmem>>)
        tpu.yield
      }) : () -> ()
      %dma_start3A = arith.constant 0 : i32
      %dma_start3A_5 = tpu.memref_slice %arg5[%dma_start3A] : memref<5000xi32, #tpu.memory_space<vmem>> -> memref<200xi32, #tpu.memory_space<vmem>>
      %dma_start3A_6 = arith.constant 0 : i32
      %dma_start3A_7 = arith.constant 0 : i32
      %dma_start3A_8 = tpu.memref_slice %arg2[%dma_start3A_6, %dma_start3A_7] : memref<160000x128xf32, #tpu.memory_space<hbm>> -> memref<160000x128xf32, #tpu.memory_space<hbm>>
      tpu.enqueue_indirect_dma source(%dma_start3A_8 : memref<160000x128xf32, #tpu.memory_space<hbm>>) target(%arg6 : memref<200x128xf32, #tpu.memory_space<vmem>>) offsets(%dma_start3A_5 : memref<200xi32, #tpu.memory_space<vmem>>) semaphore(%arg8 : memref<!tpu.dma_semaphore, #tpu.memory_space<semaphore_mem>>)
      %scan3A = arith.constant 0 : i32
      %scan3A_9 = arith.constant 0 : i32
      %scan3A_10 = arith.constant 13 : i32
      %scan3A_11 = arith.addi %scan3A_9, %scan3A_10 : i32
      %scan3A_12 = arith.constant 1 : i32
      scf.for %scan3A_14 = %scan3A_9 to %scan3A_11 step %scan3A_12  : i32 {
        %mul3A_15 = arith.constant 2 : i32
        %mul3A_16 = arith.muli %mul3A_15, %scan3A_14 : i32
        %add3A_17 = arith.constant 0 : i32
        %add3A_18 = arith.addi %mul3A_16, %add3A_17 : i32
        %lt3A_19 = arith.constant 25 : i32
        %lt3A_20 = arith.cmpi slt, %add3A_18, %lt3A_19 : i32
        %convert_element_type3A_21 = arith.extui %lt3A_20 : i1 to i32
        %cond3A_22 = arith.constant 0 : i32
        %cond3A_23 = arith.cmpi ne, %convert_element_type3A_21, %cond3A_22 : i32
        scf.if %cond3A_23 {
          %add3A_33 = arith.constant 1 : i32
          %add3A_34 = arith.addi %add3A_18, %add3A_33 : i32
          %lt3A_35 = arith.constant 25 : i32
          %lt3A_36 = arith.cmpi slt, %add3A_34, %lt3A_35 : i32
          %convert_element_type3A_37 = arith.extui %lt3A_36 : i1 to i32
          %cond3A_38 = arith.constant 0 : i32
          %cond3A_39 = arith.cmpi ne, %convert_element_type3A_37, %cond3A_38 : i32
          scf.if %cond3A_39 {
            %add3A_50 = arith.constant 1 : i32
            %add3A_51 = arith.addi %add3A_18, %add3A_50 : i32
            %mul3A_52 = arith.constant 200 : i32
            %mul3A_53 = arith.muli %add3A_51, %mul3A_52 : i32
            %dma_start3A_54 = tpu.memref_slice %arg5[%mul3A_53] : memref<5000xi32, #tpu.memory_space<vmem>> -> memref<200xi32, #tpu.memory_space<vmem>>
            %dma_start3A_55 = arith.constant 0 : i32
            %dma_start3A_56 = arith.constant 0 : i32
            %dma_start3A_57 = tpu.memref_slice %arg2[%dma_start3A_55, %dma_start3A_56] : memref<160000x128xf32, #tpu.memory_space<hbm>> -> memref<160000x128xf32, #tpu.memory_space<hbm>>
            tpu.enqueue_indirect_dma source(%dma_start3A_57 : memref<160000x128xf32, #tpu.memory_space<hbm>>) target(%arg7 : memref<200x128xf32, #tpu.memory_space<vmem>>) offsets(%dma_start3A_54 : memref<200xi32, #tpu.memory_space<vmem>>) semaphore(%arg9 : memref<!tpu.dma_semaphore, #tpu.memory_space<semaphore_mem>>)
          } else {
          }
          %mul3A_40 = arith.constant 200 : i32
          %mul3A_41 = arith.muli %add3A_18, %mul3A_40 : i32
          %dma_wait3A = tpu.memref_slice %arg5[%mul3A_41] : memref<5000xi32, #tpu.memory_space<vmem>> -> memref<200xi32, #tpu.memory_space<vmem>>
          %dma_wait3A_42 = arith.constant 0 : i32
          %dma_wait3A_43 = arith.constant 0 : i32
          %dma_wait3A_44 = tpu.memref_slice %arg2[%dma_wait3A_42, %dma_wait3A_43] : memref<160000x128xf32, #tpu.memory_space<hbm>> -> memref<160000x128xf32, #tpu.memory_space<hbm>>
          tpu.wait_indirect_dma semaphore(%arg8 : memref<!tpu.dma_semaphore, #tpu.memory_space<semaphore_mem>>) src(%dma_wait3A_44 : memref<160000x128xf32, #tpu.memory_space<hbm>>) dst(%arg6 : memref<200x128xf32, #tpu.memory_space<vmem>>)
          %mul3A_45 = arith.constant 5000 : i32
          %mul3A_46 = arith.muli %add3A, %mul3A_45 : i32
          %mul3A_47 = arith.constant 200 : i32
          %mul3A_48 = arith.muli %add3A_18, %mul3A_47 : i32
          %add3A_49 = arith.addi %mul3A_46, %mul3A_48 : i32
          "tpu.region"() ({
            %run_scoped3A = tpu.sem_alloc : memref<!tpu.dma_semaphore, #tpu.memory_space<semaphore_mem>>
            %dma_start3A_50 = arith.constant 0 : i32
            %dma_start3A_51 = tpu.memref_slice %arg4[%add3A_49, %dma_start3A_50] : memref<160000x128xf32, #tpu.memory_space<hbm>> -> memref<200x128xf32, #tpu.memory_space<hbm>>
            %dma_start3A_52 = arith.constant 0 : i32
            %dma_start3A_53 = tpu.memref_slice %arg4[%add3A_49, %dma_start3A_52] : memref<160000x128xf32, #tpu.memory_space<hbm>> -> memref<200x128xf32, #tpu.memory_space<hbm>>
            tpu.enqueue_dma source(%arg6 : memref<200x128xf32, #tpu.memory_space<vmem>>) target(%dma_start3A_53 : memref<200x128xf32, #tpu.memory_space<hbm>>) target_semaphore(%run_scoped3A : memref<!tpu.dma_semaphore, #tpu.memory_space<semaphore_mem>>)
            %dma_wait3A_54 = arith.constant 0 : i32
            %dma_wait3A_55 = tpu.memref_slice %arg4[%add3A_49, %dma_wait3A_54] : memref<160000x128xf32, #tpu.memory_space<hbm>> -> memref<200x128xf32, #tpu.memory_space<hbm>>
            %dma_wait3A_56 = arith.constant 0 : i32
            %dma_wait3A_57 = tpu.memref_slice %arg4[%add3A_49, %dma_wait3A_56] : memref<160000x128xf32, #tpu.memory_space<hbm>> -> memref<200x128xf32, #tpu.memory_space<hbm>>
            tpu.wait_dma2 semaphore(%run_scoped3A : memref<!tpu.dma_semaphore, #tpu.memory_space<semaphore_mem>>) src(%arg6 : memref<200x128xf32, #tpu.memory_space<vmem>>) dst(%dma_wait3A_57 : memref<200x128xf32, #tpu.memory_space<hbm>>)
            tpu.yield
          }) : () -> ()
        } else {
        }
        %mul3A_24 = arith.constant 2 : i32
        %mul3A_25 = arith.muli %mul3A_24, %scan3A_14 : i32
        %add3A_26 = arith.constant 1 : i32
        %add3A_27 = arith.addi %mul3A_25, %add3A_26 : i32
        %lt3A_28 = arith.constant 25 : i32
        %lt3A_29 = arith.cmpi slt, %add3A_27, %lt3A_28 : i32
        %convert_element_type3A_30 = arith.extui %lt3A_29 : i1 to i32
        %cond3A_31 = arith.constant 0 : i32
        %cond3A_32 = arith.cmpi ne, %convert_element_type3A_30, %cond3A_31 : i32
        scf.if %cond3A_32 {
          %add3A_33 = arith.constant 1 : i32
          %add3A_34 = arith.addi %add3A_27, %add3A_33 : i32
          %lt3A_35 = arith.constant 25 : i32
          %lt3A_36 = arith.cmpi slt, %add3A_34, %lt3A_35 : i32
          %convert_element_type3A_37 = arith.extui %lt3A_36 : i1 to i32
          %cond3A_38 = arith.constant 0 : i32
          %cond3A_39 = arith.cmpi ne, %convert_element_type3A_37, %cond3A_38 : i32
          scf.if %cond3A_39 {
            %add3A_50 = arith.constant 1 : i32
            %add3A_51 = arith.addi %add3A_27, %add3A_50 : i32
            %mul3A_52 = arith.constant 200 : i32
            %mul3A_53 = arith.muli %add3A_51, %mul3A_52 : i32
            %dma_start3A_54 = tpu.memref_slice %arg5[%mul3A_53] : memref<5000xi32, #tpu.memory_space<vmem>> -> memref<200xi32, #tpu.memory_space<vmem>>
            %dma_start3A_55 = arith.constant 0 : i32
            %dma_start3A_56 = arith.constant 0 : i32
            %dma_start3A_57 = tpu.memref_slice %arg2[%dma_start3A_55, %dma_start3A_56] : memref<160000x128xf32, #tpu.memory_space<hbm>> -> memref<160000x128xf32, #tpu.memory_space<hbm>>
            tpu.enqueue_indirect_dma source(%dma_start3A_57 : memref<160000x128xf32, #tpu.memory_space<hbm>>) target(%arg6 : memref<200x128xf32, #tpu.memory_space<vmem>>) offsets(%dma_start3A_54 : memref<200xi32, #tpu.memory_space<vmem>>) semaphore(%arg8 : memref<!tpu.dma_semaphore, #tpu.memory_space<semaphore_mem>>)
          } else {
          }
          %mul3A_40 = arith.constant 200 : i32
          %mul3A_41 = arith.muli %add3A_27, %mul3A_40 : i32
          %dma_wait3A = tpu.memref_slice %arg5[%mul3A_41] : memref<5000xi32, #tpu.memory_space<vmem>> -> memref<200xi32, #tpu.memory_space<vmem>>
          %dma_wait3A_42 = arith.constant 0 : i32
          %dma_wait3A_43 = arith.constant 0 : i32
          %dma_wait3A_44 = tpu.memref_slice %arg2[%dma_wait3A_42, %dma_wait3A_43] : memref<160000x128xf32, #tpu.memory_space<hbm>> -> memref<160000x128xf32, #tpu.memory_space<hbm>>
          tpu.wait_indirect_dma semaphore(%arg9 : memref<!tpu.dma_semaphore, #tpu.memory_space<semaphore_mem>>) src(%dma_wait3A_44 : memref<160000x128xf32, #tpu.memory_space<hbm>>) dst(%arg7 : memref<200x128xf32, #tpu.memory_space<vmem>>)
          %mul3A_45 = arith.constant 5000 : i32
          %mul3A_46 = arith.muli %add3A, %mul3A_45 : i32
          %mul3A_47 = arith.constant 200 : i32
          %mul3A_48 = arith.muli %add3A_27, %mul3A_47 : i32
          %add3A_49 = arith.addi %mul3A_46, %mul3A_48 : i32
          "tpu.region"() ({
            %run_scoped3A = tpu.sem_alloc : memref<!tpu.dma_semaphore, #tpu.memory_space<semaphore_mem>>
            %dma_start3A_50 = arith.constant 0 : i32
            %dma_start3A_51 = tpu.memref_slice %arg4[%add3A_49, %dma_start3A_50] : memref<160000x128xf32, #tpu.memory_space<hbm>> -> memref<200x128xf32, #tpu.memory_space<hbm>>
            %dma_start3A_52 = arith.constant 0 : i32
            %dma_start3A_53 = tpu.memref_slice %arg4[%add3A_49, %dma_start3A_52] : memref<160000x128xf32, #tpu.memory_space<hbm>> -> memref<200x128xf32, #tpu.memory_space<hbm>>
            tpu.enqueue_dma source(%arg7 : memref<200x128xf32, #tpu.memory_space<vmem>>) target(%dma_start3A_53 : memref<200x128xf32, #tpu.memory_space<hbm>>) target_semaphore(%run_scoped3A : memref<!tpu.dma_semaphore, #tpu.memory_space<semaphore_mem>>)
            %dma_wait3A_54 = arith.constant 0 : i32
            %dma_wait3A_55 = tpu.memref_slice %arg4[%add3A_49, %dma_wait3A_54] : memref<160000x128xf32, #tpu.memory_space<hbm>> -> memref<200x128xf32, #tpu.memory_space<hbm>>
            %dma_wait3A_56 = arith.constant 0 : i32
            %dma_wait3A_57 = tpu.memref_slice %arg4[%add3A_49, %dma_wait3A_56] : memref<160000x128xf32, #tpu.memory_space<hbm>> -> memref<200x128xf32, #tpu.memory_space<hbm>>
            tpu.wait_dma2 semaphore(%run_scoped3A : memref<!tpu.dma_semaphore, #tpu.memory_space<semaphore_mem>>) src(%arg7 : memref<200x128xf32, #tpu.memory_space<vmem>>) dst(%dma_wait3A_57 : memref<200x128xf32, #tpu.memory_space<hbm>>)
            tpu.yield
          }) : () -> ()
        } else {
        }
      }
      %scan3A_13 = arith.constant 13 : i32
    } else {
    }
    return
  }
}

#map = affine_map<(d0, d1) -> (0, 0)>
#map1 = affine_map<(d0, d1) -> (0)>
module attributes {stable_mosaic.version = 14 : i64} {
  func.func @gather_k(%arg0: i32, %arg1: i32, %arg2: memref<160000x128xf32, #tpu.memory_space<hbm>>, %arg3: memref<160000xi32, #tpu.memory_space<hbm>>, %arg4: memref<160000x128xf32, #tpu.memory_space<hbm>>, %arg5: memref<5000xi32, #tpu.memory_space<vmem>>, %arg6: memref<200x128xf32, #tpu.memory_space<vmem>>, %arg7: memref<200x128xf32, #tpu.memory_space<vmem>>, %arg8: memref<!tpu.dma_semaphore, #tpu.memory_space<semaphore_mem>>, %arg9: memref<!tpu.dma_semaphore, #tpu.memory_space<semaphore_mem>>) attributes {dimension_semantics = [#tpu.dimension_semantics<core_parallel>, #tpu.dimension_semantics<subcore_parallel>], iteration_bounds = array<i64: 2, 16>, scalar_prefetch = 0 : i64, scratch_operands = 5 : i64, tpu.core_type = #tpu.core_type<sc_vector_subcore>, window_params = [{transform_indices = #map}, {transform_indices = #map1}, {transform_indices = #map}]} {
    %mul3A = arith.constant 2 : i32
    %mul3A_0 = arith.muli %arg1, %mul3A : i32
    %add3A = arith.addi %mul3A_0, %arg0 : i32
    %lt3A = arith.constant 32 : i32
    %lt3A_1 = arith.cmpi slt, %add3A, %lt3A : i32
    %convert_element_type3A = arith.extui %lt3A_1 : i1 to i32
    %cond3A = arith.constant 0 : i32
    %cond3A_2 = arith.cmpi ne, %convert_element_type3A, %cond3A : i32
    scf.if %cond3A_2 {
      %mul3A_3 = arith.constant 5000 : i32
      %mul3A_4 = arith.muli %add3A, %mul3A_3 : i32
      "tpu.region"() ({
        %run_scoped3A = tpu.sem_alloc : memref<!tpu.dma_semaphore, #tpu.memory_space<semaphore_mem>>
        %dma_start3A_14 = tpu.memref_slice %arg3[%mul3A_4] : memref<160000xi32, #tpu.memory_space<hbm>> -> memref<5000xi32, #tpu.memory_space<hbm>>
        %dma_start3A_15 = tpu.memref_slice %arg3[%mul3A_4] : memref<160000xi32, #tpu.memory_space<hbm>> -> memref<5000xi32, #tpu.memory_space<hbm>>
        tpu.enqueue_dma source(%dma_start3A_15 : memref<5000xi32, #tpu.memory_space<hbm>>) target(%arg5 : memref<5000xi32, #tpu.memory_space<vmem>>) target_semaphore(%run_scoped3A : memref<!tpu.dma_semaphore, #tpu.memory_space<semaphore_mem>>)
        %dma_wait3A = tpu.memref_slice %arg3[%mul3A_4] : memref<160000xi32, #tpu.memory_space<hbm>> -> memref<5000xi32, #tpu.memory_space<hbm>>
        %dma_wait3A_16 = tpu.memref_slice %arg3[%mul3A_4] : memref<160000xi32, #tpu.memory_space<hbm>> -> memref<5000xi32, #tpu.memory_space<hbm>>
        tpu.wait_dma2 semaphore(%run_scoped3A : memref<!tpu.dma_semaphore, #tpu.memory_space<semaphore_mem>>) src(%dma_wait3A_16 : memref<5000xi32, #tpu.memory_space<hbm>>) dst(%arg5 : memref<5000xi32, #tpu.memory_space<vmem>>)
        tpu.yield
      }) : () -> ()
      %dma_start3A = arith.constant 0 : i32
      %dma_start3A_5 = tpu.memref_slice %arg5[%dma_start3A] : memref<5000xi32, #tpu.memory_space<vmem>> -> memref<200xi32, #tpu.memory_space<vmem>>
      %dma_start3A_6 = arith.constant 0 : i32
      %dma_start3A_7 = arith.constant 0 : i32
      %dma_start3A_8 = tpu.memref_slice %arg2[%dma_start3A_6, %dma_start3A_7] : memref<160000x128xf32, #tpu.memory_space<hbm>> -> memref<160000x128xf32, #tpu.memory_space<hbm>>
      tpu.enqueue_indirect_dma source(%dma_start3A_8 : memref<160000x128xf32, #tpu.memory_space<hbm>>) target(%arg6 : memref<200x128xf32, #tpu.memory_space<vmem>>) offsets(%dma_start3A_5 : memref<200xi32, #tpu.memory_space<vmem>>) semaphore(%arg8 : memref<!tpu.dma_semaphore, #tpu.memory_space<semaphore_mem>>)
      %scan3A = arith.constant 0 : i32
      %scan3A_9 = arith.constant 0 : i32
      %scan3A_10 = arith.constant 13 : i32
      %scan3A_11 = arith.addi %scan3A_9, %scan3A_10 : i32
      %scan3A_12 = arith.constant 1 : i32
      scf.for %scan3A_14 = %scan3A_9 to %scan3A_11 step %scan3A_12  : i32 {
        %mul3A_15 = arith.constant 2 : i32
        %mul3A_16 = arith.muli %mul3A_15, %scan3A_14 : i32
        %add3A_17 = arith.constant 0 : i32
        %add3A_18 = arith.addi %mul3A_16, %add3A_17 : i32
        %lt3A_19 = arith.constant 25 : i32
        %lt3A_20 = arith.cmpi slt, %add3A_18, %lt3A_19 : i32
        %convert_element_type3A_21 = arith.extui %lt3A_20 : i1 to i32
        %cond3A_22 = arith.constant 0 : i32
        %cond3A_23 = arith.cmpi ne, %convert_element_type3A_21, %cond3A_22 : i32
        scf.if %cond3A_23 {
          %add3A_33 = arith.constant 1 : i32
          %add3A_34 = arith.addi %add3A_18, %add3A_33 : i32
          %lt3A_35 = arith.constant 25 : i32
          %lt3A_36 = arith.cmpi slt, %add3A_34, %lt3A_35 : i32
          %convert_element_type3A_37 = arith.extui %lt3A_36 : i1 to i32
          %cond3A_38 = arith.constant 0 : i32
          %cond3A_39 = arith.cmpi ne, %convert_element_type3A_37, %cond3A_38 : i32
          scf.if %cond3A_39 {
            %add3A_50 = arith.constant 1 : i32
            %add3A_51 = arith.addi %add3A_18, %add3A_50 : i32
            %mul3A_52 = arith.constant 200 : i32
            %mul3A_53 = arith.muli %add3A_51, %mul3A_52 : i32
            %dma_start3A_54 = tpu.memref_slice %arg5[%mul3A_53] : memref<5000xi32, #tpu.memory_space<vmem>> -> memref<200xi32, #tpu.memory_space<vmem>>
            %dma_start3A_55 = arith.constant 0 : i32
            %dma_start3A_56 = arith.constant 0 : i32
            %dma_start3A_57 = tpu.memref_slice %arg2[%dma_start3A_55, %dma_start3A_56] : memref<160000x128xf32, #tpu.memory_space<hbm>> -> memref<160000x128xf32, #tpu.memory_space<hbm>>
            tpu.enqueue_indirect_dma source(%dma_start3A_57 : memref<160000x128xf32, #tpu.memory_space<hbm>>) target(%arg7 : memref<200x128xf32, #tpu.memory_space<vmem>>) offsets(%dma_start3A_54 : memref<200xi32, #tpu.memory_space<vmem>>) semaphore(%arg9 : memref<!tpu.dma_semaphore, #tpu.memory_space<semaphore_mem>>)
          } else {
          }
          %mul3A_40 = arith.constant 200 : i32
          %mul3A_41 = arith.muli %add3A_18, %mul3A_40 : i32
          %dma_wait3A = tpu.memref_slice %arg5[%mul3A_41] : memref<5000xi32, #tpu.memory_space<vmem>> -> memref<200xi32, #tpu.memory_space<vmem>>
          %dma_wait3A_42 = arith.constant 0 : i32
          %dma_wait3A_43 = arith.constant 0 : i32
          %dma_wait3A_44 = tpu.memref_slice %arg2[%dma_wait3A_42, %dma_wait3A_43] : memref<160000x128xf32, #tpu.memory_space<hbm>> -> memref<160000x128xf32, #tpu.memory_space<hbm>>
          tpu.wait_indirect_dma semaphore(%arg8 : memref<!tpu.dma_semaphore, #tpu.memory_space<semaphore_mem>>) src(%dma_wait3A_44 : memref<160000x128xf32, #tpu.memory_space<hbm>>) dst(%arg6 : memref<200x128xf32, #tpu.memory_space<vmem>>)
          %mul3A_45 = arith.constant 5000 : i32
          %mul3A_46 = arith.muli %add3A, %mul3A_45 : i32
          %mul3A_47 = arith.constant 200 : i32
          %mul3A_48 = arith.muli %add3A_18, %mul3A_47 : i32
          %add3A_49 = arith.addi %mul3A_46, %mul3A_48 : i32
          "tpu.region"() ({
            %run_scoped3A = tpu.sem_alloc : memref<!tpu.dma_semaphore, #tpu.memory_space<semaphore_mem>>
            %dma_start3A_50 = arith.constant 0 : i32
            %dma_start3A_51 = tpu.memref_slice %arg4[%add3A_49, %dma_start3A_50] : memref<160000x128xf32, #tpu.memory_space<hbm>> -> memref<200x128xf32, #tpu.memory_space<hbm>>
            %dma_start3A_52 = arith.constant 0 : i32
            %dma_start3A_53 = tpu.memref_slice %arg4[%add3A_49, %dma_start3A_52] : memref<160000x128xf32, #tpu.memory_space<hbm>> -> memref<200x128xf32, #tpu.memory_space<hbm>>
            tpu.enqueue_dma source(%arg6 : memref<200x128xf32, #tpu.memory_space<vmem>>) target(%dma_start3A_53 : memref<200x128xf32, #tpu.memory_space<hbm>>) target_semaphore(%run_scoped3A : memref<!tpu.dma_semaphore, #tpu.memory_space<semaphore_mem>>)
            %dma_wait3A_54 = arith.constant 0 : i32
            %dma_wait3A_55 = tpu.memref_slice %arg4[%add3A_49, %dma_wait3A_54] : memref<160000x128xf32, #tpu.memory_space<hbm>> -> memref<200x128xf32, #tpu.memory_space<hbm>>
            %dma_wait3A_56 = arith.constant 0 : i32
            %dma_wait3A_57 = tpu.memref_slice %arg4[%add3A_49, %dma_wait3A_56] : memref<160000x128xf32, #tpu.memory_space<hbm>> -> memref<200x128xf32, #tpu.memory_space<hbm>>
            tpu.wait_dma2 semaphore(%run_scoped3A : memref<!tpu.dma_semaphore, #tpu.memory_space<semaphore_mem>>) src(%arg6 : memref<200x128xf32, #tpu.memory_space<vmem>>) dst(%dma_wait3A_57 : memref<200x128xf32, #tpu.memory_space<hbm>>)
            tpu.yield
          }) : () -> ()
        } else {
        }
        %mul3A_24 = arith.constant 2 : i32
        %mul3A_25 = arith.muli %mul3A_24, %scan3A_14 : i32
        %add3A_26 = arith.constant 1 : i32
        %add3A_27 = arith.addi %mul3A_25, %add3A_26 : i32
        %lt3A_28 = arith.constant 25 : i32
        %lt3A_29 = arith.cmpi slt, %add3A_27, %lt3A_28 : i32
        %convert_element_type3A_30 = arith.extui %lt3A_29 : i1 to i32
        %cond3A_31 = arith.constant 0 : i32
        %cond3A_32 = arith.cmpi ne, %convert_element_type3A_30, %cond3A_31 : i32
        scf.if %cond3A_32 {
          %add3A_33 = arith.constant 1 : i32
          %add3A_34 = arith.addi %add3A_27, %add3A_33 : i32
          %lt3A_35 = arith.constant 25 : i32
          %lt3A_36 = arith.cmpi slt, %add3A_34, %lt3A_35 : i32
          %convert_element_type3A_37 = arith.extui %lt3A_36 : i1 to i32
          %cond3A_38 = arith.constant 0 : i32
          %cond3A_39 = arith.cmpi ne, %convert_element_type3A_37, %cond3A_38 : i32
          scf.if %cond3A_39 {
            %add3A_50 = arith.constant 1 : i32
            %add3A_51 = arith.addi %add3A_27, %add3A_50 : i32
            %mul3A_52 = arith.constant 200 : i32
            %mul3A_53 = arith.muli %add3A_51, %mul3A_52 : i32
            %dma_start3A_54 = tpu.memref_slice %arg5[%mul3A_53] : memref<5000xi32, #tpu.memory_space<vmem>> -> memref<200xi32, #tpu.memory_space<vmem>>
            %dma_start3A_55 = arith.constant 0 : i32
            %dma_start3A_56 = arith.constant 0 : i32
            %dma_start3A_57 = tpu.memref_slice %arg2[%dma_start3A_55, %dma_start3A_56] : memref<160000x128xf32, #tpu.memory_space<hbm>> -> memref<160000x128xf32, #tpu.memory_space<hbm>>
            tpu.enqueue_indirect_dma source(%dma_start3A_57 : memref<160000x128xf32, #tpu.memory_space<hbm>>) target(%arg6 : memref<200x128xf32, #tpu.memory_space<vmem>>) offsets(%dma_start3A_54 : memref<200xi32, #tpu.memory_space<vmem>>) semaphore(%arg8 : memref<!tpu.dma_semaphore, #tpu.memory_space<semaphore_mem>>)
          } else {
          }
          %mul3A_40 = arith.constant 200 : i32
          %mul3A_41 = arith.muli %add3A_27, %mul3A_40 : i32
          %dma_wait3A = tpu.memref_slice %arg5[%mul3A_41] : memref<5000xi32, #tpu.memory_space<vmem>> -> memref<200xi32, #tpu.memory_space<vmem>>
          %dma_wait3A_42 = arith.constant 0 : i32
          %dma_wait3A_43 = arith.constant 0 : i32
          %dma_wait3A_44 = tpu.memref_slice %arg2[%dma_wait3A_42, %dma_wait3A_43] : memref<160000x128xf32, #tpu.memory_space<hbm>> -> memref<160000x128xf32, #tpu.memory_space<hbm>>
          tpu.wait_indirect_dma semaphore(%arg9 : memref<!tpu.dma_semaphore, #tpu.memory_space<semaphore_mem>>) src(%dma_wait3A_44 : memref<160000x128xf32, #tpu.memory_space<hbm>>) dst(%arg7 : memref<200x128xf32, #tpu.memory_space<vmem>>)
          %mul3A_45 = arith.constant 5000 : i32
          %mul3A_46 = arith.muli %add3A, %mul3A_45 : i32
          %mul3A_47 = arith.constant 200 : i32
          %mul3A_48 = arith.muli %add3A_27, %mul3A_47 : i32
          %add3A_49 = arith.addi %mul3A_46, %mul3A_48 : i32
          "tpu.region"() ({
            %run_scoped3A = tpu.sem_alloc : memref<!tpu.dma_semaphore, #tpu.memory_space<semaphore_mem>>
            %dma_start3A_50 = arith.constant 0 : i32
            %dma_start3A_51 = tpu.memref_slice %arg4[%add3A_49, %dma_start3A_50] : memref<160000x128xf32, #tpu.memory_space<hbm>> -> memref<200x128xf32, #tpu.memory_space<hbm>>
            %dma_start3A_52 = arith.constant 0 : i32
            %dma_start3A_53 = tpu.memref_slice %arg4[%add3A_49, %dma_start3A_52] : memref<160000x128xf32, #tpu.memory_space<hbm>> -> memref<200x128xf32, #tpu.memory_space<hbm>>
            tpu.enqueue_dma source(%arg7 : memref<200x128xf32, #tpu.memory_space<vmem>>) target(%dma_start3A_53 : memref<200x128xf32, #tpu.memory_space<hbm>>) target_semaphore(%run_scoped3A : memref<!tpu.dma_semaphore, #tpu.memory_space<semaphore_mem>>)
            %dma_wait3A_54 = arith.constant 0 : i32
            %dma_wait3A_55 = tpu.memref_slice %arg4[%add3A_49, %dma_wait3A_54] : memref<160000x128xf32, #tpu.memory_space<hbm>> -> memref<200x128xf32, #tpu.memory_space<hbm>>
            %dma_wait3A_56 = arith.constant 0 : i32
            %dma_wait3A_57 = tpu.memref_slice %arg4[%add3A_49, %dma_wait3A_56] : memref<160000x128xf32, #tpu.memory_space<hbm>> -> memref<200x128xf32, #tpu.memory_space<hbm>>
            tpu.wait_dma2 semaphore(%run_scoped3A : memref<!tpu.dma_semaphore, #tpu.memory_space<semaphore_mem>>) src(%arg7 : memref<200x128xf32, #tpu.memory_space<vmem>>) dst(%dma_wait3A_57 : memref<200x128xf32, #tpu.memory_space<hbm>>)
            tpu.yield
          }) : () -> ()
        } else {
        }
      }
      %scan3A_13 = arith.constant 13 : i32
    } else {
    }
    return
  }
}

#map = affine_map<(d0, d1) -> (0, 0)>
#map1 = affine_map<(d0, d1) -> (0)>
module attributes {stable_mosaic.version = 14 : i64} {
  func.func @gather_k(%arg0: i32, %arg1: i32, %arg2: memref<160000x128xf32, #tpu.memory_space<hbm>>, %arg3: memref<160000xi32, #tpu.memory_space<hbm>>, %arg4: memref<160000x128xf32, #tpu.memory_space<hbm>>, %arg5: memref<5000xi32, #tpu.memory_space<vmem>>, %arg6: memref<200x128xf32, #tpu.memory_space<vmem>>, %arg7: memref<200x128xf32, #tpu.memory_space<vmem>>, %arg8: memref<!tpu.dma_semaphore, #tpu.memory_space<semaphore_mem>>, %arg9: memref<!tpu.dma_semaphore, #tpu.memory_space<semaphore_mem>>) attributes {dimension_semantics = [#tpu.dimension_semantics<core_parallel>, #tpu.dimension_semantics<subcore_parallel>], iteration_bounds = array<i64: 2, 16>, scalar_prefetch = 0 : i64, scratch_operands = 5 : i64, tpu.core_type = #tpu.core_type<sc_vector_subcore>, window_params = [{transform_indices = #map}, {transform_indices = #map1}, {transform_indices = #map}]} {
    %mul3A = arith.constant 2 : i32
    %mul3A_0 = arith.muli %arg1, %mul3A : i32
    %add3A = arith.addi %mul3A_0, %arg0 : i32
    %lt3A = arith.constant 32 : i32
    %lt3A_1 = arith.cmpi slt, %add3A, %lt3A : i32
    %convert_element_type3A = arith.extui %lt3A_1 : i1 to i32
    %cond3A = arith.constant 0 : i32
    %cond3A_2 = arith.cmpi ne, %convert_element_type3A, %cond3A : i32
    scf.if %cond3A_2 {
      %mul3A_3 = arith.constant 5000 : i32
      %mul3A_4 = arith.muli %add3A, %mul3A_3 : i32
      "tpu.region"() ({
        %run_scoped3A = tpu.sem_alloc : memref<!tpu.dma_semaphore, #tpu.memory_space<semaphore_mem>>
        %dma_start3A_14 = tpu.memref_slice %arg3[%mul3A_4] : memref<160000xi32, #tpu.memory_space<hbm>> -> memref<5000xi32, #tpu.memory_space<hbm>>
        %dma_start3A_15 = tpu.memref_slice %arg3[%mul3A_4] : memref<160000xi32, #tpu.memory_space<hbm>> -> memref<5000xi32, #tpu.memory_space<hbm>>
        tpu.enqueue_dma source(%dma_start3A_15 : memref<5000xi32, #tpu.memory_space<hbm>>) target(%arg5 : memref<5000xi32, #tpu.memory_space<vmem>>) target_semaphore(%run_scoped3A : memref<!tpu.dma_semaphore, #tpu.memory_space<semaphore_mem>>)
        %dma_wait3A = tpu.memref_slice %arg3[%mul3A_4] : memref<160000xi32, #tpu.memory_space<hbm>> -> memref<5000xi32, #tpu.memory_space<hbm>>
        %dma_wait3A_16 = tpu.memref_slice %arg3[%mul3A_4] : memref<160000xi32, #tpu.memory_space<hbm>> -> memref<5000xi32, #tpu.memory_space<hbm>>
        tpu.wait_dma2 semaphore(%run_scoped3A : memref<!tpu.dma_semaphore, #tpu.memory_space<semaphore_mem>>) src(%dma_wait3A_16 : memref<5000xi32, #tpu.memory_space<hbm>>) dst(%arg5 : memref<5000xi32, #tpu.memory_space<vmem>>)
        tpu.yield
      }) : () -> ()
      %dma_start3A = arith.constant 0 : i32
      %dma_start3A_5 = tpu.memref_slice %arg5[%dma_start3A] : memref<5000xi32, #tpu.memory_space<vmem>> -> memref<200xi32, #tpu.memory_space<vmem>>
      %dma_start3A_6 = arith.constant 0 : i32
      %dma_start3A_7 = arith.constant 0 : i32
      %dma_start3A_8 = tpu.memref_slice %arg2[%dma_start3A_6, %dma_start3A_7] : memref<160000x128xf32, #tpu.memory_space<hbm>> -> memref<160000x128xf32, #tpu.memory_space<hbm>>
      tpu.enqueue_indirect_dma source(%dma_start3A_8 : memref<160000x128xf32, #tpu.memory_space<hbm>>) target(%arg6 : memref<200x128xf32, #tpu.memory_space<vmem>>) offsets(%dma_start3A_5 : memref<200xi32, #tpu.memory_space<vmem>>) semaphore(%arg8 : memref<!tpu.dma_semaphore, #tpu.memory_space<semaphore_mem>>)
      %scan3A = arith.constant 0 : i32
      %scan3A_9 = arith.constant 0 : i32
      %scan3A_10 = arith.constant 13 : i32
      %scan3A_11 = arith.addi %scan3A_9, %scan3A_10 : i32
      %scan3A_12 = arith.constant 1 : i32
      scf.for %scan3A_14 = %scan3A_9 to %scan3A_11 step %scan3A_12  : i32 {
        %mul3A_15 = arith.constant 2 : i32
        %mul3A_16 = arith.muli %mul3A_15, %scan3A_14 : i32
        %add3A_17 = arith.constant 0 : i32
        %add3A_18 = arith.addi %mul3A_16, %add3A_17 : i32
        %lt3A_19 = arith.constant 25 : i32
        %lt3A_20 = arith.cmpi slt, %add3A_18, %lt3A_19 : i32
        %convert_element_type3A_21 = arith.extui %lt3A_20 : i1 to i32
        %cond3A_22 = arith.constant 0 : i32
        %cond3A_23 = arith.cmpi ne, %convert_element_type3A_21, %cond3A_22 : i32
        scf.if %cond3A_23 {
          %add3A_33 = arith.constant 1 : i32
          %add3A_34 = arith.addi %add3A_18, %add3A_33 : i32
          %lt3A_35 = arith.constant 25 : i32
          %lt3A_36 = arith.cmpi slt, %add3A_34, %lt3A_35 : i32
          %convert_element_type3A_37 = arith.extui %lt3A_36 : i1 to i32
          %cond3A_38 = arith.constant 0 : i32
          %cond3A_39 = arith.cmpi ne, %convert_element_type3A_37, %cond3A_38 : i32
          scf.if %cond3A_39 {
            %add3A_50 = arith.constant 1 : i32
            %add3A_51 = arith.addi %add3A_18, %add3A_50 : i32
            %mul3A_52 = arith.constant 200 : i32
            %mul3A_53 = arith.muli %add3A_51, %mul3A_52 : i32
            %dma_start3A_54 = tpu.memref_slice %arg5[%mul3A_53] : memref<5000xi32, #tpu.memory_space<vmem>> -> memref<200xi32, #tpu.memory_space<vmem>>
            %dma_start3A_55 = arith.constant 0 : i32
            %dma_start3A_56 = arith.constant 0 : i32
            %dma_start3A_57 = tpu.memref_slice %arg2[%dma_start3A_55, %dma_start3A_56] : memref<160000x128xf32, #tpu.memory_space<hbm>> -> memref<160000x128xf32, #tpu.memory_space<hbm>>
            tpu.enqueue_indirect_dma source(%dma_start3A_57 : memref<160000x128xf32, #tpu.memory_space<hbm>>) target(%arg7 : memref<200x128xf32, #tpu.memory_space<vmem>>) offsets(%dma_start3A_54 : memref<200xi32, #tpu.memory_space<vmem>>) semaphore(%arg9 : memref<!tpu.dma_semaphore, #tpu.memory_space<semaphore_mem>>)
          } else {
          }
          %mul3A_40 = arith.constant 200 : i32
          %mul3A_41 = arith.muli %add3A_18, %mul3A_40 : i32
          %dma_wait3A = tpu.memref_slice %arg5[%mul3A_41] : memref<5000xi32, #tpu.memory_space<vmem>> -> memref<200xi32, #tpu.memory_space<vmem>>
          %dma_wait3A_42 = arith.constant 0 : i32
          %dma_wait3A_43 = arith.constant 0 : i32
          %dma_wait3A_44 = tpu.memref_slice %arg2[%dma_wait3A_42, %dma_wait3A_43] : memref<160000x128xf32, #tpu.memory_space<hbm>> -> memref<160000x128xf32, #tpu.memory_space<hbm>>
          tpu.wait_indirect_dma semaphore(%arg8 : memref<!tpu.dma_semaphore, #tpu.memory_space<semaphore_mem>>) src(%dma_wait3A_44 : memref<160000x128xf32, #tpu.memory_space<hbm>>) dst(%arg6 : memref<200x128xf32, #tpu.memory_space<vmem>>)
          %mul3A_45 = arith.constant 5000 : i32
          %mul3A_46 = arith.muli %add3A, %mul3A_45 : i32
          %mul3A_47 = arith.constant 200 : i32
          %mul3A_48 = arith.muli %add3A_18, %mul3A_47 : i32
          %add3A_49 = arith.addi %mul3A_46, %mul3A_48 : i32
          "tpu.region"() ({
            %run_scoped3A = tpu.sem_alloc : memref<!tpu.dma_semaphore, #tpu.memory_space<semaphore_mem>>
            %dma_start3A_50 = arith.constant 0 : i32
            %dma_start3A_51 = tpu.memref_slice %arg4[%add3A_49, %dma_start3A_50] : memref<160000x128xf32, #tpu.memory_space<hbm>> -> memref<200x128xf32, #tpu.memory_space<hbm>>
            %dma_start3A_52 = arith.constant 0 : i32
            %dma_start3A_53 = tpu.memref_slice %arg4[%add3A_49, %dma_start3A_52] : memref<160000x128xf32, #tpu.memory_space<hbm>> -> memref<200x128xf32, #tpu.memory_space<hbm>>
            tpu.enqueue_dma source(%arg6 : memref<200x128xf32, #tpu.memory_space<vmem>>) target(%dma_start3A_53 : memref<200x128xf32, #tpu.memory_space<hbm>>) target_semaphore(%run_scoped3A : memref<!tpu.dma_semaphore, #tpu.memory_space<semaphore_mem>>)
            %dma_wait3A_54 = arith.constant 0 : i32
            %dma_wait3A_55 = tpu.memref_slice %arg4[%add3A_49, %dma_wait3A_54] : memref<160000x128xf32, #tpu.memory_space<hbm>> -> memref<200x128xf32, #tpu.memory_space<hbm>>
            %dma_wait3A_56 = arith.constant 0 : i32
            %dma_wait3A_57 = tpu.memref_slice %arg4[%add3A_49, %dma_wait3A_56] : memref<160000x128xf32, #tpu.memory_space<hbm>> -> memref<200x128xf32, #tpu.memory_space<hbm>>
            tpu.wait_dma2 semaphore(%run_scoped3A : memref<!tpu.dma_semaphore, #tpu.memory_space<semaphore_mem>>) src(%arg6 : memref<200x128xf32, #tpu.memory_space<vmem>>) dst(%dma_wait3A_57 : memref<200x128xf32, #tpu.memory_space<hbm>>)
            tpu.yield
          }) : () -> ()
        } else {
        }
        %mul3A_24 = arith.constant 2 : i32
        %mul3A_25 = arith.muli %mul3A_24, %scan3A_14 : i32
        %add3A_26 = arith.constant 1 : i32
        %add3A_27 = arith.addi %mul3A_25, %add3A_26 : i32
        %lt3A_28 = arith.constant 25 : i32
        %lt3A_29 = arith.cmpi slt, %add3A_27, %lt3A_28 : i32
        %convert_element_type3A_30 = arith.extui %lt3A_29 : i1 to i32
        %cond3A_31 = arith.constant 0 : i32
        %cond3A_32 = arith.cmpi ne, %convert_element_type3A_30, %cond3A_31 : i32
        scf.if %cond3A_32 {
          %add3A_33 = arith.constant 1 : i32
          %add3A_34 = arith.addi %add3A_27, %add3A_33 : i32
          %lt3A_35 = arith.constant 25 : i32
          %lt3A_36 = arith.cmpi slt, %add3A_34, %lt3A_35 : i32
          %convert_element_type3A_37 = arith.extui %lt3A_36 : i1 to i32
          %cond3A_38 = arith.constant 0 : i32
          %cond3A_39 = arith.cmpi ne, %convert_element_type3A_37, %cond3A_38 : i32
          scf.if %cond3A_39 {
            %add3A_50 = arith.constant 1 : i32
            %add3A_51 = arith.addi %add3A_27, %add3A_50 : i32
            %mul3A_52 = arith.constant 200 : i32
            %mul3A_53 = arith.muli %add3A_51, %mul3A_52 : i32
            %dma_start3A_54 = tpu.memref_slice %arg5[%mul3A_53] : memref<5000xi32, #tpu.memory_space<vmem>> -> memref<200xi32, #tpu.memory_space<vmem>>
            %dma_start3A_55 = arith.constant 0 : i32
            %dma_start3A_56 = arith.constant 0 : i32
            %dma_start3A_57 = tpu.memref_slice %arg2[%dma_start3A_55, %dma_start3A_56] : memref<160000x128xf32, #tpu.memory_space<hbm>> -> memref<160000x128xf32, #tpu.memory_space<hbm>>
            tpu.enqueue_indirect_dma source(%dma_start3A_57 : memref<160000x128xf32, #tpu.memory_space<hbm>>) target(%arg6 : memref<200x128xf32, #tpu.memory_space<vmem>>) offsets(%dma_start3A_54 : memref<200xi32, #tpu.memory_space<vmem>>) semaphore(%arg8 : memref<!tpu.dma_semaphore, #tpu.memory_space<semaphore_mem>>)
          } else {
          }
          %mul3A_40 = arith.constant 200 : i32
          %mul3A_41 = arith.muli %add3A_27, %mul3A_40 : i32
          %dma_wait3A = tpu.memref_slice %arg5[%mul3A_41] : memref<5000xi32, #tpu.memory_space<vmem>> -> memref<200xi32, #tpu.memory_space<vmem>>
          %dma_wait3A_42 = arith.constant 0 : i32
          %dma_wait3A_43 = arith.constant 0 : i32
          %dma_wait3A_44 = tpu.memref_slice %arg2[%dma_wait3A_42, %dma_wait3A_43] : memref<160000x128xf32, #tpu.memory_space<hbm>> -> memref<160000x128xf32, #tpu.memory_space<hbm>>
          tpu.wait_indirect_dma semaphore(%arg9 : memref<!tpu.dma_semaphore, #tpu.memory_space<semaphore_mem>>) src(%dma_wait3A_44 : memref<160000x128xf32, #tpu.memory_space<hbm>>) dst(%arg7 : memref<200x128xf32, #tpu.memory_space<vmem>>)
          %mul3A_45 = arith.constant 5000 : i32
          %mul3A_46 = arith.muli %add3A, %mul3A_45 : i32
          %mul3A_47 = arith.constant 200 : i32
          %mul3A_48 = arith.muli %add3A_27, %mul3A_47 : i32
          %add3A_49 = arith.addi %mul3A_46, %mul3A_48 : i32
          "tpu.region"() ({
            %run_scoped3A = tpu.sem_alloc : memref<!tpu.dma_semaphore, #tpu.memory_space<semaphore_mem>>
            %dma_start3A_50 = arith.constant 0 : i32
            %dma_start3A_51 = tpu.memref_slice %arg4[%add3A_49, %dma_start3A_50] : memref<160000x128xf32, #tpu.memory_space<hbm>> -> memref<200x128xf32, #tpu.memory_space<hbm>>
            %dma_start3A_52 = arith.constant 0 : i32
            %dma_start3A_53 = tpu.memref_slice %arg4[%add3A_49, %dma_start3A_52] : memref<160000x128xf32, #tpu.memory_space<hbm>> -> memref<200x128xf32, #tpu.memory_space<hbm>>
            tpu.enqueue_dma source(%arg7 : memref<200x128xf32, #tpu.memory_space<vmem>>) target(%dma_start3A_53 : memref<200x128xf32, #tpu.memory_space<hbm>>) target_semaphore(%run_scoped3A : memref<!tpu.dma_semaphore, #tpu.memory_space<semaphore_mem>>)
            %dma_wait3A_54 = arith.constant 0 : i32
            %dma_wait3A_55 = tpu.memref_slice %arg4[%add3A_49, %dma_wait3A_54] : memref<160000x128xf32, #tpu.memory_space<hbm>> -> memref<200x128xf32, #tpu.memory_space<hbm>>
            %dma_wait3A_56 = arith.constant 0 : i32
            %dma_wait3A_57 = tpu.memref_slice %arg4[%add3A_49, %dma_wait3A_56] : memref<160000x128xf32, #tpu.memory_space<hbm>> -> memref<200x128xf32, #tpu.memory_space<hbm>>
            tpu.wait_dma2 semaphore(%run_scoped3A : memref<!tpu.dma_semaphore, #tpu.memory_space<semaphore_mem>>) src(%arg7 : memref<200x128xf32, #tpu.memory_space<vmem>>) dst(%dma_wait3A_57 : memref<200x128xf32, #tpu.memory_space<hbm>>)
            tpu.yield
          }) : () -> ()
        } else {
        }
      }
      %scan3A_13 = arith.constant 13 : i32
    } else {
    }
    return
  }
}

#map = affine_map<(d0, d1) -> (0, 0)>
#map1 = affine_map<(d0, d1) -> (0)>
module attributes {stable_mosaic.version = 14 : i64} {
  func.func @gather_k(%arg0: i32, %arg1: i32, %arg2: memref<160000x128xf32, #tpu.memory_space<hbm>>, %arg3: memref<160000xi32, #tpu.memory_space<hbm>>, %arg4: memref<160000x128xf32, #tpu.memory_space<hbm>>, %arg5: memref<5000xi32, #tpu.memory_space<vmem>>, %arg6: memref<200x128xf32, #tpu.memory_space<vmem>>, %arg7: memref<200x128xf32, #tpu.memory_space<vmem>>, %arg8: memref<!tpu.dma_semaphore, #tpu.memory_space<semaphore_mem>>, %arg9: memref<!tpu.dma_semaphore, #tpu.memory_space<semaphore_mem>>) attributes {dimension_semantics = [#tpu.dimension_semantics<core_parallel>, #tpu.dimension_semantics<subcore_parallel>], iteration_bounds = array<i64: 2, 16>, scalar_prefetch = 0 : i64, scratch_operands = 5 : i64, tpu.core_type = #tpu.core_type<sc_vector_subcore>, window_params = [{transform_indices = #map}, {transform_indices = #map1}, {transform_indices = #map}]} {
    %mul3A = arith.constant 2 : i32
    %mul3A_0 = arith.muli %arg1, %mul3A : i32
    %add3A = arith.addi %mul3A_0, %arg0 : i32
    %lt3A = arith.constant 32 : i32
    %lt3A_1 = arith.cmpi slt, %add3A, %lt3A : i32
    %convert_element_type3A = arith.extui %lt3A_1 : i1 to i32
    %cond3A = arith.constant 0 : i32
    %cond3A_2 = arith.cmpi ne, %convert_element_type3A, %cond3A : i32
    scf.if %cond3A_2 {
      %mul3A_3 = arith.constant 5000 : i32
      %mul3A_4 = arith.muli %add3A, %mul3A_3 : i32
      "tpu.region"() ({
        %run_scoped3A = tpu.sem_alloc : memref<!tpu.dma_semaphore, #tpu.memory_space<semaphore_mem>>
        %dma_start3A_14 = tpu.memref_slice %arg3[%mul3A_4] : memref<160000xi32, #tpu.memory_space<hbm>> -> memref<5000xi32, #tpu.memory_space<hbm>>
        %dma_start3A_15 = tpu.memref_slice %arg3[%mul3A_4] : memref<160000xi32, #tpu.memory_space<hbm>> -> memref<5000xi32, #tpu.memory_space<hbm>>
        tpu.enqueue_dma source(%dma_start3A_15 : memref<5000xi32, #tpu.memory_space<hbm>>) target(%arg5 : memref<5000xi32, #tpu.memory_space<vmem>>) target_semaphore(%run_scoped3A : memref<!tpu.dma_semaphore, #tpu.memory_space<semaphore_mem>>)
        %dma_wait3A = tpu.memref_slice %arg3[%mul3A_4] : memref<160000xi32, #tpu.memory_space<hbm>> -> memref<5000xi32, #tpu.memory_space<hbm>>
        %dma_wait3A_16 = tpu.memref_slice %arg3[%mul3A_4] : memref<160000xi32, #tpu.memory_space<hbm>> -> memref<5000xi32, #tpu.memory_space<hbm>>
        tpu.wait_dma2 semaphore(%run_scoped3A : memref<!tpu.dma_semaphore, #tpu.memory_space<semaphore_mem>>) src(%dma_wait3A_16 : memref<5000xi32, #tpu.memory_space<hbm>>) dst(%arg5 : memref<5000xi32, #tpu.memory_space<vmem>>)
        tpu.yield
      }) : () -> ()
      %dma_start3A = arith.constant 0 : i32
      %dma_start3A_5 = tpu.memref_slice %arg5[%dma_start3A] : memref<5000xi32, #tpu.memory_space<vmem>> -> memref<200xi32, #tpu.memory_space<vmem>>
      %dma_start3A_6 = arith.constant 0 : i32
      %dma_start3A_7 = arith.constant 0 : i32
      %dma_start3A_8 = tpu.memref_slice %arg2[%dma_start3A_6, %dma_start3A_7] : memref<160000x128xf32, #tpu.memory_space<hbm>> -> memref<160000x128xf32, #tpu.memory_space<hbm>>
      tpu.enqueue_indirect_dma source(%dma_start3A_8 : memref<160000x128xf32, #tpu.memory_space<hbm>>) target(%arg6 : memref<200x128xf32, #tpu.memory_space<vmem>>) offsets(%dma_start3A_5 : memref<200xi32, #tpu.memory_space<vmem>>) semaphore(%arg8 : memref<!tpu.dma_semaphore, #tpu.memory_space<semaphore_mem>>)
      %scan3A = arith.constant 0 : i32
      %scan3A_9 = arith.constant 0 : i32
      %scan3A_10 = arith.constant 13 : i32
      %scan3A_11 = arith.addi %scan3A_9, %scan3A_10 : i32
      %scan3A_12 = arith.constant 1 : i32
      scf.for %scan3A_14 = %scan3A_9 to %scan3A_11 step %scan3A_12  : i32 {
        %mul3A_15 = arith.constant 2 : i32
        %mul3A_16 = arith.muli %mul3A_15, %scan3A_14 : i32
        %add3A_17 = arith.constant 0 : i32
        %add3A_18 = arith.addi %mul3A_16, %add3A_17 : i32
        %lt3A_19 = arith.constant 25 : i32
        %lt3A_20 = arith.cmpi slt, %add3A_18, %lt3A_19 : i32
        %convert_element_type3A_21 = arith.extui %lt3A_20 : i1 to i32
        %cond3A_22 = arith.constant 0 : i32
        %cond3A_23 = arith.cmpi ne, %convert_element_type3A_21, %cond3A_22 : i32
        scf.if %cond3A_23 {
          %add3A_33 = arith.constant 1 : i32
          %add3A_34 = arith.addi %add3A_18, %add3A_33 : i32
          %lt3A_35 = arith.constant 25 : i32
          %lt3A_36 = arith.cmpi slt, %add3A_34, %lt3A_35 : i32
          %convert_element_type3A_37 = arith.extui %lt3A_36 : i1 to i32
          %cond3A_38 = arith.constant 0 : i32
          %cond3A_39 = arith.cmpi ne, %convert_element_type3A_37, %cond3A_38 : i32
          scf.if %cond3A_39 {
            %add3A_50 = arith.constant 1 : i32
            %add3A_51 = arith.addi %add3A_18, %add3A_50 : i32
            %mul3A_52 = arith.constant 200 : i32
            %mul3A_53 = arith.muli %add3A_51, %mul3A_52 : i32
            %dma_start3A_54 = tpu.memref_slice %arg5[%mul3A_53] : memref<5000xi32, #tpu.memory_space<vmem>> -> memref<200xi32, #tpu.memory_space<vmem>>
            %dma_start3A_55 = arith.constant 0 : i32
            %dma_start3A_56 = arith.constant 0 : i32
            %dma_start3A_57 = tpu.memref_slice %arg2[%dma_start3A_55, %dma_start3A_56] : memref<160000x128xf32, #tpu.memory_space<hbm>> -> memref<160000x128xf32, #tpu.memory_space<hbm>>
            tpu.enqueue_indirect_dma source(%dma_start3A_57 : memref<160000x128xf32, #tpu.memory_space<hbm>>) target(%arg7 : memref<200x128xf32, #tpu.memory_space<vmem>>) offsets(%dma_start3A_54 : memref<200xi32, #tpu.memory_space<vmem>>) semaphore(%arg9 : memref<!tpu.dma_semaphore, #tpu.memory_space<semaphore_mem>>)
          } else {
          }
          %mul3A_40 = arith.constant 200 : i32
          %mul3A_41 = arith.muli %add3A_18, %mul3A_40 : i32
          %dma_wait3A = tpu.memref_slice %arg5[%mul3A_41] : memref<5000xi32, #tpu.memory_space<vmem>> -> memref<200xi32, #tpu.memory_space<vmem>>
          %dma_wait3A_42 = arith.constant 0 : i32
          %dma_wait3A_43 = arith.constant 0 : i32
          %dma_wait3A_44 = tpu.memref_slice %arg2[%dma_wait3A_42, %dma_wait3A_43] : memref<160000x128xf32, #tpu.memory_space<hbm>> -> memref<160000x128xf32, #tpu.memory_space<hbm>>
          tpu.wait_indirect_dma semaphore(%arg8 : memref<!tpu.dma_semaphore, #tpu.memory_space<semaphore_mem>>) src(%dma_wait3A_44 : memref<160000x128xf32, #tpu.memory_space<hbm>>) dst(%arg6 : memref<200x128xf32, #tpu.memory_space<vmem>>)
          %mul3A_45 = arith.constant 5000 : i32
          %mul3A_46 = arith.muli %add3A, %mul3A_45 : i32
          %mul3A_47 = arith.constant 200 : i32
          %mul3A_48 = arith.muli %add3A_18, %mul3A_47 : i32
          %add3A_49 = arith.addi %mul3A_46, %mul3A_48 : i32
          "tpu.region"() ({
            %run_scoped3A = tpu.sem_alloc : memref<!tpu.dma_semaphore, #tpu.memory_space<semaphore_mem>>
            %dma_start3A_50 = arith.constant 0 : i32
            %dma_start3A_51 = tpu.memref_slice %arg4[%add3A_49, %dma_start3A_50] : memref<160000x128xf32, #tpu.memory_space<hbm>> -> memref<200x128xf32, #tpu.memory_space<hbm>>
            %dma_start3A_52 = arith.constant 0 : i32
            %dma_start3A_53 = tpu.memref_slice %arg4[%add3A_49, %dma_start3A_52] : memref<160000x128xf32, #tpu.memory_space<hbm>> -> memref<200x128xf32, #tpu.memory_space<hbm>>
            tpu.enqueue_dma source(%arg6 : memref<200x128xf32, #tpu.memory_space<vmem>>) target(%dma_start3A_53 : memref<200x128xf32, #tpu.memory_space<hbm>>) target_semaphore(%run_scoped3A : memref<!tpu.dma_semaphore, #tpu.memory_space<semaphore_mem>>)
            %dma_wait3A_54 = arith.constant 0 : i32
            %dma_wait3A_55 = tpu.memref_slice %arg4[%add3A_49, %dma_wait3A_54] : memref<160000x128xf32, #tpu.memory_space<hbm>> -> memref<200x128xf32, #tpu.memory_space<hbm>>
            %dma_wait3A_56 = arith.constant 0 : i32
            %dma_wait3A_57 = tpu.memref_slice %arg4[%add3A_49, %dma_wait3A_56] : memref<160000x128xf32, #tpu.memory_space<hbm>> -> memref<200x128xf32, #tpu.memory_space<hbm>>
            tpu.wait_dma2 semaphore(%run_scoped3A : memref<!tpu.dma_semaphore, #tpu.memory_space<semaphore_mem>>) src(%arg6 : memref<200x128xf32, #tpu.memory_space<vmem>>) dst(%dma_wait3A_57 : memref<200x128xf32, #tpu.memory_space<hbm>>)
            tpu.yield
          }) : () -> ()
        } else {
        }
        %mul3A_24 = arith.constant 2 : i32
        %mul3A_25 = arith.muli %mul3A_24, %scan3A_14 : i32
        %add3A_26 = arith.constant 1 : i32
        %add3A_27 = arith.addi %mul3A_25, %add3A_26 : i32
        %lt3A_28 = arith.constant 25 : i32
        %lt3A_29 = arith.cmpi slt, %add3A_27, %lt3A_28 : i32
        %convert_element_type3A_30 = arith.extui %lt3A_29 : i1 to i32
        %cond3A_31 = arith.constant 0 : i32
        %cond3A_32 = arith.cmpi ne, %convert_element_type3A_30, %cond3A_31 : i32
        scf.if %cond3A_32 {
          %add3A_33 = arith.constant 1 : i32
          %add3A_34 = arith.addi %add3A_27, %add3A_33 : i32
          %lt3A_35 = arith.constant 25 : i32
          %lt3A_36 = arith.cmpi slt, %add3A_34, %lt3A_35 : i32
          %convert_element_type3A_37 = arith.extui %lt3A_36 : i1 to i32
          %cond3A_38 = arith.constant 0 : i32
          %cond3A_39 = arith.cmpi ne, %convert_element_type3A_37, %cond3A_38 : i32
          scf.if %cond3A_39 {
            %add3A_50 = arith.constant 1 : i32
            %add3A_51 = arith.addi %add3A_27, %add3A_50 : i32
            %mul3A_52 = arith.constant 200 : i32
            %mul3A_53 = arith.muli %add3A_51, %mul3A_52 : i32
            %dma_start3A_54 = tpu.memref_slice %arg5[%mul3A_53] : memref<5000xi32, #tpu.memory_space<vmem>> -> memref<200xi32, #tpu.memory_space<vmem>>
            %dma_start3A_55 = arith.constant 0 : i32
            %dma_start3A_56 = arith.constant 0 : i32
            %dma_start3A_57 = tpu.memref_slice %arg2[%dma_start3A_55, %dma_start3A_56] : memref<160000x128xf32, #tpu.memory_space<hbm>> -> memref<160000x128xf32, #tpu.memory_space<hbm>>
            tpu.enqueue_indirect_dma source(%dma_start3A_57 : memref<160000x128xf32, #tpu.memory_space<hbm>>) target(%arg6 : memref<200x128xf32, #tpu.memory_space<vmem>>) offsets(%dma_start3A_54 : memref<200xi32, #tpu.memory_space<vmem>>) semaphore(%arg8 : memref<!tpu.dma_semaphore, #tpu.memory_space<semaphore_mem>>)
          } else {
          }
          %mul3A_40 = arith.constant 200 : i32
          %mul3A_41 = arith.muli %add3A_27, %mul3A_40 : i32
          %dma_wait3A = tpu.memref_slice %arg5[%mul3A_41] : memref<5000xi32, #tpu.memory_space<vmem>> -> memref<200xi32, #tpu.memory_space<vmem>>
          %dma_wait3A_42 = arith.constant 0 : i32
          %dma_wait3A_43 = arith.constant 0 : i32
          %dma_wait3A_44 = tpu.memref_slice %arg2[%dma_wait3A_42, %dma_wait3A_43] : memref<160000x128xf32, #tpu.memory_space<hbm>> -> memref<160000x128xf32, #tpu.memory_space<hbm>>
          tpu.wait_indirect_dma semaphore(%arg9 : memref<!tpu.dma_semaphore, #tpu.memory_space<semaphore_mem>>) src(%dma_wait3A_44 : memref<160000x128xf32, #tpu.memory_space<hbm>>) dst(%arg7 : memref<200x128xf32, #tpu.memory_space<vmem>>)
          %mul3A_45 = arith.constant 5000 : i32
          %mul3A_46 = arith.muli %add3A, %mul3A_45 : i32
          %mul3A_47 = arith.constant 200 : i32
          %mul3A_48 = arith.muli %add3A_27, %mul3A_47 : i32
          %add3A_49 = arith.addi %mul3A_46, %mul3A_48 : i32
          "tpu.region"() ({
            %run_scoped3A = tpu.sem_alloc : memref<!tpu.dma_semaphore, #tpu.memory_space<semaphore_mem>>
            %dma_start3A_50 = arith.constant 0 : i32
            %dma_start3A_51 = tpu.memref_slice %arg4[%add3A_49, %dma_start3A_50] : memref<160000x128xf32, #tpu.memory_space<hbm>> -> memref<200x128xf32, #tpu.memory_space<hbm>>
            %dma_start3A_52 = arith.constant 0 : i32
            %dma_start3A_53 = tpu.memref_slice %arg4[%add3A_49, %dma_start3A_52] : memref<160000x128xf32, #tpu.memory_space<hbm>> -> memref<200x128xf32, #tpu.memory_space<hbm>>
            tpu.enqueue_dma source(%arg7 : memref<200x128xf32, #tpu.memory_space<vmem>>) target(%dma_start3A_53 : memref<200x128xf32, #tpu.memory_space<hbm>>) target_semaphore(%run_scoped3A : memref<!tpu.dma_semaphore, #tpu.memory_space<semaphore_mem>>)
            %dma_wait3A_54 = arith.constant 0 : i32
            %dma_wait3A_55 = tpu.memref_slice %arg4[%add3A_49, %dma_wait3A_54] : memref<160000x128xf32, #tpu.memory_space<hbm>> -> memref<200x128xf32, #tpu.memory_space<hbm>>
            %dma_wait3A_56 = arith.constant 0 : i32
            %dma_wait3A_57 = tpu.memref_slice %arg4[%add3A_49, %dma_wait3A_56] : memref<160000x128xf32, #tpu.memory_space<hbm>> -> memref<200x128xf32, #tpu.memory_space<hbm>>
            tpu.wait_dma2 semaphore(%run_scoped3A : memref<!tpu.dma_semaphore, #tpu.memory_space<semaphore_mem>>) src(%arg7 : memref<200x128xf32, #tpu.memory_space<vmem>>) dst(%dma_wait3A_57 : memref<200x128xf32, #tpu.memory_space<hbm>>)
            tpu.yield
          }) : () -> ()
        } else {
        }
      }
      %scan3A_13 = arith.constant 13 : i32
    } else {
    }
    return
  }
}

#map = affine_map<(d0, d1) -> (0, 0)>
#map1 = affine_map<(d0, d1) -> (0)>
module attributes {stable_mosaic.version = 14 : i64} {
  func.func @gather_k(%arg0: i32, %arg1: i32, %arg2: memref<160000x128xf32, #tpu.memory_space<hbm>>, %arg3: memref<160000xi32, #tpu.memory_space<hbm>>, %arg4: memref<160000x128xf32, #tpu.memory_space<hbm>>, %arg5: memref<5000xi32, #tpu.memory_space<vmem>>, %arg6: memref<200x128xf32, #tpu.memory_space<vmem>>, %arg7: memref<200x128xf32, #tpu.memory_space<vmem>>, %arg8: memref<!tpu.dma_semaphore, #tpu.memory_space<semaphore_mem>>, %arg9: memref<!tpu.dma_semaphore, #tpu.memory_space<semaphore_mem>>) attributes {dimension_semantics = [#tpu.dimension_semantics<core_parallel>, #tpu.dimension_semantics<subcore_parallel>], iteration_bounds = array<i64: 2, 16>, scalar_prefetch = 0 : i64, scratch_operands = 5 : i64, tpu.core_type = #tpu.core_type<sc_vector_subcore>, window_params = [{transform_indices = #map}, {transform_indices = #map1}, {transform_indices = #map}]} {
    %mul3A = arith.constant 2 : i32
    %mul3A_0 = arith.muli %arg1, %mul3A : i32
    %add3A = arith.addi %mul3A_0, %arg0 : i32
    %lt3A = arith.constant 32 : i32
    %lt3A_1 = arith.cmpi slt, %add3A, %lt3A : i32
    %convert_element_type3A = arith.extui %lt3A_1 : i1 to i32
    %cond3A = arith.constant 0 : i32
    %cond3A_2 = arith.cmpi ne, %convert_element_type3A, %cond3A : i32
    scf.if %cond3A_2 {
      %mul3A_3 = arith.constant 5000 : i32
      %mul3A_4 = arith.muli %add3A, %mul3A_3 : i32
      "tpu.region"() ({
        %run_scoped3A = tpu.sem_alloc : memref<!tpu.dma_semaphore, #tpu.memory_space<semaphore_mem>>
        %dma_start3A_14 = tpu.memref_slice %arg3[%mul3A_4] : memref<160000xi32, #tpu.memory_space<hbm>> -> memref<5000xi32, #tpu.memory_space<hbm>>
        %dma_start3A_15 = tpu.memref_slice %arg3[%mul3A_4] : memref<160000xi32, #tpu.memory_space<hbm>> -> memref<5000xi32, #tpu.memory_space<hbm>>
        tpu.enqueue_dma source(%dma_start3A_15 : memref<5000xi32, #tpu.memory_space<hbm>>) target(%arg5 : memref<5000xi32, #tpu.memory_space<vmem>>) target_semaphore(%run_scoped3A : memref<!tpu.dma_semaphore, #tpu.memory_space<semaphore_mem>>)
        %dma_wait3A = tpu.memref_slice %arg3[%mul3A_4] : memref<160000xi32, #tpu.memory_space<hbm>> -> memref<5000xi32, #tpu.memory_space<hbm>>
        %dma_wait3A_16 = tpu.memref_slice %arg3[%mul3A_4] : memref<160000xi32, #tpu.memory_space<hbm>> -> memref<5000xi32, #tpu.memory_space<hbm>>
        tpu.wait_dma2 semaphore(%run_scoped3A : memref<!tpu.dma_semaphore, #tpu.memory_space<semaphore_mem>>) src(%dma_wait3A_16 : memref<5000xi32, #tpu.memory_space<hbm>>) dst(%arg5 : memref<5000xi32, #tpu.memory_space<vmem>>)
        tpu.yield
      }) : () -> ()
      %dma_start3A = arith.constant 0 : i32
      %dma_start3A_5 = tpu.memref_slice %arg5[%dma_start3A] : memref<5000xi32, #tpu.memory_space<vmem>> -> memref<200xi32, #tpu.memory_space<vmem>>
      %dma_start3A_6 = arith.constant 0 : i32
      %dma_start3A_7 = arith.constant 0 : i32
      %dma_start3A_8 = tpu.memref_slice %arg2[%dma_start3A_6, %dma_start3A_7] : memref<160000x128xf32, #tpu.memory_space<hbm>> -> memref<160000x128xf32, #tpu.memory_space<hbm>>
      tpu.enqueue_indirect_dma source(%dma_start3A_8 : memref<160000x128xf32, #tpu.memory_space<hbm>>) target(%arg6 : memref<200x128xf32, #tpu.memory_space<vmem>>) offsets(%dma_start3A_5 : memref<200xi32, #tpu.memory_space<vmem>>) semaphore(%arg8 : memref<!tpu.dma_semaphore, #tpu.memory_space<semaphore_mem>>)
      %scan3A = arith.constant 0 : i32
      %scan3A_9 = arith.constant 0 : i32
      %scan3A_10 = arith.constant 13 : i32
      %scan3A_11 = arith.addi %scan3A_9, %scan3A_10 : i32
      %scan3A_12 = arith.constant 1 : i32
      scf.for %scan3A_14 = %scan3A_9 to %scan3A_11 step %scan3A_12  : i32 {
        %mul3A_15 = arith.constant 2 : i32
        %mul3A_16 = arith.muli %mul3A_15, %scan3A_14 : i32
        %add3A_17 = arith.constant 0 : i32
        %add3A_18 = arith.addi %mul3A_16, %add3A_17 : i32
        %lt3A_19 = arith.constant 25 : i32
        %lt3A_20 = arith.cmpi slt, %add3A_18, %lt3A_19 : i32
        %convert_element_type3A_21 = arith.extui %lt3A_20 : i1 to i32
        %cond3A_22 = arith.constant 0 : i32
        %cond3A_23 = arith.cmpi ne, %convert_element_type3A_21, %cond3A_22 : i32
        scf.if %cond3A_23 {
          %add3A_33 = arith.constant 1 : i32
          %add3A_34 = arith.addi %add3A_18, %add3A_33 : i32
          %lt3A_35 = arith.constant 25 : i32
          %lt3A_36 = arith.cmpi slt, %add3A_34, %lt3A_35 : i32
          %convert_element_type3A_37 = arith.extui %lt3A_36 : i1 to i32
          %cond3A_38 = arith.constant 0 : i32
          %cond3A_39 = arith.cmpi ne, %convert_element_type3A_37, %cond3A_38 : i32
          scf.if %cond3A_39 {
            %add3A_50 = arith.constant 1 : i32
            %add3A_51 = arith.addi %add3A_18, %add3A_50 : i32
            %mul3A_52 = arith.constant 200 : i32
            %mul3A_53 = arith.muli %add3A_51, %mul3A_52 : i32
            %dma_start3A_54 = tpu.memref_slice %arg5[%mul3A_53] : memref<5000xi32, #tpu.memory_space<vmem>> -> memref<200xi32, #tpu.memory_space<vmem>>
            %dma_start3A_55 = arith.constant 0 : i32
            %dma_start3A_56 = arith.constant 0 : i32
            %dma_start3A_57 = tpu.memref_slice %arg2[%dma_start3A_55, %dma_start3A_56] : memref<160000x128xf32, #tpu.memory_space<hbm>> -> memref<160000x128xf32, #tpu.memory_space<hbm>>
            tpu.enqueue_indirect_dma source(%dma_start3A_57 : memref<160000x128xf32, #tpu.memory_space<hbm>>) target(%arg7 : memref<200x128xf32, #tpu.memory_space<vmem>>) offsets(%dma_start3A_54 : memref<200xi32, #tpu.memory_space<vmem>>) semaphore(%arg9 : memref<!tpu.dma_semaphore, #tpu.memory_space<semaphore_mem>>)
          } else {
          }
          %mul3A_40 = arith.constant 200 : i32
          %mul3A_41 = arith.muli %add3A_18, %mul3A_40 : i32
          %dma_wait3A = tpu.memref_slice %arg5[%mul3A_41] : memref<5000xi32, #tpu.memory_space<vmem>> -> memref<200xi32, #tpu.memory_space<vmem>>
          %dma_wait3A_42 = arith.constant 0 : i32
          %dma_wait3A_43 = arith.constant 0 : i32
          %dma_wait3A_44 = tpu.memref_slice %arg2[%dma_wait3A_42, %dma_wait3A_43] : memref<160000x128xf32, #tpu.memory_space<hbm>> -> memref<160000x128xf32, #tpu.memory_space<hbm>>
          tpu.wait_indirect_dma semaphore(%arg8 : memref<!tpu.dma_semaphore, #tpu.memory_space<semaphore_mem>>) src(%dma_wait3A_44 : memref<160000x128xf32, #tpu.memory_space<hbm>>) dst(%arg6 : memref<200x128xf32, #tpu.memory_space<vmem>>)
          %mul3A_45 = arith.constant 5000 : i32
          %mul3A_46 = arith.muli %add3A, %mul3A_45 : i32
          %mul3A_47 = arith.constant 200 : i32
          %mul3A_48 = arith.muli %add3A_18, %mul3A_47 : i32
          %add3A_49 = arith.addi %mul3A_46, %mul3A_48 : i32
          "tpu.region"() ({
            %run_scoped3A = tpu.sem_alloc : memref<!tpu.dma_semaphore, #tpu.memory_space<semaphore_mem>>
            %dma_start3A_50 = arith.constant 0 : i32
            %dma_start3A_51 = tpu.memref_slice %arg4[%add3A_49, %dma_start3A_50] : memref<160000x128xf32, #tpu.memory_space<hbm>> -> memref<200x128xf32, #tpu.memory_space<hbm>>
            %dma_start3A_52 = arith.constant 0 : i32
            %dma_start3A_53 = tpu.memref_slice %arg4[%add3A_49, %dma_start3A_52] : memref<160000x128xf32, #tpu.memory_space<hbm>> -> memref<200x128xf32, #tpu.memory_space<hbm>>
            tpu.enqueue_dma source(%arg6 : memref<200x128xf32, #tpu.memory_space<vmem>>) target(%dma_start3A_53 : memref<200x128xf32, #tpu.memory_space<hbm>>) target_semaphore(%run_scoped3A : memref<!tpu.dma_semaphore, #tpu.memory_space<semaphore_mem>>)
            %dma_wait3A_54 = arith.constant 0 : i32
            %dma_wait3A_55 = tpu.memref_slice %arg4[%add3A_49, %dma_wait3A_54] : memref<160000x128xf32, #tpu.memory_space<hbm>> -> memref<200x128xf32, #tpu.memory_space<hbm>>
            %dma_wait3A_56 = arith.constant 0 : i32
            %dma_wait3A_57 = tpu.memref_slice %arg4[%add3A_49, %dma_wait3A_56] : memref<160000x128xf32, #tpu.memory_space<hbm>> -> memref<200x128xf32, #tpu.memory_space<hbm>>
            tpu.wait_dma2 semaphore(%run_scoped3A : memref<!tpu.dma_semaphore, #tpu.memory_space<semaphore_mem>>) src(%arg6 : memref<200x128xf32, #tpu.memory_space<vmem>>) dst(%dma_wait3A_57 : memref<200x128xf32, #tpu.memory_space<hbm>>)
            tpu.yield
          }) : () -> ()
        } else {
        }
        %mul3A_24 = arith.constant 2 : i32
        %mul3A_25 = arith.muli %mul3A_24, %scan3A_14 : i32
        %add3A_26 = arith.constant 1 : i32
        %add3A_27 = arith.addi %mul3A_25, %add3A_26 : i32
        %lt3A_28 = arith.constant 25 : i32
        %lt3A_29 = arith.cmpi slt, %add3A_27, %lt3A_28 : i32
        %convert_element_type3A_30 = arith.extui %lt3A_29 : i1 to i32
        %cond3A_31 = arith.constant 0 : i32
        %cond3A_32 = arith.cmpi ne, %convert_element_type3A_30, %cond3A_31 : i32
        scf.if %cond3A_32 {
          %add3A_33 = arith.constant 1 : i32
          %add3A_34 = arith.addi %add3A_27, %add3A_33 : i32
          %lt3A_35 = arith.constant 25 : i32
          %lt3A_36 = arith.cmpi slt, %add3A_34, %lt3A_35 : i32
          %convert_element_type3A_37 = arith.extui %lt3A_36 : i1 to i32
          %cond3A_38 = arith.constant 0 : i32
          %cond3A_39 = arith.cmpi ne, %convert_element_type3A_37, %cond3A_38 : i32
          scf.if %cond3A_39 {
            %add3A_50 = arith.constant 1 : i32
            %add3A_51 = arith.addi %add3A_27, %add3A_50 : i32
            %mul3A_52 = arith.constant 200 : i32
            %mul3A_53 = arith.muli %add3A_51, %mul3A_52 : i32
            %dma_start3A_54 = tpu.memref_slice %arg5[%mul3A_53] : memref<5000xi32, #tpu.memory_space<vmem>> -> memref<200xi32, #tpu.memory_space<vmem>>
            %dma_start3A_55 = arith.constant 0 : i32
            %dma_start3A_56 = arith.constant 0 : i32
            %dma_start3A_57 = tpu.memref_slice %arg2[%dma_start3A_55, %dma_start3A_56] : memref<160000x128xf32, #tpu.memory_space<hbm>> -> memref<160000x128xf32, #tpu.memory_space<hbm>>
            tpu.enqueue_indirect_dma source(%dma_start3A_57 : memref<160000x128xf32, #tpu.memory_space<hbm>>) target(%arg6 : memref<200x128xf32, #tpu.memory_space<vmem>>) offsets(%dma_start3A_54 : memref<200xi32, #tpu.memory_space<vmem>>) semaphore(%arg8 : memref<!tpu.dma_semaphore, #tpu.memory_space<semaphore_mem>>)
          } else {
          }
          %mul3A_40 = arith.constant 200 : i32
          %mul3A_41 = arith.muli %add3A_27, %mul3A_40 : i32
          %dma_wait3A = tpu.memref_slice %arg5[%mul3A_41] : memref<5000xi32, #tpu.memory_space<vmem>> -> memref<200xi32, #tpu.memory_space<vmem>>
          %dma_wait3A_42 = arith.constant 0 : i32
          %dma_wait3A_43 = arith.constant 0 : i32
          %dma_wait3A_44 = tpu.memref_slice %arg2[%dma_wait3A_42, %dma_wait3A_43] : memref<160000x128xf32, #tpu.memory_space<hbm>> -> memref<160000x128xf32, #tpu.memory_space<hbm>>
          tpu.wait_indirect_dma semaphore(%arg9 : memref<!tpu.dma_semaphore, #tpu.memory_space<semaphore_mem>>) src(%dma_wait3A_44 : memref<160000x128xf32, #tpu.memory_space<hbm>>) dst(%arg7 : memref<200x128xf32, #tpu.memory_space<vmem>>)
          %mul3A_45 = arith.constant 5000 : i32
          %mul3A_46 = arith.muli %add3A, %mul3A_45 : i32
          %mul3A_47 = arith.constant 200 : i32
          %mul3A_48 = arith.muli %add3A_27, %mul3A_47 : i32
          %add3A_49 = arith.addi %mul3A_46, %mul3A_48 : i32
          "tpu.region"() ({
            %run_scoped3A = tpu.sem_alloc : memref<!tpu.dma_semaphore, #tpu.memory_space<semaphore_mem>>
            %dma_start3A_50 = arith.constant 0 : i32
            %dma_start3A_51 = tpu.memref_slice %arg4[%add3A_49, %dma_start3A_50] : memref<160000x128xf32, #tpu.memory_space<hbm>> -> memref<200x128xf32, #tpu.memory_space<hbm>>
            %dma_start3A_52 = arith.constant 0 : i32
            %dma_start3A_53 = tpu.memref_slice %arg4[%add3A_49, %dma_start3A_52] : memref<160000x128xf32, #tpu.memory_space<hbm>> -> memref<200x128xf32, #tpu.memory_space<hbm>>
            tpu.enqueue_dma source(%arg7 : memref<200x128xf32, #tpu.memory_space<vmem>>) target(%dma_start3A_53 : memref<200x128xf32, #tpu.memory_space<hbm>>) target_semaphore(%run_scoped3A : memref<!tpu.dma_semaphore, #tpu.memory_space<semaphore_mem>>)
            %dma_wait3A_54 = arith.constant 0 : i32
            %dma_wait3A_55 = tpu.memref_slice %arg4[%add3A_49, %dma_wait3A_54] : memref<160000x128xf32, #tpu.memory_space<hbm>> -> memref<200x128xf32, #tpu.memory_space<hbm>>
            %dma_wait3A_56 = arith.constant 0 : i32
            %dma_wait3A_57 = tpu.memref_slice %arg4[%add3A_49, %dma_wait3A_56] : memref<160000x128xf32, #tpu.memory_space<hbm>> -> memref<200x128xf32, #tpu.memory_space<hbm>>
            tpu.wait_dma2 semaphore(%run_scoped3A : memref<!tpu.dma_semaphore, #tpu.memory_space<semaphore_mem>>) src(%arg7 : memref<200x128xf32, #tpu.memory_space<vmem>>) dst(%dma_wait3A_57 : memref<200x128xf32, #tpu.memory_space<hbm>>)
            tpu.yield
          }) : () -> ()
        } else {
        }
      }
      %scan3A_13 = arith.constant 13 : i32
    } else {
    }
    return
  }
}

#map = affine_map<(d0, d1) -> (0, 0)>
#map1 = affine_map<(d0, d1) -> (0)>
module attributes {stable_mosaic.version = 14 : i64} {
  func.func @gather_k(%arg0: i32, %arg1: i32, %arg2: memref<160000x128xf32, #tpu.memory_space<hbm>>, %arg3: memref<160000xi32, #tpu.memory_space<hbm>>, %arg4: memref<160000x128xf32, #tpu.memory_space<hbm>>, %arg5: memref<5000xi32, #tpu.memory_space<vmem>>, %arg6: memref<200x128xf32, #tpu.memory_space<vmem>>, %arg7: memref<200x128xf32, #tpu.memory_space<vmem>>, %arg8: memref<!tpu.dma_semaphore, #tpu.memory_space<semaphore_mem>>, %arg9: memref<!tpu.dma_semaphore, #tpu.memory_space<semaphore_mem>>) attributes {dimension_semantics = [#tpu.dimension_semantics<core_parallel>, #tpu.dimension_semantics<subcore_parallel>], iteration_bounds = array<i64: 2, 16>, scalar_prefetch = 0 : i64, scratch_operands = 5 : i64, tpu.core_type = #tpu.core_type<sc_vector_subcore>, window_params = [{transform_indices = #map}, {transform_indices = #map1}, {transform_indices = #map}]} {
    %mul3A = arith.constant 2 : i32
    %mul3A_0 = arith.muli %arg1, %mul3A : i32
    %add3A = arith.addi %mul3A_0, %arg0 : i32
    %lt3A = arith.constant 32 : i32
    %lt3A_1 = arith.cmpi slt, %add3A, %lt3A : i32
    %convert_element_type3A = arith.extui %lt3A_1 : i1 to i32
    %cond3A = arith.constant 0 : i32
    %cond3A_2 = arith.cmpi ne, %convert_element_type3A, %cond3A : i32
    scf.if %cond3A_2 {
      %mul3A_3 = arith.constant 5000 : i32
      %mul3A_4 = arith.muli %add3A, %mul3A_3 : i32
      "tpu.region"() ({
        %run_scoped3A = tpu.sem_alloc : memref<!tpu.dma_semaphore, #tpu.memory_space<semaphore_mem>>
        %dma_start3A_14 = tpu.memref_slice %arg3[%mul3A_4] : memref<160000xi32, #tpu.memory_space<hbm>> -> memref<5000xi32, #tpu.memory_space<hbm>>
        %dma_start3A_15 = tpu.memref_slice %arg3[%mul3A_4] : memref<160000xi32, #tpu.memory_space<hbm>> -> memref<5000xi32, #tpu.memory_space<hbm>>
        tpu.enqueue_dma source(%dma_start3A_15 : memref<5000xi32, #tpu.memory_space<hbm>>) target(%arg5 : memref<5000xi32, #tpu.memory_space<vmem>>) target_semaphore(%run_scoped3A : memref<!tpu.dma_semaphore, #tpu.memory_space<semaphore_mem>>)
        %dma_wait3A = tpu.memref_slice %arg3[%mul3A_4] : memref<160000xi32, #tpu.memory_space<hbm>> -> memref<5000xi32, #tpu.memory_space<hbm>>
        %dma_wait3A_16 = tpu.memref_slice %arg3[%mul3A_4] : memref<160000xi32, #tpu.memory_space<hbm>> -> memref<5000xi32, #tpu.memory_space<hbm>>
        tpu.wait_dma2 semaphore(%run_scoped3A : memref<!tpu.dma_semaphore, #tpu.memory_space<semaphore_mem>>) src(%dma_wait3A_16 : memref<5000xi32, #tpu.memory_space<hbm>>) dst(%arg5 : memref<5000xi32, #tpu.memory_space<vmem>>)
        tpu.yield
      }) : () -> ()
      %dma_start3A = arith.constant 0 : i32
      %dma_start3A_5 = tpu.memref_slice %arg5[%dma_start3A] : memref<5000xi32, #tpu.memory_space<vmem>> -> memref<200xi32, #tpu.memory_space<vmem>>
      %dma_start3A_6 = arith.constant 0 : i32
      %dma_start3A_7 = arith.constant 0 : i32
      %dma_start3A_8 = tpu.memref_slice %arg2[%dma_start3A_6, %dma_start3A_7] : memref<160000x128xf32, #tpu.memory_space<hbm>> -> memref<160000x128xf32, #tpu.memory_space<hbm>>
      tpu.enqueue_indirect_dma source(%dma_start3A_8 : memref<160000x128xf32, #tpu.memory_space<hbm>>) target(%arg6 : memref<200x128xf32, #tpu.memory_space<vmem>>) offsets(%dma_start3A_5 : memref<200xi32, #tpu.memory_space<vmem>>) semaphore(%arg8 : memref<!tpu.dma_semaphore, #tpu.memory_space<semaphore_mem>>)
      %scan3A = arith.constant 0 : i32
      %scan3A_9 = arith.constant 0 : i32
      %scan3A_10 = arith.constant 13 : i32
      %scan3A_11 = arith.addi %scan3A_9, %scan3A_10 : i32
      %scan3A_12 = arith.constant 1 : i32
      scf.for %scan3A_14 = %scan3A_9 to %scan3A_11 step %scan3A_12  : i32 {
        %mul3A_15 = arith.constant 2 : i32
        %mul3A_16 = arith.muli %mul3A_15, %scan3A_14 : i32
        %add3A_17 = arith.constant 0 : i32
        %add3A_18 = arith.addi %mul3A_16, %add3A_17 : i32
        %lt3A_19 = arith.constant 25 : i32
        %lt3A_20 = arith.cmpi slt, %add3A_18, %lt3A_19 : i32
        %convert_element_type3A_21 = arith.extui %lt3A_20 : i1 to i32
        %cond3A_22 = arith.constant 0 : i32
        %cond3A_23 = arith.cmpi ne, %convert_element_type3A_21, %cond3A_22 : i32
        scf.if %cond3A_23 {
          %add3A_33 = arith.constant 1 : i32
          %add3A_34 = arith.addi %add3A_18, %add3A_33 : i32
          %lt3A_35 = arith.constant 25 : i32
          %lt3A_36 = arith.cmpi slt, %add3A_34, %lt3A_35 : i32
          %convert_element_type3A_37 = arith.extui %lt3A_36 : i1 to i32
          %cond3A_38 = arith.constant 0 : i32
          %cond3A_39 = arith.cmpi ne, %convert_element_type3A_37, %cond3A_38 : i32
          scf.if %cond3A_39 {
            %add3A_50 = arith.constant 1 : i32
            %add3A_51 = arith.addi %add3A_18, %add3A_50 : i32
            %mul3A_52 = arith.constant 200 : i32
            %mul3A_53 = arith.muli %add3A_51, %mul3A_52 : i32
            %dma_start3A_54 = tpu.memref_slice %arg5[%mul3A_53] : memref<5000xi32, #tpu.memory_space<vmem>> -> memref<200xi32, #tpu.memory_space<vmem>>
            %dma_start3A_55 = arith.constant 0 : i32
            %dma_start3A_56 = arith.constant 0 : i32
            %dma_start3A_57 = tpu.memref_slice %arg2[%dma_start3A_55, %dma_start3A_56] : memref<160000x128xf32, #tpu.memory_space<hbm>> -> memref<160000x128xf32, #tpu.memory_space<hbm>>
            tpu.enqueue_indirect_dma source(%dma_start3A_57 : memref<160000x128xf32, #tpu.memory_space<hbm>>) target(%arg7 : memref<200x128xf32, #tpu.memory_space<vmem>>) offsets(%dma_start3A_54 : memref<200xi32, #tpu.memory_space<vmem>>) semaphore(%arg9 : memref<!tpu.dma_semaphore, #tpu.memory_space<semaphore_mem>>)
          } else {
          }
          %mul3A_40 = arith.constant 200 : i32
          %mul3A_41 = arith.muli %add3A_18, %mul3A_40 : i32
          %dma_wait3A = tpu.memref_slice %arg5[%mul3A_41] : memref<5000xi32, #tpu.memory_space<vmem>> -> memref<200xi32, #tpu.memory_space<vmem>>
          %dma_wait3A_42 = arith.constant 0 : i32
          %dma_wait3A_43 = arith.constant 0 : i32
          %dma_wait3A_44 = tpu.memref_slice %arg2[%dma_wait3A_42, %dma_wait3A_43] : memref<160000x128xf32, #tpu.memory_space<hbm>> -> memref<160000x128xf32, #tpu.memory_space<hbm>>
          tpu.wait_indirect_dma semaphore(%arg8 : memref<!tpu.dma_semaphore, #tpu.memory_space<semaphore_mem>>) src(%dma_wait3A_44 : memref<160000x128xf32, #tpu.memory_space<hbm>>) dst(%arg6 : memref<200x128xf32, #tpu.memory_space<vmem>>)
          %mul3A_45 = arith.constant 5000 : i32
          %mul3A_46 = arith.muli %add3A, %mul3A_45 : i32
          %mul3A_47 = arith.constant 200 : i32
          %mul3A_48 = arith.muli %add3A_18, %mul3A_47 : i32
          %add3A_49 = arith.addi %mul3A_46, %mul3A_48 : i32
          "tpu.region"() ({
            %run_scoped3A = tpu.sem_alloc : memref<!tpu.dma_semaphore, #tpu.memory_space<semaphore_mem>>
            %dma_start3A_50 = arith.constant 0 : i32
            %dma_start3A_51 = tpu.memref_slice %arg4[%add3A_49, %dma_start3A_50] : memref<160000x128xf32, #tpu.memory_space<hbm>> -> memref<200x128xf32, #tpu.memory_space<hbm>>
            %dma_start3A_52 = arith.constant 0 : i32
            %dma_start3A_53 = tpu.memref_slice %arg4[%add3A_49, %dma_start3A_52] : memref<160000x128xf32, #tpu.memory_space<hbm>> -> memref<200x128xf32, #tpu.memory_space<hbm>>
            tpu.enqueue_dma source(%arg6 : memref<200x128xf32, #tpu.memory_space<vmem>>) target(%dma_start3A_53 : memref<200x128xf32, #tpu.memory_space<hbm>>) target_semaphore(%run_scoped3A : memref<!tpu.dma_semaphore, #tpu.memory_space<semaphore_mem>>)
            %dma_wait3A_54 = arith.constant 0 : i32
            %dma_wait3A_55 = tpu.memref_slice %arg4[%add3A_49, %dma_wait3A_54] : memref<160000x128xf32, #tpu.memory_space<hbm>> -> memref<200x128xf32, #tpu.memory_space<hbm>>
            %dma_wait3A_56 = arith.constant 0 : i32
            %dma_wait3A_57 = tpu.memref_slice %arg4[%add3A_49, %dma_wait3A_56] : memref<160000x128xf32, #tpu.memory_space<hbm>> -> memref<200x128xf32, #tpu.memory_space<hbm>>
            tpu.wait_dma2 semaphore(%run_scoped3A : memref<!tpu.dma_semaphore, #tpu.memory_space<semaphore_mem>>) src(%arg6 : memref<200x128xf32, #tpu.memory_space<vmem>>) dst(%dma_wait3A_57 : memref<200x128xf32, #tpu.memory_space<hbm>>)
            tpu.yield
          }) : () -> ()
        } else {
        }
        %mul3A_24 = arith.constant 2 : i32
        %mul3A_25 = arith.muli %mul3A_24, %scan3A_14 : i32
        %add3A_26 = arith.constant 1 : i32
        %add3A_27 = arith.addi %mul3A_25, %add3A_26 : i32
        %lt3A_28 = arith.constant 25 : i32
        %lt3A_29 = arith.cmpi slt, %add3A_27, %lt3A_28 : i32
        %convert_element_type3A_30 = arith.extui %lt3A_29 : i1 to i32
        %cond3A_31 = arith.constant 0 : i32
        %cond3A_32 = arith.cmpi ne, %convert_element_type3A_30, %cond3A_31 : i32
        scf.if %cond3A_32 {
          %add3A_33 = arith.constant 1 : i32
          %add3A_34 = arith.addi %add3A_27, %add3A_33 : i32
          %lt3A_35 = arith.constant 25 : i32
          %lt3A_36 = arith.cmpi slt, %add3A_34, %lt3A_35 : i32
          %convert_element_type3A_37 = arith.extui %lt3A_36 : i1 to i32
          %cond3A_38 = arith.constant 0 : i32
          %cond3A_39 = arith.cmpi ne, %convert_element_type3A_37, %cond3A_38 : i32
          scf.if %cond3A_39 {
            %add3A_50 = arith.constant 1 : i32
            %add3A_51 = arith.addi %add3A_27, %add3A_50 : i32
            %mul3A_52 = arith.constant 200 : i32
            %mul3A_53 = arith.muli %add3A_51, %mul3A_52 : i32
            %dma_start3A_54 = tpu.memref_slice %arg5[%mul3A_53] : memref<5000xi32, #tpu.memory_space<vmem>> -> memref<200xi32, #tpu.memory_space<vmem>>
            %dma_start3A_55 = arith.constant 0 : i32
            %dma_start3A_56 = arith.constant 0 : i32
            %dma_start3A_57 = tpu.memref_slice %arg2[%dma_start3A_55, %dma_start3A_56] : memref<160000x128xf32, #tpu.memory_space<hbm>> -> memref<160000x128xf32, #tpu.memory_space<hbm>>
            tpu.enqueue_indirect_dma source(%dma_start3A_57 : memref<160000x128xf32, #tpu.memory_space<hbm>>) target(%arg6 : memref<200x128xf32, #tpu.memory_space<vmem>>) offsets(%dma_start3A_54 : memref<200xi32, #tpu.memory_space<vmem>>) semaphore(%arg8 : memref<!tpu.dma_semaphore, #tpu.memory_space<semaphore_mem>>)
          } else {
          }
          %mul3A_40 = arith.constant 200 : i32
          %mul3A_41 = arith.muli %add3A_27, %mul3A_40 : i32
          %dma_wait3A = tpu.memref_slice %arg5[%mul3A_41] : memref<5000xi32, #tpu.memory_space<vmem>> -> memref<200xi32, #tpu.memory_space<vmem>>
          %dma_wait3A_42 = arith.constant 0 : i32
          %dma_wait3A_43 = arith.constant 0 : i32
          %dma_wait3A_44 = tpu.memref_slice %arg2[%dma_wait3A_42, %dma_wait3A_43] : memref<160000x128xf32, #tpu.memory_space<hbm>> -> memref<160000x128xf32, #tpu.memory_space<hbm>>
          tpu.wait_indirect_dma semaphore(%arg9 : memref<!tpu.dma_semaphore, #tpu.memory_space<semaphore_mem>>) src(%dma_wait3A_44 : memref<160000x128xf32, #tpu.memory_space<hbm>>) dst(%arg7 : memref<200x128xf32, #tpu.memory_space<vmem>>)
          %mul3A_45 = arith.constant 5000 : i32
          %mul3A_46 = arith.muli %add3A, %mul3A_45 : i32
          %mul3A_47 = arith.constant 200 : i32
          %mul3A_48 = arith.muli %add3A_27, %mul3A_47 : i32
          %add3A_49 = arith.addi %mul3A_46, %mul3A_48 : i32
          "tpu.region"() ({
            %run_scoped3A = tpu.sem_alloc : memref<!tpu.dma_semaphore, #tpu.memory_space<semaphore_mem>>
            %dma_start3A_50 = arith.constant 0 : i32
            %dma_start3A_51 = tpu.memref_slice %arg4[%add3A_49, %dma_start3A_50] : memref<160000x128xf32, #tpu.memory_space<hbm>> -> memref<200x128xf32, #tpu.memory_space<hbm>>
            %dma_start3A_52 = arith.constant 0 : i32
            %dma_start3A_53 = tpu.memref_slice %arg4[%add3A_49, %dma_start3A_52] : memref<160000x128xf32, #tpu.memory_space<hbm>> -> memref<200x128xf32, #tpu.memory_space<hbm>>
            tpu.enqueue_dma source(%arg7 : memref<200x128xf32, #tpu.memory_space<vmem>>) target(%dma_start3A_53 : memref<200x128xf32, #tpu.memory_space<hbm>>) target_semaphore(%run_scoped3A : memref<!tpu.dma_semaphore, #tpu.memory_space<semaphore_mem>>)
            %dma_wait3A_54 = arith.constant 0 : i32
            %dma_wait3A_55 = tpu.memref_slice %arg4[%add3A_49, %dma_wait3A_54] : memref<160000x128xf32, #tpu.memory_space<hbm>> -> memref<200x128xf32, #tpu.memory_space<hbm>>
            %dma_wait3A_56 = arith.constant 0 : i32
            %dma_wait3A_57 = tpu.memref_slice %arg4[%add3A_49, %dma_wait3A_56] : memref<160000x128xf32, #tpu.memory_space<hbm>> -> memref<200x128xf32, #tpu.memory_space<hbm>>
            tpu.wait_dma2 semaphore(%run_scoped3A : memref<!tpu.dma_semaphore, #tpu.memory_space<semaphore_mem>>) src(%arg7 : memref<200x128xf32, #tpu.memory_space<vmem>>) dst(%dma_wait3A_57 : memref<200x128xf32, #tpu.memory_space<hbm>>)
            tpu.yield
          }) : () -> ()
        } else {
        }
      }
      %scan3A_13 = arith.constant 13 : i32
    } else {
    }
    return
  }
}

#map = affine_map<(d0, d1) -> (0, 0)>
#map1 = affine_map<(d0, d1) -> (0)>
module attributes {stable_mosaic.version = 14 : i64} {
  func.func @final_k(%arg0: i32, %arg1: i32, %arg2: memref<160000x128xf32, #tpu.memory_space<hbm>>, %arg3: memref<10000x128xf32, #tpu.memory_space<hbm>>, %arg4: memref<1024xi32, #tpu.memory_space<hbm>>, %arg5: memref<256xi32, #tpu.memory_space<hbm>>, %arg6: memref<1024x128xf32, #tpu.memory_space<hbm>>, %arg7: memref<256x128xf32, #tpu.memory_space<hbm>>, %arg8: memref<32xi32, #tpu.memory_space<vmem>>, %arg9: memref<32x128xf32, #tpu.memory_space<vmem>>, %arg10: memref<16xi32, #tpu.memory_space<vmem>>, %arg11: memref<16x128xf32, #tpu.memory_space<vmem>>, %arg12: memref<!tpu.dma_semaphore, #tpu.memory_space<semaphore_mem>>) attributes {dimension_semantics = [#tpu.dimension_semantics<core_parallel>, #tpu.dimension_semantics<subcore_parallel>], iteration_bounds = array<i64: 2, 16>, scalar_prefetch = 0 : i64, scratch_operands = 5 : i64, tpu.core_type = #tpu.core_type<sc_vector_subcore>, window_params = [{transform_indices = #map}, {transform_indices = #map}, {transform_indices = #map1}, {transform_indices = #map1}, {transform_indices = #map}, {transform_indices = #map}]} {
    %mul3A = arith.constant 2 : i32
    %mul3A_0 = arith.muli %arg1, %mul3A : i32
    %add3A = arith.addi %mul3A_0, %arg0 : i32
    %mul3A_1 = arith.constant 32 : i32
    %mul3A_2 = arith.muli %add3A, %mul3A_1 : i32
    "tpu.region"() ({
      %run_scoped3A = tpu.sem_alloc : memref<!tpu.dma_semaphore, #tpu.memory_space<semaphore_mem>>
      %dma_start3A_9 = tpu.memref_slice %arg4[%mul3A_2] : memref<1024xi32, #tpu.memory_space<hbm>> -> memref<32xi32, #tpu.memory_space<hbm>>
      %dma_start3A_10 = tpu.memref_slice %arg4[%mul3A_2] : memref<1024xi32, #tpu.memory_space<hbm>> -> memref<32xi32, #tpu.memory_space<hbm>>
      tpu.enqueue_dma source(%dma_start3A_10 : memref<32xi32, #tpu.memory_space<hbm>>) target(%arg8 : memref<32xi32, #tpu.memory_space<vmem>>) target_semaphore(%run_scoped3A : memref<!tpu.dma_semaphore, #tpu.memory_space<semaphore_mem>>)
      %dma_wait3A_11 = tpu.memref_slice %arg4[%mul3A_2] : memref<1024xi32, #tpu.memory_space<hbm>> -> memref<32xi32, #tpu.memory_space<hbm>>
      %dma_wait3A_12 = tpu.memref_slice %arg4[%mul3A_2] : memref<1024xi32, #tpu.memory_space<hbm>> -> memref<32xi32, #tpu.memory_space<hbm>>
      tpu.wait_dma2 semaphore(%run_scoped3A : memref<!tpu.dma_semaphore, #tpu.memory_space<semaphore_mem>>) src(%dma_wait3A_12 : memref<32xi32, #tpu.memory_space<hbm>>) dst(%arg8 : memref<32xi32, #tpu.memory_space<vmem>>)
      tpu.yield
    }) : () -> ()
    %dma_start3A = arith.constant 0 : i32
    %dma_start3A_3 = arith.constant 0 : i32
    %dma_start3A_4 = tpu.memref_slice %arg2[%dma_start3A, %dma_start3A_3] : memref<160000x128xf32, #tpu.memory_space<hbm>> -> memref<160000x128xf32, #tpu.memory_space<hbm>>
    tpu.enqueue_indirect_dma source(%dma_start3A_4 : memref<160000x128xf32, #tpu.memory_space<hbm>>) target(%arg9 : memref<32x128xf32, #tpu.memory_space<vmem>>) offsets(%arg8 : memref<32xi32, #tpu.memory_space<vmem>>) semaphore(%arg12 : memref<!tpu.dma_semaphore, #tpu.memory_space<semaphore_mem>>)
    %dma_wait3A = arith.constant 0 : i32
    %dma_wait3A_5 = arith.constant 0 : i32
    %dma_wait3A_6 = tpu.memref_slice %arg2[%dma_wait3A, %dma_wait3A_5] : memref<160000x128xf32, #tpu.memory_space<hbm>> -> memref<160000x128xf32, #tpu.memory_space<hbm>>
    tpu.wait_indirect_dma semaphore(%arg12 : memref<!tpu.dma_semaphore, #tpu.memory_space<semaphore_mem>>) src(%dma_wait3A_6 : memref<160000x128xf32, #tpu.memory_space<hbm>>) dst(%arg9 : memref<32x128xf32, #tpu.memory_space<vmem>>)
    "tpu.region"() ({
      %run_scoped3A = tpu.sem_alloc : memref<!tpu.dma_semaphore, #tpu.memory_space<semaphore_mem>>
      %dma_start3A_9 = arith.constant 0 : i32
      %dma_start3A_10 = tpu.memref_slice %arg6[%mul3A_2, %dma_start3A_9] : memref<1024x128xf32, #tpu.memory_space<hbm>> -> memref<32x128xf32, #tpu.memory_space<hbm>>
      %dma_start3A_11 = arith.constant 0 : i32
      %dma_start3A_12 = tpu.memref_slice %arg6[%mul3A_2, %dma_start3A_11] : memref<1024x128xf32, #tpu.memory_space<hbm>> -> memref<32x128xf32, #tpu.memory_space<hbm>>
      tpu.enqueue_dma source(%arg9 : memref<32x128xf32, #tpu.memory_space<vmem>>) target(%dma_start3A_12 : memref<32x128xf32, #tpu.memory_space<hbm>>) target_semaphore(%run_scoped3A : memref<!tpu.dma_semaphore, #tpu.memory_space<semaphore_mem>>)
      %dma_wait3A_13 = arith.constant 0 : i32
      %dma_wait3A_14 = tpu.memref_slice %arg6[%mul3A_2, %dma_wait3A_13] : memref<1024x128xf32, #tpu.memory_space<hbm>> -> memref<32x128xf32, #tpu.memory_space<hbm>>
      %dma_wait3A_15 = arith.constant 0 : i32
      %dma_wait3A_16 = tpu.memref_slice %arg6[%mul3A_2, %dma_wait3A_15] : memref<1024x128xf32, #tpu.memory_space<hbm>> -> memref<32x128xf32, #tpu.memory_space<hbm>>
      tpu.wait_dma2 semaphore(%run_scoped3A : memref<!tpu.dma_semaphore, #tpu.memory_space<semaphore_mem>>) src(%arg9 : memref<32x128xf32, #tpu.memory_space<vmem>>) dst(%dma_wait3A_16 : memref<32x128xf32, #tpu.memory_space<hbm>>)
      tpu.yield
    }) : () -> ()
    %lt3A = arith.constant 16 : i32
    %lt3A_7 = arith.cmpi slt, %add3A, %lt3A : i32
    %convert_element_type3A = arith.extui %lt3A_7 : i1 to i32
    %cond3A = arith.constant 0 : i32
    %cond3A_8 = arith.cmpi ne, %convert_element_type3A, %cond3A : i32
    scf.if %cond3A_8 {
      %mul3A_9 = arith.constant 16 : i32
      %mul3A_10 = arith.muli %add3A, %mul3A_9 : i32
      "tpu.region"() ({
        %run_scoped3A = tpu.sem_alloc : memref<!tpu.dma_semaphore, #tpu.memory_space<semaphore_mem>>
        %dma_start3A_17 = tpu.memref_slice %arg5[%mul3A_10] : memref<256xi32, #tpu.memory_space<hbm>> -> memref<16xi32, #tpu.memory_space<hbm>>
        %dma_start3A_18 = tpu.memref_slice %arg5[%mul3A_10] : memref<256xi32, #tpu.memory_space<hbm>> -> memref<16xi32, #tpu.memory_space<hbm>>
        tpu.enqueue_dma source(%dma_start3A_18 : memref<16xi32, #tpu.memory_space<hbm>>) target(%arg10 : memref<16xi32, #tpu.memory_space<vmem>>) target_semaphore(%run_scoped3A : memref<!tpu.dma_semaphore, #tpu.memory_space<semaphore_mem>>)
        %dma_wait3A_19 = tpu.memref_slice %arg5[%mul3A_10] : memref<256xi32, #tpu.memory_space<hbm>> -> memref<16xi32, #tpu.memory_space<hbm>>
        %dma_wait3A_20 = tpu.memref_slice %arg5[%mul3A_10] : memref<256xi32, #tpu.memory_space<hbm>> -> memref<16xi32, #tpu.memory_space<hbm>>
        tpu.wait_dma2 semaphore(%run_scoped3A : memref<!tpu.dma_semaphore, #tpu.memory_space<semaphore_mem>>) src(%dma_wait3A_20 : memref<16xi32, #tpu.memory_space<hbm>>) dst(%arg10 : memref<16xi32, #tpu.memory_space<vmem>>)
        tpu.yield
      }) : () -> ()
      %dma_start3A_11 = arith.constant 0 : i32
      %dma_start3A_12 = arith.constant 0 : i32
      %dma_start3A_13 = tpu.memref_slice %arg3[%dma_start3A_11, %dma_start3A_12] : memref<10000x128xf32, #tpu.memory_space<hbm>> -> memref<10000x128xf32, #tpu.memory_space<hbm>>
      tpu.enqueue_indirect_dma source(%dma_start3A_13 : memref<10000x128xf32, #tpu.memory_space<hbm>>) target(%arg11 : memref<16x128xf32, #tpu.memory_space<vmem>>) offsets(%arg10 : memref<16xi32, #tpu.memory_space<vmem>>) semaphore(%arg12 : memref<!tpu.dma_semaphore, #tpu.memory_space<semaphore_mem>>)
      %dma_wait3A_14 = arith.constant 0 : i32
      %dma_wait3A_15 = arith.constant 0 : i32
      %dma_wait3A_16 = tpu.memref_slice %arg3[%dma_wait3A_14, %dma_wait3A_15] : memref<10000x128xf32, #tpu.memory_space<hbm>> -> memref<10000x128xf32, #tpu.memory_space<hbm>>
      tpu.wait_indirect_dma semaphore(%arg12 : memref<!tpu.dma_semaphore, #tpu.memory_space<semaphore_mem>>) src(%dma_wait3A_16 : memref<10000x128xf32, #tpu.memory_space<hbm>>) dst(%arg11 : memref<16x128xf32, #tpu.memory_space<vmem>>)
      "tpu.region"() ({
        %run_scoped3A = tpu.sem_alloc : memref<!tpu.dma_semaphore, #tpu.memory_space<semaphore_mem>>
        %dma_start3A_17 = arith.constant 0 : i32
        %dma_start3A_18 = tpu.memref_slice %arg7[%mul3A_10, %dma_start3A_17] : memref<256x128xf32, #tpu.memory_space<hbm>> -> memref<16x128xf32, #tpu.memory_space<hbm>>
        %dma_start3A_19 = arith.constant 0 : i32
        %dma_start3A_20 = tpu.memref_slice %arg7[%mul3A_10, %dma_start3A_19] : memref<256x128xf32, #tpu.memory_space<hbm>> -> memref<16x128xf32, #tpu.memory_space<hbm>>
        tpu.enqueue_dma source(%arg11 : memref<16x128xf32, #tpu.memory_space<vmem>>) target(%dma_start3A_20 : memref<16x128xf32, #tpu.memory_space<hbm>>) target_semaphore(%run_scoped3A : memref<!tpu.dma_semaphore, #tpu.memory_space<semaphore_mem>>)
        %dma_wait3A_21 = arith.constant 0 : i32
        %dma_wait3A_22 = tpu.memref_slice %arg7[%mul3A_10, %dma_wait3A_21] : memref<256x128xf32, #tpu.memory_space<hbm>> -> memref<16x128xf32, #tpu.memory_space<hbm>>
        %dma_wait3A_23 = arith.constant 0 : i32
        %dma_wait3A_24 = tpu.memref_slice %arg7[%mul3A_10, %dma_wait3A_23] : memref<256x128xf32, #tpu.memory_space<hbm>> -> memref<16x128xf32, #tpu.memory_space<hbm>>
        tpu.wait_dma2 semaphore(%run_scoped3A : memref<!tpu.dma_semaphore, #tpu.memory_space<semaphore_mem>>) src(%arg11 : memref<16x128xf32, #tpu.memory_space<vmem>>) dst(%dma_wait3A_24 : memref<16x128xf32, #tpu.memory_space<hbm>>)
        tpu.yield
      }) : () -> ()
    } else {
    }
    return
  }
}

module attributes {stable_mosaic.version = 14 : i64} {
  func.func @_pre_body(%arg0: i32, %arg1: memref<2000x128xf32, #tpu.memory_space<vmem>>, %arg2: memref<128x384xf32, #tpu.memory_space<vmem>>, %arg3: memref<1x384xf32, #tpu.memory_space<vmem>>, %arg4: memref<2000x256xi32, #tpu.memory_space<vmem>>, %arg5: memref<2000x128xf32, #tpu.memory_space<vmem>>) attributes {dimension_semantics = [#tpu.dimension_semantics<arbitrary>], iteration_bounds = array<i64: 5>, scalar_prefetch = 0 : i64, scratch_operands = 0 : i64, tpu.core_type = #tpu.core_type<tc>, window_params = [{transform_indices = @transform_0, window_bounds = array<i64: 2000, 128>}, {pipeline_mode = #tpu.pipeline_mode<synchronous>, transform_indices = @transform_1, window_bounds = array<i64: 128, 384>}, {pipeline_mode = #tpu.pipeline_mode<synchronous>, transform_indices = @transform_2, window_bounds = array<i64: 1, 384>}, {transform_indices = @transform_3, window_bounds = array<i64: 2000, 256>}, {transform_indices = @transform_4, window_bounds = array<i64: 2000, 128>}]} {
    %get3A = arith.constant 0 : index
    %get3A_0 = arith.constant 0 : index
    %get3A_1 = vector.load %arg1[%get3A, %get3A_0] : memref<2000x128xf32, #tpu.memory_space<vmem>>, vector<2000x128xf32>
    %get3A_2 = arith.constant 0 : index
    %get3A_3 = arith.constant 0 : index
    %get3A_4 = vector.load %arg2[%get3A_2, %get3A_3] : memref<128x384xf32, #tpu.memory_space<vmem>>, vector<128x384xf32>
    %dot_general3A = arith.constant dense<0.000000e+00> : vector<2000x384xf32>
    %dot_general3A_5 = tpu.matmul %get3A_1, %get3A_4, %dot_general3A {dimension_numbers = #tpu.dot_dimension_numbers<[1], [0], [0], [1], [0, 0, 1, 1], [], []>, transpose_lhs_hint = false} : vector<2000x128xf32>, vector<128x384xf32>, vector<2000x384xf32> -> vector<2000x384xf32>
    %get3A_6 = arith.constant 0 : index
    %get3A_7 = arith.constant 0 : index
    %get3A_8 = vector.load %arg3[%get3A_6, %get3A_7] : memref<1x384xf32, #tpu.memory_space<vmem>>, vector<1x384xf32>
    %add3A = vector.broadcast %get3A_8 : vector<1x384xf32> to vector<2000x384xf32>
    %add3A_9 = arith.addf %dot_general3A_5, %add3A : vector<2000x384xf32>
    %slice3A = vector.extract_strided_slice %add3A_9 {offsets = [0, 0], sizes = [2000, 192], strides = [1, 1]} : vector<2000x384xf32> to vector<2000x192xf32>
    %bitcast_convert_type3A = tpu.bitcast %slice3A : vector<2000x192xf32> -> vector<2000x192xi32>
    %add3A_10 = arith.constant 32767 : i32
    %add3A_11 = vector.broadcast %add3A_10 : i32 to vector<2000x192xi32>
    %add3A_12 = arith.addi %bitcast_convert_type3A, %add3A_11 : vector<2000x192xi32>
    %shift_right_arithmetic3A = arith.constant 16 : i32
    %shift_right_arithmetic3A_13 = vector.broadcast %shift_right_arithmetic3A : i32 to vector<2000x192xi32>
    %shift_right_arithmetic3A_14 = arith.shrsi %bitcast_convert_type3A, %shift_right_arithmetic3A_13 : vector<2000x192xi32>
    %and3A = arith.constant 1 : i32
    %and3A_15 = vector.broadcast %and3A : i32 to vector<2000x192xi32>
    %and3A_16 = arith.andi %shift_right_arithmetic3A_14, %and3A_15 : vector<2000x192xi32>
    %add3A_17 = arith.addi %add3A_12, %and3A_16 : vector<2000x192xi32>
    %slice3A_18 = vector.extract_strided_slice %add3A_9 {offsets = [0, 192], sizes = [2000, 192], strides = [1, 1]} : vector<2000x384xf32> to vector<2000x192xf32>
    %bitcast_convert_type3A_19 = tpu.bitcast %slice3A_18 : vector<2000x192xf32> -> vector<2000x192xi32>
    %add3A_20 = arith.constant 32767 : i32
    %add3A_21 = vector.broadcast %add3A_20 : i32 to vector<2000x192xi32>
    %add3A_22 = arith.addi %bitcast_convert_type3A_19, %add3A_21 : vector<2000x192xi32>
    %shift_right_arithmetic3A_23 = arith.constant 16 : i32
    %shift_right_arithmetic3A_24 = vector.broadcast %shift_right_arithmetic3A_23 : i32 to vector<2000x192xi32>
    %shift_right_arithmetic3A_25 = arith.shrsi %bitcast_convert_type3A_19, %shift_right_arithmetic3A_24 : vector<2000x192xi32>
    %and3A_26 = arith.constant 1 : i32
    %and3A_27 = vector.broadcast %and3A_26 : i32 to vector<2000x192xi32>
    %and3A_28 = arith.andi %shift_right_arithmetic3A_25, %and3A_27 : vector<2000x192xi32>
    %add3A_29 = arith.addi %add3A_22, %and3A_28 : vector<2000x192xi32>
    %shift_right_arithmetic3A_30 = arith.constant 16 : i32
    %shift_right_arithmetic3A_31 = vector.broadcast %shift_right_arithmetic3A_30 : i32 to vector<2000x192xi32>
    %shift_right_arithmetic3A_32 = arith.shrsi %add3A_17, %shift_right_arithmetic3A_31 : vector<2000x192xi32>
    %and3A_33 = arith.constant 65535 : i32
    %and3A_34 = vector.broadcast %and3A_33 : i32 to vector<2000x192xi32>
    %and3A_35 = arith.andi %shift_right_arithmetic3A_32, %and3A_34 : vector<2000x192xi32>
    %and3A_36 = arith.constant -65536 : i32
    %and3A_37 = vector.broadcast %and3A_36 : i32 to vector<2000x192xi32>
    %and3A_38 = arith.andi %add3A_29, %and3A_37 : vector<2000x192xi32>
    %or3A = arith.ori %and3A_35, %and3A_38 : vector<2000x192xi32>
    %swap3A = arith.constant 0 : index
    %swap3A_39 = arith.constant 0 : index
    %swap3A_40 = vector.load %arg4[%swap3A, %swap3A_39] : memref<2000x256xi32, #tpu.memory_space<vmem>>, vector<2000x192xi32>
    tpu.vector_store %arg4[%swap3A, %swap3A_39], %or3A {strides = array<i32>} : memref<2000x256xi32, #tpu.memory_space<vmem>>, vector<2000x192xi32>,
    %broadcast_in_dim3A = arith.constant 0 : i32
    %broadcast_in_dim3A_41 = vector.broadcast %broadcast_in_dim3A : i32 to vector<2000x64xi32>
    %swap3A_42 = arith.constant 0 : index
    %swap3A_43 = arith.constant 192 : index
    %swap3A_44 = vector.load %arg4[%swap3A_42, %swap3A_43] : memref<2000x256xi32, #tpu.memory_space<vmem>>, vector<2000x64xi32>
    tpu.vector_store %arg4[%swap3A_42, %swap3A_43], %broadcast_in_dim3A_41 {strides = array<i32>} : memref<2000x256xi32, #tpu.memory_space<vmem>>, vector<2000x64xi32>,
    %slice3A_45 = vector.extract_strided_slice %add3A_9 {offsets = [0, 0], sizes = [2000, 128], strides = [1, 1]} : vector<2000x384xf32> to vector<2000x128xf32>
    %logistic3A = arith.negf %slice3A_45 : vector<2000x128xf32>
    %logistic3A_46 = math.exp %logistic3A : vector<2000x128xf32>
    %logistic3A_47 = arith.constant 1.000000e+00 : f32
    %logistic3A_48 = vector.broadcast %logistic3A_47 : f32 to vector<2000x128xf32>
    %logistic3A_49 = arith.addf %logistic3A_48, %logistic3A_46 : vector<2000x128xf32>
    %logistic3A_50 = arith.divf %logistic3A_48, %logistic3A_49 : vector<2000x128xf32>
    %slice3A_51 = vector.extract_strided_slice %add3A_9 {offsets = [0, 256], sizes = [2000, 128], strides = [1, 1]} : vector<2000x384xf32> to vector<2000x128xf32>
    %tanh3A = math.tanh %slice3A_51 : vector<2000x128xf32>
    %mul3A = arith.mulf %logistic3A_50, %tanh3A : vector<2000x128xf32>
    %swap3A_52 = arith.constant 0 : index
    %swap3A_53 = arith.constant 0 : index
    %swap3A_54 = vector.load %arg5[%swap3A_52, %swap3A_53] : memref<2000x128xf32, #tpu.memory_space<vmem>>, vector<2000x128xf32>
    tpu.vector_store %arg5[%swap3A_52, %swap3A_53], %mul3A {strides = array<i32>} : memref<2000x128xf32, #tpu.memory_space<vmem>>, vector<2000x128xf32>,
    return
  }
  func.func @transform_0(%arg0: i32) -> (i32, i32) {
    %c0_i32 = arith.constant 0 : i32
    %c0_i32_0 = arith.constant 0 : i32
    return %arg0, %c0_i32 : i32, i32
  }
  func.func @transform_1(%arg0: i32) -> (i32, i32) {
    %c0_i32 = arith.constant 0 : i32
    %c0_i32_0 = arith.constant 0 : i32
    %c0_i32_1 = arith.constant 0 : i32
    return %c0_i32, %c0_i32_0 : i32, i32
  }
  func.func @transform_2(%arg0: i32) -> (i32, i32) {
    %c0_i32 = arith.constant 0 : i32
    %c0_i32_0 = arith.constant 0 : i32
    %c0_i32_1 = arith.constant 0 : i32
    return %c0_i32, %c0_i32_0 : i32, i32
  }
  func.func @transform_3(%arg0: i32) -> (i32, i32) {
    %c0_i32 = arith.constant 0 : i32
    %c0_i32_0 = arith.constant 0 : i32
    return %arg0, %c0_i32 : i32, i32
  }
  func.func @transform_4(%arg0: i32) -> (i32, i32) {
    %c0_i32 = arith.constant 0 : i32
    %c0_i32_0 = arith.constant 0 : i32
    return %arg0, %c0_i32 : i32, i32
  }
}

module attributes {stable_mosaic.version = 14 : i64} {
  func.func @body(%arg0: i32, %arg1: memref<2000x256xi32, #tpu.memory_space<vmem>>, %arg2: memref<4x2000x128xf32, #tpu.memory_space<vmem>>, %arg3: memref<128x128xf32, #tpu.memory_space<vmem>>, %arg4: memref<128x128xf32, #tpu.memory_space<vmem>>, %arg5: memref<1x128xf32, #tpu.memory_space<vmem>>, %arg6: memref<128x128xf32, #tpu.memory_space<vmem>>, %arg7: memref<2000x128xf32, #tpu.memory_space<vmem>>) attributes {dimension_semantics = [#tpu.dimension_semantics<arbitrary>], iteration_bounds = array<i64: 20>, scalar_prefetch = 0 : i64, scratch_operands = 0 : i64, tpu.core_type = #tpu.core_type<tc>, window_params = [{transform_indices = @transform_0, window_bounds = array<i64: 2000, 256>}, {transform_indices = @transform_1, window_bounds = array<i64: 4, 2000, 128>}, {pipeline_mode = #tpu.pipeline_mode<synchronous>, transform_indices = @transform_2, window_bounds = array<i64: 128, 128>}, {pipeline_mode = #tpu.pipeline_mode<synchronous>, transform_indices = @transform_3, window_bounds = array<i64: 128, 128>}, {pipeline_mode = #tpu.pipeline_mode<synchronous>, transform_indices = @transform_4, window_bounds = array<i64: 1, 128>}, {pipeline_mode = #tpu.pipeline_mode<synchronous>, transform_indices = @transform_5, window_bounds = array<i64: 128, 128>}, {transform_indices = @transform_6, window_bounds = array<i64: 2000, 128>}]} {
    %get3A = arith.constant 0 : index
    %get3A_0 = arith.constant 0 : index
    %get3A_1 = vector.load %arg1[%get3A, %get3A_0] : memref<2000x256xi32, #tpu.memory_space<vmem>>, vector<2000x192xi32>
    %shift_left3A = arith.constant 16 : i32
    %shift_left3A_2 = vector.broadcast %shift_left3A : i32 to vector<2000x192xi32>
    %shift_left3A_3 = arith.shli %get3A_1, %shift_left3A_2 : vector<2000x192xi32>
    %bitcast_convert_type3A = tpu.bitcast %shift_left3A_3 : vector<2000x192xi32> -> vector<2000x192xf32>
    %and3A = arith.constant -65536 : i32
    %and3A_4 = vector.broadcast %and3A : i32 to vector<2000x192xi32>
    %and3A_5 = arith.andi %get3A_1, %and3A_4 : vector<2000x192xi32>
    %bitcast_convert_type3A_6 = tpu.bitcast %and3A_5 : vector<2000x192xi32> -> vector<2000x192xf32>
    %concatenate3A = tpu.concatenate %bitcast_convert_type3A, %bitcast_convert_type3A_6 in 1 : vector<2000x192xf32>, vector<2000x192xf32> -> vector<2000x384xf32>
    %slice3A = vector.extract_strided_slice %concatenate3A {offsets = [0, 0], sizes = [2000, 128], strides = [1, 1]} : vector<2000x384xf32> to vector<2000x128xf32>
    %slice3A_7 = vector.extract_strided_slice %concatenate3A {offsets = [0, 128], sizes = [2000, 128], strides = [1, 1]} : vector<2000x384xf32> to vector<2000x128xf32>
    %slice3A_8 = vector.extract_strided_slice %concatenate3A {offsets = [0, 256], sizes = [2000, 128], strides = [1, 1]} : vector<2000x384xf32> to vector<2000x128xf32>
    %get3A_9 = arith.constant 0 : index
    %get3A_10 = arith.constant 0 : index
    %get3A_11 = arith.constant 0 : index
    %get3A_12 = vector.load %arg2[%get3A_9, %get3A_10, %get3A_11] : memref<4x2000x128xf32, #tpu.memory_space<vmem>>, vector<1x2000x128xf32>
    %get3A_13 = vector.shape_cast %get3A_12 : vector<1x2000x128xf32> to vector<2000x128xf32>
    %get3A_14 = arith.constant 1 : index
    %get3A_15 = arith.constant 0 : index
    %get3A_16 = arith.constant 0 : index
    %get3A_17 = vector.load %arg2[%get3A_14, %get3A_15, %get3A_16] : memref<4x2000x128xf32, #tpu.memory_space<vmem>>, vector<1x2000x128xf32>
    %get3A_18 = vector.shape_cast %get3A_17 : vector<1x2000x128xf32> to vector<2000x128xf32>
    %get3A_19 = arith.constant 2 : index
    %get3A_20 = arith.constant 0 : index
    %get3A_21 = arith.constant 0 : index
    %get3A_22 = vector.load %arg2[%get3A_19, %get3A_20, %get3A_21] : memref<4x2000x128xf32, #tpu.memory_space<vmem>>, vector<1x2000x128xf32>
    %get3A_23 = vector.shape_cast %get3A_22 : vector<1x2000x128xf32> to vector<2000x128xf32>
    %get3A_24 = arith.constant 3 : index
    %get3A_25 = arith.constant 0 : index
    %get3A_26 = arith.constant 0 : index
    %get3A_27 = vector.load %arg2[%get3A_24, %get3A_25, %get3A_26] : memref<4x2000x128xf32, #tpu.memory_space<vmem>>, vector<1x2000x128xf32>
    %get3A_28 = vector.shape_cast %get3A_27 : vector<1x2000x128xf32> to vector<2000x128xf32>
    %add3A = arith.addf %get3A_13, %get3A_18 : vector<2000x128xf32>
    %add3A_29 = arith.addf %get3A_23, %get3A_28 : vector<2000x128xf32>
    %add3A_30 = arith.addf %add3A, %add3A_29 : vector<2000x128xf32>
    %get3A_31 = arith.constant 0 : index
    %get3A_32 = arith.constant 0 : index
    %get3A_33 = vector.load %arg3[%get3A_31, %get3A_32] : memref<128x128xf32, #tpu.memory_space<vmem>>, vector<128x128xf32>
    %dot_general3A = arith.constant dense<0.000000e+00> : vector<2000x128xf32>
    %dot_general3A_34 = tpu.matmul %add3A_30, %get3A_33, %dot_general3A {dimension_numbers = #tpu.dot_dimension_numbers<[1], [0], [0], [1], [0, 0, 1, 1], [], []>, transpose_lhs_hint = false} : vector<2000x128xf32>, vector<128x128xf32>, vector<2000x128xf32> -> vector<2000x128xf32>
    %add3A_35 = arith.addf %slice3A, %dot_general3A_34 : vector<2000x128xf32>
    %logistic3A = arith.negf %add3A_35 : vector<2000x128xf32>
    %logistic3A_36 = math.exp %logistic3A : vector<2000x128xf32>
    %logistic3A_37 = arith.constant 1.000000e+00 : f32
    %logistic3A_38 = vector.broadcast %logistic3A_37 : f32 to vector<2000x128xf32>
    %logistic3A_39 = arith.addf %logistic3A_38, %logistic3A_36 : vector<2000x128xf32>
    %logistic3A_40 = arith.divf %logistic3A_38, %logistic3A_39 : vector<2000x128xf32>
    %get3A_41 = arith.constant 0 : index
    %get3A_42 = arith.constant 0 : index
    %get3A_43 = vector.load %arg4[%get3A_41, %get3A_42] : memref<128x128xf32, #tpu.memory_space<vmem>>, vector<128x128xf32>
    %get3A_44 = arith.constant 0 : index
    %get3A_45 = arith.constant 0 : index
    %get3A_46 = vector.load %arg5[%get3A_44, %get3A_45] : memref<1x128xf32, #tpu.memory_space<vmem>>, vector<1x128xf32>
    %broadcast_in_dim3A = arith.constant 0.000000e+00 : f32
    %broadcast_in_dim3A_47 = vector.broadcast %broadcast_in_dim3A : f32 to vector<2000x128xf32>
    %dot_general3A_48 = arith.constant dense<0.000000e+00> : vector<2000x128xf32>
    %dot_general3A_49 = tpu.matmul %get3A_13, %get3A_43, %dot_general3A_48 {dimension_numbers = #tpu.dot_dimension_numbers<[1], [0], [0], [1], [0, 0, 1, 1], [], []>, transpose_lhs_hint = false} : vector<2000x128xf32>, vector<128x128xf32>, vector<2000x128xf32> -> vector<2000x128xf32>
    %add3A_50 = arith.addf %slice3A_7, %dot_general3A_49 : vector<2000x128xf32>
    %add3A_51 = vector.broadcast %get3A_46 : vector<1x128xf32> to vector<2000x128xf32>
    %add3A_52 = arith.addf %add3A_50, %add3A_51 : vector<2000x128xf32>
    %logistic3A_53 = arith.negf %add3A_52 : vector<2000x128xf32>
    %logistic3A_54 = math.exp %logistic3A_53 : vector<2000x128xf32>
    %logistic3A_55 = arith.constant 1.000000e+00 : f32
    %logistic3A_56 = vector.broadcast %logistic3A_55 : f32 to vector<2000x128xf32>
    %logistic3A_57 = arith.addf %logistic3A_56, %logistic3A_54 : vector<2000x128xf32>
    %logistic3A_58 = arith.divf %logistic3A_56, %logistic3A_57 : vector<2000x128xf32>
    %mul3A = arith.mulf %logistic3A_58, %get3A_13 : vector<2000x128xf32>
    %add3A_59 = arith.addf %broadcast_in_dim3A_47, %mul3A : vector<2000x128xf32>
    %dot_general3A_60 = arith.constant dense<0.000000e+00> : vector<2000x128xf32>
    %dot_general3A_61 = tpu.matmul %get3A_18, %get3A_43, %dot_general3A_60 {dimension_numbers = #tpu.dot_dimension_numbers<[1], [0], [0], [1], [0, 0, 1, 1], [], []>, transpose_lhs_hint = false} : vector<2000x128xf32>, vector<128x128xf32>, vector<2000x128xf32> -> vector<2000x128xf32>
    %add3A_62 = arith.addf %slice3A_7, %dot_general3A_61 : vector<2000x128xf32>
    %add3A_63 = vector.broadcast %get3A_46 : vector<1x128xf32> to vector<2000x128xf32>
    %add3A_64 = arith.addf %add3A_62, %add3A_63 : vector<2000x128xf32>
    %logistic3A_65 = arith.negf %add3A_64 : vector<2000x128xf32>
    %logistic3A_66 = math.exp %logistic3A_65 : vector<2000x128xf32>
    %logistic3A_67 = arith.constant 1.000000e+00 : f32
    %logistic3A_68 = vector.broadcast %logistic3A_67 : f32 to vector<2000x128xf32>
    %logistic3A_69 = arith.addf %logistic3A_68, %logistic3A_66 : vector<2000x128xf32>
    %logistic3A_70 = arith.divf %logistic3A_68, %logistic3A_69 : vector<2000x128xf32>
    %mul3A_71 = arith.mulf %logistic3A_70, %get3A_18 : vector<2000x128xf32>
    %add3A_72 = arith.addf %add3A_59, %mul3A_71 : vector<2000x128xf32>
    %dot_general3A_73 = arith.constant dense<0.000000e+00> : vector<2000x128xf32>
    %dot_general3A_74 = tpu.matmul %get3A_23, %get3A_43, %dot_general3A_73 {dimension_numbers = #tpu.dot_dimension_numbers<[1], [0], [0], [1], [0, 0, 1, 1], [], []>, transpose_lhs_hint = false} : vector<2000x128xf32>, vector<128x128xf32>, vector<2000x128xf32> -> vector<2000x128xf32>
    %add3A_75 = arith.addf %slice3A_7, %dot_general3A_74 : vector<2000x128xf32>
    %add3A_76 = vector.broadcast %get3A_46 : vector<1x128xf32> to vector<2000x128xf32>
    %add3A_77 = arith.addf %add3A_75, %add3A_76 : vector<2000x128xf32>
    %logistic3A_78 = arith.negf %add3A_77 : vector<2000x128xf32>
    %logistic3A_79 = math.exp %logistic3A_78 : vector<2000x128xf32>
    %logistic3A_80 = arith.constant 1.000000e+00 : f32
    %logistic3A_81 = vector.broadcast %logistic3A_80 : f32 to vector<2000x128xf32>
    %logistic3A_82 = arith.addf %logistic3A_81, %logistic3A_79 : vector<2000x128xf32>
    %logistic3A_83 = arith.divf %logistic3A_81, %logistic3A_82 : vector<2000x128xf32>
    %mul3A_84 = arith.mulf %logistic3A_83, %get3A_23 : vector<2000x128xf32>
    %add3A_85 = arith.addf %add3A_72, %mul3A_84 : vector<2000x128xf32>
    %dot_general3A_86 = arith.constant dense<0.000000e+00> : vector<2000x128xf32>
    %dot_general3A_87 = tpu.matmul %get3A_28, %get3A_43, %dot_general3A_86 {dimension_numbers = #tpu.dot_dimension_numbers<[1], [0], [0], [1], [0, 0, 1, 1], [], []>, transpose_lhs_hint = false} : vector<2000x128xf32>, vector<128x128xf32>, vector<2000x128xf32> -> vector<2000x128xf32>
    %add3A_88 = arith.addf %slice3A_7, %dot_general3A_87 : vector<2000x128xf32>
    %add3A_89 = vector.broadcast %get3A_46 : vector<1x128xf32> to vector<2000x128xf32>
    %add3A_90 = arith.addf %add3A_88, %add3A_89 : vector<2000x128xf32>
    %logistic3A_91 = arith.negf %add3A_90 : vector<2000x128xf32>
    %logistic3A_92 = math.exp %logistic3A_91 : vector<2000x128xf32>
    %logistic3A_93 = arith.constant 1.000000e+00 : f32
    %logistic3A_94 = vector.broadcast %logistic3A_93 : f32 to vector<2000x128xf32>
    %logistic3A_95 = arith.addf %logistic3A_94, %logistic3A_92 : vector<2000x128xf32>
    %logistic3A_96 = arith.divf %logistic3A_94, %logistic3A_95 : vector<2000x128xf32>
    %mul3A_97 = arith.mulf %logistic3A_96, %get3A_28 : vector<2000x128xf32>
    %add3A_98 = arith.addf %add3A_85, %mul3A_97 : vector<2000x128xf32>
    %get3A_99 = arith.constant 0 : index
    %get3A_100 = arith.constant 0 : index
    %get3A_101 = vector.load %arg6[%get3A_99, %get3A_100] : memref<128x128xf32, #tpu.memory_space<vmem>>, vector<128x128xf32>
    %dot_general3A_102 = arith.constant dense<0.000000e+00> : vector<2000x128xf32>
    %dot_general3A_103 = tpu.matmul %add3A_98, %get3A_101, %dot_general3A_102 {dimension_numbers = #tpu.dot_dimension_numbers<[1], [0], [0], [1], [0, 0, 1, 1], [], []>, transpose_lhs_hint = false} : vector<2000x128xf32>, vector<128x128xf32>, vector<2000x128xf32> -> vector<2000x128xf32>
    %add3A_104 = arith.addf %slice3A_8, %dot_general3A_103 : vector<2000x128xf32>
    %tanh3A = math.tanh %add3A_104 : vector<2000x128xf32>
    %sub3A = arith.subf %tanh3A, %add3A_30 : vector<2000x128xf32>
    %mul3A_105 = arith.mulf %logistic3A_40, %sub3A : vector<2000x128xf32>
    %add3A_106 = arith.addf %add3A_30, %mul3A_105 : vector<2000x128xf32>
    %iota3A = tpu.iota {dimensions = array<i32: 0>} : vector<2000x128xi32>
    %add3A_107 = arith.constant 0 : i32
    %add3A_108 = arith.addi %arg0, %add3A_107 : i32
    %mul3A_109 = arith.constant 2000 : i32
    %mul3A_110 = arith.muli %add3A_108, %mul3A_109 : i32
    %add3A_111 = vector.broadcast %mul3A_110 : i32 to vector<2000x128xi32>
    %add3A_112 = arith.addi %iota3A, %add3A_111 : vector<2000x128xi32>
    %eq3A = arith.constant 0 : i32
    %eq3A_113 = vector.broadcast %eq3A : i32 to vector<2000x128xi32>
    %eq3A_114 = arith.cmpi eq, %add3A_112, %eq3A_113 : vector<2000x128xi32>
    %jit3A = arith.constant 0.000000e+00 : f32
    %broadcast_in_dim3A_115 = vector.broadcast %jit3A : f32 to vector<2000x128xf32>
    %select_n3A = arith.select %eq3A_114, %broadcast_in_dim3A_115, %add3A_106 : vector<2000x128xi1>, vector<2000x128xf32>
    %swap3A = arith.constant 0 : index
    %swap3A_116 = arith.constant 0 : index
    %swap3A_117 = vector.load %arg7[%swap3A, %swap3A_116] : memref<2000x128xf32, #tpu.memory_space<vmem>>, vector<2000x128xf32>
    tpu.vector_store %arg7[%swap3A, %swap3A_116], %select_n3A {strides = array<i32>} : memref<2000x128xf32, #tpu.memory_space<vmem>>, vector<2000x128xf32>,
    return
  }
  func.func @transform_0(%arg0: i32) -> (i32, i32) {
    %add3A = arith.constant 0 : i32
    %add3A_0 = arith.addi %arg0, %add3A : i32
    %c0_i32 = arith.constant 0 : i32
    %c0_i32_1 = arith.constant 0 : i32
    return %add3A_0, %c0_i32 : i32, i32
  }
  func.func @transform_1(%arg0: i32) -> (i32, i32, i32) {
    %c0_i32 = arith.constant 0 : i32
    %c0_i32_0 = arith.constant 0 : i32
    %c0_i32_1 = arith.constant 0 : i32
    return %c0_i32, %arg0, %c0_i32_0 : i32, i32, i32
  }
  func.func @transform_2(%arg0: i32) -> (i32, i32) {
    %c0_i32 = arith.constant 0 : i32
    %c0_i32_0 = arith.constant 0 : i32
    %c0_i32_1 = arith.constant 0 : i32
    return %c0_i32, %c0_i32_0 : i32, i32
  }
  func.func @transform_3(%arg0: i32) -> (i32, i32) {
    %c0_i32 = arith.constant 0 : i32
    %c0_i32_0 = arith.constant 0 : i32
    %c0_i32_1 = arith.constant 0 : i32
    return %c0_i32, %c0_i32_0 : i32, i32
  }
  func.func @transform_4(%arg0: i32) -> (i32, i32) {
    %c0_i32 = arith.constant 0 : i32
    %c0_i32_0 = arith.constant 0 : i32
    %c0_i32_1 = arith.constant 0 : i32
    return %c0_i32, %c0_i32_0 : i32, i32
  }
  func.func @transform_5(%arg0: i32) -> (i32, i32) {
    %c0_i32 = arith.constant 0 : i32
    %c0_i32_0 = arith.constant 0 : i32
    %c0_i32_1 = arith.constant 0 : i32
    return %c0_i32, %c0_i32_0 : i32, i32
  }
  func.func @transform_6(%arg0: i32) -> (i32, i32) {
    %add3A = arith.constant 0 : i32
    %add3A_0 = arith.addi %arg0, %add3A : i32
    %c0_i32 = arith.constant 0 : i32
    %c0_i32_1 = arith.constant 0 : i32
    return %add3A_0, %c0_i32 : i32, i32
  }
}

module attributes {stable_mosaic.version = 14 : i64} {
  func.func @body(%arg0: i32, %arg1: memref<8x128xf32, #tpu.memory_space<vmem>>, %arg2: memref<2000x256xi32, #tpu.memory_space<vmem>>, %arg3: memref<4x2000x128xf32, #tpu.memory_space<vmem>>, %arg4: memref<128x128xf32, #tpu.memory_space<vmem>>, %arg5: memref<128x128xf32, #tpu.memory_space<vmem>>, %arg6: memref<1x128xf32, #tpu.memory_space<vmem>>, %arg7: memref<128x128xf32, #tpu.memory_space<vmem>>, %arg8: memref<2000x128xf32, #tpu.memory_space<vmem>>) attributes {dimension_semantics = [#tpu.dimension_semantics<arbitrary>], iteration_bounds = array<i64: 20>, scalar_prefetch = 0 : i64, scratch_operands = 0 : i64, tpu.core_type = #tpu.core_type<tc>, window_params = [{transform_indices = @transform_0, window_bounds = array<i64: 8, 128>}, {transform_indices = @transform_1, window_bounds = array<i64: 2000, 256>}, {transform_indices = @transform_2, window_bounds = array<i64: 4, 2000, 128>}, {pipeline_mode = #tpu.pipeline_mode<synchronous>, transform_indices = @transform_3, window_bounds = array<i64: 128, 128>}, {pipeline_mode = #tpu.pipeline_mode<synchronous>, transform_indices = @transform_4, window_bounds = array<i64: 128, 128>}, {pipeline_mode = #tpu.pipeline_mode<synchronous>, transform_indices = @transform_5, window_bounds = array<i64: 1, 128>}, {pipeline_mode = #tpu.pipeline_mode<synchronous>, transform_indices = @transform_6, window_bounds = array<i64: 128, 128>}, {transform_indices = @transform_7, window_bounds = array<i64: 2000, 128>}]} {
    %get3A = arith.constant 0 : index
    %get3A_0 = arith.constant 0 : index
    %get3A_1 = vector.load %arg2[%get3A, %get3A_0] : memref<2000x256xi32, #tpu.memory_space<vmem>>, vector<2000x192xi32>
    %shift_left3A = arith.constant 16 : i32
    %shift_left3A_2 = vector.broadcast %shift_left3A : i32 to vector<2000x192xi32>
    %shift_left3A_3 = arith.shli %get3A_1, %shift_left3A_2 : vector<2000x192xi32>
    %bitcast_convert_type3A = tpu.bitcast %shift_left3A_3 : vector<2000x192xi32> -> vector<2000x192xf32>
    %and3A = arith.constant -65536 : i32
    %and3A_4 = vector.broadcast %and3A : i32 to vector<2000x192xi32>
    %and3A_5 = arith.andi %get3A_1, %and3A_4 : vector<2000x192xi32>
    %bitcast_convert_type3A_6 = tpu.bitcast %and3A_5 : vector<2000x192xi32> -> vector<2000x192xf32>
    %concatenate3A = tpu.concatenate %bitcast_convert_type3A, %bitcast_convert_type3A_6 in 1 : vector<2000x192xf32>, vector<2000x192xf32> -> vector<2000x384xf32>
    %slice3A = vector.extract_strided_slice %concatenate3A {offsets = [0, 0], sizes = [2000, 128], strides = [1, 1]} : vector<2000x384xf32> to vector<2000x128xf32>
    %slice3A_7 = vector.extract_strided_slice %concatenate3A {offsets = [0, 128], sizes = [2000, 128], strides = [1, 1]} : vector<2000x384xf32> to vector<2000x128xf32>
    %slice3A_8 = vector.extract_strided_slice %concatenate3A {offsets = [0, 256], sizes = [2000, 128], strides = [1, 1]} : vector<2000x384xf32> to vector<2000x128xf32>
    %get3A_9 = arith.constant 0 : index
    %get3A_10 = arith.constant 0 : index
    %get3A_11 = arith.constant 0 : index
    %get3A_12 = vector.load %arg3[%get3A_9, %get3A_10, %get3A_11] : memref<4x2000x128xf32, #tpu.memory_space<vmem>>, vector<1x2000x128xf32>
    %get3A_13 = vector.shape_cast %get3A_12 : vector<1x2000x128xf32> to vector<2000x128xf32>
    %get3A_14 = arith.constant 1 : index
    %get3A_15 = arith.constant 0 : index
    %get3A_16 = arith.constant 0 : index
    %get3A_17 = vector.load %arg3[%get3A_14, %get3A_15, %get3A_16] : memref<4x2000x128xf32, #tpu.memory_space<vmem>>, vector<1x2000x128xf32>
    %get3A_18 = vector.shape_cast %get3A_17 : vector<1x2000x128xf32> to vector<2000x128xf32>
    %get3A_19 = arith.constant 2 : index
    %get3A_20 = arith.constant 0 : index
    %get3A_21 = arith.constant 0 : index
    %get3A_22 = vector.load %arg3[%get3A_19, %get3A_20, %get3A_21] : memref<4x2000x128xf32, #tpu.memory_space<vmem>>, vector<1x2000x128xf32>
    %get3A_23 = vector.shape_cast %get3A_22 : vector<1x2000x128xf32> to vector<2000x128xf32>
    %get3A_24 = arith.constant 3 : index
    %get3A_25 = arith.constant 0 : index
    %get3A_26 = arith.constant 0 : index
    %get3A_27 = vector.load %arg3[%get3A_24, %get3A_25, %get3A_26] : memref<4x2000x128xf32, #tpu.memory_space<vmem>>, vector<1x2000x128xf32>
    %get3A_28 = vector.shape_cast %get3A_27 : vector<1x2000x128xf32> to vector<2000x128xf32>
    %add3A = arith.addf %get3A_13, %get3A_18 : vector<2000x128xf32>
    %add3A_29 = arith.addf %get3A_23, %get3A_28 : vector<2000x128xf32>
    %add3A_30 = arith.addf %add3A, %add3A_29 : vector<2000x128xf32>
    %get3A_31 = arith.constant 0 : index
    %get3A_32 = arith.constant 0 : index
    %get3A_33 = vector.load %arg4[%get3A_31, %get3A_32] : memref<128x128xf32, #tpu.memory_space<vmem>>, vector<128x128xf32>
    %dot_general3A = arith.constant dense<0.000000e+00> : vector<2000x128xf32>
    %dot_general3A_34 = tpu.matmul %add3A_30, %get3A_33, %dot_general3A {dimension_numbers = #tpu.dot_dimension_numbers<[1], [0], [0], [1], [0, 0, 1, 1], [], []>, transpose_lhs_hint = false} : vector<2000x128xf32>, vector<128x128xf32>, vector<2000x128xf32> -> vector<2000x128xf32>
    %add3A_35 = arith.addf %slice3A, %dot_general3A_34 : vector<2000x128xf32>
    %logistic3A = arith.negf %add3A_35 : vector<2000x128xf32>
    %logistic3A_36 = math.exp %logistic3A : vector<2000x128xf32>
    %logistic3A_37 = arith.constant 1.000000e+00 : f32
    %logistic3A_38 = vector.broadcast %logistic3A_37 : f32 to vector<2000x128xf32>
    %logistic3A_39 = arith.addf %logistic3A_38, %logistic3A_36 : vector<2000x128xf32>
    %logistic3A_40 = arith.divf %logistic3A_38, %logistic3A_39 : vector<2000x128xf32>
    %get3A_41 = arith.constant 0 : index
    %get3A_42 = arith.constant 0 : index
    %get3A_43 = vector.load %arg5[%get3A_41, %get3A_42] : memref<128x128xf32, #tpu.memory_space<vmem>>, vector<128x128xf32>
    %get3A_44 = arith.constant 0 : index
    %get3A_45 = arith.constant 0 : index
    %get3A_46 = vector.load %arg6[%get3A_44, %get3A_45] : memref<1x128xf32, #tpu.memory_space<vmem>>, vector<1x128xf32>
    %broadcast_in_dim3A = arith.constant 0.000000e+00 : f32
    %broadcast_in_dim3A_47 = vector.broadcast %broadcast_in_dim3A : f32 to vector<2000x128xf32>
    %dot_general3A_48 = arith.constant dense<0.000000e+00> : vector<2000x128xf32>
    %dot_general3A_49 = tpu.matmul %get3A_13, %get3A_43, %dot_general3A_48 {dimension_numbers = #tpu.dot_dimension_numbers<[1], [0], [0], [1], [0, 0, 1, 1], [], []>, transpose_lhs_hint = false} : vector<2000x128xf32>, vector<128x128xf32>, vector<2000x128xf32> -> vector<2000x128xf32>
    %add3A_50 = arith.addf %slice3A_7, %dot_general3A_49 : vector<2000x128xf32>
    %add3A_51 = vector.broadcast %get3A_46 : vector<1x128xf32> to vector<2000x128xf32>
    %add3A_52 = arith.addf %add3A_50, %add3A_51 : vector<2000x128xf32>
    %logistic3A_53 = arith.negf %add3A_52 : vector<2000x128xf32>
    %logistic3A_54 = math.exp %logistic3A_53 : vector<2000x128xf32>
    %logistic3A_55 = arith.constant 1.000000e+00 : f32
    %logistic3A_56 = vector.broadcast %logistic3A_55 : f32 to vector<2000x128xf32>
    %logistic3A_57 = arith.addf %logistic3A_56, %logistic3A_54 : vector<2000x128xf32>
    %logistic3A_58 = arith.divf %logistic3A_56, %logistic3A_57 : vector<2000x128xf32>
    %mul3A = arith.mulf %logistic3A_58, %get3A_13 : vector<2000x128xf32>
    %add3A_59 = arith.addf %broadcast_in_dim3A_47, %mul3A : vector<2000x128xf32>
    %dot_general3A_60 = arith.constant dense<0.000000e+00> : vector<2000x128xf32>
    %dot_general3A_61 = tpu.matmul %get3A_18, %get3A_43, %dot_general3A_60 {dimension_numbers = #tpu.dot_dimension_numbers<[1], [0], [0], [1], [0, 0, 1, 1], [], []>, transpose_lhs_hint = false} : vector<2000x128xf32>, vector<128x128xf32>, vector<2000x128xf32> -> vector<2000x128xf32>
    %add3A_62 = arith.addf %slice3A_7, %dot_general3A_61 : vector<2000x128xf32>
    %add3A_63 = vector.broadcast %get3A_46 : vector<1x128xf32> to vector<2000x128xf32>
    %add3A_64 = arith.addf %add3A_62, %add3A_63 : vector<2000x128xf32>
    %logistic3A_65 = arith.negf %add3A_64 : vector<2000x128xf32>
    %logistic3A_66 = math.exp %logistic3A_65 : vector<2000x128xf32>
    %logistic3A_67 = arith.constant 1.000000e+00 : f32
    %logistic3A_68 = vector.broadcast %logistic3A_67 : f32 to vector<2000x128xf32>
    %logistic3A_69 = arith.addf %logistic3A_68, %logistic3A_66 : vector<2000x128xf32>
    %logistic3A_70 = arith.divf %logistic3A_68, %logistic3A_69 : vector<2000x128xf32>
    %mul3A_71 = arith.mulf %logistic3A_70, %get3A_18 : vector<2000x128xf32>
    %add3A_72 = arith.addf %add3A_59, %mul3A_71 : vector<2000x128xf32>
    %dot_general3A_73 = arith.constant dense<0.000000e+00> : vector<2000x128xf32>
    %dot_general3A_74 = tpu.matmul %get3A_23, %get3A_43, %dot_general3A_73 {dimension_numbers = #tpu.dot_dimension_numbers<[1], [0], [0], [1], [0, 0, 1, 1], [], []>, transpose_lhs_hint = false} : vector<2000x128xf32>, vector<128x128xf32>, vector<2000x128xf32> -> vector<2000x128xf32>
    %add3A_75 = arith.addf %slice3A_7, %dot_general3A_74 : vector<2000x128xf32>
    %add3A_76 = vector.broadcast %get3A_46 : vector<1x128xf32> to vector<2000x128xf32>
    %add3A_77 = arith.addf %add3A_75, %add3A_76 : vector<2000x128xf32>
    %logistic3A_78 = arith.negf %add3A_77 : vector<2000x128xf32>
    %logistic3A_79 = math.exp %logistic3A_78 : vector<2000x128xf32>
    %logistic3A_80 = arith.constant 1.000000e+00 : f32
    %logistic3A_81 = vector.broadcast %logistic3A_80 : f32 to vector<2000x128xf32>
    %logistic3A_82 = arith.addf %logistic3A_81, %logistic3A_79 : vector<2000x128xf32>
    %logistic3A_83 = arith.divf %logistic3A_81, %logistic3A_82 : vector<2000x128xf32>
    %mul3A_84 = arith.mulf %logistic3A_83, %get3A_23 : vector<2000x128xf32>
    %add3A_85 = arith.addf %add3A_72, %mul3A_84 : vector<2000x128xf32>
    %dot_general3A_86 = arith.constant dense<0.000000e+00> : vector<2000x128xf32>
    %dot_general3A_87 = tpu.matmul %get3A_28, %get3A_43, %dot_general3A_86 {dimension_numbers = #tpu.dot_dimension_numbers<[1], [0], [0], [1], [0, 0, 1, 1], [], []>, transpose_lhs_hint = false} : vector<2000x128xf32>, vector<128x128xf32>, vector<2000x128xf32> -> vector<2000x128xf32>
    %add3A_88 = arith.addf %slice3A_7, %dot_general3A_87 : vector<2000x128xf32>
    %add3A_89 = vector.broadcast %get3A_46 : vector<1x128xf32> to vector<2000x128xf32>
    %add3A_90 = arith.addf %add3A_88, %add3A_89 : vector<2000x128xf32>
    %logistic3A_91 = arith.negf %add3A_90 : vector<2000x128xf32>
    %logistic3A_92 = math.exp %logistic3A_91 : vector<2000x128xf32>
    %logistic3A_93 = arith.constant 1.000000e+00 : f32
    %logistic3A_94 = vector.broadcast %logistic3A_93 : f32 to vector<2000x128xf32>
    %logistic3A_95 = arith.addf %logistic3A_94, %logistic3A_92 : vector<2000x128xf32>
    %logistic3A_96 = arith.divf %logistic3A_94, %logistic3A_95 : vector<2000x128xf32>
    %mul3A_97 = arith.mulf %logistic3A_96, %get3A_28 : vector<2000x128xf32>
    %add3A_98 = arith.addf %add3A_85, %mul3A_97 : vector<2000x128xf32>
    %get3A_99 = arith.constant 0 : index
    %get3A_100 = arith.constant 0 : index
    %get3A_101 = vector.load %arg7[%get3A_99, %get3A_100] : memref<128x128xf32, #tpu.memory_space<vmem>>, vector<128x128xf32>
    %dot_general3A_102 = arith.constant dense<0.000000e+00> : vector<2000x128xf32>
    %dot_general3A_103 = tpu.matmul %add3A_98, %get3A_101, %dot_general3A_102 {dimension_numbers = #tpu.dot_dimension_numbers<[1], [0], [0], [1], [0, 0, 1, 1], [], []>, transpose_lhs_hint = false} : vector<2000x128xf32>, vector<128x128xf32>, vector<2000x128xf32> -> vector<2000x128xf32>
    %add3A_104 = arith.addf %slice3A_8, %dot_general3A_103 : vector<2000x128xf32>
    %tanh3A = math.tanh %add3A_104 : vector<2000x128xf32>
    %sub3A = arith.subf %tanh3A, %add3A_30 : vector<2000x128xf32>
    %mul3A_105 = arith.mulf %logistic3A_40, %sub3A : vector<2000x128xf32>
    %add3A_106 = arith.addf %add3A_30, %mul3A_105 : vector<2000x128xf32>
    %iota3A = tpu.iota {dimensions = array<i32: 0>} : vector<2000x128xi32>
    %add3A_107 = arith.constant 20 : i32
    %add3A_108 = arith.addi %arg0, %add3A_107 : i32
    %mul3A_109 = arith.constant 2000 : i32
    %mul3A_110 = arith.muli %add3A_108, %mul3A_109 : i32
    %add3A_111 = vector.broadcast %mul3A_110 : i32 to vector<2000x128xi32>
    %add3A_112 = arith.addi %iota3A, %add3A_111 : vector<2000x128xi32>
    %eq3A = arith.constant 0 : i32
    %eq3A_113 = vector.broadcast %eq3A : i32 to vector<2000x128xi32>
    %eq3A_114 = arith.cmpi eq, %add3A_112, %eq3A_113 : vector<2000x128xi32>
    %jit3A = arith.constant 0.000000e+00 : f32
    %broadcast_in_dim3A_115 = vector.broadcast %jit3A : f32 to vector<2000x128xf32>
    %select_n3A = arith.select %eq3A_114, %broadcast_in_dim3A_115, %add3A_106 : vector<2000x128xi1>, vector<2000x128xf32>
    %swap3A = arith.constant 0 : index
    %swap3A_116 = arith.constant 0 : index
    %swap3A_117 = vector.load %arg8[%swap3A, %swap3A_116] : memref<2000x128xf32, #tpu.memory_space<vmem>>, vector<2000x128xf32>
    tpu.vector_store %arg8[%swap3A, %swap3A_116], %select_n3A {strides = array<i32>} : memref<2000x128xf32, #tpu.memory_space<vmem>>, vector<2000x128xf32>,
    return
  }
  func.func @transform_0(%arg0: i32) -> (i32, i32) {
    %c0_i32 = arith.constant 0 : i32
    %c0_i32_0 = arith.constant 0 : i32
    %c0_i32_1 = arith.constant 0 : i32
    return %c0_i32, %c0_i32_0 : i32, i32
  }
  func.func @transform_1(%arg0: i32) -> (i32, i32) {
    %add3A = arith.constant 20 : i32
    %add3A_0 = arith.addi %arg0, %add3A : i32
    %c0_i32 = arith.constant 0 : i32
    %c0_i32_1 = arith.constant 0 : i32
    return %add3A_0, %c0_i32 : i32, i32
  }
  func.func @transform_2(%arg0: i32) -> (i32, i32, i32) {
    %c0_i32 = arith.constant 0 : i32
    %c0_i32_0 = arith.constant 0 : i32
    %c0_i32_1 = arith.constant 0 : i32
    return %c0_i32, %arg0, %c0_i32_0 : i32, i32, i32
  }
  func.func @transform_3(%arg0: i32) -> (i32, i32) {
    %c0_i32 = arith.constant 0 : i32
    %c0_i32_0 = arith.constant 0 : i32
    %c0_i32_1 = arith.constant 0 : i32
    return %c0_i32, %c0_i32_0 : i32, i32
  }
  func.func @transform_4(%arg0: i32) -> (i32, i32) {
    %c0_i32 = arith.constant 0 : i32
    %c0_i32_0 = arith.constant 0 : i32
    %c0_i32_1 = arith.constant 0 : i32
    return %c0_i32, %c0_i32_0 : i32, i32
  }
  func.func @transform_5(%arg0: i32) -> (i32, i32) {
    %c0_i32 = arith.constant 0 : i32
    %c0_i32_0 = arith.constant 0 : i32
    %c0_i32_1 = arith.constant 0 : i32
    return %c0_i32, %c0_i32_0 : i32, i32
  }
  func.func @transform_6(%arg0: i32) -> (i32, i32) {
    %c0_i32 = arith.constant 0 : i32
    %c0_i32_0 = arith.constant 0 : i32
    %c0_i32_1 = arith.constant 0 : i32
    return %c0_i32, %c0_i32_0 : i32, i32
  }
  func.func @transform_7(%arg0: i32) -> (i32, i32) {
    %add3A = arith.constant 20 : i32
    %add3A_0 = arith.addi %arg0, %add3A : i32
    %c0_i32 = arith.constant 0 : i32
    %c0_i32_1 = arith.constant 0 : i32
    return %add3A_0, %c0_i32 : i32, i32
  }
}

module attributes {stable_mosaic.version = 14 : i64} {
  func.func @body(%arg0: i32, %arg1: memref<8x128xf32, #tpu.memory_space<vmem>>, %arg2: memref<2000x256xi32, #tpu.memory_space<vmem>>, %arg3: memref<4x2000x128xf32, #tpu.memory_space<vmem>>, %arg4: memref<128x128xf32, #tpu.memory_space<vmem>>, %arg5: memref<128x128xf32, #tpu.memory_space<vmem>>, %arg6: memref<1x128xf32, #tpu.memory_space<vmem>>, %arg7: memref<128x128xf32, #tpu.memory_space<vmem>>, %arg8: memref<2000x128xf32, #tpu.memory_space<vmem>>) attributes {dimension_semantics = [#tpu.dimension_semantics<arbitrary>], iteration_bounds = array<i64: 20>, scalar_prefetch = 0 : i64, scratch_operands = 0 : i64, tpu.core_type = #tpu.core_type<tc>, window_params = [{transform_indices = @transform_0, window_bounds = array<i64: 8, 128>}, {transform_indices = @transform_1, window_bounds = array<i64: 2000, 256>}, {transform_indices = @transform_2, window_bounds = array<i64: 4, 2000, 128>}, {pipeline_mode = #tpu.pipeline_mode<synchronous>, transform_indices = @transform_3, window_bounds = array<i64: 128, 128>}, {pipeline_mode = #tpu.pipeline_mode<synchronous>, transform_indices = @transform_4, window_bounds = array<i64: 128, 128>}, {pipeline_mode = #tpu.pipeline_mode<synchronous>, transform_indices = @transform_5, window_bounds = array<i64: 1, 128>}, {pipeline_mode = #tpu.pipeline_mode<synchronous>, transform_indices = @transform_6, window_bounds = array<i64: 128, 128>}, {transform_indices = @transform_7, window_bounds = array<i64: 2000, 128>}]} {
    %get3A = arith.constant 0 : index
    %get3A_0 = arith.constant 0 : index
    %get3A_1 = vector.load %arg2[%get3A, %get3A_0] : memref<2000x256xi32, #tpu.memory_space<vmem>>, vector<2000x192xi32>
    %shift_left3A = arith.constant 16 : i32
    %shift_left3A_2 = vector.broadcast %shift_left3A : i32 to vector<2000x192xi32>
    %shift_left3A_3 = arith.shli %get3A_1, %shift_left3A_2 : vector<2000x192xi32>
    %bitcast_convert_type3A = tpu.bitcast %shift_left3A_3 : vector<2000x192xi32> -> vector<2000x192xf32>
    %and3A = arith.constant -65536 : i32
    %and3A_4 = vector.broadcast %and3A : i32 to vector<2000x192xi32>
    %and3A_5 = arith.andi %get3A_1, %and3A_4 : vector<2000x192xi32>
    %bitcast_convert_type3A_6 = tpu.bitcast %and3A_5 : vector<2000x192xi32> -> vector<2000x192xf32>
    %concatenate3A = tpu.concatenate %bitcast_convert_type3A, %bitcast_convert_type3A_6 in 1 : vector<2000x192xf32>, vector<2000x192xf32> -> vector<2000x384xf32>
    %slice3A = vector.extract_strided_slice %concatenate3A {offsets = [0, 0], sizes = [2000, 128], strides = [1, 1]} : vector<2000x384xf32> to vector<2000x128xf32>
    %slice3A_7 = vector.extract_strided_slice %concatenate3A {offsets = [0, 128], sizes = [2000, 128], strides = [1, 1]} : vector<2000x384xf32> to vector<2000x128xf32>
    %slice3A_8 = vector.extract_strided_slice %concatenate3A {offsets = [0, 256], sizes = [2000, 128], strides = [1, 1]} : vector<2000x384xf32> to vector<2000x128xf32>
    %get3A_9 = arith.constant 0 : index
    %get3A_10 = arith.constant 0 : index
    %get3A_11 = arith.constant 0 : index
    %get3A_12 = vector.load %arg3[%get3A_9, %get3A_10, %get3A_11] : memref<4x2000x128xf32, #tpu.memory_space<vmem>>, vector<1x2000x128xf32>
    %get3A_13 = vector.shape_cast %get3A_12 : vector<1x2000x128xf32> to vector<2000x128xf32>
    %get3A_14 = arith.constant 1 : index
    %get3A_15 = arith.constant 0 : index
    %get3A_16 = arith.constant 0 : index
    %get3A_17 = vector.load %arg3[%get3A_14, %get3A_15, %get3A_16] : memref<4x2000x128xf32, #tpu.memory_space<vmem>>, vector<1x2000x128xf32>
    %get3A_18 = vector.shape_cast %get3A_17 : vector<1x2000x128xf32> to vector<2000x128xf32>
    %get3A_19 = arith.constant 2 : index
    %get3A_20 = arith.constant 0 : index
    %get3A_21 = arith.constant 0 : index
    %get3A_22 = vector.load %arg3[%get3A_19, %get3A_20, %get3A_21] : memref<4x2000x128xf32, #tpu.memory_space<vmem>>, vector<1x2000x128xf32>
    %get3A_23 = vector.shape_cast %get3A_22 : vector<1x2000x128xf32> to vector<2000x128xf32>
    %get3A_24 = arith.constant 3 : index
    %get3A_25 = arith.constant 0 : index
    %get3A_26 = arith.constant 0 : index
    %get3A_27 = vector.load %arg3[%get3A_24, %get3A_25, %get3A_26] : memref<4x2000x128xf32, #tpu.memory_space<vmem>>, vector<1x2000x128xf32>
    %get3A_28 = vector.shape_cast %get3A_27 : vector<1x2000x128xf32> to vector<2000x128xf32>
    %add3A = arith.addf %get3A_13, %get3A_18 : vector<2000x128xf32>
    %add3A_29 = arith.addf %get3A_23, %get3A_28 : vector<2000x128xf32>
    %add3A_30 = arith.addf %add3A, %add3A_29 : vector<2000x128xf32>
    %get3A_31 = arith.constant 0 : index
    %get3A_32 = arith.constant 0 : index
    %get3A_33 = vector.load %arg4[%get3A_31, %get3A_32] : memref<128x128xf32, #tpu.memory_space<vmem>>, vector<128x128xf32>
    %dot_general3A = arith.constant dense<0.000000e+00> : vector<2000x128xf32>
    %dot_general3A_34 = tpu.matmul %add3A_30, %get3A_33, %dot_general3A {dimension_numbers = #tpu.dot_dimension_numbers<[1], [0], [0], [1], [0, 0, 1, 1], [], []>, transpose_lhs_hint = false} : vector<2000x128xf32>, vector<128x128xf32>, vector<2000x128xf32> -> vector<2000x128xf32>
    %add3A_35 = arith.addf %slice3A, %dot_general3A_34 : vector<2000x128xf32>
    %logistic3A = arith.negf %add3A_35 : vector<2000x128xf32>
    %logistic3A_36 = math.exp %logistic3A : vector<2000x128xf32>
    %logistic3A_37 = arith.constant 1.000000e+00 : f32
    %logistic3A_38 = vector.broadcast %logistic3A_37 : f32 to vector<2000x128xf32>
    %logistic3A_39 = arith.addf %logistic3A_38, %logistic3A_36 : vector<2000x128xf32>
    %logistic3A_40 = arith.divf %logistic3A_38, %logistic3A_39 : vector<2000x128xf32>
    %get3A_41 = arith.constant 0 : index
    %get3A_42 = arith.constant 0 : index
    %get3A_43 = vector.load %arg5[%get3A_41, %get3A_42] : memref<128x128xf32, #tpu.memory_space<vmem>>, vector<128x128xf32>
    %get3A_44 = arith.constant 0 : index
    %get3A_45 = arith.constant 0 : index
    %get3A_46 = vector.load %arg6[%get3A_44, %get3A_45] : memref<1x128xf32, #tpu.memory_space<vmem>>, vector<1x128xf32>
    %broadcast_in_dim3A = arith.constant 0.000000e+00 : f32
    %broadcast_in_dim3A_47 = vector.broadcast %broadcast_in_dim3A : f32 to vector<2000x128xf32>
    %dot_general3A_48 = arith.constant dense<0.000000e+00> : vector<2000x128xf32>
    %dot_general3A_49 = tpu.matmul %get3A_13, %get3A_43, %dot_general3A_48 {dimension_numbers = #tpu.dot_dimension_numbers<[1], [0], [0], [1], [0, 0, 1, 1], [], []>, transpose_lhs_hint = false} : vector<2000x128xf32>, vector<128x128xf32>, vector<2000x128xf32> -> vector<2000x128xf32>
    %add3A_50 = arith.addf %slice3A_7, %dot_general3A_49 : vector<2000x128xf32>
    %add3A_51 = vector.broadcast %get3A_46 : vector<1x128xf32> to vector<2000x128xf32>
    %add3A_52 = arith.addf %add3A_50, %add3A_51 : vector<2000x128xf32>
    %logistic3A_53 = arith.negf %add3A_52 : vector<2000x128xf32>
    %logistic3A_54 = math.exp %logistic3A_53 : vector<2000x128xf32>
    %logistic3A_55 = arith.constant 1.000000e+00 : f32
    %logistic3A_56 = vector.broadcast %logistic3A_55 : f32 to vector<2000x128xf32>
    %logistic3A_57 = arith.addf %logistic3A_56, %logistic3A_54 : vector<2000x128xf32>
    %logistic3A_58 = arith.divf %logistic3A_56, %logistic3A_57 : vector<2000x128xf32>
    %mul3A = arith.mulf %logistic3A_58, %get3A_13 : vector<2000x128xf32>
    %add3A_59 = arith.addf %broadcast_in_dim3A_47, %mul3A : vector<2000x128xf32>
    %dot_general3A_60 = arith.constant dense<0.000000e+00> : vector<2000x128xf32>
    %dot_general3A_61 = tpu.matmul %get3A_18, %get3A_43, %dot_general3A_60 {dimension_numbers = #tpu.dot_dimension_numbers<[1], [0], [0], [1], [0, 0, 1, 1], [], []>, transpose_lhs_hint = false} : vector<2000x128xf32>, vector<128x128xf32>, vector<2000x128xf32> -> vector<2000x128xf32>
    %add3A_62 = arith.addf %slice3A_7, %dot_general3A_61 : vector<2000x128xf32>
    %add3A_63 = vector.broadcast %get3A_46 : vector<1x128xf32> to vector<2000x128xf32>
    %add3A_64 = arith.addf %add3A_62, %add3A_63 : vector<2000x128xf32>
    %logistic3A_65 = arith.negf %add3A_64 : vector<2000x128xf32>
    %logistic3A_66 = math.exp %logistic3A_65 : vector<2000x128xf32>
    %logistic3A_67 = arith.constant 1.000000e+00 : f32
    %logistic3A_68 = vector.broadcast %logistic3A_67 : f32 to vector<2000x128xf32>
    %logistic3A_69 = arith.addf %logistic3A_68, %logistic3A_66 : vector<2000x128xf32>
    %logistic3A_70 = arith.divf %logistic3A_68, %logistic3A_69 : vector<2000x128xf32>
    %mul3A_71 = arith.mulf %logistic3A_70, %get3A_18 : vector<2000x128xf32>
    %add3A_72 = arith.addf %add3A_59, %mul3A_71 : vector<2000x128xf32>
    %dot_general3A_73 = arith.constant dense<0.000000e+00> : vector<2000x128xf32>
    %dot_general3A_74 = tpu.matmul %get3A_23, %get3A_43, %dot_general3A_73 {dimension_numbers = #tpu.dot_dimension_numbers<[1], [0], [0], [1], [0, 0, 1, 1], [], []>, transpose_lhs_hint = false} : vector<2000x128xf32>, vector<128x128xf32>, vector<2000x128xf32> -> vector<2000x128xf32>
    %add3A_75 = arith.addf %slice3A_7, %dot_general3A_74 : vector<2000x128xf32>
    %add3A_76 = vector.broadcast %get3A_46 : vector<1x128xf32> to vector<2000x128xf32>
    %add3A_77 = arith.addf %add3A_75, %add3A_76 : vector<2000x128xf32>
    %logistic3A_78 = arith.negf %add3A_77 : vector<2000x128xf32>
    %logistic3A_79 = math.exp %logistic3A_78 : vector<2000x128xf32>
    %logistic3A_80 = arith.constant 1.000000e+00 : f32
    %logistic3A_81 = vector.broadcast %logistic3A_80 : f32 to vector<2000x128xf32>
    %logistic3A_82 = arith.addf %logistic3A_81, %logistic3A_79 : vector<2000x128xf32>
    %logistic3A_83 = arith.divf %logistic3A_81, %logistic3A_82 : vector<2000x128xf32>
    %mul3A_84 = arith.mulf %logistic3A_83, %get3A_23 : vector<2000x128xf32>
    %add3A_85 = arith.addf %add3A_72, %mul3A_84 : vector<2000x128xf32>
    %dot_general3A_86 = arith.constant dense<0.000000e+00> : vector<2000x128xf32>
    %dot_general3A_87 = tpu.matmul %get3A_28, %get3A_43, %dot_general3A_86 {dimension_numbers = #tpu.dot_dimension_numbers<[1], [0], [0], [1], [0, 0, 1, 1], [], []>, transpose_lhs_hint = false} : vector<2000x128xf32>, vector<128x128xf32>, vector<2000x128xf32> -> vector<2000x128xf32>
    %add3A_88 = arith.addf %slice3A_7, %dot_general3A_87 : vector<2000x128xf32>
    %add3A_89 = vector.broadcast %get3A_46 : vector<1x128xf32> to vector<2000x128xf32>
    %add3A_90 = arith.addf %add3A_88, %add3A_89 : vector<2000x128xf32>
    %logistic3A_91 = arith.negf %add3A_90 : vector<2000x128xf32>
    %logistic3A_92 = math.exp %logistic3A_91 : vector<2000x128xf32>
    %logistic3A_93 = arith.constant 1.000000e+00 : f32
    %logistic3A_94 = vector.broadcast %logistic3A_93 : f32 to vector<2000x128xf32>
    %logistic3A_95 = arith.addf %logistic3A_94, %logistic3A_92 : vector<2000x128xf32>
    %logistic3A_96 = arith.divf %logistic3A_94, %logistic3A_95 : vector<2000x128xf32>
    %mul3A_97 = arith.mulf %logistic3A_96, %get3A_28 : vector<2000x128xf32>
    %add3A_98 = arith.addf %add3A_85, %mul3A_97 : vector<2000x128xf32>
    %get3A_99 = arith.constant 0 : index
    %get3A_100 = arith.constant 0 : index
    %get3A_101 = vector.load %arg7[%get3A_99, %get3A_100] : memref<128x128xf32, #tpu.memory_space<vmem>>, vector<128x128xf32>
    %dot_general3A_102 = arith.constant dense<0.000000e+00> : vector<2000x128xf32>
    %dot_general3A_103 = tpu.matmul %add3A_98, %get3A_101, %dot_general3A_102 {dimension_numbers = #tpu.dot_dimension_numbers<[1], [0], [0], [1], [0, 0, 1, 1], [], []>, transpose_lhs_hint = false} : vector<2000x128xf32>, vector<128x128xf32>, vector<2000x128xf32> -> vector<2000x128xf32>
    %add3A_104 = arith.addf %slice3A_8, %dot_general3A_103 : vector<2000x128xf32>
    %tanh3A = math.tanh %add3A_104 : vector<2000x128xf32>
    %sub3A = arith.subf %tanh3A, %add3A_30 : vector<2000x128xf32>
    %mul3A_105 = arith.mulf %logistic3A_40, %sub3A : vector<2000x128xf32>
    %add3A_106 = arith.addf %add3A_30, %mul3A_105 : vector<2000x128xf32>
    %iota3A = tpu.iota {dimensions = array<i32: 0>} : vector<2000x128xi32>
    %add3A_107 = arith.constant 40 : i32
    %add3A_108 = arith.addi %arg0, %add3A_107 : i32
    %mul3A_109 = arith.constant 2000 : i32
    %mul3A_110 = arith.muli %add3A_108, %mul3A_109 : i32
    %add3A_111 = vector.broadcast %mul3A_110 : i32 to vector<2000x128xi32>
    %add3A_112 = arith.addi %iota3A, %add3A_111 : vector<2000x128xi32>
    %eq3A = arith.constant 0 : i32
    %eq3A_113 = vector.broadcast %eq3A : i32 to vector<2000x128xi32>
    %eq3A_114 = arith.cmpi eq, %add3A_112, %eq3A_113 : vector<2000x128xi32>
    %jit3A = arith.constant 0.000000e+00 : f32
    %broadcast_in_dim3A_115 = vector.broadcast %jit3A : f32 to vector<2000x128xf32>
    %select_n3A = arith.select %eq3A_114, %broadcast_in_dim3A_115, %add3A_106 : vector<2000x128xi1>, vector<2000x128xf32>
    %swap3A = arith.constant 0 : index
    %swap3A_116 = arith.constant 0 : index
    %swap3A_117 = vector.load %arg8[%swap3A, %swap3A_116] : memref<2000x128xf32, #tpu.memory_space<vmem>>, vector<2000x128xf32>
    tpu.vector_store %arg8[%swap3A, %swap3A_116], %select_n3A {strides = array<i32>} : memref<2000x128xf32, #tpu.memory_space<vmem>>, vector<2000x128xf32>,
    return
  }
  func.func @transform_0(%arg0: i32) -> (i32, i32) {
    %c0_i32 = arith.constant 0 : i32
    %c0_i32_0 = arith.constant 0 : i32
    %c0_i32_1 = arith.constant 0 : i32
    return %c0_i32, %c0_i32_0 : i32, i32
  }
  func.func @transform_1(%arg0: i32) -> (i32, i32) {
    %add3A = arith.constant 40 : i32
    %add3A_0 = arith.addi %arg0, %add3A : i32
    %c0_i32 = arith.constant 0 : i32
    %c0_i32_1 = arith.constant 0 : i32
    return %add3A_0, %c0_i32 : i32, i32
  }
  func.func @transform_2(%arg0: i32) -> (i32, i32, i32) {
    %c0_i32 = arith.constant 0 : i32
    %c0_i32_0 = arith.constant 0 : i32
    %c0_i32_1 = arith.constant 0 : i32
    return %c0_i32, %arg0, %c0_i32_0 : i32, i32, i32
  }
  func.func @transform_3(%arg0: i32) -> (i32, i32) {
    %c0_i32 = arith.constant 0 : i32
    %c0_i32_0 = arith.constant 0 : i32
    %c0_i32_1 = arith.constant 0 : i32
    return %c0_i32, %c0_i32_0 : i32, i32
  }
  func.func @transform_4(%arg0: i32) -> (i32, i32) {
    %c0_i32 = arith.constant 0 : i32
    %c0_i32_0 = arith.constant 0 : i32
    %c0_i32_1 = arith.constant 0 : i32
    return %c0_i32, %c0_i32_0 : i32, i32
  }
  func.func @transform_5(%arg0: i32) -> (i32, i32) {
    %c0_i32 = arith.constant 0 : i32
    %c0_i32_0 = arith.constant 0 : i32
    %c0_i32_1 = arith.constant 0 : i32
    return %c0_i32, %c0_i32_0 : i32, i32
  }
  func.func @transform_6(%arg0: i32) -> (i32, i32) {
    %c0_i32 = arith.constant 0 : i32
    %c0_i32_0 = arith.constant 0 : i32
    %c0_i32_1 = arith.constant 0 : i32
    return %c0_i32, %c0_i32_0 : i32, i32
  }
  func.func @transform_7(%arg0: i32) -> (i32, i32) {
    %add3A = arith.constant 40 : i32
    %add3A_0 = arith.addi %arg0, %add3A : i32
    %c0_i32 = arith.constant 0 : i32
    %c0_i32_1 = arith.constant 0 : i32
    return %add3A_0, %c0_i32 : i32, i32
  }
}

module attributes {stable_mosaic.version = 14 : i64} {
  func.func @body(%arg0: i32, %arg1: memref<8x128xf32, #tpu.memory_space<vmem>>, %arg2: memref<2000x256xi32, #tpu.memory_space<vmem>>, %arg3: memref<4x2000x128xf32, #tpu.memory_space<vmem>>, %arg4: memref<128x128xf32, #tpu.memory_space<vmem>>, %arg5: memref<128x128xf32, #tpu.memory_space<vmem>>, %arg6: memref<1x128xf32, #tpu.memory_space<vmem>>, %arg7: memref<128x128xf32, #tpu.memory_space<vmem>>, %arg8: memref<2000x128xf32, #tpu.memory_space<vmem>>) attributes {dimension_semantics = [#tpu.dimension_semantics<arbitrary>], iteration_bounds = array<i64: 20>, scalar_prefetch = 0 : i64, scratch_operands = 0 : i64, tpu.core_type = #tpu.core_type<tc>, window_params = [{transform_indices = @transform_0, window_bounds = array<i64: 8, 128>}, {transform_indices = @transform_1, window_bounds = array<i64: 2000, 256>}, {transform_indices = @transform_2, window_bounds = array<i64: 4, 2000, 128>}, {pipeline_mode = #tpu.pipeline_mode<synchronous>, transform_indices = @transform_3, window_bounds = array<i64: 128, 128>}, {pipeline_mode = #tpu.pipeline_mode<synchronous>, transform_indices = @transform_4, window_bounds = array<i64: 128, 128>}, {pipeline_mode = #tpu.pipeline_mode<synchronous>, transform_indices = @transform_5, window_bounds = array<i64: 1, 128>}, {pipeline_mode = #tpu.pipeline_mode<synchronous>, transform_indices = @transform_6, window_bounds = array<i64: 128, 128>}, {transform_indices = @transform_7, window_bounds = array<i64: 2000, 128>}]} {
    %get3A = arith.constant 0 : index
    %get3A_0 = arith.constant 0 : index
    %get3A_1 = vector.load %arg2[%get3A, %get3A_0] : memref<2000x256xi32, #tpu.memory_space<vmem>>, vector<2000x192xi32>
    %shift_left3A = arith.constant 16 : i32
    %shift_left3A_2 = vector.broadcast %shift_left3A : i32 to vector<2000x192xi32>
    %shift_left3A_3 = arith.shli %get3A_1, %shift_left3A_2 : vector<2000x192xi32>
    %bitcast_convert_type3A = tpu.bitcast %shift_left3A_3 : vector<2000x192xi32> -> vector<2000x192xf32>
    %and3A = arith.constant -65536 : i32
    %and3A_4 = vector.broadcast %and3A : i32 to vector<2000x192xi32>
    %and3A_5 = arith.andi %get3A_1, %and3A_4 : vector<2000x192xi32>
    %bitcast_convert_type3A_6 = tpu.bitcast %and3A_5 : vector<2000x192xi32> -> vector<2000x192xf32>
    %concatenate3A = tpu.concatenate %bitcast_convert_type3A, %bitcast_convert_type3A_6 in 1 : vector<2000x192xf32>, vector<2000x192xf32> -> vector<2000x384xf32>
    %slice3A = vector.extract_strided_slice %concatenate3A {offsets = [0, 0], sizes = [2000, 128], strides = [1, 1]} : vector<2000x384xf32> to vector<2000x128xf32>
    %slice3A_7 = vector.extract_strided_slice %concatenate3A {offsets = [0, 128], sizes = [2000, 128], strides = [1, 1]} : vector<2000x384xf32> to vector<2000x128xf32>
    %slice3A_8 = vector.extract_strided_slice %concatenate3A {offsets = [0, 256], sizes = [2000, 128], strides = [1, 1]} : vector<2000x384xf32> to vector<2000x128xf32>
    %get3A_9 = arith.constant 0 : index
    %get3A_10 = arith.constant 0 : index
    %get3A_11 = arith.constant 0 : index
    %get3A_12 = vector.load %arg3[%get3A_9, %get3A_10, %get3A_11] : memref<4x2000x128xf32, #tpu.memory_space<vmem>>, vector<1x2000x128xf32>
    %get3A_13 = vector.shape_cast %get3A_12 : vector<1x2000x128xf32> to vector<2000x128xf32>
    %get3A_14 = arith.constant 1 : index
    %get3A_15 = arith.constant 0 : index
    %get3A_16 = arith.constant 0 : index
    %get3A_17 = vector.load %arg3[%get3A_14, %get3A_15, %get3A_16] : memref<4x2000x128xf32, #tpu.memory_space<vmem>>, vector<1x2000x128xf32>
    %get3A_18 = vector.shape_cast %get3A_17 : vector<1x2000x128xf32> to vector<2000x128xf32>
    %get3A_19 = arith.constant 2 : index
    %get3A_20 = arith.constant 0 : index
    %get3A_21 = arith.constant 0 : index
    %get3A_22 = vector.load %arg3[%get3A_19, %get3A_20, %get3A_21] : memref<4x2000x128xf32, #tpu.memory_space<vmem>>, vector<1x2000x128xf32>
    %get3A_23 = vector.shape_cast %get3A_22 : vector<1x2000x128xf32> to vector<2000x128xf32>
    %get3A_24 = arith.constant 3 : index
    %get3A_25 = arith.constant 0 : index
    %get3A_26 = arith.constant 0 : index
    %get3A_27 = vector.load %arg3[%get3A_24, %get3A_25, %get3A_26] : memref<4x2000x128xf32, #tpu.memory_space<vmem>>, vector<1x2000x128xf32>
    %get3A_28 = vector.shape_cast %get3A_27 : vector<1x2000x128xf32> to vector<2000x128xf32>
    %add3A = arith.addf %get3A_13, %get3A_18 : vector<2000x128xf32>
    %add3A_29 = arith.addf %get3A_23, %get3A_28 : vector<2000x128xf32>
    %add3A_30 = arith.addf %add3A, %add3A_29 : vector<2000x128xf32>
    %get3A_31 = arith.constant 0 : index
    %get3A_32 = arith.constant 0 : index
    %get3A_33 = vector.load %arg4[%get3A_31, %get3A_32] : memref<128x128xf32, #tpu.memory_space<vmem>>, vector<128x128xf32>
    %dot_general3A = arith.constant dense<0.000000e+00> : vector<2000x128xf32>
    %dot_general3A_34 = tpu.matmul %add3A_30, %get3A_33, %dot_general3A {dimension_numbers = #tpu.dot_dimension_numbers<[1], [0], [0], [1], [0, 0, 1, 1], [], []>, transpose_lhs_hint = false} : vector<2000x128xf32>, vector<128x128xf32>, vector<2000x128xf32> -> vector<2000x128xf32>
    %add3A_35 = arith.addf %slice3A, %dot_general3A_34 : vector<2000x128xf32>
    %logistic3A = arith.negf %add3A_35 : vector<2000x128xf32>
    %logistic3A_36 = math.exp %logistic3A : vector<2000x128xf32>
    %logistic3A_37 = arith.constant 1.000000e+00 : f32
    %logistic3A_38 = vector.broadcast %logistic3A_37 : f32 to vector<2000x128xf32>
    %logistic3A_39 = arith.addf %logistic3A_38, %logistic3A_36 : vector<2000x128xf32>
    %logistic3A_40 = arith.divf %logistic3A_38, %logistic3A_39 : vector<2000x128xf32>
    %get3A_41 = arith.constant 0 : index
    %get3A_42 = arith.constant 0 : index
    %get3A_43 = vector.load %arg5[%get3A_41, %get3A_42] : memref<128x128xf32, #tpu.memory_space<vmem>>, vector<128x128xf32>
    %get3A_44 = arith.constant 0 : index
    %get3A_45 = arith.constant 0 : index
    %get3A_46 = vector.load %arg6[%get3A_44, %get3A_45] : memref<1x128xf32, #tpu.memory_space<vmem>>, vector<1x128xf32>
    %broadcast_in_dim3A = arith.constant 0.000000e+00 : f32
    %broadcast_in_dim3A_47 = vector.broadcast %broadcast_in_dim3A : f32 to vector<2000x128xf32>
    %dot_general3A_48 = arith.constant dense<0.000000e+00> : vector<2000x128xf32>
    %dot_general3A_49 = tpu.matmul %get3A_13, %get3A_43, %dot_general3A_48 {dimension_numbers = #tpu.dot_dimension_numbers<[1], [0], [0], [1], [0, 0, 1, 1], [], []>, transpose_lhs_hint = false} : vector<2000x128xf32>, vector<128x128xf32>, vector<2000x128xf32> -> vector<2000x128xf32>
    %add3A_50 = arith.addf %slice3A_7, %dot_general3A_49 : vector<2000x128xf32>
    %add3A_51 = vector.broadcast %get3A_46 : vector<1x128xf32> to vector<2000x128xf32>
    %add3A_52 = arith.addf %add3A_50, %add3A_51 : vector<2000x128xf32>
    %logistic3A_53 = arith.negf %add3A_52 : vector<2000x128xf32>
    %logistic3A_54 = math.exp %logistic3A_53 : vector<2000x128xf32>
    %logistic3A_55 = arith.constant 1.000000e+00 : f32
    %logistic3A_56 = vector.broadcast %logistic3A_55 : f32 to vector<2000x128xf32>
    %logistic3A_57 = arith.addf %logistic3A_56, %logistic3A_54 : vector<2000x128xf32>
    %logistic3A_58 = arith.divf %logistic3A_56, %logistic3A_57 : vector<2000x128xf32>
    %mul3A = arith.mulf %logistic3A_58, %get3A_13 : vector<2000x128xf32>
    %add3A_59 = arith.addf %broadcast_in_dim3A_47, %mul3A : vector<2000x128xf32>
    %dot_general3A_60 = arith.constant dense<0.000000e+00> : vector<2000x128xf32>
    %dot_general3A_61 = tpu.matmul %get3A_18, %get3A_43, %dot_general3A_60 {dimension_numbers = #tpu.dot_dimension_numbers<[1], [0], [0], [1], [0, 0, 1, 1], [], []>, transpose_lhs_hint = false} : vector<2000x128xf32>, vector<128x128xf32>, vector<2000x128xf32> -> vector<2000x128xf32>
    %add3A_62 = arith.addf %slice3A_7, %dot_general3A_61 : vector<2000x128xf32>
    %add3A_63 = vector.broadcast %get3A_46 : vector<1x128xf32> to vector<2000x128xf32>
    %add3A_64 = arith.addf %add3A_62, %add3A_63 : vector<2000x128xf32>
    %logistic3A_65 = arith.negf %add3A_64 : vector<2000x128xf32>
    %logistic3A_66 = math.exp %logistic3A_65 : vector<2000x128xf32>
    %logistic3A_67 = arith.constant 1.000000e+00 : f32
    %logistic3A_68 = vector.broadcast %logistic3A_67 : f32 to vector<2000x128xf32>
    %logistic3A_69 = arith.addf %logistic3A_68, %logistic3A_66 : vector<2000x128xf32>
    %logistic3A_70 = arith.divf %logistic3A_68, %logistic3A_69 : vector<2000x128xf32>
    %mul3A_71 = arith.mulf %logistic3A_70, %get3A_18 : vector<2000x128xf32>
    %add3A_72 = arith.addf %add3A_59, %mul3A_71 : vector<2000x128xf32>
    %dot_general3A_73 = arith.constant dense<0.000000e+00> : vector<2000x128xf32>
    %dot_general3A_74 = tpu.matmul %get3A_23, %get3A_43, %dot_general3A_73 {dimension_numbers = #tpu.dot_dimension_numbers<[1], [0], [0], [1], [0, 0, 1, 1], [], []>, transpose_lhs_hint = false} : vector<2000x128xf32>, vector<128x128xf32>, vector<2000x128xf32> -> vector<2000x128xf32>
    %add3A_75 = arith.addf %slice3A_7, %dot_general3A_74 : vector<2000x128xf32>
    %add3A_76 = vector.broadcast %get3A_46 : vector<1x128xf32> to vector<2000x128xf32>
    %add3A_77 = arith.addf %add3A_75, %add3A_76 : vector<2000x128xf32>
    %logistic3A_78 = arith.negf %add3A_77 : vector<2000x128xf32>
    %logistic3A_79 = math.exp %logistic3A_78 : vector<2000x128xf32>
    %logistic3A_80 = arith.constant 1.000000e+00 : f32
    %logistic3A_81 = vector.broadcast %logistic3A_80 : f32 to vector<2000x128xf32>
    %logistic3A_82 = arith.addf %logistic3A_81, %logistic3A_79 : vector<2000x128xf32>
    %logistic3A_83 = arith.divf %logistic3A_81, %logistic3A_82 : vector<2000x128xf32>
    %mul3A_84 = arith.mulf %logistic3A_83, %get3A_23 : vector<2000x128xf32>
    %add3A_85 = arith.addf %add3A_72, %mul3A_84 : vector<2000x128xf32>
    %dot_general3A_86 = arith.constant dense<0.000000e+00> : vector<2000x128xf32>
    %dot_general3A_87 = tpu.matmul %get3A_28, %get3A_43, %dot_general3A_86 {dimension_numbers = #tpu.dot_dimension_numbers<[1], [0], [0], [1], [0, 0, 1, 1], [], []>, transpose_lhs_hint = false} : vector<2000x128xf32>, vector<128x128xf32>, vector<2000x128xf32> -> vector<2000x128xf32>
    %add3A_88 = arith.addf %slice3A_7, %dot_general3A_87 : vector<2000x128xf32>
    %add3A_89 = vector.broadcast %get3A_46 : vector<1x128xf32> to vector<2000x128xf32>
    %add3A_90 = arith.addf %add3A_88, %add3A_89 : vector<2000x128xf32>
    %logistic3A_91 = arith.negf %add3A_90 : vector<2000x128xf32>
    %logistic3A_92 = math.exp %logistic3A_91 : vector<2000x128xf32>
    %logistic3A_93 = arith.constant 1.000000e+00 : f32
    %logistic3A_94 = vector.broadcast %logistic3A_93 : f32 to vector<2000x128xf32>
    %logistic3A_95 = arith.addf %logistic3A_94, %logistic3A_92 : vector<2000x128xf32>
    %logistic3A_96 = arith.divf %logistic3A_94, %logistic3A_95 : vector<2000x128xf32>
    %mul3A_97 = arith.mulf %logistic3A_96, %get3A_28 : vector<2000x128xf32>
    %add3A_98 = arith.addf %add3A_85, %mul3A_97 : vector<2000x128xf32>
    %get3A_99 = arith.constant 0 : index
    %get3A_100 = arith.constant 0 : index
    %get3A_101 = vector.load %arg7[%get3A_99, %get3A_100] : memref<128x128xf32, #tpu.memory_space<vmem>>, vector<128x128xf32>
    %dot_general3A_102 = arith.constant dense<0.000000e+00> : vector<2000x128xf32>
    %dot_general3A_103 = tpu.matmul %add3A_98, %get3A_101, %dot_general3A_102 {dimension_numbers = #tpu.dot_dimension_numbers<[1], [0], [0], [1], [0, 0, 1, 1], [], []>, transpose_lhs_hint = false} : vector<2000x128xf32>, vector<128x128xf32>, vector<2000x128xf32> -> vector<2000x128xf32>
    %add3A_104 = arith.addf %slice3A_8, %dot_general3A_103 : vector<2000x128xf32>
    %tanh3A = math.tanh %add3A_104 : vector<2000x128xf32>
    %sub3A = arith.subf %tanh3A, %add3A_30 : vector<2000x128xf32>
    %mul3A_105 = arith.mulf %logistic3A_40, %sub3A : vector<2000x128xf32>
    %add3A_106 = arith.addf %add3A_30, %mul3A_105 : vector<2000x128xf32>
    %iota3A = tpu.iota {dimensions = array<i32: 0>} : vector<2000x128xi32>
    %add3A_107 = arith.constant 60 : i32
    %add3A_108 = arith.addi %arg0, %add3A_107 : i32
    %mul3A_109 = arith.constant 2000 : i32
    %mul3A_110 = arith.muli %add3A_108, %mul3A_109 : i32
    %add3A_111 = vector.broadcast %mul3A_110 : i32 to vector<2000x128xi32>
    %add3A_112 = arith.addi %iota3A, %add3A_111 : vector<2000x128xi32>
    %eq3A = arith.constant 0 : i32
    %eq3A_113 = vector.broadcast %eq3A : i32 to vector<2000x128xi32>
    %eq3A_114 = arith.cmpi eq, %add3A_112, %eq3A_113 : vector<2000x128xi32>
    %jit3A = arith.constant 0.000000e+00 : f32
    %broadcast_in_dim3A_115 = vector.broadcast %jit3A : f32 to vector<2000x128xf32>
    %select_n3A = arith.select %eq3A_114, %broadcast_in_dim3A_115, %add3A_106 : vector<2000x128xi1>, vector<2000x128xf32>
    %swap3A = arith.constant 0 : index
    %swap3A_116 = arith.constant 0 : index
    %swap3A_117 = vector.load %arg8[%swap3A, %swap3A_116] : memref<2000x128xf32, #tpu.memory_space<vmem>>, vector<2000x128xf32>
    tpu.vector_store %arg8[%swap3A, %swap3A_116], %select_n3A {strides = array<i32>} : memref<2000x128xf32, #tpu.memory_space<vmem>>, vector<2000x128xf32>,
    return
  }
  func.func @transform_0(%arg0: i32) -> (i32, i32) {
    %c0_i32 = arith.constant 0 : i32
    %c0_i32_0 = arith.constant 0 : i32
    %c0_i32_1 = arith.constant 0 : i32
    return %c0_i32, %c0_i32_0 : i32, i32
  }
  func.func @transform_1(%arg0: i32) -> (i32, i32) {
    %add3A = arith.constant 60 : i32
    %add3A_0 = arith.addi %arg0, %add3A : i32
    %c0_i32 = arith.constant 0 : i32
    %c0_i32_1 = arith.constant 0 : i32
    return %add3A_0, %c0_i32 : i32, i32
  }
  func.func @transform_2(%arg0: i32) -> (i32, i32, i32) {
    %c0_i32 = arith.constant 0 : i32
    %c0_i32_0 = arith.constant 0 : i32
    %c0_i32_1 = arith.constant 0 : i32
    return %c0_i32, %arg0, %c0_i32_0 : i32, i32, i32
  }
  func.func @transform_3(%arg0: i32) -> (i32, i32) {
    %c0_i32 = arith.constant 0 : i32
    %c0_i32_0 = arith.constant 0 : i32
    %c0_i32_1 = arith.constant 0 : i32
    return %c0_i32, %c0_i32_0 : i32, i32
  }
  func.func @transform_4(%arg0: i32) -> (i32, i32) {
    %c0_i32 = arith.constant 0 : i32
    %c0_i32_0 = arith.constant 0 : i32
    %c0_i32_1 = arith.constant 0 : i32
    return %c0_i32, %c0_i32_0 : i32, i32
  }
  func.func @transform_5(%arg0: i32) -> (i32, i32) {
    %c0_i32 = arith.constant 0 : i32
    %c0_i32_0 = arith.constant 0 : i32
    %c0_i32_1 = arith.constant 0 : i32
    return %c0_i32, %c0_i32_0 : i32, i32
  }
  func.func @transform_6(%arg0: i32) -> (i32, i32) {
    %c0_i32 = arith.constant 0 : i32
    %c0_i32_0 = arith.constant 0 : i32
    %c0_i32_1 = arith.constant 0 : i32
    return %c0_i32, %c0_i32_0 : i32, i32
  }
  func.func @transform_7(%arg0: i32) -> (i32, i32) {
    %add3A = arith.constant 60 : i32
    %add3A_0 = arith.addi %arg0, %add3A : i32
    %c0_i32 = arith.constant 0 : i32
    %c0_i32_1 = arith.constant 0 : i32
    return %add3A_0, %c0_i32 : i32, i32
  }
}

module attributes {stable_mosaic.version = 14 : i64} {
  func.func @_out_body(%arg0: memref<4x256x128xf32, #tpu.memory_space<vmem>>, %arg1: memref<256x128xf32, #tpu.memory_space<vmem>>, %arg2: memref<128x128xf32, #tpu.memory_space<vmem>>, %arg3: memref<128x128xf32, #tpu.memory_space<vmem>>, %arg4: memref<1x128xf32, #tpu.memory_space<vmem>>, %arg5: memref<256x128xf32, #tpu.memory_space<vmem>>) attributes {dimension_semantics = [], scalar_prefetch = 0 : i64, scratch_operands = 0 : i64, tpu.core_type = #tpu.core_type<tc>} {
    %get3A = arith.constant 0 : index
    %get3A_0 = arith.constant 0 : index
    %get3A_1 = arith.constant 0 : index
    %get3A_2 = vector.load %arg0[%get3A, %get3A_0, %get3A_1] : memref<4x256x128xf32, #tpu.memory_space<vmem>>, vector<1x256x128xf32>
    %get3A_3 = vector.shape_cast %get3A_2 : vector<1x256x128xf32> to vector<256x128xf32>
    %get3A_4 = arith.constant 1 : index
    %get3A_5 = arith.constant 0 : index
    %get3A_6 = arith.constant 0 : index
    %get3A_7 = vector.load %arg0[%get3A_4, %get3A_5, %get3A_6] : memref<4x256x128xf32, #tpu.memory_space<vmem>>, vector<1x256x128xf32>
    %get3A_8 = vector.shape_cast %get3A_7 : vector<1x256x128xf32> to vector<256x128xf32>
    %add3A = arith.addf %get3A_3, %get3A_8 : vector<256x128xf32>
    %get3A_9 = arith.constant 2 : index
    %get3A_10 = arith.constant 0 : index
    %get3A_11 = arith.constant 0 : index
    %get3A_12 = vector.load %arg0[%get3A_9, %get3A_10, %get3A_11] : memref<4x256x128xf32, #tpu.memory_space<vmem>>, vector<1x256x128xf32>
    %get3A_13 = vector.shape_cast %get3A_12 : vector<1x256x128xf32> to vector<256x128xf32>
    %get3A_14 = arith.constant 3 : index
    %get3A_15 = arith.constant 0 : index
    %get3A_16 = arith.constant 0 : index
    %get3A_17 = vector.load %arg0[%get3A_14, %get3A_15, %get3A_16] : memref<4x256x128xf32, #tpu.memory_space<vmem>>, vector<1x256x128xf32>
    %get3A_18 = vector.shape_cast %get3A_17 : vector<1x256x128xf32> to vector<256x128xf32>
    %add3A_19 = arith.addf %get3A_13, %get3A_18 : vector<256x128xf32>
    %add3A_20 = arith.addf %add3A, %add3A_19 : vector<256x128xf32>
    %get3A_21 = arith.constant 0 : index
    %get3A_22 = arith.constant 0 : index
    %get3A_23 = vector.load %arg1[%get3A_21, %get3A_22] : memref<256x128xf32, #tpu.memory_space<vmem>>, vector<256x128xf32>
    %get3A_24 = arith.constant 0 : index
    %get3A_25 = arith.constant 0 : index
    %get3A_26 = vector.load %arg2[%get3A_24, %get3A_25] : memref<128x128xf32, #tpu.memory_space<vmem>>, vector<128x128xf32>
    %dot_general3A = arith.constant dense<0.000000e+00> : vector<256x128xf32>
    %dot_general3A_27 = tpu.matmul %get3A_23, %get3A_26, %dot_general3A {dimension_numbers = #tpu.dot_dimension_numbers<[1], [0], [0], [1], [0, 0, 1, 1], [], []>, transpose_lhs_hint = false} : vector<256x128xf32>, vector<128x128xf32>, vector<256x128xf32> -> vector<256x128xf32>
    %get3A_28 = arith.constant 0 : index
    %get3A_29 = arith.constant 0 : index
    %get3A_30 = vector.load %arg3[%get3A_28, %get3A_29] : memref<128x128xf32, #tpu.memory_space<vmem>>, vector<128x128xf32>
    %dot_general3A_31 = arith.constant dense<0.000000e+00> : vector<256x128xf32>
    %dot_general3A_32 = tpu.matmul %add3A_20, %get3A_30, %dot_general3A_31 {dimension_numbers = #tpu.dot_dimension_numbers<[1], [0], [0], [1], [0, 0, 1, 1], [], []>, transpose_lhs_hint = false} : vector<256x128xf32>, vector<128x128xf32>, vector<256x128xf32> -> vector<256x128xf32>
    %add3A_33 = arith.addf %dot_general3A_27, %dot_general3A_32 : vector<256x128xf32>
    %get3A_34 = arith.constant 0 : index
    %get3A_35 = arith.constant 0 : index
    %get3A_36 = vector.load %arg4[%get3A_34, %get3A_35] : memref<1x128xf32, #tpu.memory_space<vmem>>, vector<1x128xf32>
    %add3A_37 = vector.broadcast %get3A_36 : vector<1x128xf32> to vector<256x128xf32>
    %add3A_38 = arith.addf %add3A_33, %add3A_37 : vector<256x128xf32>
    %max3A = arith.constant 0.000000e+00 : f32
    %max3A_39 = vector.broadcast %max3A : f32 to vector<256x128xf32>
    %max3A_40 = arith.maximumf %add3A_38, %max3A_39 : vector<256x128xf32>
    %swap3A = arith.constant 0 : index
    %swap3A_41 = arith.constant 0 : index
    %swap3A_42 = vector.load %arg5[%swap3A, %swap3A_41] : memref<256x128xf32, #tpu.memory_space<vmem>>, vector<256x128xf32>
    tpu.vector_store %arg5[%swap3A, %swap3A_41], %max3A_40 {strides = array<i32>} : memref<256x128xf32, #tpu.memory_space<vmem>>, vector<256x128xf32>,
    return
  }
}

</mosaic_0001>

<sc_bundles>
// kernel: kernel.23.cloned.1.call-start
scs
__scs_entry_jumppad:
0x0: {  	(pc) =	sbr.rel $0x88, $3  }
0x1: {  	(tag) =	ssettag $0x0;
	lr =	simm.s32 $0x1  }
0x2: {  	[smem:$0x3F92] =	sst lr;
	_ =	strace $0xD0000000  }
0x3: {  	_ = 	snop  }
0x4: {  	_ = 	snop  }
0x5: {  	_ = 	snop  }
0x6: {  	_ = 	snop  }
0x7: {  	_ = 	snop  }
__scs_overlays_trampoline_lowered:
0x8: {  	[smem:$0x3FA1] =	sst s0  }
0x9: {  	[smem:$0x3FA2] =	sst s1  }
0xa: {  	[smem:$0x3FA3] =	sst s2  }
0xb: {  	[smem:$0x3FA4] =	sst s3  }
0xc: {  	[smem:$0x3FA5] =	sst s4  }
0xd: {  	[smem:$0x3FA6] =	sst s5  }
0xe: {  	[smem:$0x3FA7] =	sst s6  }
0xf: {  	[smem:$0x3FA8] =	sst s7  }
0x10: {  	[smem:$0x3FA9] =	sst s8  }
0x11: {  	[smem:$0x3FAA] =	sst s9;
	s0 =	simm.s32 @!p0 $0x0  }
0x12: {  	s1 =	sld [smem:$0x3F90];
	s0 =	simm.s32 @p0 $0x1  }
0x13: {  	[smem:$0x3FAB] =	sst s0;
	s0 =	simm.s32 @!p1 $0x0  }
0x14: {  	s2 =	sld [smem:$0x3F8F];
	s0 =	simm.s32 @p1 $0x1  }
0x15: {  	[smem:$0x3FAC] =	sst s0;
	s0 =	simm.s32 @!p2 $0x0  }
0x16: {  	s3 =	sld [smem:$0x3FDB];
	s0 =	simm.s32 @p2 $0x1  }
0x17: {  	s4 =	simm.s32 $0x1BF5;
	[smem:$0x3FAE] =	sst s0  }
0x18: {  	s0 =	sld [smem:$0x3F91];
	_ =	swait.ge [sflag:s4], $0x0  }
0x19: {  	s7 =	sld [smem:$0x3F92]  }
0x1a: {  	s8 =	sadd.s32 $0xFFFFE003, lr  }
0x1b: {  	s9 =	sadd.s32 $0xFFFFFEF7, lr;
	s5 =	simm.s32 $0xFFFFFFFF;
	p2 =	slt.u32 s8, $0xFFFFF086  }
0x1c: {  	p1 =	slt.u32 s9, $0xF7A;
	s5 =	simm.s32 @!p2 $0x0  }
0x1d: {  	s5 =	simm.s32 @p1 $0x1;
	p0 =	seq.s32 s7, s2  }
0x1e: {  	s7 =	smul.u32 @!p0 $0xF7A, s2;
	p2 =	seq.s32 @!p0 s5, $0x0  }
0x1f: {  	s9 =	smul.u32 $0xF7A, s1;
	s8 =	simm.s32 @!p0 $0x1BF5;
	p2 =	por !p2, p0  }
0x20: {  	[sflag:s8] =	ssyncset.s32 @!p0 $0xFFFFF086;
	s6 =	sadd.s32 @!p0 s3, s7;
	s7 =	simm.s32 @!p0 $0x108  }
0x21: {  	s3 =	sadd.s32 s3, s9;
	s6 =	sadd.s32 @!p0 $0x88, s6;
	s7 =	simm.s32 @p2 $0x1082  }
0x22: {  	[simem:s7], [sflag:s8] =	dma.local @!p0 [hbm:s6], $0xF7A  }
0x23: {  	s9 =	sor.u32 $0xD0000000, s2;
	s6 =	simm.s32 $0x108;
	_ =	swait.ge @!p0 [sflag:s8], $0x0  }
0x24: {  	s3 =	sadd.s32 $0x88, s3;
	s6 =	simm.s32 @!p1 $0x1082;
	[sflag:s4] =	ssyncset.s32 $0xFFFFF086  }
0x25: {  	[simem:s6], [sflag:s4] =	dma.local [hbm:s3], $0xF7A  }
0x26: {  	[smem:$0x3F92] =	sst s1;
	(tag) =	ssettag s2;
	_ =	strace s9  }
0x27: {  	s1 =	sld [smem:$0x3FA2]  }
0x28: {  	s2 =	sld [smem:$0x3FA3]  }
0x29: {  	s4 =	sld [smem:$0x3FA5]  }
0x2a: {  	p0 =	seq.s32 s5, $0x0;
	s5 =	sld [smem:$0x3FA6]  }
0x2b: {  	s6 =	sld [smem:$0x3FA7]  }
0x2c: {  	s7 =	sld [smem:$0x3FA8]  }
0x2d: {  	s3 =	simm.s32 $0x108;
	s8 =	sld [smem:$0x3FA9]  }
0x2e: {  	s3 =	simm.s32 @!p0 $0x1082;
	s9 =	sld [smem:$0x3FAA]  }
0x2f: {  	lr =	sadd.s32 s0, s3;
	s0 =	sld [smem:$0x3FA1]  }
0x30: {  	s3 =	sld [smem:$0x3FA4]  }
0x31: {  	[smem:$0x3FAD] =	sst s10  }
0x32: {  	s10 =	sld [smem:$0x3FAB];
	_ =	sdelay $0x3  }
0x33: {  	p0 =	seq.s32 s10, $0x1;
	s10 =	sld [smem:$0x3FAD];
	_ =	sdelay $0x3  }
0x34: {  	[smem:$0x3FAD] =	sst s10  }
0x35: {  	s10 =	sld [smem:$0x3FAC];
	_ =	sdelay $0x3  }
0x36: {  	p1 =	seq.s32 s10, $0x1;
	s10 =	sld [smem:$0x3FAD];
	_ =	sdelay $0x3  }
0x37: {  	[smem:$0x3FAD] =	sst s10  }
0x38: {  	s10 =	sld [smem:$0x3FAE]  }
0x39: {  	_ = 	snop;
	(pc) =	sbr.ind lr, $3  }
0x3a: {  	_ = 	snop  }
0x3b: {  	_ = 	snop  }
0x3c: {  	p2 =	seq.s32 s10, $0x1;
	s10 =	sld [smem:$0x3FAD]  }
0x3d: {  	_ =	shalt  }
0x3e: {  	_ =	shalt  }
0x3f: {  	_ =	shalt  }
0x40: {  	_ =	shalt  }
0x41: {  	_ =	shalt  }
0x42: {  	_ =	shalt  }
0x43: {  	_ =	shalt  }
0x44: {  	_ =	shalt  }
0x45: {  	_ =	shalt  }
0x46: {  	_ =	shalt  }
0x47: {  	_ =	shalt  }
0x48: {  	_ =	shalt  }
0x49: {  	_ =	shalt  }
0x4a: {  	_ =	shalt  }
0x4b: {  	_ =	shalt  }
0x4c: {  	_ =	shalt  }
0x4d: {  	_ =	shalt  }
0x4e: {  	_ =	shalt  }
0x4f: {  	_ =	shalt  }
0x50: {  	_ =	shalt  }
0x51: {  	_ =	shalt  }
0x52: {  	_ =	shalt  }
0x53: {  	_ =	shalt  }
0x54: {  	_ =	shalt  }
0x55: {  	_ =	shalt  }
0x56: {  	_ =	shalt  }
0x57: {  	_ =	shalt  }
0x58: {  	_ =	shalt  }
0x59: {  	_ =	shalt  }
0x5a: {  	_ =	shalt  }
0x5b: {  	_ =	shalt  }
0x5c: {  	_ =	shalt  }
0x5d: {  	_ =	shalt  }
0x5e: {  	_ =	shalt  }
0x5f: {  	_ =	shalt  }
0x60: {  	_ =	shalt  }
0x61: {  	_ =	shalt  }
0x62: {  	_ =	shalt  }
0x63: {  	_ =	shalt  }
0x64: {  	_ =	shalt  }
0x65: {  	_ =	shalt  }
0x66: {  	_ =	shalt  }
0x67: {  	_ =	shalt  }
0x68: {  	_ =	shalt  }
0x69: {  	_ =	shalt  }
0x6a: {  	_ =	shalt  }
0x6b: {  	_ =	shalt  }
0x6c: {  	_ =	shalt  }
0x6d: {  	_ =	shalt  }
0x6e: {  	_ =	shalt  }
0x6f: {  	_ =	shalt  }
0x70: {  	_ =	shalt  }
0x71: {  	_ =	shalt  }
0x72: {  	_ =	shalt  }
0x73: {  	_ =	shalt  }
0x74: {  	_ =	shalt  }
0x75: {  	_ =	shalt  }
0x76: {  	_ =	shalt  }
0x77: {  	_ =	shalt  }
0x78: {  	_ =	shalt  }
0x79: {  	_ =	shalt  }
0x7a: {  	_ =	shalt  }
0x7b: {  	_ =	shalt  }
0x7c: {  	_ =	shalt  }
0x7d: {  	_ =	shalt  }
0x7e: {  	_ =	shalt  }
0x7f: {  	_ =	shalt  }
0x80: {  	_ =	shalt  }
0x81: {  	_ =	shalt  }
0x82: {  	_ =	shalt  }
0x83: {  	_ =	shalt  }
0x84: {  	_ =	shalt  }
0x85: {  	_ =	shalt  }
0x86: {  	_ =	shalt  }
0x87: {  	_ =	shalt  }
.Lfunc_end0:
.L_simem_size_0:
called_computation_lowered:
.L_overlay_start_0:
0x88: {  	s2 =	sld [smem:$0x3FD9]  }
0x89: {  	s3 =	sld [smem:$0x3FFE];
	_ =	sdelay $0x1  }
0x8a: {  	s1 =	srdreg.scid  }
0x8b: {  	s0 =	sand.u32 $0x1, s1  }
0x8c: {  	s17 =	sshll.u32 s0, $0xA;
	s2 =	sadd.s32 s3, s2  }
0x8d: {  	s2 =	sadd.s32 s2, s17  }
0x8e: {  	[smem:$0x3FB9] =	sst s2  }
0x8f: {  	_ = 	snop  }
0x90: {  	s2 =	sld [smem:$0x3FC9]  }
0x91: {  	s18 =	sld [smem:$0x3FC4];
	(tm) =	ssettm $0x1  }
0x92: {  	s4 =	sld [smem:$0x3FFB];
	_ =	sdelay $0x3  }
0x93: {  	_ =	strace s4  }
0x94: {  	s4 =	sld [smem:$0x3FFC];
	_ =	sdelay $0x3  }
0x95: {  	_ =	strace s4  }
0x96: {  	s4 =	sld [smem:$0x3FFD];
	_ =	sdelay $0x3  }
0x97: {  	_ =	strace s4  }
0x98: {  	_ =	strace $0x8FFFFFFF  }
0x99: {  	s19 =	sld [smem:$0x3FDB];
	_ =	sdelay $0x1  }
0x9a: {  	s5 =	simm.s32 $_scs_section_size  }
0x9b: {  	s6 =	simm.s32 $_size__tile_overlayer_lowered;
	s7 =	simm.s32 $_tile_overlayer_lowered  }
0x9c: {  	s22 =	simm.s32 $0x1BFF;
	s21 =	sshll.u32 s7, $0x1;
	s4 =	sadd.s32 s5, s19  }
0x9d: {  	s8 =	simm.s32 $0x0;
	s20 =	sshll.u32 s6, $0x1;
	s6 =	sadd.s32 s21, s4  }
0x9e: {  	[timem:s8], [sflag:s22] =	dma.local [hbm:s6], s20  }
0x9f: {  	_ =	swait.ge [sflag:s22], s20  }
0xa0: {  	s5 =	ssub.s32 $0x0, s20;
	[sflag:s22] =	ssyncset.done $0x0  }
0xa1: {  	[sflag:s22] =	ssyncadd.s32 s5;
	_ =	sdelay $0x1  }
0xa2: {  	s23 =	simm.s32 $0x1B8B  }
0xa3: {  	_ =	swait.ge [sflag:s23], $0x1  }
0xa4: {  	[sflag:s23] =	ssyncset.done $0x0  }
0xa5: {  	s25 =	simm.s32 $0x1B8E;
	s24 =	sld [smem:$0x3FFE];
	[sflag:s23] =	ssyncadd.s32 $0xFFFFFFFF  }
0xa6: {  	s26 =	simm.s32 $execute0_lowered;
	[smem:$0x3FD2] =	sst s25  }
0xa7: {  	s6 =	sshll.u32 s26, $0x1;
	_ =	strace $0x80000046;
	[dreg:$0x1] =	wrdreg $0xFFFFFFFF  }
0xa8: {  	s28 =	simm.s32 $_size_execute0_lowered;
	s4 =	sadd.s32 s4, s6;
	[dreg:$0x0] =	wrdreg $0x0  }
0xa9: {  	s6 =	sshll.u32 s28, $0x1;
	[dreg:$0x2] =	wrdreg s4  }
0xaa: {  	[dreg:$0x3] =	wrdreg s6  }
0xab: {  	[dreg:$0x4] =	wrdreg $0xC0  }
0xac: {  	_ =	task [dreg:s8], $0x5FFFF  }
0xad: {  	[dreg:$0x1] =	wrdreg $0xFFFFFFFF  }
0xae: {  	[dreg:$0x0] =	wrdreg $0x60  }
0xaf: {  	[dreg:$0x2] =	wrdreg s18  }
0xb0: {  	[dreg:$0x3] =	wrdreg s2  }
0xb1: {  	[dreg:$0x4] =	wrdreg s24  }
0xb2: {  	[dreg:$0x5] =	wrdreg $0x9  }
0xb3: {  	_ =	task.clear_ibuf [dreg:s8], $0x6FFFF;
	_ =	strace $0x90000046  }
0xb4: {  	s29 =	simm.s32 $0x9;
	_ =	strace $0x80000048  }
0xb5: {  	_ =	swait.ge [sflag:s29], $0x1  }
0xb6: {  	[sflag:s29] =	ssyncadd.s32 $0xFFFFFFFF  }
0xb7: {  	_ =	strace $0x90000048  }
0xb8: {  	_ =	sfence  }
0xb9: {  	s30 =	sld [smem:$0x0];
	_ =	sdelay $0x2  }
0xba: {  	s31 =	sshll.u32 s1, $0xD;
	s1 =	sshrl.u32 s1, $0x2  }
0xbb: {  	s3 =	sand.u32 $0x4000, s31;
	s1 =	sadd.s32 s1, s30  }
0xbc: {  	s0 =	sor.u32 s3, s0;
	s1 =	sshll.u32 s1, $0x11  }
0xbd: {  	s0 =	sor.u32 s1, s0  }
0xbe: {  	s0 =	sadd.s32 $0x8F2B, s0  }
0xbf: {  	[sflag:s0] =	ssyncadd.remote.s32 $0x1  }
0xc0: {  	_ =	sfence.sel $0xFFFF  }
0xc1: {  	[dreg:$0x0] =	wrdreg $0xFFFFFFFF;
	(pc) =	sbr.abs _section_cstart, $3  }
0xc2: {  	[dreg:$0x1] =	wrdreg $0xFFFFFFFF  }
0xc3: {  	_ =	task.clear_ibuf [dreg:s8], $0x2FFFF;
	_ =	strace $0x9FFFFFFF  }
0xc4: {  	(tm) =	ssettm $0x7FFFFFFF  }
0xc5: {  	_ =	shalt  }
tec
execute0_lowered:
.L_overlay_start_1:
0x0: {  	(tag) =	ssettag $0x1  }
0x1: {  	s1 =	srdreg.scid;
	s0 =	stileid.u32  }
0x2: {  	s6 =	sand.u32 $0x1, s1;
	s5 =	sshll.u32 s0, $0x1  }
0x3: {  	s7 =	sor.u32 s6, s5  }
0x4: {  	p0 =	sgt.u32 s7, $0x18  }
.Ltmp0:
0x5: {  	s2 =	rddreg [dreg:$0x0];
	(pc) =	sbr.rel @p0 .LBB2_4-.Ltmp0, $4  }
0x6: {  	s4 =	rddreg [dreg:$0x1]  }
0x7: {  	s9 =	rddreg [dreg:$0x2];
	s3 =	simm.s32 $0x0  }
0x8: {  	[smem:$0x7FF] =	sst s3  }
0x9: {  	s1 =	rddreg [dreg:$0x3];
	_ =	strace $0x80000047  }
0xa: {  	s5 =	smul.u32 $0x32, s7  }
0xb: {  	s10 =	smul.u32 $0x1900, s7;
	s11 =	ssub.s32 $0x2, s6  }
0xc: {  	s6 =	simm.s32 $0x190;
	s5 =	sadd.s32 s4, s5;
	s4 =	simm.s32 $0x2  }
0xd: {  	[tilespmem:s3], [sflag:$0x2] =	stream.linear.gather [hbm4b:s5+s3], $0x190, $0x38;
	[tilespmem:$0xCA00] =	vst v63  }
0xe: {  	s7 =	simm.s32 $0x200;
	s12 =	sshrl.u32 s11, $0x1;
	_ =	swait.ge [sflag:s4], $0x190  }
0xf: {  	s8 =	simm.s32 $0x1;
	s31 =	ssub.s32 s11, s12;
	[sflag:s4] =	ssyncset.done $0x0  }
0x10: {  	s9 =	sadd.s32 s10, s9;
	s10 =	smax.u32 s31, $0x1;
	[sflag:s4] =	ssyncadd.s32 $0xFFFFFE70  }
0x11: {  	[tilespmem:s7], [sflag:$0x1] =	stream.indirect.gather [hbm4b:s2+s6], $0x80, s3, s6, $0xb8;
	[tilespmem:$0xCA00] =	vst v63  }
0x12: {  	p0 =	sne.s32 s10, $0x1;
	_ =	swait.ge [sflag:s8], $0xC800  }
.Ltmp1:
0x13: {  	[sflag:s8] =	ssyncset.done $0x0;
	(pc) =	sbr.rel @!p0 .LBB2_3-.Ltmp1, $4  }
0x14: {  	s9 =	sadd.s32 $0x6200, s9;
	[sflag:s8] =	ssyncadd.s32 $0xFFFF3800  }
0x15: {  	[hbm4b:s9+s3] =	stream.linear.scatter [tilespmem:s7], [sflag:$0x2], $0xC800, $0x38;
	[tilespmem:$0xCA00] =	vst v63  }
0x16: {  	_ =	swait.ge [sflag:s4], $0xC800  }
0x17: {  	s10 =	sadd.s32 $0xFFFFFFFF, s10;
	[sflag:s4] =	ssyncset.done $0x0  }
.LBB2_2:
0x18: {  	p0 =	sne.s32 s10, $0x1;
	s10 =	sadd.s32 $0xFFFFFFFF, s10;
	[sflag:s4] =	ssyncadd.s32 $0xFFFF3800  }
0x19: {  	[tilespmem:s3], [sflag:$0x2] =	stream.linear.gather [hbm4b:s5+s3], $0x190, $0x38;
	[tilespmem:$0xCA00] =	vst v63  }
0x1a: {  	_ =	swait.ge [sflag:s4], $0x190  }
0x1b: {  	[sflag:s4] =	ssyncset.done $0x0  }
0x1c: {  	[sflag:s4] =	ssyncadd.s32 $0xFFFFFE70  }
0x1d: {  	[tilespmem:s7], [sflag:$0x1] =	stream.indirect.gather [hbm4b:s2+s6], $0x80, s3, s6, $0xb8;
	[tilespmem:$0xCA00] =	vst v63  }
0x1e: {  	_ =	swait.ge [sflag:s8], $0xC800  }
.Ltmp2:
0x1f: {  	[sflag:s8] =	ssyncset.done $0x0;
	(pc) =	sbr.rel @p0 .LBB2_2-.Ltmp2, $4  }
0x20: {  	[sflag:s8] =	ssyncadd.s32 $0xFFFF3800  }
0x21: {  	[hbm4b:s9+s3] =	stream.linear.scatter [tilespmem:s7], [sflag:$0x2], $0xC800, $0x38;
	[tilespmem:$0xCA00] =	vst v63  }
0x22: {  	_ =	swait.ge [sflag:s4], $0xC800  }
0x23: {  	[sflag:s4] =	ssyncset.done $0x0  }
.LBB2_3:
0x24: {  	[sflag:s4] =	ssyncadd.s32 $0xFFFF3800  }
.LBB2_4:
0x25: {  	_ =	sfence.sel $0x180000  }
0x26: {  	[bflag:$0x0] =	sbarrier.arrive $0xFFFF  }
0x27: {  	p0 =	sne.s32 s0, $0x0;
	_ =	strace $0x90000047  }
0x28: {  	s0 =	sadd.s32 @!p0 $0x100000, s1;
	[bflag:$0x2] =	sbarrier.arrive $0xFFFF  }
0x29: {  	[sflag:s0] =	ssyncadd.tile.s32 @!p0 $0x1;
	_ =	shalt  }
.Lfunc_end2:
_tile_overlayer_lowered:
.L_overlay_start_2:
0x2a: {  	(tag) =	ssettag $0x2  }
0x2b: {  	s0 =	rddreg [dreg:$0x0];
	s2 =	stileid.u32  }
0x2c: {  	s1 =	rddreg [dreg:$0x1];
	p0 =	sne.s32 s2, $0x0  }
0x2d: {  	s3 =	rddreg [dreg:$0x2];
	[bflag:$0x3] =	sbarrier.arrive $0xFFFF;
	s2 =	simm.s32 @!p0 $0x1C02  }
0x2e: {  	[timem:s3], [sflag:s2] =	dma.local @!p0 [hbm:s0], s1  }
0x2f: {  	s0 =	simm.s32 @!p0 $0x2  }
0x30: {  	_ =	swait.ge @!p0 [sflag:s0], s1  }
0x31: {  	s1 =	ssub.s32 @!p0 $0x0, s1;
	[sflag:s0] =	ssyncset.done @!p0 $0x0  }
0x32: {  	[sflag:s0] =	ssyncadd.s32 @!p0 s1  }
0x33: {  	[bflag:$0x3] =	sbarrier.arrive $0xFFFF  }
0x34: {  	_ =	shalt  }

// kernel: kernel.26.cloned.1.call-start
scs
__scs_entry_jumppad:
0x0: {  	(pc) =	sbr.rel $0x88, $3  }
0x1: {  	(tag) =	ssettag $0x0;
	lr =	simm.s32 $0x1  }
0x2: {  	[smem:$0x3F92] =	sst lr;
	_ =	strace $0xD0000000  }
0x3: {  	_ = 	snop  }
0x4: {  	_ = 	snop  }
0x5: {  	_ = 	snop  }
0x6: {  	_ = 	snop  }
0x7: {  	_ = 	snop  }
__scs_overlays_trampoline_lowered:
0x8: {  	[smem:$0x3FA1] =	sst s0  }
0x9: {  	[smem:$0x3FA2] =	sst s1  }
0xa: {  	[smem:$0x3FA3] =	sst s2  }
0xb: {  	[smem:$0x3FA4] =	sst s3  }
0xc: {  	[smem:$0x3FA5] =	sst s4  }
0xd: {  	[smem:$0x3FA6] =	sst s5  }
0xe: {  	[smem:$0x3FA7] =	sst s6  }
0xf: {  	[smem:$0x3FA8] =	sst s7  }
0x10: {  	[smem:$0x3FA9] =	sst s8  }
0x11: {  	[smem:$0x3FAA] =	sst s9;
	s0 =	simm.s32 @!p0 $0x0  }
0x12: {  	s1 =	sld [smem:$0x3F90];
	s0 =	simm.s32 @p0 $0x1  }
0x13: {  	[smem:$0x3FAB] =	sst s0;
	s0 =	simm.s32 @!p1 $0x0  }
0x14: {  	s2 =	sld [smem:$0x3F8F];
	s0 =	simm.s32 @p1 $0x1  }
0x15: {  	[smem:$0x3FAC] =	sst s0;
	s0 =	simm.s32 @!p2 $0x0  }
0x16: {  	s3 =	sld [smem:$0x3FDB];
	s0 =	simm.s32 @p2 $0x1  }
0x17: {  	s4 =	simm.s32 $0x1BF5;
	[smem:$0x3FAE] =	sst s0  }
0x18: {  	s0 =	sld [smem:$0x3F91];
	_ =	swait.ge [sflag:s4], $0x0  }
0x19: {  	s7 =	sld [smem:$0x3F92]  }
0x1a: {  	s8 =	sadd.s32 $0xFFFFE003, lr  }
0x1b: {  	s9 =	sadd.s32 $0xFFFFFEF7, lr;
	s5 =	simm.s32 $0xFFFFFFFF;
	p2 =	slt.u32 s8, $0xFFFFF086  }
0x1c: {  	p1 =	slt.u32 s9, $0xF7A;
	s5 =	simm.s32 @!p2 $0x0  }
0x1d: {  	s5 =	simm.s32 @p1 $0x1;
	p0 =	seq.s32 s7, s2  }
0x1e: {  	s7 =	smul.u32 @!p0 $0xF7A, s2;
	p2 =	seq.s32 @!p0 s5, $0x0  }
0x1f: {  	s9 =	smul.u32 $0xF7A, s1;
	s8 =	simm.s32 @!p0 $0x1BF5;
	p2 =	por !p2, p0  }
0x20: {  	[sflag:s8] =	ssyncset.s32 @!p0 $0xFFFFF086;
	s6 =	sadd.s32 @!p0 s3, s7;
	s7 =	simm.s32 @!p0 $0x108  }
0x21: {  	s3 =	sadd.s32 s3, s9;
	s6 =	sadd.s32 @!p0 $0x88, s6;
	s7 =	simm.s32 @p2 $0x1082  }
0x22: {  	[simem:s7], [sflag:s8] =	dma.local @!p0 [hbm:s6], $0xF7A  }
0x23: {  	s9 =	sor.u32 $0xD0000000, s2;
	s6 =	simm.s32 $0x108;
	_ =	swait.ge @!p0 [sflag:s8], $0x0  }
0x24: {  	s3 =	sadd.s32 $0x88, s3;
	s6 =	simm.s32 @!p1 $0x1082;
	[sflag:s4] =	ssyncset.s32 $0xFFFFF086  }
0x25: {  	[simem:s6], [sflag:s4] =	dma.local [hbm:s3], $0xF7A  }
0x26: {  	[smem:$0x3F92] =	sst s1;
	(tag) =	ssettag s2;
	_ =	strace s9  }
0x27: {  	s1 =	sld [smem:$0x3FA2]  }
0x28: {  	s2 =	sld [smem:$0x3FA3]  }
0x29: {  	s4 =	sld [smem:$0x3FA5]  }
0x2a: {  	p0 =	seq.s32 s5, $0x0;
	s5 =	sld [smem:$0x3FA6]  }
0x2b: {  	s6 =	sld [smem:$0x3FA7]  }
0x2c: {  	s7 =	sld [smem:$0x3FA8]  }
0x2d: {  	s3 =	simm.s32 $0x108;
	s8 =	sld [smem:$0x3FA9]  }
0x2e: {  	s3 =	simm.s32 @!p0 $0x1082;
	s9 =	sld [smem:$0x3FAA]  }
0x2f: {  	lr =	sadd.s32 s0, s3;
	s0 =	sld [smem:$0x3FA1]  }
0x30: {  	s3 =	sld [smem:$0x3FA4]  }
0x31: {  	[smem:$0x3FAD] =	sst s10  }
0x32: {  	s10 =	sld [smem:$0x3FAB];
	_ =	sdelay $0x3  }
0x33: {  	p0 =	seq.s32 s10, $0x1;
	s10 =	sld [smem:$0x3FAD];
	_ =	sdelay $0x3  }
0x34: {  	[smem:$0x3FAD] =	sst s10  }
0x35: {  	s10 =	sld [smem:$0x3FAC];
	_ =	sdelay $0x3  }
0x36: {  	p1 =	seq.s32 s10, $0x1;
	s10 =	sld [smem:$0x3FAD];
	_ =	sdelay $0x3  }
0x37: {  	[smem:$0x3FAD] =	sst s10  }
0x38: {  	s10 =	sld [smem:$0x3FAE]  }
0x39: {  	_ = 	snop;
	(pc) =	sbr.ind lr, $3  }
0x3a: {  	_ = 	snop  }
0x3b: {  	_ = 	snop  }
0x3c: {  	p2 =	seq.s32 s10, $0x1;
	s10 =	sld [smem:$0x3FAD]  }
0x3d: {  	_ =	shalt  }
0x3e: {  	_ =	shalt  }
0x3f: {  	_ =	shalt  }
0x40: {  	_ =	shalt  }
0x41: {  	_ =	shalt  }
0x42: {  	_ =	shalt  }
0x43: {  	_ =	shalt  }
0x44: {  	_ =	shalt  }
0x45: {  	_ =	shalt  }
0x46: {  	_ =	shalt  }
0x47: {  	_ =	shalt  }
0x48: {  	_ =	shalt  }
0x49: {  	_ =	shalt  }
0x4a: {  	_ =	shalt  }
0x4b: {  	_ =	shalt  }
0x4c: {  	_ =	shalt  }
0x4d: {  	_ =	shalt  }
0x4e: {  	_ =	shalt  }
0x4f: {  	_ =	shalt  }
0x50: {  	_ =	shalt  }
0x51: {  	_ =	shalt  }
0x52: {  	_ =	shalt  }
0x53: {  	_ =	shalt  }
0x54: {  	_ =	shalt  }
0x55: {  	_ =	shalt  }
0x56: {  	_ =	shalt  }
0x57: {  	_ =	shalt  }
0x58: {  	_ =	shalt  }
0x59: {  	_ =	shalt  }
0x5a: {  	_ =	shalt  }
0x5b: {  	_ =	shalt  }
0x5c: {  	_ =	shalt  }
0x5d: {  	_ =	shalt  }
0x5e: {  	_ =	shalt  }
0x5f: {  	_ =	shalt  }
0x60: {  	_ =	shalt  }
0x61: {  	_ =	shalt  }
0x62: {  	_ =	shalt  }
0x63: {  	_ =	shalt  }
0x64: {  	_ =	shalt  }
0x65: {  	_ =	shalt  }
0x66: {  	_ =	shalt  }
0x67: {  	_ =	shalt  }
0x68: {  	_ =	shalt  }
0x69: {  	_ =	shalt  }
0x6a: {  	_ =	shalt  }
0x6b: {  	_ =	shalt  }
0x6c: {  	_ =	shalt  }
0x6d: {  	_ =	shalt  }
0x6e: {  	_ =	shalt  }
0x6f: {  	_ =	shalt  }
0x70: {  	_ =	shalt  }
0x71: {  	_ =	shalt  }
0x72: {  	_ =	shalt  }
0x73: {  	_ =	shalt  }
0x74: {  	_ =	shalt  }
0x75: {  	_ =	shalt  }
0x76: {  	_ =	shalt  }
0x77: {  	_ =	shalt  }
0x78: {  	_ =	shalt  }
0x79: {  	_ =	shalt  }
0x7a: {  	_ =	shalt  }
0x7b: {  	_ =	shalt  }
0x7c: {  	_ =	shalt  }
0x7d: {  	_ =	shalt  }
0x7e: {  	_ =	shalt  }
0x7f: {  	_ =	shalt  }
0x80: {  	_ =	shalt  }
0x81: {  	_ =	shalt  }
0x82: {  	_ =	shalt  }
0x83: {  	_ =	shalt  }
0x84: {  	_ =	shalt  }
0x85: {  	_ =	shalt  }
0x86: {  	_ =	shalt  }
0x87: {  	_ =	shalt  }
.Lfunc_end0:
.L_simem_size_0:
called_computation.1_lowered:
.L_overlay_start_0:
0x88: {  	s2 =	sld [smem:$0x3FD9]  }
0x89: {  	s3 =	sld [smem:$0x3FFE];
	_ =	sdelay $0x1  }
0x8a: {  	s1 =	srdreg.scid  }
0x8b: {  	s0 =	sand.u32 $0x1, s1  }
0x8c: {  	s14 =	sshll.u32 s0, $0xA;
	s2 =	sadd.s32 s3, s2  }
0x8d: {  	s2 =	sadd.s32 s2, s14  }
0x8e: {  	[smem:$0x3FB9] =	sst s2  }
0x8f: {  	_ = 	snop  }
0x90: {  	s2 =	sld [smem:$0x3FD0];
	_ =	sdelay $0x2  }
0x91: {  	s4 =	simm.s32 $0xD;
	s5 =	simm.s32 $0x10;
	s15 =	sld [smem:$0x3FC8]  }
0x92: {  	[smem:s5], [sflag:s4] =	dma.local [hbm:s2], $0x1  }
0x93: {  	_ =	swait.eq [sflag:s4], $0x1  }
0x94: {  	[sflag:s4] =	ssyncset.done $0x0  }
0x95: {  	[sflag:s4] =	ssyncadd.s32 $0xFFFFFFFF  }
0x96: {  	s16 =	sld [smem:$0x11];
	(tm) =	ssettm $0x1  }
0x97: {  	s17 =	sld [smem:$0x3FFB];
	_ =	sdelay $0x3  }
0x98: {  	_ =	strace s17  }
0x99: {  	s4 =	sld [smem:$0x3FFC];
	_ =	sdelay $0x3  }
0x9a: {  	_ =	strace s4  }
0x9b: {  	s4 =	sld [smem:$0x3FFD];
	_ =	sdelay $0x3  }
0x9c: {  	_ =	strace s4  }
0x9d: {  	_ =	strace $0x8FFFFFFF  }
0x9e: {  	s18 =	sld [smem:$0x3FDB];
	_ =	sdelay $0x1  }
0x9f: {  	s19 =	simm.s32 $_scs_section_size  }
0xa0: {  	s6 =	simm.s32 $_size__tile_overlayer_lowered;
	s7 =	simm.s32 $_tile_overlayer_lowered  }
0xa1: {  	s22 =	simm.s32 $0x1BFF;
	s21 =	sshll.u32 s7, $0x1;
	s4 =	sadd.s32 s19, s18  }
0xa2: {  	s8 =	simm.s32 $0x0;
	s20 =	sshll.u32 s6, $0x1;
	s6 =	sadd.s32 s21, s4  }
0xa3: {  	[timem:s8], [sflag:s22] =	dma.local [hbm:s6], s20  }
0xa4: {  	_ =	swait.ge [sflag:s22], s20  }
0xa5: {  	s5 =	ssub.s32 $0x0, s20;
	[sflag:s22] =	ssyncset.done $0x0  }
0xa6: {  	[sflag:s22] =	ssyncadd.s32 s5;
	_ =	sdelay $0x1  }
0xa7: {  	s23 =	simm.s32 $0x1B8B  }
0xa8: {  	_ =	swait.ge [sflag:s23], $0x1  }
0xa9: {  	[sflag:s23] =	ssyncset.done $0x0  }
0xaa: {  	s25 =	simm.s32 $0x1B8E;
	s24 =	sld [smem:$0x3FFE];
	[sflag:s23] =	ssyncadd.s32 $0xFFFFFFFF  }
0xab: {  	s26 =	simm.s32 $execute0_lowered;
	[smem:$0x3FD2] =	sst s25  }
0xac: {  	s6 =	sshll.u32 s26, $0x1;
	_ =	strace $0x80000049;
	[dreg:$0x1] =	wrdreg $0xFFFFFFFF  }
0xad: {  	s28 =	simm.s32 $_size_execute0_lowered;
	s4 =	sadd.s32 s4, s6;
	[dreg:$0x0] =	wrdreg $0x0  }
0xae: {  	s6 =	sshll.u32 s28, $0x1;
	[dreg:$0x2] =	wrdreg s4  }
0xaf: {  	[dreg:$0x3] =	wrdreg s6  }
0xb0: {  	[dreg:$0x4] =	wrdreg $0xC0  }
0xb1: {  	_ =	task [dreg:s8], $0x5FFFF  }
0xb2: {  	[dreg:$0x1] =	wrdreg $0xFFFFFFFF  }
0xb3: {  	[dreg:$0x0] =	wrdreg $0x60  }
0xb4: {  	[dreg:$0x2] =	wrdreg s16  }
0xb5: {  	[dreg:$0x3] =	wrdreg s24  }
0xb6: {  	[dreg:$0x4] =	wrdreg s15  }
0xb7: {  	[dreg:$0x5] =	wrdreg $0x9  }
0xb8: {  	_ =	task.clear_ibuf [dreg:s8], $0x6FFFF;
	_ =	strace $0x90000049  }
0xb9: {  	s29 =	simm.s32 $0x9;
	_ =	strace $0x8000004B  }
0xba: {  	_ =	swait.ge [sflag:s29], $0x1  }
0xbb: {  	[sflag:s29] =	ssyncadd.s32 $0xFFFFFFFF  }
0xbc: {  	_ =	strace $0x9000004B  }
0xbd: {  	_ =	sfence  }
0xbe: {  	s30 =	sld [smem:$0x0];
	_ =	sdelay $0x2  }
0xbf: {  	s31 =	sshll.u32 s1, $0xD;
	s1 =	sshrl.u32 s1, $0x2  }
0xc0: {  	s3 =	sand.u32 $0x4000, s31;
	s1 =	sadd.s32 s1, s30  }
0xc1: {  	s0 =	sor.u32 s3, s0;
	s1 =	sshll.u32 s1, $0x11  }
0xc2: {  	s0 =	sor.u32 s1, s0  }
0xc3: {  	s0 =	sadd.s32 $0x8F2B, s0  }
0xc4: {  	[sflag:s0] =	ssyncadd.remote.s32 $0x1  }
0xc5: {  	_ =	sfence.sel $0xFFFF  }
0xc6: {  	[dreg:$0x0] =	wrdreg $0xFFFFFFFF;
	(pc) =	sbr.abs _section_cstart, $3  }
0xc7: {  	[dreg:$0x1] =	wrdreg $0xFFFFFFFF  }
0xc8: {  	_ =	task.clear_ibuf [dreg:s8], $0x2FFFF;
	_ =	strace $0x9FFFFFFF  }
0xc9: {  	(tm) =	ssettm $0x7FFFFFFF  }
tec
execute0_lowered:
.L_overlay_start_1:
0x0: {  	(tag) =	ssettag $0x1  }
0x1: {  	s1 =	rddreg [dreg:$0x0]  }
0x2: {  	s6 =	rddreg [dreg:$0x1]  }
0x3: {  	s7 =	rddreg [dreg:$0x2];
	s3 =	simm.s32 $0x0;
	s2 =	stileid.u32  }
0x4: {  	s4 =	srdreg.scid;
	s14 =	simm.s32 $0x2C00;
	s15 =	simm.s32 $0x3400  }
0x5: {  	s16 =	simm.s32 $0x28;
	s17 =	simm.s32 $0x6400;
	s18 =	simm.s32 $0x1  }
0x6: {  	s19 =	simm.s32 $0x4;
	s20 =	simm.s32 $0x2;
	s21 =	simm.s32 $0x3C00  }
0x7: {  	s22 =	simm.s32 $0x7800;
	s23 =	simm.s32 $0x0;
	s8 =	smul.u32 $0x4E200, s2  }
0x8: {  	[smem:$0x7FF] =	sst s3;
	s9 =	sand.u32 $0x1, s4;
	s10 =	smul.u32 $0x27100, s2  }
0x9: {  	s28 =	sshll.u32 s2, $0x1;
	s5 =	sadd.s32 $0x2DC00, s6;
	s12 =	smul.u32 $0x13880, s9  }
0xa: {  	s4 =	sor.u32 s9, s28;
	s30 =	ssub.s32 $0x2, s9;
	s9 =	smul.u32 $0x27100, s9  }
0xb: {  	_ =	strace $0x8000004A;
	s11 =	sadd.s32 s8, s6;
	s29 =	smul.u32 $0x1388, s4  }
.Ltmp0:
0xc: {  	s10 =	sadd.s32 s10, s6;
	s13 =	sshrl.u32 s30, $0x1;
	(pc) =	sbr.rel .LBB2_1-.Ltmp0, $4  }
0xd: {  	s13 =	ssub.s32 s30, s13;
	s31 =	sadd.s32 s12, s10;
	s9 =	sadd.s32 s9, s11  }
0xe: {  	v2 =	vlaneseq.u32;
	s10 =	simm.s32 $0x3;
	s11 =	simm.s32 $0x1400;
	s8 =	sshrl.u32 s29, $0x3  }
0xf: {  	vm0 =	vmmov $0xffff;
	v1 =	vshrl.u32 v2, $0x3;
	s12 =	simm.s32 $0x1C00;
	s9 =	sadd.s32 $0x2C5E00, s9;
	s6 =	sadd.s32 s7, s8  }
0x10: {  	v0 =	vand.u32 $0x7, v2;
	v2 =	vor.u32 $0x8, v2;
	v1 =	vmul.u32 $0x8, v1;
	s7 =	smax.u32 s13, $0x1;
	s8 =	sadd.s32 $0x54E00, s31;
	s13 =	simm.s32 $0x2400  }
.LBB2_5:
0x11: {  	s23 =	sadd.s32 $0x1, s23  }
0x12: {  	p0 =	sne.s32 s23, s7  }
.Ltmp1:
0x13: {  	_ = 	snop;
	(pc) =	sbr.rel @!p0 .LBB2_6-.Ltmp1, $1  }
0x14: {  	_ =	sdelay $0x3  }
.LBB2_1:
0x15: {  	[tilespmem:s3], [sflag:$0x3] =	stream.linear.gather [hbm4b:s6+s3], $0x1388, $0x38;
	[tilespmem:$0x8C00] =	vst v63  }
0x16: {  	_ =	swait.ge [sflag:s10], $0x1388  }
0x17: {  	[sflag:s10] =	ssyncset.done $0x0  }
0x18: {  	[sflag:s10] =	ssyncadd.s32 $0xFFFFEC78  }
0x19: {  	v3 =	vld [tilespmem:$0x0];
	_ =	sdelay $0x4  }
0x1a: {  	v4 =	vshll.u32 v3, $0x1  }
0x1b: {  	v3 =	vand.u32 $0x7, v3;
	v4 =	vand.u32 $0xFFFFFFF0, v4  }
0x1c: {  	v3 =	vor.u32 v3, v4  }
0x1d: {  	v4 =	vperm.xlane v3, v0;
	_ =	sdelay $0x1  }
0x1e: {  	v3 =	vperm.xlane v3, v2;
	v4 =	vadd.s32 v1, v4;
	_ =	sdelay $0x1  }
0x1f: {  	v3 =	vadd.s32 v1, v3;
	_ =	sdelay $0x2  }
0x20: {  	[tilespmem:s11], [sflag:$0x1] =	stream.indirect_vreg.gather [hbm4b:s1+s3], $0x80, v4, vm0, $0xb8;
	[tilespmem:$0x8C00] =	vst v63  }
0x21: {  	_ = 	snop  }
0x22: {  	[tilespmem:s12], [sflag:$0x1] =	stream.indirect_vreg.gather [hbm4b:s1+s3], $0x80, v3, vm0, $0xb8;
	[tilespmem:$0x8C00] =	vst v63  }
0x23: {  	v3 =	vld [tilespmem:$0x10];
	_ =	sdelay $0x4  }
0x24: {  	v62 =	vshll.u32 v3, $0x1  }
0x25: {  	v3 =	vand.u32 $0x7, v3;
	v4 =	vand.u32 $0xFFFFFFF0, v62  }
0x26: {  	v3 =	vor.u32 v3, v4  }
0x27: {  	v4 =	vperm.xlane v3, v0;
	_ =	sdelay $0x1  }
0x28: {  	v3 =	vperm.xlane v3, v2;
	v4 =	vadd.s32 v1, v4;
	_ =	sdelay $0x1  }
0x29: {  	v3 =	vadd.s32 v1, v3;
	_ =	sdelay $0x2  }
0x2a: {  	[tilespmem:s13], [sflag:$0x1] =	stream.indirect_vreg.gather [hbm4b:s1+s3], $0x80, v4, vm0, $0xb8;
	[tilespmem:$0x8C00] =	vst v63  }
0x2b: {  	_ = 	snop  }
0x2c: {  	[tilespmem:s14], [sflag:$0x1] =	stream.indirect_vreg.gather [hbm4b:s1+s3], $0x80, v3, vm0, $0xb8;
	[tilespmem:$0x8C00] =	vst v63  }
0x2d: {  	v3 =	vld.msk [tilespmem:$0x20], $0xff;
	_ =	sdelay $0x4  }
0x2e: {  	v63 =	vshll.u32 v3, $0x1  }
0x2f: {  	v3 =	vand.u32 $0x7, v3;
	v4 =	vand.u32 $0xFFFFFFF0, v63  }
0x30: {  	v3 =	vor.u32 v3, v4  }
0x31: {  	v3 =	vperm.xlane v3, v0;
	_ =	sdelay $0x1  }
0x32: {  	v3 =	vadd.s32 v1, v3;
	_ =	sdelay $0x2  }
.Ltmp2:
0x33: {  	_ = 	snop;
	(pc) =	sbr.rel .LBB2_2-.Ltmp2, $4  }
0x34: {  	s24 =	simm.s32 $0x1;
	s25 =	smov.u32 s9  }
0x35: {  	[tilespmem:s15], [sflag:$0x1] =	stream.indirect_vreg.gather [hbm4b:s1+s3], $0x80, v3, vm0, $0xb8;
	[tilespmem:$0x8C00] =	vst v63  }
0x36: {  	s26 =	smov.u32 s8;
	s28 =	simm.s32 $0x0;
	s29 =	simm.s32 $0x0  }
0x37: {  	[tilespmem:s17], [sflag:$0x1] =	stream.indirect.gather [hbm4b:s5+s16], $0x80, s3, s16, $0xb8;
	[tilespmem:$0x8C00] =	vst v63  }
.LBB2_4:
0x38: {  	s28 =	sadd.s32 $0x140, s28  }
0x39: {  	p0 =	sne.s32 s28, $0x4EC0  }
.Ltmp3:
0x3a: {  	_ = 	snop;
	(pc) =	sbr.rel @!p0 .LBB2_5-.Ltmp3, $3  }
0x3b: {  	_ =	sdelay $0x1  }
0x3c: {  	s29 =	sadd.s32 $0x1, s29  }
0x3d: {  	s26 =	sadd.s32 $0x500, s26;
	s25 =	sadd.s32 $0xA00, s25;
	s24 =	sadd.s32 $0x2, s24  }
.LBB2_2:
0x3e: {  	p0 =	sgt.u32 s24, $0x7C  }
0x3f: {  	s30 =	sshra.s32 @!p0 s28, $0x2  }
0x40: {  	v3 =	vld @!p0 [tilespmem:s30+$0x28];
	_ =	sdelay $0x4  }
0x41: {  	v4 =	vshll.u32 @!p0 v3, $0x1  }
0x42: {  	v5 =	vlaneseq.u32 @!p0;
	v3 =	vand.u32 @!p0 $0x7, v3;
	v4 =	vand.u32 @!p0 $0xFFFFFFF0, v4  }
0x43: {  	v6 =	vshrl.u32 @!p0 v5, $0x3;
	v3 =	vor.u32 @!p0 v3, v4;
	v4 =	vand.u32 @!p0 $0x7, v5  }
0x44: {  	v6 =	vmul.u32 @!p0 $0x8, v6;
	v7 =	vperm.xlane @!p0 v3, v4  }
0x45: {  	v5 =	vor.u32 @!p0 $0x8, v5  }
0x46: {  	v3 =	vperm.xlane @!p0 v3, v5;
	v7 =	vadd.s32 @!p0 v6, v7;
	_ =	sdelay $0x1  }
0x47: {  	v3 =	vadd.s32 @!p0 v6, v3;
	_ =	sdelay $0x1  }
0x48: {  	vm1 =	vmmov @!p0 $0xffff;
	s31 =	simm.s32 @!p0 $0x0;
	s0 =	simm.s32 @!p0 $0x3C00  }
0x49: {  	[tilespmem:s0], [sflag:$0x2] =	stream.indirect_vreg.gather @!p0 [hbm4b:s1+s31], $0x80, v7, vm1, $0xb8;
	[tilespmem:$0x8C00] =	vst v63  }
0x4a: {  	s0 =	simm.s32 @!p0 $0x4400  }
0x4b: {  	[tilespmem:s0], [sflag:$0x2] =	stream.indirect_vreg.gather @!p0 [hbm4b:s1+s31], $0x80, v3, vm1, $0xb8;
	[tilespmem:$0x8C00] =	vst v63  }
0x4c: {  	v3 =	vld @!p0 [tilespmem:s30+$0x38];
	_ =	sdelay $0x4  }
0x4d: {  	v7 =	vshll.u32 @!p0 v3, $0x1  }
0x4e: {  	v3 =	vand.u32 @!p0 $0x7, v3;
	v7 =	vand.u32 @!p0 $0xFFFFFFF0, v7  }
0x4f: {  	v3 =	vor.u32 @!p0 v3, v7  }
0x50: {  	v7 =	vperm.xlane @!p0 v3, v4;
	_ =	sdelay $0x1  }
0x51: {  	v3 =	vperm.xlane @!p0 v3, v5;
	v7 =	vadd.s32 @!p0 v6, v7;
	_ =	sdelay $0x1  }
0x52: {  	v3 =	vadd.s32 @!p0 v6, v3;
	_ =	sdelay $0x1  }
0x53: {  	s0 =	simm.s32 @!p0 $0x4C00  }
0x54: {  	[tilespmem:s0], [sflag:$0x2] =	stream.indirect_vreg.gather @!p0 [hbm4b:s1+s31], $0x80, v7, vm1, $0xb8;
	[tilespmem:$0x8C00] =	vst v63  }
0x55: {  	s0 =	simm.s32 @!p0 $0x5400  }
0x56: {  	[tilespmem:s0], [sflag:$0x2] =	stream.indirect_vreg.gather @!p0 [hbm4b:s1+s31], $0x80, v3, vm1, $0xb8;
	[tilespmem:$0x8C00] =	vst v63  }
0x57: {  	v3 =	vld.msk @!p0 [tilespmem:s30+$0x48], $0xff;
	_ =	sdelay $0x4  }
0x58: {  	v5 =	vshll.u32 @!p0 v3, $0x1  }
0x59: {  	v3 =	vand.u32 @!p0 $0x7, v3;
	v5 =	vand.u32 @!p0 $0xFFFFFFF0, v5  }
0x5a: {  	v3 =	vor.u32 @!p0 v3, v5  }
0x5b: {  	v3 =	vperm.xlane @!p0 v3, v4;
	_ =	sdelay $0x1  }
0x5c: {  	v3 =	vadd.s32 @!p0 v6, v3;
	_ =	sdelay $0x3  }
0x5d: {  	s0 =	simm.s32 @!p0 $0x5C00  }
0x5e: {  	[tilespmem:s0], [sflag:$0x2] =	stream.indirect_vreg.gather @!p0 [hbm4b:s1+s31], $0x80, v3, vm1, $0xb8;
	[tilespmem:$0x8C00] =	vst v63  }
0x5f: {  	s0 =	sadd.s32 @!p0 $0x28, s30;
	s30 =	simm.s32 @!p0 $0x28;
	s31 =	simm.s32 @!p0 $0x7800  }
0x60: {  	[tilespmem:s31], [sflag:$0x2] =	stream.indirect.gather @!p0 [hbm4b:s5+s30], $0x80, s0, s30, $0xb8;
	[tilespmem:$0x8C00] =	vst v63  }
0x61: {  	_ =	swait.ge [sflag:s18], $0x2800  }
0x62: {  	[sflag:s18] =	ssyncset.done $0x0  }
0x63: {  	[sflag:s18] =	ssyncadd.s32 $0xFFFFD800  }
0x64: {  	s31 =	sor.u32 s4, s29;
	_ =	swait.ge [sflag:s18], $0x1400  }
0x65: {  	p1 =	sne.s32 s31, $0x0;
	[sflag:s18] =	ssyncset.done $0x0  }
0x66: {  	v3 =	vimm.f32 @!p1 $0.0e+00;
	[sflag:s18] =	ssyncadd.s32 $0xFFFFEC00  }
0x67: {  	[tilespmem:$0x6400] =	vst @!p1 v3  }
0x68: {  	[tilespmem:$0x6410] =	vst @!p1 v3  }
0x69: {  	[tilespmem:$0x6420] =	vst @!p1 v3  }
0x6a: {  	[tilespmem:$0x6430] =	vst @!p1 v3  }
0x6b: {  	[tilespmem:$0x6440] =	vst @!p1 v3  }
0x6c: {  	[tilespmem:$0x6450] =	vst @!p1 v3  }
0x6d: {  	[tilespmem:$0x6460] =	vst @!p1 v3  }
0x6e: {  	[tilespmem:$0x6470] =	vst @!p1 v3  }
0x6f: {  	[hbm4b:s25+s3] =	stream.linear.scatter [tilespmem:s11], [sflag:$0x4], $0x2800, $0x38;
	[tilespmem:$0x8C00] =	vst v63  }
0x70: {  	_ =	swait.ge [sflag:s19], $0x2800  }
0x71: {  	[sflag:s19] =	ssyncset.done $0x0  }
.Ltmp4:
0x72: {  	[sflag:s19] =	ssyncadd.s32 $0xFFFFD800;
	(pc) =	sbr.rel @p0 .LBB2_4-.Ltmp4, $4  }
0x73: {  	[hbm4b:s26+s3] =	stream.linear.scatter [tilespmem:s17], [sflag:$0x4], $0x1400, $0x38;
	[tilespmem:$0x8C00] =	vst v63  }
0x74: {  	_ =	swait.ge [sflag:s19], $0x1400  }
0x75: {  	[sflag:s19] =	ssyncset.done $0x0  }
0x76: {  	[sflag:s19] =	ssyncadd.s32 $0xFFFFEC00  }
0x77: {  	s0 =	sshra.s32 s28, $0x2  }
0x78: {  	v3 =	vld [tilespmem:s0+$0x50];
	_ =	sdelay $0x4  }
0x79: {  	v4 =	vshll.u32 v3, $0x1  }
0x7a: {  	v3 =	vand.u32 $0x7, v3;
	v4 =	vand.u32 $0xFFFFFFF0, v4  }
0x7b: {  	v3 =	vor.u32 v3, v4  }
0x7c: {  	v4 =	vperm.xlane v3, v0;
	_ =	sdelay $0x1  }
0x7d: {  	v3 =	vperm.xlane v3, v2;
	v4 =	vadd.s32 v1, v4;
	_ =	sdelay $0x1  }
0x7e: {  	v3 =	vadd.s32 v1, v3;
	_ =	sdelay $0x2  }
0x7f: {  	[tilespmem:s11], [sflag:$0x1] =	stream.indirect_vreg.gather [hbm4b:s1+s3], $0x80, v4, vm0, $0xb8;
	[tilespmem:$0x8C00] =	vst v63  }
0x80: {  	_ = 	snop  }
0x81: {  	[tilespmem:s12], [sflag:$0x1] =	stream.indirect_vreg.gather [hbm4b:s1+s3], $0x80, v3, vm0, $0xb8;
	[tilespmem:$0x8C00] =	vst v63  }
0x82: {  	v3 =	vld [tilespmem:s0+$0x60];
	_ =	sdelay $0x4  }
0x83: {  	v62 =	vshll.u32 v3, $0x1  }
0x84: {  	v3 =	vand.u32 $0x7, v3;
	v4 =	vand.u32 $0xFFFFFFF0, v62  }
0x85: {  	v3 =	vor.u32 v3, v4  }
0x86: {  	v4 =	vperm.xlane v3, v0;
	_ =	sdelay $0x1  }
0x87: {  	v3 =	vperm.xlane v3, v2;
	v4 =	vadd.s32 v1, v4;
	_ =	sdelay $0x1  }
0x88: {  	v3 =	vadd.s32 v1, v3;
	_ =	sdelay $0x2  }
0x89: {  	[tilespmem:s13], [sflag:$0x1] =	stream.indirect_vreg.gather [hbm4b:s1+s3], $0x80, v4, vm0, $0xb8;
	[tilespmem:$0x8C00] =	vst v63  }
0x8a: {  	_ = 	snop  }
0x8b: {  	[tilespmem:s14], [sflag:$0x1] =	stream.indirect_vreg.gather [hbm4b:s1+s3], $0x80, v3, vm0, $0xb8;
	[tilespmem:$0x8C00] =	vst v63  }
0x8c: {  	v3 =	vld.msk [tilespmem:s0+$0x70], $0xff;
	_ =	sdelay $0x4  }
0x8d: {  	v63 =	vshll.u32 v3, $0x1  }
0x8e: {  	v3 =	vand.u32 $0x7, v3;
	v4 =	vand.u32 $0xFFFFFFF0, v63  }
0x8f: {  	v3 =	vor.u32 v3, v4  }
0x90: {  	v3 =	vperm.xlane v3, v0;
	_ =	sdelay $0x1  }
0x91: {  	v3 =	vadd.s32 v1, v3;
	_ =	sdelay $0x4  }
0x92: {  	[tilespmem:s15], [sflag:$0x1] =	stream.indirect_vreg.gather [hbm4b:s1+s3], $0x80, v3, vm0, $0xb8;
	[tilespmem:$0x8C00] =	vst v63  }
0x93: {  	s0 =	sadd.s32 $0x50, s0  }
0x94: {  	[tilespmem:s17], [sflag:$0x1] =	stream.indirect.gather [hbm4b:s5+s16], $0x80, s0, s16, $0xb8;
	[tilespmem:$0x8C00] =	vst v63  }
0x95: {  	_ =	swait.ge [sflag:s20], $0x2800  }
0x96: {  	[sflag:s20] =	ssyncset.done $0x0  }
0x97: {  	[sflag:s20] =	ssyncadd.s32 $0xFFFFD800  }
0x98: {  	_ =	swait.ge [sflag:s20], $0x1400  }
0x99: {  	[sflag:s20] =	ssyncset.done $0x0  }
0x9a: {  	s30 =	sadd.s32 $0x500, s25;
	[sflag:s20] =	ssyncadd.s32 $0xFFFFEC00  }
0x9b: {  	[hbm4b:s30+s3] =	stream.linear.scatter [tilespmem:s21], [sflag:$0x4], $0x2800, $0x38;
	[tilespmem:$0x8C00] =	vst v63  }
0x9c: {  	_ =	swait.ge [sflag:s19], $0x2800  }
0x9d: {  	[sflag:s19] =	ssyncset.done $0x0  }
.Ltmp5:
0x9e: {  	s31 =	sadd.s32 $0x280, s26;
	[sflag:s19] =	ssyncadd.s32 $0xFFFFD800;
	(pc) =	sbr.rel .LBB2_4-.Ltmp5, $4  }
0x9f: {  	[hbm4b:s31+s3] =	stream.linear.scatter [tilespmem:s22], [sflag:$0x3], $0x1400, $0x38;
	[tilespmem:$0x8C00] =	vst v63  }
0xa0: {  	_ =	swait.ge [sflag:s10], $0x1400  }
0xa1: {  	[sflag:s10] =	ssyncset.done $0x0  }
0xa2: {  	[sflag:s10] =	ssyncadd.s32 $0xFFFFEC00  }
.LBB2_6:
0xa3: {  	_ =	sfence.sel $0x180000  }
0xa4: {  	[bflag:$0x0] =	sbarrier.arrive $0xFFFF  }
0xa5: {  	_ =	strace $0x9000004A  }
0xa6: {  	[bflag:$0x2] =	sbarrier.arrive $0xFFFF  }
0xa7: {  	p0 =	sne.s32 s2, $0x0;
	s0 =	rddreg [dreg:$0x3]  }
0xa8: {  	s0 =	sadd.s32 @!p0 $0x100000, s0  }
0xa9: {  	[sflag:s0] =	ssyncadd.tile.s32 @!p0 $0x1;
	_ =	shalt  }
.Lfunc_end2:
_tile_overlayer_lowered:
.L_overlay_start_2:
0xaa: {  	(tag) =	ssettag $0x2  }
0xab: {  	s0 =	rddreg [dreg:$0x0];
	s2 =	stileid.u32  }
0xac: {  	s1 =	rddreg [dreg:$0x1];
	p0 =	sne.s32 s2, $0x0  }
0xad: {  	s3 =	rddreg [dreg:$0x2];
	[bflag:$0x3] =	sbarrier.arrive $0xFFFF;
	s2 =	simm.s32 @!p0 $0x1C03  }
0xae: {  	[timem:s3], [sflag:s2] =	dma.local @!p0 [hbm:s0], s1  }
0xaf: {  	s0 =	simm.s32 @!p0 $0x3  }
0xb0: {  	_ =	swait.ge @!p0 [sflag:s0], s1  }
0xb1: {  	s1 =	ssub.s32 @!p0 $0x0, s1;
	[sflag:s0] =	ssyncset.done @!p0 $0x0  }
0xb2: {  	[sflag:s0] =	ssyncadd.s32 @!p0 s1  }
0xb3: {  	[bflag:$0x3] =	sbarrier.arrive $0xFFFF  }
0xb4: {  	_ =	shalt  }

// kernel: kernel.29.cloned.1.call-start
scs
__scs_entry_jumppad:
0x0: {  	(pc) =	sbr.rel $0x88, $3  }
0x1: {  	(tag) =	ssettag $0x0;
	lr =	simm.s32 $0x1  }
0x2: {  	[smem:$0x3F92] =	sst lr;
	_ =	strace $0xD0000000  }
0x3: {  	_ = 	snop  }
0x4: {  	_ = 	snop  }
0x5: {  	_ = 	snop  }
0x6: {  	_ = 	snop  }
0x7: {  	_ = 	snop  }
__scs_overlays_trampoline_lowered:
0x8: {  	[smem:$0x3FA1] =	sst s0  }
0x9: {  	[smem:$0x3FA2] =	sst s1  }
0xa: {  	[smem:$0x3FA3] =	sst s2  }
0xb: {  	[smem:$0x3FA4] =	sst s3  }
0xc: {  	[smem:$0x3FA5] =	sst s4  }
0xd: {  	[smem:$0x3FA6] =	sst s5  }
0xe: {  	[smem:$0x3FA7] =	sst s6  }
0xf: {  	[smem:$0x3FA8] =	sst s7  }
0x10: {  	[smem:$0x3FA9] =	sst s8  }
0x11: {  	[smem:$0x3FAA] =	sst s9;
	s0 =	simm.s32 @!p0 $0x0  }
0x12: {  	s1 =	sld [smem:$0x3F90];
	s0 =	simm.s32 @p0 $0x1  }
0x13: {  	[smem:$0x3FAB] =	sst s0;
	s0 =	simm.s32 @!p1 $0x0  }
0x14: {  	s2 =	sld [smem:$0x3F8F];
	s0 =	simm.s32 @p1 $0x1  }
0x15: {  	[smem:$0x3FAC] =	sst s0;
	s0 =	simm.s32 @!p2 $0x0  }
0x16: {  	s3 =	sld [smem:$0x3FDB];
	s0 =	simm.s32 @p2 $0x1  }
0x17: {  	s4 =	simm.s32 $0x1BF5;
	[smem:$0x3FAE] =	sst s0  }
0x18: {  	s0 =	sld [smem:$0x3F91];
	_ =	swait.ge [sflag:s4], $0x0  }
0x19: {  	s7 =	sld [smem:$0x3F92]  }
0x1a: {  	s8 =	sadd.s32 $0xFFFFE003, lr  }
0x1b: {  	s9 =	sadd.s32 $0xFFFFFEF7, lr;
	s5 =	simm.s32 $0xFFFFFFFF;
	p2 =	slt.u32 s8, $0xFFFFF086  }
0x1c: {  	p1 =	slt.u32 s9, $0xF7A;
	s5 =	simm.s32 @!p2 $0x0  }
0x1d: {  	s5 =	simm.s32 @p1 $0x1;
	p0 =	seq.s32 s7, s2  }
0x1e: {  	s7 =	smul.u32 @!p0 $0xF7A, s2;
	p2 =	seq.s32 @!p0 s5, $0x0  }
0x1f: {  	s9 =	smul.u32 $0xF7A, s1;
	s8 =	simm.s32 @!p0 $0x1BF5;
	p2 =	por !p2, p0  }
0x20: {  	[sflag:s8] =	ssyncset.s32 @!p0 $0xFFFFF086;
	s6 =	sadd.s32 @!p0 s3, s7;
	s7 =	simm.s32 @!p0 $0x108  }
0x21: {  	s3 =	sadd.s32 s3, s9;
	s6 =	sadd.s32 @!p0 $0x88, s6;
	s7 =	simm.s32 @p2 $0x1082  }
0x22: {  	[simem:s7], [sflag:s8] =	dma.local @!p0 [hbm:s6], $0xF7A  }
0x23: {  	s9 =	sor.u32 $0xD0000000, s2;
	s6 =	simm.s32 $0x108;
	_ =	swait.ge @!p0 [sflag:s8], $0x0  }
0x24: {  	s3 =	sadd.s32 $0x88, s3;
	s6 =	simm.s32 @!p1 $0x1082;
	[sflag:s4] =	ssyncset.s32 $0xFFFFF086  }
0x25: {  	[simem:s6], [sflag:s4] =	dma.local [hbm:s3], $0xF7A  }
0x26: {  	[smem:$0x3F92] =	sst s1;
	(tag) =	ssettag s2;
	_ =	strace s9  }
0x27: {  	s1 =	sld [smem:$0x3FA2]  }
0x28: {  	s2 =	sld [smem:$0x3FA3]  }
0x29: {  	s4 =	sld [smem:$0x3FA5]  }
0x2a: {  	p0 =	seq.s32 s5, $0x0;
	s5 =	sld [smem:$0x3FA6]  }
0x2b: {  	s6 =	sld [smem:$0x3FA7]  }
0x2c: {  	s7 =	sld [smem:$0x3FA8]  }
0x2d: {  	s3 =	simm.s32 $0x108;
	s8 =	sld [smem:$0x3FA9]  }
0x2e: {  	s3 =	simm.s32 @!p0 $0x1082;
	s9 =	sld [smem:$0x3FAA]  }
0x2f: {  	lr =	sadd.s32 s0, s3;
	s0 =	sld [smem:$0x3FA1]  }
0x30: {  	s3 =	sld [smem:$0x3FA4]  }
0x31: {  	[smem:$0x3FAD] =	sst s10  }
0x32: {  	s10 =	sld [smem:$0x3FAB];
	_ =	sdelay $0x3  }
0x33: {  	p0 =	seq.s32 s10, $0x1;
	s10 =	sld [smem:$0x3FAD];
	_ =	sdelay $0x3  }
0x34: {  	[smem:$0x3FAD] =	sst s10  }
0x35: {  	s10 =	sld [smem:$0x3FAC];
	_ =	sdelay $0x3  }
0x36: {  	p1 =	seq.s32 s10, $0x1;
	s10 =	sld [smem:$0x3FAD];
	_ =	sdelay $0x3  }
0x37: {  	[smem:$0x3FAD] =	sst s10  }
0x38: {  	s10 =	sld [smem:$0x3FAE]  }
0x39: {  	_ = 	snop;
	(pc) =	sbr.ind lr, $3  }
0x3a: {  	_ = 	snop  }
0x3b: {  	_ = 	snop  }
0x3c: {  	p2 =	seq.s32 s10, $0x1;
	s10 =	sld [smem:$0x3FAD]  }
0x3d: {  	_ =	shalt  }
0x3e: {  	_ =	shalt  }
0x3f: {  	_ =	shalt  }
0x40: {  	_ =	shalt  }
0x41: {  	_ =	shalt  }
0x42: {  	_ =	shalt  }
0x43: {  	_ =	shalt  }
0x44: {  	_ =	shalt  }
0x45: {  	_ =	shalt  }
0x46: {  	_ =	shalt  }
0x47: {  	_ =	shalt  }
0x48: {  	_ =	shalt  }
0x49: {  	_ =	shalt  }
0x4a: {  	_ =	shalt  }
0x4b: {  	_ =	shalt  }
0x4c: {  	_ =	shalt  }
0x4d: {  	_ =	shalt  }
0x4e: {  	_ =	shalt  }
0x4f: {  	_ =	shalt  }
0x50: {  	_ =	shalt  }
0x51: {  	_ =	shalt  }
0x52: {  	_ =	shalt  }
0x53: {  	_ =	shalt  }
0x54: {  	_ =	shalt  }
0x55: {  	_ =	shalt  }
0x56: {  	_ =	shalt  }
0x57: {  	_ =	shalt  }
0x58: {  	_ =	shalt  }
0x59: {  	_ =	shalt  }
0x5a: {  	_ =	shalt  }
0x5b: {  	_ =	shalt  }
0x5c: {  	_ =	shalt  }
0x5d: {  	_ =	shalt  }
0x5e: {  	_ =	shalt  }
0x5f: {  	_ =	shalt  }
0x60: {  	_ =	shalt  }
0x61: {  	_ =	shalt  }
0x62: {  	_ =	shalt  }
0x63: {  	_ =	shalt  }
0x64: {  	_ =	shalt  }
0x65: {  	_ =	shalt  }
0x66: {  	_ =	shalt  }
0x67: {  	_ =	shalt  }
0x68: {  	_ =	shalt  }
0x69: {  	_ =	shalt  }
0x6a: {  	_ =	shalt  }
0x6b: {  	_ =	shalt  }
0x6c: {  	_ =	shalt  }
0x6d: {  	_ =	shalt  }
0x6e: {  	_ =	shalt  }
0x6f: {  	_ =	shalt  }
0x70: {  	_ =	shalt  }
0x71: {  	_ =	shalt  }
0x72: {  	_ =	shalt  }
0x73: {  	_ =	shalt  }
0x74: {  	_ =	shalt  }
0x75: {  	_ =	shalt  }
0x76: {  	_ =	shalt  }
0x77: {  	_ =	shalt  }
0x78: {  	_ =	shalt  }
0x79: {  	_ =	shalt  }
0x7a: {  	_ =	shalt  }
0x7b: {  	_ =	shalt  }
0x7c: {  	_ =	shalt  }
0x7d: {  	_ =	shalt  }
0x7e: {  	_ =	shalt  }
0x7f: {  	_ =	shalt  }
0x80: {  	_ =	shalt  }
0x81: {  	_ =	shalt  }
0x82: {  	_ =	shalt  }
0x83: {  	_ =	shalt  }
0x84: {  	_ =	shalt  }
0x85: {  	_ =	shalt  }
0x86: {  	_ =	shalt  }
0x87: {  	_ =	shalt  }
.Lfunc_end0:
.L_simem_size_0:
called_computation.2_lowered:
.L_overlay_start_0:
0x88: {  	s2 =	sld [smem:$0x3FD9]  }
0x89: {  	s3 =	sld [smem:$0x3FFE];
	_ =	sdelay $0x1  }
0x8a: {  	s1 =	srdreg.scid  }
0x8b: {  	s0 =	sand.u32 $0x1, s1  }
0x8c: {  	s16 =	sshll.u32 s0, $0xA;
	s2 =	sadd.s32 s3, s2  }
0x8d: {  	s2 =	sadd.s32 s2, s16  }
0x8e: {  	[smem:$0x3FB9] =	sst s2  }
0x8f: {  	_ = 	snop  }
0x90: {  	(tm) =	ssettm $0x1  }
0x91: {  	s17 =	sld [smem:$0x3FFB];
	_ =	sdelay $0x3  }
0x92: {  	_ =	strace s17  }
0x93: {  	s2 =	sld [smem:$0x3FFC];
	_ =	sdelay $0x3  }
0x94: {  	_ =	strace s2  }
0x95: {  	s2 =	sld [smem:$0x3FFD];
	_ =	sdelay $0x3  }
0x96: {  	_ =	strace s2  }
0x97: {  	_ =	strace $0x8FFFFFFF  }
0x98: {  	s18 =	sld [smem:$0x3FDB];
	_ =	sdelay $0x1  }
0x99: {  	s19 =	simm.s32 $_scs_section_size  }
0x9a: {  	s4 =	simm.s32 $_size__tile_overlayer_lowered;
	s5 =	simm.s32 $_tile_overlayer_lowered  }
0x9b: {  	s22 =	simm.s32 $0x1BFF;
	s21 =	sshll.u32 s5, $0x1;
	s2 =	sadd.s32 s19, s18  }
0x9c: {  	s6 =	simm.s32 $0x0;
	s20 =	sshll.u32 s4, $0x1;
	s4 =	sadd.s32 s21, s2  }
0x9d: {  	[timem:s6], [sflag:s22] =	dma.local [hbm:s4], s20  }
0x9e: {  	_ =	swait.ge [sflag:s22], s20  }
0x9f: {  	s3 =	ssub.s32 $0x0, s20;
	[sflag:s22] =	ssyncset.done $0x0  }
0xa0: {  	[sflag:s22] =	ssyncadd.s32 s3;
	_ =	sdelay $0x1  }
0xa1: {  	s23 =	simm.s32 $0x1B8B  }
0xa2: {  	_ =	swait.ge [sflag:s23], $0x1  }
0xa3: {  	[sflag:s23] =	ssyncset.done $0x0  }
0xa4: {  	s25 =	simm.s32 $0x1B8E;
	s24 =	sld [smem:$0x3FFE];
	[sflag:s23] =	ssyncadd.s32 $0xFFFFFFFF  }
0xa5: {  	s26 =	simm.s32 $execute0_lowered;
	[smem:$0x3FD2] =	sst s25  }
0xa6: {  	s4 =	sshll.u32 s26, $0x1;
	_ =	strace $0x8000004C;
	[dreg:$0x1] =	wrdreg $0xFFFFFFFF  }
0xa7: {  	s28 =	simm.s32 $_size_execute0_lowered;
	s2 =	sadd.s32 s2, s4;
	[dreg:$0x0] =	wrdreg $0x0  }
0xa8: {  	s4 =	sshll.u32 s28, $0x1;
	[dreg:$0x2] =	wrdreg s2  }
0xa9: {  	[dreg:$0x3] =	wrdreg s4  }
0xaa: {  	[dreg:$0x4] =	wrdreg $0xC0  }
0xab: {  	_ =	task [dreg:s6], $0x5FFFF  }
0xac: {  	[dreg:$0x1] =	wrdreg $0xFFFFFFFF  }
0xad: {  	[dreg:$0x0] =	wrdreg $0x60  }
0xae: {  	[dreg:$0x2] =	wrdreg s24  }
0xaf: {  	[dreg:$0x3] =	wrdreg $0x9  }
0xb0: {  	_ =	task.clear_ibuf [dreg:s6], $0x4FFFF;
	_ =	strace $0x9000004C  }
0xb1: {  	s29 =	simm.s32 $0x9;
	_ =	strace $0x8000004E  }
0xb2: {  	_ =	swait.ge [sflag:s29], $0x1  }
0xb3: {  	[sflag:s29] =	ssyncadd.s32 $0xFFFFFFFF  }
0xb4: {  	_ =	strace $0x9000004E  }
0xb5: {  	_ =	sfence  }
0xb6: {  	s30 =	sld [smem:$0x0];
	_ =	sdelay $0x2  }
0xb7: {  	s31 =	sshll.u32 s1, $0xD;
	s1 =	sshrl.u32 s1, $0x2  }
0xb8: {  	s3 =	sand.u32 $0x4000, s31;
	s1 =	sadd.s32 s1, s30  }
0xb9: {  	s0 =	sor.u32 s3, s0;
	s1 =	sshll.u32 s1, $0x11  }
0xba: {  	s0 =	sor.u32 s1, s0  }
0xbb: {  	s0 =	sadd.s32 $0x8F2B, s0  }
0xbc: {  	[sflag:s0] =	ssyncadd.remote.s32 $0x1  }
0xbd: {  	_ =	sfence.sel $0xFFFF  }
0xbe: {  	[dreg:$0x0] =	wrdreg $0xFFFFFFFF;
	(pc) =	sbr.abs _section_cstart, $3  }
0xbf: {  	[dreg:$0x1] =	wrdreg $0xFFFFFFFF  }
0xc0: {  	_ =	task.clear_ibuf [dreg:s6], $0x2FFFF;
	_ =	strace $0x9FFFFFFF  }
0xc1: {  	(tm) =	ssettm $0x7FFFFFFF  }
tec
execute0_lowered:
.L_overlay_start_1:
0x0: {  	(tag) =	ssettag $0x1  }
0x1: {  	s1 =	srdreg.scid;
	s0 =	stileid.u32  }
0x2: {  	s4 =	rddreg [dreg:$0x0];
	s2 =	simm.s32 $0x0;
	s11 =	simm.s32 $0x7800  }
0x3: {  	s12 =	simm.s32 $0x1;
	s13 =	simm.s32 $0x4;
	s14 =	simm.s32 $0x2  }
0x4: {  	s15 =	simm.s32 $0x0;
	s5 =	sand.u32 $0x1, s1;
	s1 =	rddreg [dreg:$0x1]  }
0x5: {  	s3 =	sshll.u32 s0, $0x1;
	[smem:$0x7FF] =	sst s2;
	s29 =	smul.u32 $0x27100, s0  }
0x6: {  	s10 =	sadd.s32 $0x7BBE00, s4;
	s6 =	sor.u32 s5, s3;
	s30 =	smul.u32 $0x13880, s5  }
0x7: {  	_ =	strace $0x8000004D;
	s8 =	ssub.s32 $0x2, s5;
	s7 =	smul.u32 $0x1388, s6  }
0x8: {  	s3 =	sadd.s32 $0x54E00, s4;
	s9 =	sshrl.u32 s8, $0x1;
	s6 =	smul.u32 $0x13880, s6  }
0x9: {  	s31 =	sadd.s32 s29, s10;
	s8 =	ssub.s32 s8, s9;
	s9 =	simm.s32 $0x1400  }
0xa: {  	s7 =	sshrl.u32 s7, $0x3;
	s6 =	sadd.s32 s10, s6;
	s5 =	smax.u32 s8, $0x1  }
0xb: {  	s8 =	simm.s32 $0x3;
	s10 =	simm.s32 $0xC8;
	s7 =	sadd.s32 s7, s4  }
0xc: {  	s6 =	sadd.s32 $0x12C00, s6;
	s4 =	sadd.s32 $0x7B6E00, s7;
	s7 =	sadd.s32 s30, s31  }
.LBB2_1:
0xd: {  	[tilespmem:s2], [sflag:$0x3] =	stream.linear.gather [hbm4b:s4+s2], $0x1388, $0x38;
	[tilespmem:$0xDC00] =	vst v63  }
0xe: {  	_ =	swait.ge [sflag:s8], $0x1388  }
0xf: {  	[sflag:s8] =	ssyncset.done $0x0  }
0x10: {  	[sflag:s8] =	ssyncadd.s32 $0xFFFFEC78  }
0x11: {  	[tilespmem:s9], [sflag:$0x1] =	stream.indirect.gather [hbm4b:s3+s10], $0x80, s2, s10, $0xb8;
	[tilespmem:$0xDC00] =	vst v63  }
0x12: {  	_ = 	snop  }
0x13: {  	[tilespmem:s11], [sflag:$0x2] =	stream.indirect.gather [hbm4b:s3+s10], $0x80, s10, s10, $0xb8;
	[tilespmem:$0xDC00] =	vst v63  }
0x14: {  	_ =	swait.ge [sflag:s12], $0x6400  }
0x15: {  	[sflag:s12] =	ssyncset.done $0x0  }
0x16: {  	s16 =	sadd.s32 $0x0, s7;
	[sflag:s12] =	ssyncadd.s32 $0xFFFF9C00  }
0x17: {  	[hbm4b:s16+s2] =	stream.linear.scatter [tilespmem:s9], [sflag:$0x4], $0x6400, $0x38;
	[tilespmem:$0xDC00] =	vst v63  }
0x18: {  	_ =	swait.ge [sflag:s13], $0x6400  }
0x19: {  	[sflag:s13] =	ssyncset.done $0x0  }
0x1a: {  	s17 =	simm.s32 $0x190;
	[sflag:s13] =	ssyncadd.s32 $0xFFFF9C00  }
0x1b: {  	[tilespmem:s9], [sflag:$0x1] =	stream.indirect.gather [hbm4b:s3+s10], $0x80, s17, s10, $0xb8;
	[tilespmem:$0xDC00] =	vst v63  }
0x1c: {  	_ =	swait.ge [sflag:s14], $0x6400  }
0x1d: {  	[sflag:s14] =	ssyncset.done $0x0  }
0x1e: {  	s16 =	sadd.s32 $0xC80, s16;
	[sflag:s14] =	ssyncadd.s32 $0xFFFF9C00  }
0x1f: {  	[hbm4b:s16+s2] =	stream.linear.scatter [tilespmem:s11], [sflag:$0x3], $0x6400, $0x38;
	[tilespmem:$0xDC00] =	vst v63  }
0x20: {  	_ =	swait.ge [sflag:s8], $0x6400  }
0x21: {  	s17 =	simm.s32 $0xC8;
	s16 =	simm.s32 $0x1900;
	[sflag:s8] =	ssyncset.done $0x0  }
.LBB2_2:
0x22: {  	p0 =	sne.s32 s16, $0x11300;
	[sflag:s8] =	ssyncadd.s32 $0xFFFF9C00;
	s17 =	sadd.s32 $0x190, s17  }
0x23: {  	[tilespmem:s11], [sflag:$0x2] =	stream.indirect.gather [hbm4b:s3+s10], $0x80, s17, s10, $0xb8;
	[tilespmem:$0xDC00] =	vst v63  }
0x24: {  	s18 =	smov.u32 s16;
	s16 =	sadd.s32 $0x1900, s16;
	_ =	swait.ge [sflag:s12], $0x6400  }
0x25: {  	[sflag:s12] =	ssyncset.done $0x0  }
0x26: {  	s18 =	sadd.s32 s18, s7;
	[sflag:s12] =	ssyncadd.s32 $0xFFFF9C00  }
0x27: {  	[hbm4b:s18+s2] =	stream.linear.scatter [tilespmem:s9], [sflag:$0x4], $0x6400, $0x38;
	[tilespmem:$0xDC00] =	vst v63  }
0x28: {  	_ =	swait.ge [sflag:s13], $0x6400  }
0x29: {  	[sflag:s13] =	ssyncset.done $0x0  }
0x2a: {  	s19 =	sadd.s32 $0xC8, s17;
	[sflag:s13] =	ssyncadd.s32 $0xFFFF9C00  }
0x2b: {  	[tilespmem:s9], [sflag:$0x1] =	stream.indirect.gather [hbm4b:s3+s10], $0x80, s19, s10, $0xb8;
	[tilespmem:$0xDC00] =	vst v63  }
0x2c: {  	_ =	swait.ge [sflag:s14], $0x6400  }
.Ltmp0:
0x2d: {  	[sflag:s14] =	ssyncset.done $0x0;
	(pc) =	sbr.rel @p0 .LBB2_2-.Ltmp0, $4  }
0x2e: {  	s18 =	sadd.s32 $0xC80, s18;
	[sflag:s14] =	ssyncadd.s32 $0xFFFF9C00  }
0x2f: {  	[hbm4b:s18+s2] =	stream.linear.scatter [tilespmem:s11], [sflag:$0x3], $0x6400, $0x38;
	[tilespmem:$0xDC00] =	vst v63  }
0x30: {  	_ =	swait.ge [sflag:s8], $0x6400  }
0x31: {  	[sflag:s8] =	ssyncset.done $0x0  }
0x32: {  	[sflag:s8] =	ssyncadd.s32 $0xFFFF9C00  }
0x33: {  	s15 =	sadd.s32 $0x1, s15;
	_ =	swait.ge [sflag:s12], $0x6400  }
0x34: {  	p0 =	sne.s32 s15, s5;
	[sflag:s12] =	ssyncset.done $0x0  }
.Ltmp1:
0x35: {  	[sflag:s12] =	ssyncadd.s32 $0xFFFF9C00;
	(pc) =	sbr.rel @p0 .LBB2_1-.Ltmp1, $4  }
0x36: {  	[hbm4b:s6+s2] =	stream.linear.scatter [tilespmem:s9], [sflag:$0x4], $0x6400, $0x38;
	[tilespmem:$0xDC00] =	vst v63  }
0x37: {  	_ =	swait.ge [sflag:s13], $0x6400  }
0x38: {  	[sflag:s13] =	ssyncset.done $0x0  }
0x39: {  	[sflag:s13] =	ssyncadd.s32 $0xFFFF9C00  }
0x3a: {  	_ =	sfence.sel $0x180000  }
0x3b: {  	[bflag:$0x0] =	sbarrier.arrive $0xFFFF  }
0x3c: {  	p0 =	sne.s32 s0, $0x0;
	_ =	strace $0x9000004D  }
0x3d: {  	s0 =	sadd.s32 @!p0 $0x100000, s1;
	[bflag:$0x2] =	sbarrier.arrive $0xFFFF  }
0x3e: {  	[sflag:s0] =	ssyncadd.tile.s32 @!p0 $0x1;
	_ =	shalt  }
.Lfunc_end2:
_tile_overlayer_lowered:
.L_overlay_start_2:
0x3f: {  	(tag) =	ssettag $0x2  }
0x40: {  	s0 =	rddreg [dreg:$0x0];
	s2 =	stileid.u32  }
0x41: {  	s1 =	rddreg [dreg:$0x1];
	p0 =	sne.s32 s2, $0x0  }
0x42: {  	s3 =	rddreg [dreg:$0x2];
	[bflag:$0x3] =	sbarrier.arrive $0xFFFF;
	s2 =	simm.s32 @!p0 $0x1C03  }
0x43: {  	[timem:s3], [sflag:s2] =	dma.local @!p0 [hbm:s0], s1  }
0x44: {  	s0 =	simm.s32 @!p0 $0x3  }
0x45: {  	_ =	swait.ge @!p0 [sflag:s0], s1  }
0x46: {  	s1 =	ssub.s32 @!p0 $0x0, s1;
	[sflag:s0] =	ssyncset.done @!p0 $0x0  }
0x47: {  	[sflag:s0] =	ssyncadd.s32 @!p0 s1  }
0x48: {  	[bflag:$0x3] =	sbarrier.arrive $0xFFFF  }
0x49: {  	_ =	shalt  }

// kernel: kernel.32.cloned.1.call-start
scs
__scs_entry_jumppad:
0x0: {  	(pc) =	sbr.rel $0x88, $3  }
0x1: {  	(tag) =	ssettag $0x0;
	lr =	simm.s32 $0x1  }
0x2: {  	[smem:$0x3F92] =	sst lr;
	_ =	strace $0xD0000000  }
0x3: {  	_ = 	snop  }
0x4: {  	_ = 	snop  }
0x5: {  	_ = 	snop  }
0x6: {  	_ = 	snop  }
0x7: {  	_ = 	snop  }
__scs_overlays_trampoline_lowered:
0x8: {  	[smem:$0x3FA1] =	sst s0  }
0x9: {  	[smem:$0x3FA2] =	sst s1  }
0xa: {  	[smem:$0x3FA3] =	sst s2  }
0xb: {  	[smem:$0x3FA4] =	sst s3  }
0xc: {  	[smem:$0x3FA5] =	sst s4  }
0xd: {  	[smem:$0x3FA6] =	sst s5  }
0xe: {  	[smem:$0x3FA7] =	sst s6  }
0xf: {  	[smem:$0x3FA8] =	sst s7  }
0x10: {  	[smem:$0x3FA9] =	sst s8  }
0x11: {  	[smem:$0x3FAA] =	sst s9;
	s0 =	simm.s32 @!p0 $0x0  }
0x12: {  	s1 =	sld [smem:$0x3F90];
	s0 =	simm.s32 @p0 $0x1  }
0x13: {  	[smem:$0x3FAB] =	sst s0;
	s0 =	simm.s32 @!p1 $0x0  }
0x14: {  	s2 =	sld [smem:$0x3F8F];
	s0 =	simm.s32 @p1 $0x1  }
0x15: {  	[smem:$0x3FAC] =	sst s0;
	s0 =	simm.s32 @!p2 $0x0  }
0x16: {  	s3 =	sld [smem:$0x3FDB];
	s0 =	simm.s32 @p2 $0x1  }
0x17: {  	s4 =	simm.s32 $0x1BF5;
	[smem:$0x3FAE] =	sst s0  }
0x18: {  	s0 =	sld [smem:$0x3F91];
	_ =	swait.ge [sflag:s4], $0x0  }
0x19: {  	s7 =	sld [smem:$0x3F92]  }
0x1a: {  	s8 =	sadd.s32 $0xFFFFE003, lr  }
0x1b: {  	s9 =	sadd.s32 $0xFFFFFEF7, lr;
	s5 =	simm.s32 $0xFFFFFFFF;
	p2 =	slt.u32 s8, $0xFFFFF086  }
0x1c: {  	p1 =	slt.u32 s9, $0xF7A;
	s5 =	simm.s32 @!p2 $0x0  }
0x1d: {  	s5 =	simm.s32 @p1 $0x1;
	p0 =	seq.s32 s7, s2  }
0x1e: {  	s7 =	smul.u32 @!p0 $0xF7A, s2;
	p2 =	seq.s32 @!p0 s5, $0x0  }
0x1f: {  	s9 =	smul.u32 $0xF7A, s1;
	s8 =	simm.s32 @!p0 $0x1BF5;
	p2 =	por !p2, p0  }
0x20: {  	[sflag:s8] =	ssyncset.s32 @!p0 $0xFFFFF086;
	s6 =	sadd.s32 @!p0 s3, s7;
	s7 =	simm.s32 @!p0 $0x108  }
0x21: {  	s3 =	sadd.s32 s3, s9;
	s6 =	sadd.s32 @!p0 $0x88, s6;
	s7 =	simm.s32 @p2 $0x1082  }
0x22: {  	[simem:s7], [sflag:s8] =	dma.local @!p0 [hbm:s6], $0xF7A  }
0x23: {  	s9 =	sor.u32 $0xD0000000, s2;
	s6 =	simm.s32 $0x108;
	_ =	swait.ge @!p0 [sflag:s8], $0x0  }
0x24: {  	s3 =	sadd.s32 $0x88, s3;
	s6 =	simm.s32 @!p1 $0x1082;
	[sflag:s4] =	ssyncset.s32 $0xFFFFF086  }
0x25: {  	[simem:s6], [sflag:s4] =	dma.local [hbm:s3], $0xF7A  }
0x26: {  	[smem:$0x3F92] =	sst s1;
	(tag) =	ssettag s2;
	_ =	strace s9  }
0x27: {  	s1 =	sld [smem:$0x3FA2]  }
0x28: {  	s2 =	sld [smem:$0x3FA3]  }
0x29: {  	s4 =	sld [smem:$0x3FA5]  }
0x2a: {  	p0 =	seq.s32 s5, $0x0;
	s5 =	sld [smem:$0x3FA6]  }
0x2b: {  	s6 =	sld [smem:$0x3FA7]  }
0x2c: {  	s7 =	sld [smem:$0x3FA8]  }
0x2d: {  	s3 =	simm.s32 $0x108;
	s8 =	sld [smem:$0x3FA9]  }
0x2e: {  	s3 =	simm.s32 @!p0 $0x1082;
	s9 =	sld [smem:$0x3FAA]  }
0x2f: {  	lr =	sadd.s32 s0, s3;
	s0 =	sld [smem:$0x3FA1]  }
0x30: {  	s3 =	sld [smem:$0x3FA4]  }
0x31: {  	[smem:$0x3FAD] =	sst s10  }
0x32: {  	s10 =	sld [smem:$0x3FAB];
	_ =	sdelay $0x3  }
0x33: {  	p0 =	seq.s32 s10, $0x1;
	s10 =	sld [smem:$0x3FAD];
	_ =	sdelay $0x3  }
0x34: {  	[smem:$0x3FAD] =	sst s10  }
0x35: {  	s10 =	sld [smem:$0x3FAC];
	_ =	sdelay $0x3  }
0x36: {  	p1 =	seq.s32 s10, $0x1;
	s10 =	sld [smem:$0x3FAD];
	_ =	sdelay $0x3  }
0x37: {  	[smem:$0x3FAD] =	sst s10  }
0x38: {  	s10 =	sld [smem:$0x3FAE]  }
0x39: {  	_ = 	snop;
	(pc) =	sbr.ind lr, $3  }
0x3a: {  	_ = 	snop  }
0x3b: {  	_ = 	snop  }
0x3c: {  	p2 =	seq.s32 s10, $0x1;
	s10 =	sld [smem:$0x3FAD]  }
0x3d: {  	_ =	shalt  }
0x3e: {  	_ =	shalt  }
0x3f: {  	_ =	shalt  }
0x40: {  	_ =	shalt  }
0x41: {  	_ =	shalt  }
0x42: {  	_ =	shalt  }
0x43: {  	_ =	shalt  }
0x44: {  	_ =	shalt  }
0x45: {  	_ =	shalt  }
0x46: {  	_ =	shalt  }
0x47: {  	_ =	shalt  }
0x48: {  	_ =	shalt  }
0x49: {  	_ =	shalt  }
0x4a: {  	_ =	shalt  }
0x4b: {  	_ =	shalt  }
0x4c: {  	_ =	shalt  }
0x4d: {  	_ =	shalt  }
0x4e: {  	_ =	shalt  }
0x4f: {  	_ =	shalt  }
0x50: {  	_ =	shalt  }
0x51: {  	_ =	shalt  }
0x52: {  	_ =	shalt  }
0x53: {  	_ =	shalt  }
0x54: {  	_ =	shalt  }
0x55: {  	_ =	shalt  }
0x56: {  	_ =	shalt  }
0x57: {  	_ =	shalt  }
0x58: {  	_ =	shalt  }
0x59: {  	_ =	shalt  }
0x5a: {  	_ =	shalt  }
0x5b: {  	_ =	shalt  }
0x5c: {  	_ =	shalt  }
0x5d: {  	_ =	shalt  }
0x5e: {  	_ =	shalt  }
0x5f: {  	_ =	shalt  }
0x60: {  	_ =	shalt  }
0x61: {  	_ =	shalt  }
0x62: {  	_ =	shalt  }
0x63: {  	_ =	shalt  }
0x64: {  	_ =	shalt  }
0x65: {  	_ =	shalt  }
0x66: {  	_ =	shalt  }
0x67: {  	_ =	shalt  }
0x68: {  	_ =	shalt  }
0x69: {  	_ =	shalt  }
0x6a: {  	_ =	shalt  }
0x6b: {  	_ =	shalt  }
0x6c: {  	_ =	shalt  }
0x6d: {  	_ =	shalt  }
0x6e: {  	_ =	shalt  }
0x6f: {  	_ =	shalt  }
0x70: {  	_ =	shalt  }
0x71: {  	_ =	shalt  }
0x72: {  	_ =	shalt  }
0x73: {  	_ =	shalt  }
0x74: {  	_ =	shalt  }
0x75: {  	_ =	shalt  }
0x76: {  	_ =	shalt  }
0x77: {  	_ =	shalt  }
0x78: {  	_ =	shalt  }
0x79: {  	_ =	shalt  }
0x7a: {  	_ =	shalt  }
0x7b: {  	_ =	shalt  }
0x7c: {  	_ =	shalt  }
0x7d: {  	_ =	shalt  }
0x7e: {  	_ =	shalt  }
0x7f: {  	_ =	shalt  }
0x80: {  	_ =	shalt  }
0x81: {  	_ =	shalt  }
0x82: {  	_ =	shalt  }
0x83: {  	_ =	shalt  }
0x84: {  	_ =	shalt  }
0x85: {  	_ =	shalt  }
0x86: {  	_ =	shalt  }
0x87: {  	_ =	shalt  }
.Lfunc_end0:
.L_simem_size_0:
called_computation.3_lowered:
.L_overlay_start_0:
0x88: {  	s2 =	sld [smem:$0x3FD9]  }
0x89: {  	s3 =	sld [smem:$0x3FFE];
	_ =	sdelay $0x1  }
0x8a: {  	s1 =	srdreg.scid  }
0x8b: {  	s0 =	sand.u32 $0x1, s1  }
0x8c: {  	s17 =	sshll.u32 s0, $0xA;
	s2 =	sadd.s32 s3, s2  }
0x8d: {  	s2 =	sadd.s32 s2, s17  }
0x8e: {  	[smem:$0x3FB9] =	sst s2  }
0x8f: {  	_ = 	snop  }
0x90: {  	(tm) =	ssettm $0x1  }
0x91: {  	s18 =	sld [smem:$0x3FFB];
	_ =	sdelay $0x3  }
0x92: {  	_ =	strace s18  }
0x93: {  	s2 =	sld [smem:$0x3FFC];
	_ =	sdelay $0x3  }
0x94: {  	_ =	strace s2  }
0x95: {  	s2 =	sld [smem:$0x3FFD];
	_ =	sdelay $0x3  }
0x96: {  	_ =	strace s2  }
0x97: {  	_ =	strace $0x8FFFFFFF  }
0x98: {  	s19 =	sld [smem:$0x3FDB];
	_ =	sdelay $0x1  }
0x99: {  	s20 =	simm.s32 $_scs_section_size  }
0x9a: {  	s4 =	simm.s32 $_size__tile_overlayer_lowered;
	s5 =	simm.s32 $_tile_overlayer_lowered  }
0x9b: {  	s6 =	simm.s32 $0x1BFF;
	s21 =	sshll.u32 s5, $0x1;
	s3 =	sadd.s32 s20, s19  }
0x9c: {  	s22 =	simm.s32 $0x0;
	s4 =	sshll.u32 s4, $0x1;
	s5 =	sadd.s32 s21, s3  }
0x9d: {  	[timem:s22], [sflag:s6] =	dma.local [hbm:s5], s4  }
0x9e: {  	_ =	swait.ge [sflag:s6], s4  }
0x9f: {  	s4 =	ssub.s32 $0x0, s4;
	[sflag:s6] =	ssyncset.done $0x0  }
0xa0: {  	[sflag:s6] =	ssyncadd.s32 s4;
	_ =	sdelay $0x1  }
0xa1: {  	s23 =	simm.s32 $0x1B8B  }
0xa2: {  	_ =	swait.ge [sflag:s23], $0x1  }
0xa3: {  	[sflag:s23] =	ssyncset.done $0x0  }
0xa4: {  	[sflag:s23] =	ssyncadd.s32 $0xFFFFFFFF  }
0xa5: {  	s4 =	sld [smem:$0x0]  }
0xa6: {  	s5 =	sand.u32 $0xFFFFFFFE, s1  }
0xa7: {  	p0 =	sne.s32 s1, s5  }
0xa8: {  	s5 =	sshll.u32 @p0 s5, $0xE  }
0xa9: {  	s5 =	sadd.s32 @p0 $0x11B8D, s5;
	s6 =	sshll.u32 @p0 s4, $0x11  }
0xaa: {  	s5 =	sor.u32 @p0 s6, s5  }
0xab: {  	[sflag:s5] =	ssyncadd.remote.s32 @p0 $0x1;
	_ =	sdelay $0x1  }
0xac: {  	s5 =	simm.s32 @p0 $0x1B8D  }
0xad: {  	_ =	swait.eq @p0 [sflag:s5], $0x1  }
0xae: {  	[sflag:s5] =	ssyncadd.s32 @p0 $0xFFFFFFFF  }
0xaf: {  	s6 =	sshll.u32 @!p0 s1, $0xE  }
0xb0: {  	s6 =	sor.u32 @!p0 $0x4000, s6;
	s5 =	simm.s32 @!p0 $0x1B8D  }
0xb1: {  	s4 =	sshll.u32 @!p0 s4, $0x11;
	s6 =	sadd.s32 @!p0 $0x11B8D, s6;
	_ =	swait.eq @!p0 [sflag:s5], $0x1  }
0xb2: {  	s4 =	sor.u32 @!p0 s4, s6;
	[sflag:s5] =	ssyncadd.s32 @!p0 $0xFFFFFFFF  }
0xb3: {  	s25 =	simm.s32 $0x1B8E;
	s24 =	sld [smem:$0x3FFE];
	[sflag:s4] =	ssyncadd.remote.s32 @!p0 $0x1  }
0xb4: {  	s26 =	simm.s32 $execute0_lowered;
	[smem:$0x3FD2] =	sst s25  }
0xb5: {  	s5 =	sshll.u32 s26, $0x1;
	_ =	strace $0x8000004F;
	[dreg:$0x1] =	wrdreg $0xFFFFFFFF  }
0xb6: {  	s28 =	simm.s32 $_size_execute0_lowered;
	s3 =	sadd.s32 s3, s5;
	[dreg:$0x0] =	wrdreg $0x0  }
0xb7: {  	s5 =	sshll.u32 s28, $0x1;
	[dreg:$0x2] =	wrdreg s3  }
0xb8: {  	[dreg:$0x3] =	wrdreg s5  }
0xb9: {  	[dreg:$0x4] =	wrdreg $0xC0  }
0xba: {  	_ =	task [dreg:s22], $0x5FFFF  }
0xbb: {  	[dreg:$0x1] =	wrdreg $0xFFFFFFFF  }
0xbc: {  	[dreg:$0x0] =	wrdreg $0x60  }
0xbd: {  	[dreg:$0x2] =	wrdreg s24  }
0xbe: {  	[dreg:$0x3] =	wrdreg $0xA  }
0xbf: {  	_ =	task.clear_ibuf [dreg:s22], $0x4FFFF;
	_ =	strace $0x9000004F  }
0xc0: {  	s29 =	simm.s32 $0xA;
	_ =	strace $0x80000051  }
0xc1: {  	_ =	swait.ge [sflag:s29], $0x1  }
0xc2: {  	[sflag:s29] =	ssyncadd.s32 $0xFFFFFFFF  }
0xc3: {  	_ =	strace $0x90000051  }
0xc4: {  	_ =	sfence  }
0xc5: {  	s30 =	sld [smem:$0x0];
	_ =	sdelay $0x2  }
0xc6: {  	s31 =	sshll.u32 s1, $0xD;
	s1 =	sshrl.u32 s1, $0x2  }
0xc7: {  	s4 =	sand.u32 $0x4000, s31;
	s1 =	sadd.s32 s1, s30  }
0xc8: {  	s0 =	sor.u32 s4, s0;
	s1 =	sshll.u32 s1, $0x11  }
0xc9: {  	s0 =	sor.u32 s1, s0  }
0xca: {  	s0 =	sadd.s32 $0x8F2B, s0  }
0xcb: {  	[sflag:s0] =	ssyncadd.remote.s32 $0x1  }
0xcc: {  	_ =	sfence.sel $0xFFFF  }
0xcd: {  	[dreg:$0x0] =	wrdreg $0xFFFFFFFF;
	(pc) =	sbr.abs _section_cstart, $3  }
0xce: {  	[dreg:$0x1] =	wrdreg $0xFFFFFFFF  }
0xcf: {  	_ =	task.clear_ibuf [dreg:s22], $0x2FFFF;
	_ =	strace $0x9FFFFFFF  }
0xd0: {  	(tm) =	ssettm $0x7FFFFFFF  }
0xd1: {  	_ =	shalt  }
tec
execute0_lowered:
.L_overlay_start_1:
0x0: {  	(tag) =	ssettag $0x1  }
0x1: {  	s1 =	srdreg.scid;
	s0 =	stileid.u32  }
0x2: {  	s4 =	rddreg [dreg:$0x0];
	s2 =	simm.s32 $0x0;
	s11 =	simm.s32 $0x7800  }
0x3: {  	s12 =	simm.s32 $0x1;
	s13 =	simm.s32 $0x4;
	s14 =	simm.s32 $0x2  }
0x4: {  	s15 =	simm.s32 $0x0;
	s5 =	sand.u32 $0x1, s1;
	s1 =	rddreg [dreg:$0x1]  }
0x5: {  	s3 =	sshll.u32 s0, $0x1;
	[smem:$0x7FF] =	sst s2;
	s29 =	smul.u32 $0x27100, s0  }
0x6: {  	s10 =	sadd.s32 $0xA2CE00, s4;
	s6 =	sor.u32 s5, s3;
	s30 =	smul.u32 $0x13880, s5  }
0x7: {  	_ =	strace $0x80000050;
	s8 =	ssub.s32 $0x2, s5;
	s7 =	smul.u32 $0x1388, s6  }
0x8: {  	s3 =	sadd.s32 $0x54E00, s4;
	s9 =	sshrl.u32 s8, $0x1;
	s6 =	smul.u32 $0x13880, s6  }
0x9: {  	s31 =	sadd.s32 s29, s10;
	s8 =	ssub.s32 s8, s9;
	s9 =	simm.s32 $0x1400  }
0xa: {  	s7 =	sshrl.u32 s7, $0x3;
	s6 =	sadd.s32 s10, s6;
	s5 =	smax.u32 s8, $0x1  }
0xb: {  	s8 =	simm.s32 $0x3;
	s10 =	simm.s32 $0xC8;
	s7 =	sadd.s32 s7, s4  }
0xc: {  	s6 =	sadd.s32 $0x12C00, s6;
	s4 =	sadd.s32 $0x2DC00, s7;
	s7 =	sadd.s32 s30, s31  }
.LBB2_1:
0xd: {  	[tilespmem:s2], [sflag:$0x3] =	stream.linear.gather [hbm4b:s4+s2], $0x1388, $0x38;
	[tilespmem:$0xDC00] =	vst v63  }
0xe: {  	_ =	swait.ge [sflag:s8], $0x1388  }
0xf: {  	[sflag:s8] =	ssyncset.done $0x0  }
0x10: {  	[sflag:s8] =	ssyncadd.s32 $0xFFFFEC78  }
0x11: {  	[tilespmem:s9], [sflag:$0x1] =	stream.indirect.gather [hbm4b:s3+s10], $0x80, s2, s10, $0xb8;
	[tilespmem:$0xDC00] =	vst v63  }
0x12: {  	_ = 	snop  }
0x13: {  	[tilespmem:s11], [sflag:$0x2] =	stream.indirect.gather [hbm4b:s3+s10], $0x80, s10, s10, $0xb8;
	[tilespmem:$0xDC00] =	vst v63  }
0x14: {  	_ =	swait.ge [sflag:s12], $0x6400  }
0x15: {  	[sflag:s12] =	ssyncset.done $0x0  }
0x16: {  	s16 =	sadd.s32 $0x0, s7;
	[sflag:s12] =	ssyncadd.s32 $0xFFFF9C00  }
0x17: {  	[hbm4b:s16+s2] =	stream.linear.scatter [tilespmem:s9], [sflag:$0x4], $0x6400, $0x38;
	[tilespmem:$0xDC00] =	vst v63  }
0x18: {  	_ =	swait.ge [sflag:s13], $0x6400  }
0x19: {  	[sflag:s13] =	ssyncset.done $0x0  }
0x1a: {  	s17 =	simm.s32 $0x190;
	[sflag:s13] =	ssyncadd.s32 $0xFFFF9C00  }
0x1b: {  	[tilespmem:s9], [sflag:$0x1] =	stream.indirect.gather [hbm4b:s3+s10], $0x80, s17, s10, $0xb8;
	[tilespmem:$0xDC00] =	vst v63  }
0x1c: {  	_ =	swait.ge [sflag:s14], $0x6400  }
0x1d: {  	[sflag:s14] =	ssyncset.done $0x0  }
0x1e: {  	s16 =	sadd.s32 $0xC80, s16;
	[sflag:s14] =	ssyncadd.s32 $0xFFFF9C00  }
0x1f: {  	[hbm4b:s16+s2] =	stream.linear.scatter [tilespmem:s11], [sflag:$0x3], $0x6400, $0x38;
	[tilespmem:$0xDC00] =	vst v63  }
0x20: {  	_ =	swait.ge [sflag:s8], $0x6400  }
0x21: {  	s17 =	simm.s32 $0xC8;
	s16 =	simm.s32 $0x1900;
	[sflag:s8] =	ssyncset.done $0x0  }
.LBB2_2:
0x22: {  	p0 =	sne.s32 s16, $0x11300;
	[sflag:s8] =	ssyncadd.s32 $0xFFFF9C00;
	s17 =	sadd.s32 $0x190, s17  }
0x23: {  	[tilespmem:s11], [sflag:$0x2] =	stream.indirect.gather [hbm4b:s3+s10], $0x80, s17, s10, $0xb8;
	[tilespmem:$0xDC00] =	vst v63  }
0x24: {  	s18 =	smov.u32 s16;
	s16 =	sadd.s32 $0x1900, s16;
	_ =	swait.ge [sflag:s12], $0x6400  }
0x25: {  	[sflag:s12] =	ssyncset.done $0x0  }
0x26: {  	s18 =	sadd.s32 s18, s7;
	[sflag:s12] =	ssyncadd.s32 $0xFFFF9C00  }
0x27: {  	[hbm4b:s18+s2] =	stream.linear.scatter [tilespmem:s9], [sflag:$0x4], $0x6400, $0x38;
	[tilespmem:$0xDC00] =	vst v63  }
0x28: {  	_ =	swait.ge [sflag:s13], $0x6400  }
0x29: {  	[sflag:s13] =	ssyncset.done $0x0  }
0x2a: {  	s19 =	sadd.s32 $0xC8, s17;
	[sflag:s13] =	ssyncadd.s32 $0xFFFF9C00  }
0x2b: {  	[tilespmem:s9], [sflag:$0x1] =	stream.indirect.gather [hbm4b:s3+s10], $0x80, s19, s10, $0xb8;
	[tilespmem:$0xDC00] =	vst v63  }
0x2c: {  	_ =	swait.ge [sflag:s14], $0x6400  }
.Ltmp0:
0x2d: {  	[sflag:s14] =	ssyncset.done $0x0;
	(pc) =	sbr.rel @p0 .LBB2_2-.Ltmp0, $4  }
0x2e: {  	s18 =	sadd.s32 $0xC80, s18;
	[sflag:s14] =	ssyncadd.s32 $0xFFFF9C00  }
0x2f: {  	[hbm4b:s18+s2] =	stream.linear.scatter [tilespmem:s11], [sflag:$0x3], $0x6400, $0x38;
	[tilespmem:$0xDC00] =	vst v63  }
0x30: {  	_ =	swait.ge [sflag:s8], $0x6400  }
0x31: {  	[sflag:s8] =	ssyncset.done $0x0  }
0x32: {  	[sflag:s8] =	ssyncadd.s32 $0xFFFF9C00  }
0x33: {  	s15 =	sadd.s32 $0x1, s15;
	_ =	swait.ge [sflag:s12], $0x6400  }
0x34: {  	p0 =	sne.s32 s15, s5;
	[sflag:s12] =	ssyncset.done $0x0  }
.Ltmp1:
0x35: {  	[sflag:s12] =	ssyncadd.s32 $0xFFFF9C00;
	(pc) =	sbr.rel @p0 .LBB2_1-.Ltmp1, $4  }
0x36: {  	[hbm4b:s6+s2] =	stream.linear.scatter [tilespmem:s9], [sflag:$0x4], $0x6400, $0x38;
	[tilespmem:$0xDC00] =	vst v63  }
0x37: {  	_ =	swait.ge [sflag:s13], $0x6400  }
0x38: {  	[sflag:s13] =	ssyncset.done $0x0  }
0x39: {  	[sflag:s13] =	ssyncadd.s32 $0xFFFF9C00  }
0x3a: {  	_ =	sfence.sel $0x180000  }
0x3b: {  	[bflag:$0x0] =	sbarrier.arrive $0xFFFF  }
0x3c: {  	p0 =	sne.s32 s0, $0x0;
	_ =	strace $0x90000050  }
0x3d: {  	s0 =	sadd.s32 @!p0 $0x100000, s1;
	[bflag:$0x2] =	sbarrier.arrive $0xFFFF  }
0x3e: {  	[sflag:s0] =	ssyncadd.tile.s32 @!p0 $0x1;
	_ =	shalt  }
.Lfunc_end2:
_tile_overlayer_lowered:
.L_overlay_start_2:
0x3f: {  	(tag) =	ssettag $0x2  }
0x40: {  	s0 =	rddreg [dreg:$0x0];
	s2 =	stileid.u32  }
0x41: {  	s1 =	rddreg [dreg:$0x1];
	p0 =	sne.s32 s2, $0x0  }
0x42: {  	s3 =	rddreg [dreg:$0x2];
	[bflag:$0x3] =	sbarrier.arrive $0xFFFF;
	s2 =	simm.s32 @!p0 $0x1C03  }
0x43: {  	[timem:s3], [sflag:s2] =	dma.local @!p0 [hbm:s0], s1  }
0x44: {  	s0 =	simm.s32 @!p0 $0x3  }
0x45: {  	_ =	swait.ge @!p0 [sflag:s0], s1  }
0x46: {  	s1 =	ssub.s32 @!p0 $0x0, s1;
	[sflag:s0] =	ssyncset.done @!p0 $0x0  }
0x47: {  	[sflag:s0] =	ssyncadd.s32 @!p0 s1  }
0x48: {  	[bflag:$0x3] =	sbarrier.arrive $0xFFFF  }
0x49: {  	_ =	shalt  }

// kernel: kernel.35.cloned.1.call-start
scs
__scs_entry_jumppad:
0x0: {  	(pc) =	sbr.rel $0x88, $3  }
0x1: {  	(tag) =	ssettag $0x0;
	lr =	simm.s32 $0x1  }
0x2: {  	[smem:$0x3F92] =	sst lr;
	_ =	strace $0xD0000000  }
0x3: {  	_ = 	snop  }
0x4: {  	_ = 	snop  }
0x5: {  	_ = 	snop  }
0x6: {  	_ = 	snop  }
0x7: {  	_ = 	snop  }
__scs_overlays_trampoline_lowered:
0x8: {  	[smem:$0x3FA1] =	sst s0  }
0x9: {  	[smem:$0x3FA2] =	sst s1  }
0xa: {  	[smem:$0x3FA3] =	sst s2  }
0xb: {  	[smem:$0x3FA4] =	sst s3  }
0xc: {  	[smem:$0x3FA5] =	sst s4  }
0xd: {  	[smem:$0x3FA6] =	sst s5  }
0xe: {  	[smem:$0x3FA7] =	sst s6  }
0xf: {  	[smem:$0x3FA8] =	sst s7  }
0x10: {  	[smem:$0x3FA9] =	sst s8  }
0x11: {  	[smem:$0x3FAA] =	sst s9;
	s0 =	simm.s32 @!p0 $0x0  }
0x12: {  	s1 =	sld [smem:$0x3F90];
	s0 =	simm.s32 @p0 $0x1  }
0x13: {  	[smem:$0x3FAB] =	sst s0;
	s0 =	simm.s32 @!p1 $0x0  }
0x14: {  	s2 =	sld [smem:$0x3F8F];
	s0 =	simm.s32 @p1 $0x1  }
0x15: {  	[smem:$0x3FAC] =	sst s0;
	s0 =	simm.s32 @!p2 $0x0  }
0x16: {  	s3 =	sld [smem:$0x3FDB];
	s0 =	simm.s32 @p2 $0x1  }
0x17: {  	s4 =	simm.s32 $0x1BF5;
	[smem:$0x3FAE] =	sst s0  }
0x18: {  	s0 =	sld [smem:$0x3F91];
	_ =	swait.ge [sflag:s4], $0x0  }
0x19: {  	s7 =	sld [smem:$0x3F92]  }
0x1a: {  	s8 =	sadd.s32 $0xFFFFE003, lr  }
0x1b: {  	s9 =	sadd.s32 $0xFFFFFEF7, lr;
	s5 =	simm.s32 $0xFFFFFFFF;
	p2 =	slt.u32 s8, $0xFFFFF086  }
0x1c: {  	p1 =	slt.u32 s9, $0xF7A;
	s5 =	simm.s32 @!p2 $0x0  }
0x1d: {  	s5 =	simm.s32 @p1 $0x1;
	p0 =	seq.s32 s7, s2  }
0x1e: {  	s7 =	smul.u32 @!p0 $0xF7A, s2;
	p2 =	seq.s32 @!p0 s5, $0x0  }
0x1f: {  	s9 =	smul.u32 $0xF7A, s1;
	s8 =	simm.s32 @!p0 $0x1BF5;
	p2 =	por !p2, p0  }
0x20: {  	[sflag:s8] =	ssyncset.s32 @!p0 $0xFFFFF086;
	s6 =	sadd.s32 @!p0 s3, s7;
	s7 =	simm.s32 @!p0 $0x108  }
0x21: {  	s3 =	sadd.s32 s3, s9;
	s6 =	sadd.s32 @!p0 $0x88, s6;
	s7 =	simm.s32 @p2 $0x1082  }
0x22: {  	[simem:s7], [sflag:s8] =	dma.local @!p0 [hbm:s6], $0xF7A  }
0x23: {  	s9 =	sor.u32 $0xD0000000, s2;
	s6 =	simm.s32 $0x108;
	_ =	swait.ge @!p0 [sflag:s8], $0x0  }
0x24: {  	s3 =	sadd.s32 $0x88, s3;
	s6 =	simm.s32 @!p1 $0x1082;
	[sflag:s4] =	ssyncset.s32 $0xFFFFF086  }
0x25: {  	[simem:s6], [sflag:s4] =	dma.local [hbm:s3], $0xF7A  }
0x26: {  	[smem:$0x3F92] =	sst s1;
	(tag) =	ssettag s2;
	_ =	strace s9  }
0x27: {  	s1 =	sld [smem:$0x3FA2]  }
0x28: {  	s2 =	sld [smem:$0x3FA3]  }
0x29: {  	s4 =	sld [smem:$0x3FA5]  }
0x2a: {  	p0 =	seq.s32 s5, $0x0;
	s5 =	sld [smem:$0x3FA6]  }
0x2b: {  	s6 =	sld [smem:$0x3FA7]  }
0x2c: {  	s7 =	sld [smem:$0x3FA8]  }
0x2d: {  	s3 =	simm.s32 $0x108;
	s8 =	sld [smem:$0x3FA9]  }
0x2e: {  	s3 =	simm.s32 @!p0 $0x1082;
	s9 =	sld [smem:$0x3FAA]  }
0x2f: {  	lr =	sadd.s32 s0, s3;
	s0 =	sld [smem:$0x3FA1]  }
0x30: {  	s3 =	sld [smem:$0x3FA4]  }
0x31: {  	[smem:$0x3FAD] =	sst s10  }
0x32: {  	s10 =	sld [smem:$0x3FAB];
	_ =	sdelay $0x3  }
0x33: {  	p0 =	seq.s32 s10, $0x1;
	s10 =	sld [smem:$0x3FAD];
	_ =	sdelay $0x3  }
0x34: {  	[smem:$0x3FAD] =	sst s10  }
0x35: {  	s10 =	sld [smem:$0x3FAC];
	_ =	sdelay $0x3  }
0x36: {  	p1 =	seq.s32 s10, $0x1;
	s10 =	sld [smem:$0x3FAD];
	_ =	sdelay $0x3  }
0x37: {  	[smem:$0x3FAD] =	sst s10  }
0x38: {  	s10 =	sld [smem:$0x3FAE]  }
0x39: {  	_ = 	snop;
	(pc) =	sbr.ind lr, $3  }
0x3a: {  	_ = 	snop  }
0x3b: {  	_ = 	snop  }
0x3c: {  	p2 =	seq.s32 s10, $0x1;
	s10 =	sld [smem:$0x3FAD]  }
0x3d: {  	_ =	shalt  }
0x3e: {  	_ =	shalt  }
0x3f: {  	_ =	shalt  }
0x40: {  	_ =	shalt  }
0x41: {  	_ =	shalt  }
0x42: {  	_ =	shalt  }
0x43: {  	_ =	shalt  }
0x44: {  	_ =	shalt  }
0x45: {  	_ =	shalt  }
0x46: {  	_ =	shalt  }
0x47: {  	_ =	shalt  }
0x48: {  	_ =	shalt  }
0x49: {  	_ =	shalt  }
0x4a: {  	_ =	shalt  }
0x4b: {  	_ =	shalt  }
0x4c: {  	_ =	shalt  }
0x4d: {  	_ =	shalt  }
0x4e: {  	_ =	shalt  }
0x4f: {  	_ =	shalt  }
0x50: {  	_ =	shalt  }
0x51: {  	_ =	shalt  }
0x52: {  	_ =	shalt  }
0x53: {  	_ =	shalt  }
0x54: {  	_ =	shalt  }
0x55: {  	_ =	shalt  }
0x56: {  	_ =	shalt  }
0x57: {  	_ =	shalt  }
0x58: {  	_ =	shalt  }
0x59: {  	_ =	shalt  }
0x5a: {  	_ =	shalt  }
0x5b: {  	_ =	shalt  }
0x5c: {  	_ =	shalt  }
0x5d: {  	_ =	shalt  }
0x5e: {  	_ =	shalt  }
0x5f: {  	_ =	shalt  }
0x60: {  	_ =	shalt  }
0x61: {  	_ =	shalt  }
0x62: {  	_ =	shalt  }
0x63: {  	_ =	shalt  }
0x64: {  	_ =	shalt  }
0x65: {  	_ =	shalt  }
0x66: {  	_ =	shalt  }
0x67: {  	_ =	shalt  }
0x68: {  	_ =	shalt  }
0x69: {  	_ =	shalt  }
0x6a: {  	_ =	shalt  }
0x6b: {  	_ =	shalt  }
0x6c: {  	_ =	shalt  }
0x6d: {  	_ =	shalt  }
0x6e: {  	_ =	shalt  }
0x6f: {  	_ =	shalt  }
0x70: {  	_ =	shalt  }
0x71: {  	_ =	shalt  }
0x72: {  	_ =	shalt  }
0x73: {  	_ =	shalt  }
0x74: {  	_ =	shalt  }
0x75: {  	_ =	shalt  }
0x76: {  	_ =	shalt  }
0x77: {  	_ =	shalt  }
0x78: {  	_ =	shalt  }
0x79: {  	_ =	shalt  }
0x7a: {  	_ =	shalt  }
0x7b: {  	_ =	shalt  }
0x7c: {  	_ =	shalt  }
0x7d: {  	_ =	shalt  }
0x7e: {  	_ =	shalt  }
0x7f: {  	_ =	shalt  }
0x80: {  	_ =	shalt  }
0x81: {  	_ =	shalt  }
0x82: {  	_ =	shalt  }
0x83: {  	_ =	shalt  }
0x84: {  	_ =	shalt  }
0x85: {  	_ =	shalt  }
0x86: {  	_ =	shalt  }
0x87: {  	_ =	shalt  }
.Lfunc_end0:
.L_simem_size_0:
called_computation.4_lowered:
.L_overlay_start_0:
0x88: {  	s2 =	sld [smem:$0x3FD9]  }
0x89: {  	s3 =	sld [smem:$0x3FFE];
	_ =	sdelay $0x1  }
0x8a: {  	s1 =	srdreg.scid  }
0x8b: {  	s0 =	sand.u32 $0x1, s1  }
0x8c: {  	s17 =	sshll.u32 s0, $0xA;
	s2 =	sadd.s32 s3, s2  }
0x8d: {  	s2 =	sadd.s32 s2, s17  }
0x8e: {  	[smem:$0x3FB9] =	sst s2  }
0x8f: {  	_ = 	snop  }
0x90: {  	(tm) =	ssettm $0x1  }
0x91: {  	s18 =	sld [smem:$0x3FFB];
	_ =	sdelay $0x3  }
0x92: {  	_ =	strace s18  }
0x93: {  	s2 =	sld [smem:$0x3FFC];
	_ =	sdelay $0x3  }
0x94: {  	_ =	strace s2  }
0x95: {  	s2 =	sld [smem:$0x3FFD];
	_ =	sdelay $0x3  }
0x96: {  	_ =	strace s2  }
0x97: {  	_ =	strace $0x8FFFFFFF  }
0x98: {  	s19 =	sld [smem:$0x3FDB];
	_ =	sdelay $0x1  }
0x99: {  	s20 =	simm.s32 $_scs_section_size  }
0x9a: {  	s4 =	simm.s32 $_size__tile_overlayer_lowered;
	s5 =	simm.s32 $_tile_overlayer_lowered  }
0x9b: {  	s6 =	simm.s32 $0x1BFF;
	s21 =	sshll.u32 s5, $0x1;
	s3 =	sadd.s32 s20, s19  }
0x9c: {  	s22 =	simm.s32 $0x0;
	s4 =	sshll.u32 s4, $0x1;
	s5 =	sadd.s32 s21, s3  }
0x9d: {  	[timem:s22], [sflag:s6] =	dma.local [hbm:s5], s4  }
0x9e: {  	_ =	swait.ge [sflag:s6], s4  }
0x9f: {  	s4 =	ssub.s32 $0x0, s4;
	[sflag:s6] =	ssyncset.done $0x0  }
0xa0: {  	[sflag:s6] =	ssyncadd.s32 s4;
	_ =	sdelay $0x1  }
0xa1: {  	s23 =	simm.s32 $0x1B8B  }
0xa2: {  	_ =	swait.ge [sflag:s23], $0x1  }
0xa3: {  	[sflag:s23] =	ssyncset.done $0x0  }
0xa4: {  	[sflag:s23] =	ssyncadd.s32 $0xFFFFFFFF  }
0xa5: {  	s4 =	sld [smem:$0x0]  }
0xa6: {  	s5 =	sand.u32 $0xFFFFFFFE, s1  }
0xa7: {  	p0 =	sne.s32 s1, s5  }
0xa8: {  	s5 =	sshll.u32 @p0 s5, $0xE  }
0xa9: {  	s5 =	sadd.s32 @p0 $0x11B8D, s5;
	s6 =	sshll.u32 @p0 s4, $0x11  }
0xaa: {  	s5 =	sor.u32 @p0 s6, s5  }
0xab: {  	[sflag:s5] =	ssyncadd.remote.s32 @p0 $0x1;
	_ =	sdelay $0x1  }
0xac: {  	s5 =	simm.s32 @p0 $0x1B8D  }
0xad: {  	_ =	swait.eq @p0 [sflag:s5], $0x1  }
0xae: {  	[sflag:s5] =	ssyncadd.s32 @p0 $0xFFFFFFFF  }
0xaf: {  	s6 =	sshll.u32 @!p0 s1, $0xE  }
0xb0: {  	s6 =	sor.u32 @!p0 $0x4000, s6;
	s5 =	simm.s32 @!p0 $0x1B8D  }
0xb1: {  	s4 =	sshll.u32 @!p0 s4, $0x11;
	s6 =	sadd.s32 @!p0 $0x11B8D, s6;
	_ =	swait.eq @!p0 [sflag:s5], $0x1  }
0xb2: {  	s4 =	sor.u32 @!p0 s4, s6;
	[sflag:s5] =	ssyncadd.s32 @!p0 $0xFFFFFFFF  }
0xb3: {  	s25 =	simm.s32 $0x1B8E;
	s24 =	sld [smem:$0x3FFE];
	[sflag:s4] =	ssyncadd.remote.s32 @!p0 $0x1  }
0xb4: {  	s26 =	simm.s32 $execute0_lowered;
	[smem:$0x3FD2] =	sst s25  }
0xb5: {  	s5 =	sshll.u32 s26, $0x1;
	_ =	strace $0x80000052;
	[dreg:$0x1] =	wrdreg $0xFFFFFFFF  }
0xb6: {  	s28 =	simm.s32 $_size_execute0_lowered;
	s3 =	sadd.s32 s3, s5;
	[dreg:$0x0] =	wrdreg $0x0  }
0xb7: {  	s5 =	sshll.u32 s28, $0x1;
	[dreg:$0x2] =	wrdreg s3  }
0xb8: {  	[dreg:$0x3] =	wrdreg s5  }
0xb9: {  	[dreg:$0x4] =	wrdreg $0xC0  }
0xba: {  	_ =	task [dreg:s22], $0x5FFFF  }
0xbb: {  	[dreg:$0x1] =	wrdreg $0xFFFFFFFF  }
0xbc: {  	[dreg:$0x0] =	wrdreg $0x60  }
0xbd: {  	[dreg:$0x2] =	wrdreg s24  }
0xbe: {  	[dreg:$0x3] =	wrdreg $0xB  }
0xbf: {  	_ =	task.clear_ibuf [dreg:s22], $0x4FFFF;
	_ =	strace $0x90000052  }
0xc0: {  	s29 =	simm.s32 $0xB;
	_ =	strace $0x80000054  }
0xc1: {  	_ =	swait.ge [sflag:s29], $0x1  }
0xc2: {  	[sflag:s29] =	ssyncadd.s32 $0xFFFFFFFF  }
0xc3: {  	_ =	strace $0x90000054  }
0xc4: {  	_ =	sfence  }
0xc5: {  	s30 =	sld [smem:$0x0];
	_ =	sdelay $0x2  }
0xc6: {  	s31 =	sshll.u32 s1, $0xD;
	s1 =	sshrl.u32 s1, $0x2  }
0xc7: {  	s4 =	sand.u32 $0x4000, s31;
	s1 =	sadd.s32 s1, s30  }
0xc8: {  	s0 =	sor.u32 s4, s0;
	s1 =	sshll.u32 s1, $0x11  }
0xc9: {  	s0 =	sor.u32 s1, s0  }
0xca: {  	s0 =	sadd.s32 $0x8F2B, s0  }
0xcb: {  	[sflag:s0] =	ssyncadd.remote.s32 $0x1  }
0xcc: {  	_ =	sfence.sel $0xFFFF  }
0xcd: {  	[dreg:$0x0] =	wrdreg $0xFFFFFFFF;
	(pc) =	sbr.abs _section_cstart, $3  }
0xce: {  	[dreg:$0x1] =	wrdreg $0xFFFFFFFF  }
0xcf: {  	_ =	task.clear_ibuf [dreg:s22], $0x2FFFF;
	_ =	strace $0x9FFFFFFF  }
0xd0: {  	(tm) =	ssettm $0x7FFFFFFF  }
0xd1: {  	_ =	shalt  }
tec
execute0_lowered:
.L_overlay_start_1:
0x0: {  	(tag) =	ssettag $0x1  }
0x1: {  	s1 =	srdreg.scid;
	s0 =	stileid.u32  }
0x2: {  	s4 =	rddreg [dreg:$0x0];
	s2 =	simm.s32 $0x0;
	s11 =	simm.s32 $0x7800  }
0x3: {  	s12 =	simm.s32 $0x1;
	s13 =	simm.s32 $0x4;
	s14 =	simm.s32 $0x2  }
0x4: {  	s15 =	simm.s32 $0x0;
	s5 =	sand.u32 $0x1, s1;
	s1 =	rddreg [dreg:$0x1]  }
0x5: {  	s3 =	sshll.u32 s0, $0x1;
	[smem:$0x7FF] =	sst s2;
	s29 =	smul.u32 $0x27100, s0  }
0x6: {  	s10 =	sadd.s32 $0xC9DE00, s4;
	s6 =	sor.u32 s5, s3;
	s30 =	smul.u32 $0x13880, s5  }
0x7: {  	_ =	strace $0x80000053;
	s8 =	ssub.s32 $0x2, s5;
	s7 =	smul.u32 $0x1388, s6  }
0x8: {  	s3 =	sadd.s32 $0x54E00, s4;
	s9 =	sshrl.u32 s8, $0x1;
	s6 =	smul.u32 $0x13880, s6  }
0x9: {  	s31 =	sadd.s32 s29, s10;
	s8 =	ssub.s32 s8, s9;
	s9 =	simm.s32 $0x1400  }
0xa: {  	s7 =	sshrl.u32 s7, $0x3;
	s6 =	sadd.s32 s10, s6;
	s5 =	smax.u32 s8, $0x1  }
0xb: {  	s8 =	simm.s32 $0x3;
	s10 =	simm.s32 $0xC8;
	s7 =	sadd.s32 s7, s4  }
0xc: {  	s6 =	sadd.s32 $0x12C00, s6;
	s4 =	sadd.s32 $0x7A7E00, s7;
	s7 =	sadd.s32 s30, s31  }
.LBB2_1:
0xd: {  	[tilespmem:s2], [sflag:$0x3] =	stream.linear.gather [hbm4b:s4+s2], $0x1388, $0x38;
	[tilespmem:$0xDC00] =	vst v63  }
0xe: {  	_ =	swait.ge [sflag:s8], $0x1388  }
0xf: {  	[sflag:s8] =	ssyncset.done $0x0  }
0x10: {  	[sflag:s8] =	ssyncadd.s32 $0xFFFFEC78  }
0x11: {  	[tilespmem:s9], [sflag:$0x1] =	stream.indirect.gather [hbm4b:s3+s10], $0x80, s2, s10, $0xb8;
	[tilespmem:$0xDC00] =	vst v63  }
0x12: {  	_ = 	snop  }
0x13: {  	[tilespmem:s11], [sflag:$0x2] =	stream.indirect.gather [hbm4b:s3+s10], $0x80, s10, s10, $0xb8;
	[tilespmem:$0xDC00] =	vst v63  }
0x14: {  	_ =	swait.ge [sflag:s12], $0x6400  }
0x15: {  	[sflag:s12] =	ssyncset.done $0x0  }
0x16: {  	s16 =	sadd.s32 $0x0, s7;
	[sflag:s12] =	ssyncadd.s32 $0xFFFF9C00  }
0x17: {  	[hbm4b:s16+s2] =	stream.linear.scatter [tilespmem:s9], [sflag:$0x4], $0x6400, $0x38;
	[tilespmem:$0xDC00] =	vst v63  }
0x18: {  	_ =	swait.ge [sflag:s13], $0x6400  }
0x19: {  	[sflag:s13] =	ssyncset.done $0x0  }
0x1a: {  	s17 =	simm.s32 $0x190;
	[sflag:s13] =	ssyncadd.s32 $0xFFFF9C00  }
0x1b: {  	[tilespmem:s9], [sflag:$0x1] =	stream.indirect.gather [hbm4b:s3+s10], $0x80, s17, s10, $0xb8;
	[tilespmem:$0xDC00] =	vst v63  }
0x1c: {  	_ =	swait.ge [sflag:s14], $0x6400  }
0x1d: {  	[sflag:s14] =	ssyncset.done $0x0  }
0x1e: {  	s16 =	sadd.s32 $0xC80, s16;
	[sflag:s14] =	ssyncadd.s32 $0xFFFF9C00  }
0x1f: {  	[hbm4b:s16+s2] =	stream.linear.scatter [tilespmem:s11], [sflag:$0x3], $0x6400, $0x38;
	[tilespmem:$0xDC00] =	vst v63  }
0x20: {  	_ =	swait.ge [sflag:s8], $0x6400  }
0x21: {  	s17 =	simm.s32 $0xC8;
	s16 =	simm.s32 $0x1900;
	[sflag:s8] =	ssyncset.done $0x0  }
.LBB2_2:
0x22: {  	p0 =	sne.s32 s16, $0x11300;
	[sflag:s8] =	ssyncadd.s32 $0xFFFF9C00;
	s17 =	sadd.s32 $0x190, s17  }
0x23: {  	[tilespmem:s11], [sflag:$0x2] =	stream.indirect.gather [hbm4b:s3+s10], $0x80, s17, s10, $0xb8;
	[tilespmem:$0xDC00] =	vst v63  }
0x24: {  	s18 =	smov.u32 s16;
	s16 =	sadd.s32 $0x1900, s16;
	_ =	swait.ge [sflag:s12], $0x6400  }
0x25: {  	[sflag:s12] =	ssyncset.done $0x0  }
0x26: {  	s18 =	sadd.s32 s18, s7;
	[sflag:s12] =	ssyncadd.s32 $0xFFFF9C00  }
0x27: {  	[hbm4b:s18+s2] =	stream.linear.scatter [tilespmem:s9], [sflag:$0x4], $0x6400, $0x38;
	[tilespmem:$0xDC00] =	vst v63  }
0x28: {  	_ =	swait.ge [sflag:s13], $0x6400  }
0x29: {  	[sflag:s13] =	ssyncset.done $0x0  }
0x2a: {  	s19 =	sadd.s32 $0xC8, s17;
	[sflag:s13] =	ssyncadd.s32 $0xFFFF9C00  }
0x2b: {  	[tilespmem:s9], [sflag:$0x1] =	stream.indirect.gather [hbm4b:s3+s10], $0x80, s19, s10, $0xb8;
	[tilespmem:$0xDC00] =	vst v63  }
0x2c: {  	_ =	swait.ge [sflag:s14], $0x6400  }
.Ltmp0:
0x2d: {  	[sflag:s14] =	ssyncset.done $0x0;
	(pc) =	sbr.rel @p0 .LBB2_2-.Ltmp0, $4  }
0x2e: {  	s18 =	sadd.s32 $0xC80, s18;
	[sflag:s14] =	ssyncadd.s32 $0xFFFF9C00  }
0x2f: {  	[hbm4b:s18+s2] =	stream.linear.scatter [tilespmem:s11], [sflag:$0x3], $0x6400, $0x38;
	[tilespmem:$0xDC00] =	vst v63  }
0x30: {  	_ =	swait.ge [sflag:s8], $0x6400  }
0x31: {  	[sflag:s8] =	ssyncset.done $0x0  }
0x32: {  	[sflag:s8] =	ssyncadd.s32 $0xFFFF9C00  }
0x33: {  	s15 =	sadd.s32 $0x1, s15;
	_ =	swait.ge [sflag:s12], $0x6400  }
0x34: {  	p0 =	sne.s32 s15, s5;
	[sflag:s12] =	ssyncset.done $0x0  }
.Ltmp1:
0x35: {  	[sflag:s12] =	ssyncadd.s32 $0xFFFF9C00;
	(pc) =	sbr.rel @p0 .LBB2_1-.Ltmp1, $4  }
0x36: {  	[hbm4b:s6+s2] =	stream.linear.scatter [tilespmem:s9], [sflag:$0x4], $0x6400, $0x38;
	[tilespmem:$0xDC00] =	vst v63  }
0x37: {  	_ =	swait.ge [sflag:s13], $0x6400  }
0x38: {  	[sflag:s13] =	ssyncset.done $0x0  }
0x39: {  	[sflag:s13] =	ssyncadd.s32 $0xFFFF9C00  }
0x3a: {  	_ =	sfence.sel $0x180000  }
0x3b: {  	[bflag:$0x0] =	sbarrier.arrive $0xFFFF  }
0x3c: {  	p0 =	sne.s32 s0, $0x0;
	_ =	strace $0x90000053  }
0x3d: {  	s0 =	sadd.s32 @!p0 $0x100000, s1;
	[bflag:$0x2] =	sbarrier.arrive $0xFFFF  }
0x3e: {  	[sflag:s0] =	ssyncadd.tile.s32 @!p0 $0x1;
	_ =	shalt  }
.Lfunc_end2:
_tile_overlayer_lowered:
.L_overlay_start_2:
0x3f: {  	(tag) =	ssettag $0x2  }
0x40: {  	s0 =	rddreg [dreg:$0x0];
	s2 =	stileid.u32  }
0x41: {  	s1 =	rddreg [dreg:$0x1];
	p0 =	sne.s32 s2, $0x0  }
0x42: {  	s3 =	rddreg [dreg:$0x2];
	[bflag:$0x3] =	sbarrier.arrive $0xFFFF;
	s2 =	simm.s32 @!p0 $0x1C03  }
0x43: {  	[timem:s3], [sflag:s2] =	dma.local @!p0 [hbm:s0], s1  }
0x44: {  	s0 =	simm.s32 @!p0 $0x3  }
0x45: {  	_ =	swait.ge @!p0 [sflag:s0], s1  }
0x46: {  	s1 =	ssub.s32 @!p0 $0x0, s1;
	[sflag:s0] =	ssyncset.done @!p0 $0x0  }
0x47: {  	[sflag:s0] =	ssyncadd.s32 @!p0 s1  }
0x48: {  	[bflag:$0x3] =	sbarrier.arrive $0xFFFF  }
0x49: {  	_ =	shalt  }

// kernel: kernel.38.cloned.1.call-start
scs
__scs_entry_jumppad:
0x0: {  	(pc) =	sbr.rel $0x88, $3  }
0x1: {  	(tag) =	ssettag $0x0;
	lr =	simm.s32 $0x1  }
0x2: {  	[smem:$0x3F92] =	sst lr;
	_ =	strace $0xD0000000  }
0x3: {  	_ = 	snop  }
0x4: {  	_ = 	snop  }
0x5: {  	_ = 	snop  }
0x6: {  	_ = 	snop  }
0x7: {  	_ = 	snop  }
__scs_overlays_trampoline_lowered:
0x8: {  	[smem:$0x3FA1] =	sst s0  }
0x9: {  	[smem:$0x3FA2] =	sst s1  }
0xa: {  	[smem:$0x3FA3] =	sst s2  }
0xb: {  	[smem:$0x3FA4] =	sst s3  }
0xc: {  	[smem:$0x3FA5] =	sst s4  }
0xd: {  	[smem:$0x3FA6] =	sst s5  }
0xe: {  	[smem:$0x3FA7] =	sst s6  }
0xf: {  	[smem:$0x3FA8] =	sst s7  }
0x10: {  	[smem:$0x3FA9] =	sst s8  }
0x11: {  	[smem:$0x3FAA] =	sst s9;
	s0 =	simm.s32 @!p0 $0x0  }
0x12: {  	s1 =	sld [smem:$0x3F90];
	s0 =	simm.s32 @p0 $0x1  }
0x13: {  	[smem:$0x3FAB] =	sst s0;
	s0 =	simm.s32 @!p1 $0x0  }
0x14: {  	s2 =	sld [smem:$0x3F8F];
	s0 =	simm.s32 @p1 $0x1  }
0x15: {  	[smem:$0x3FAC] =	sst s0;
	s0 =	simm.s32 @!p2 $0x0  }
0x16: {  	s3 =	sld [smem:$0x3FDB];
	s0 =	simm.s32 @p2 $0x1  }
0x17: {  	s4 =	simm.s32 $0x1BF5;
	[smem:$0x3FAE] =	sst s0  }
0x18: {  	s0 =	sld [smem:$0x3F91];
	_ =	swait.ge [sflag:s4], $0x0  }
0x19: {  	s7 =	sld [smem:$0x3F92]  }
0x1a: {  	s8 =	sadd.s32 $0xFFFFE003, lr  }
0x1b: {  	s9 =	sadd.s32 $0xFFFFFEF7, lr;
	s5 =	simm.s32 $0xFFFFFFFF;
	p2 =	slt.u32 s8, $0xFFFFF086  }
0x1c: {  	p1 =	slt.u32 s9, $0xF7A;
	s5 =	simm.s32 @!p2 $0x0  }
0x1d: {  	s5 =	simm.s32 @p1 $0x1;
	p0 =	seq.s32 s7, s2  }
0x1e: {  	s7 =	smul.u32 @!p0 $0xF7A, s2;
	p2 =	seq.s32 @!p0 s5, $0x0  }
0x1f: {  	s9 =	smul.u32 $0xF7A, s1;
	s8 =	simm.s32 @!p0 $0x1BF5;
	p2 =	por !p2, p0  }
0x20: {  	[sflag:s8] =	ssyncset.s32 @!p0 $0xFFFFF086;
	s6 =	sadd.s32 @!p0 s3, s7;
	s7 =	simm.s32 @!p0 $0x108  }
0x21: {  	s3 =	sadd.s32 s3, s9;
	s6 =	sadd.s32 @!p0 $0x88, s6;
	s7 =	simm.s32 @p2 $0x1082  }
0x22: {  	[simem:s7], [sflag:s8] =	dma.local @!p0 [hbm:s6], $0xF7A  }
0x23: {  	s9 =	sor.u32 $0xD0000000, s2;
	s6 =	simm.s32 $0x108;
	_ =	swait.ge @!p0 [sflag:s8], $0x0  }
0x24: {  	s3 =	sadd.s32 $0x88, s3;
	s6 =	simm.s32 @!p1 $0x1082;
	[sflag:s4] =	ssyncset.s32 $0xFFFFF086  }
0x25: {  	[simem:s6], [sflag:s4] =	dma.local [hbm:s3], $0xF7A  }
0x26: {  	[smem:$0x3F92] =	sst s1;
	(tag) =	ssettag s2;
	_ =	strace s9  }
0x27: {  	s1 =	sld [smem:$0x3FA2]  }
0x28: {  	s2 =	sld [smem:$0x3FA3]  }
0x29: {  	s4 =	sld [smem:$0x3FA5]  }
0x2a: {  	p0 =	seq.s32 s5, $0x0;
	s5 =	sld [smem:$0x3FA6]  }
0x2b: {  	s6 =	sld [smem:$0x3FA7]  }
0x2c: {  	s7 =	sld [smem:$0x3FA8]  }
0x2d: {  	s3 =	simm.s32 $0x108;
	s8 =	sld [smem:$0x3FA9]  }
0x2e: {  	s3 =	simm.s32 @!p0 $0x1082;
	s9 =	sld [smem:$0x3FAA]  }
0x2f: {  	lr =	sadd.s32 s0, s3;
	s0 =	sld [smem:$0x3FA1]  }
0x30: {  	s3 =	sld [smem:$0x3FA4]  }
0x31: {  	[smem:$0x3FAD] =	sst s10  }
0x32: {  	s10 =	sld [smem:$0x3FAB];
	_ =	sdelay $0x3  }
0x33: {  	p0 =	seq.s32 s10, $0x1;
	s10 =	sld [smem:$0x3FAD];
	_ =	sdelay $0x3  }
0x34: {  	[smem:$0x3FAD] =	sst s10  }
0x35: {  	s10 =	sld [smem:$0x3FAC];
	_ =	sdelay $0x3  }
0x36: {  	p1 =	seq.s32 s10, $0x1;
	s10 =	sld [smem:$0x3FAD];
	_ =	sdelay $0x3  }
0x37: {  	[smem:$0x3FAD] =	sst s10  }
0x38: {  	s10 =	sld [smem:$0x3FAE]  }
0x39: {  	_ = 	snop;
	(pc) =	sbr.ind lr, $3  }
0x3a: {  	_ = 	snop  }
0x3b: {  	_ = 	snop  }
0x3c: {  	p2 =	seq.s32 s10, $0x1;
	s10 =	sld [smem:$0x3FAD]  }
0x3d: {  	_ =	shalt  }
0x3e: {  	_ =	shalt  }
0x3f: {  	_ =	shalt  }
0x40: {  	_ =	shalt  }
0x41: {  	_ =	shalt  }
0x42: {  	_ =	shalt  }
0x43: {  	_ =	shalt  }
0x44: {  	_ =	shalt  }
0x45: {  	_ =	shalt  }
0x46: {  	_ =	shalt  }
0x47: {  	_ =	shalt  }
0x48: {  	_ =	shalt  }
0x49: {  	_ =	shalt  }
0x4a: {  	_ =	shalt  }
0x4b: {  	_ =	shalt  }
0x4c: {  	_ =	shalt  }
0x4d: {  	_ =	shalt  }
0x4e: {  	_ =	shalt  }
0x4f: {  	_ =	shalt  }
0x50: {  	_ =	shalt  }
0x51: {  	_ =	shalt  }
0x52: {  	_ =	shalt  }
0x53: {  	_ =	shalt  }
0x54: {  	_ =	shalt  }
0x55: {  	_ =	shalt  }
0x56: {  	_ =	shalt  }
0x57: {  	_ =	shalt  }
0x58: {  	_ =	shalt  }
0x59: {  	_ =	shalt  }
0x5a: {  	_ =	shalt  }
0x5b: {  	_ =	shalt  }
0x5c: {  	_ =	shalt  }
0x5d: {  	_ =	shalt  }
0x5e: {  	_ =	shalt  }
0x5f: {  	_ =	shalt  }
0x60: {  	_ =	shalt  }
0x61: {  	_ =	shalt  }
0x62: {  	_ =	shalt  }
0x63: {  	_ =	shalt  }
0x64: {  	_ =	shalt  }
0x65: {  	_ =	shalt  }
0x66: {  	_ =	shalt  }
0x67: {  	_ =	shalt  }
0x68: {  	_ =	shalt  }
0x69: {  	_ =	shalt  }
0x6a: {  	_ =	shalt  }
0x6b: {  	_ =	shalt  }
0x6c: {  	_ =	shalt  }
0x6d: {  	_ =	shalt  }
0x6e: {  	_ =	shalt  }
0x6f: {  	_ =	shalt  }
0x70: {  	_ =	shalt  }
0x71: {  	_ =	shalt  }
0x72: {  	_ =	shalt  }
0x73: {  	_ =	shalt  }
0x74: {  	_ =	shalt  }
0x75: {  	_ =	shalt  }
0x76: {  	_ =	shalt  }
0x77: {  	_ =	shalt  }
0x78: {  	_ =	shalt  }
0x79: {  	_ =	shalt  }
0x7a: {  	_ =	shalt  }
0x7b: {  	_ =	shalt  }
0x7c: {  	_ =	shalt  }
0x7d: {  	_ =	shalt  }
0x7e: {  	_ =	shalt  }
0x7f: {  	_ =	shalt  }
0x80: {  	_ =	shalt  }
0x81: {  	_ =	shalt  }
0x82: {  	_ =	shalt  }
0x83: {  	_ =	shalt  }
0x84: {  	_ =	shalt  }
0x85: {  	_ =	shalt  }
0x86: {  	_ =	shalt  }
0x87: {  	_ =	shalt  }
.Lfunc_end0:
.L_simem_size_0:
called_computation.5_lowered:
.L_overlay_start_0:
0x88: {  	s2 =	sld [smem:$0x3FD9]  }
0x89: {  	s3 =	sld [smem:$0x3FFE];
	_ =	sdelay $0x1  }
0x8a: {  	s1 =	srdreg.scid  }
0x8b: {  	s0 =	sand.u32 $0x1, s1  }
0x8c: {  	s15 =	sshll.u32 s0, $0xA;
	s2 =	sadd.s32 s3, s2  }
0x8d: {  	s2 =	sadd.s32 s2, s15  }
0x8e: {  	[smem:$0x3FB9] =	sst s2  }
0x8f: {  	_ = 	snop  }
0x90: {  	s2 =	sld [smem:$0x3FD0];
	_ =	sdelay $0x2  }
0x91: {  	s16 =	simm.s32 $0xD;
	s4 =	simm.s32 $0x10  }
0x92: {  	[smem:s4], [sflag:s16] =	dma.local [hbm:s2], $0x1  }
0x93: {  	_ =	swait.eq [sflag:s16], $0x1  }
0x94: {  	[sflag:s16] =	ssyncset.done $0x0  }
0x95: {  	[sflag:s16] =	ssyncadd.s32 $0xFFFFFFFF  }
0x96: {  	s17 =	sld [smem:$0x11];
	(tm) =	ssettm $0x1  }
0x97: {  	s18 =	sld [smem:$0x3FFB];
	_ =	sdelay $0x3  }
0x98: {  	_ =	strace s18  }
0x99: {  	s2 =	sld [smem:$0x3FFC];
	_ =	sdelay $0x3  }
0x9a: {  	_ =	strace s2  }
0x9b: {  	s2 =	sld [smem:$0x3FFD];
	_ =	sdelay $0x3  }
0x9c: {  	_ =	strace s2  }
0x9d: {  	_ =	strace $0x8FFFFFFF  }
0x9e: {  	s19 =	sld [smem:$0x3FDB];
	_ =	sdelay $0x1  }
0x9f: {  	s20 =	simm.s32 $_scs_section_size  }
0xa0: {  	s5 =	simm.s32 $_size__tile_overlayer_lowered;
	s6 =	simm.s32 $_tile_overlayer_lowered  }
0xa1: {  	s7 =	simm.s32 $0x1BFF;
	s21 =	sshll.u32 s6, $0x1;
	s4 =	sadd.s32 s20, s19  }
0xa2: {  	s22 =	simm.s32 $0x0;
	s5 =	sshll.u32 s5, $0x1;
	s6 =	sadd.s32 s21, s4  }
0xa3: {  	[timem:s22], [sflag:s7] =	dma.local [hbm:s6], s5  }
0xa4: {  	_ =	swait.ge [sflag:s7], s5  }
0xa5: {  	s5 =	ssub.s32 $0x0, s5;
	[sflag:s7] =	ssyncset.done $0x0  }
0xa6: {  	[sflag:s7] =	ssyncadd.s32 s5;
	_ =	sdelay $0x1  }
0xa7: {  	s23 =	simm.s32 $0x1B8B  }
0xa8: {  	_ =	swait.ge [sflag:s23], $0x1  }
0xa9: {  	[sflag:s23] =	ssyncset.done $0x0  }
0xaa: {  	[sflag:s23] =	ssyncadd.s32 $0xFFFFFFFF  }
0xab: {  	s5 =	sld [smem:$0x0]  }
0xac: {  	s6 =	sand.u32 $0xFFFFFFFE, s1  }
0xad: {  	p0 =	sne.s32 s1, s6  }
0xae: {  	s6 =	sshll.u32 @p0 s6, $0xE  }
0xaf: {  	s6 =	sadd.s32 @p0 $0x11B8D, s6;
	s7 =	sshll.u32 @p0 s5, $0x11  }
0xb0: {  	s6 =	sor.u32 @p0 s7, s6  }
0xb1: {  	[sflag:s6] =	ssyncadd.remote.s32 @p0 $0x1;
	_ =	sdelay $0x1  }
0xb2: {  	s6 =	simm.s32 @p0 $0x1B8D  }
0xb3: {  	_ =	swait.eq @p0 [sflag:s6], $0x1  }
0xb4: {  	[sflag:s6] =	ssyncadd.s32 @p0 $0xFFFFFFFF  }
0xb5: {  	s7 =	sshll.u32 @!p0 s1, $0xE  }
0xb6: {  	s7 =	sor.u32 @!p0 $0x4000, s7;
	s6 =	simm.s32 @!p0 $0x1B8D  }
0xb7: {  	s5 =	sshll.u32 @!p0 s5, $0x11;
	s7 =	sadd.s32 @!p0 $0x11B8D, s7;
	_ =	swait.eq @!p0 [sflag:s6], $0x1  }
0xb8: {  	s5 =	sor.u32 @!p0 s5, s7;
	[sflag:s6] =	ssyncadd.s32 @!p0 $0xFFFFFFFF  }
0xb9: {  	s25 =	simm.s32 $0x1B8E;
	s24 =	sld [smem:$0x3FFE];
	[sflag:s5] =	ssyncadd.remote.s32 @!p0 $0x1  }
0xba: {  	s26 =	simm.s32 $execute0_lowered;
	[smem:$0x3FD2] =	sst s25  }
0xbb: {  	s6 =	sshll.u32 s26, $0x1;
	_ =	strace $0x80000055;
	[dreg:$0x1] =	wrdreg $0xFFFFFFFF  }
0xbc: {  	s28 =	simm.s32 $_size_execute0_lowered;
	s4 =	sadd.s32 s4, s6;
	[dreg:$0x0] =	wrdreg $0x0  }
0xbd: {  	s6 =	sshll.u32 s28, $0x1;
	[dreg:$0x2] =	wrdreg s4  }
0xbe: {  	[dreg:$0x3] =	wrdreg s6  }
0xbf: {  	[dreg:$0x4] =	wrdreg $0xC0  }
0xc0: {  	_ =	task [dreg:s22], $0x5FFFF  }
0xc1: {  	[dreg:$0x1] =	wrdreg $0xFFFFFFFF  }
0xc2: {  	[dreg:$0x0] =	wrdreg $0x60  }
0xc3: {  	[dreg:$0x2] =	wrdreg s24  }
0xc4: {  	[dreg:$0x3] =	wrdreg s17  }
0xc5: {  	[dreg:$0x4] =	wrdreg $0xC  }
0xc6: {  	_ =	task.clear_ibuf [dreg:s22], $0x5FFFF;
	_ =	strace $0x90000055  }
0xc7: {  	s29 =	simm.s32 $0xC;
	_ =	strace $0x80000057  }
0xc8: {  	_ =	swait.ge [sflag:s29], $0x1  }
0xc9: {  	[sflag:s29] =	ssyncadd.s32 $0xFFFFFFFF  }
0xca: {  	_ =	strace $0x90000057  }
0xcb: {  	_ =	sfence  }
0xcc: {  	s30 =	sld [smem:$0x0];
	_ =	sdelay $0x2  }
0xcd: {  	s31 =	sshll.u32 s1, $0xD;
	s1 =	sshrl.u32 s1, $0x2  }
0xce: {  	s4 =	sand.u32 $0x4000, s31;
	s1 =	sadd.s32 s1, s30  }
0xcf: {  	s0 =	sor.u32 s4, s0;
	s1 =	sshll.u32 s1, $0x11  }
0xd0: {  	s0 =	sor.u32 s1, s0  }
0xd1: {  	s0 =	sadd.s32 $0x8F2B, s0  }
0xd2: {  	[sflag:s0] =	ssyncadd.remote.s32 $0x1  }
0xd3: {  	_ =	sfence.sel $0xFFFF  }
0xd4: {  	[dreg:$0x0] =	wrdreg $0xFFFFFFFF;
	(pc) =	sbr.abs _section_cstart, $3  }
0xd5: {  	[dreg:$0x1] =	wrdreg $0xFFFFFFFF  }
0xd6: {  	_ =	task.clear_ibuf [dreg:s22], $0x2FFFF;
	_ =	strace $0x9FFFFFFF  }
0xd7: {  	(tm) =	ssettm $0x7FFFFFFF  }
tec
execute0_lowered:
.L_overlay_start_1:
0x0: {  	(tag) =	ssettag $0x1  }
0x1: {  	s4 =	rddreg [dreg:$0x0];
	s1 =	srdreg.scid  }
0x2: {  	s0 =	stileid.u32;
	s7 =	rddreg [dreg:$0x1];
	s2 =	simm.s32 $0x0  }
0x3: {  	s11 =	simm.s32 $0x7800;
	s12 =	simm.s32 $0x1;
	s13 =	simm.s32 $0x4  }
0x4: {  	s14 =	simm.s32 $0x2;
	s15 =	simm.s32 $0x0;
	s5 =	sand.u32 $0x1, s1  }
0x5: {  	s3 =	sshll.u32 s0, $0x1;
	s1 =	rddreg [dreg:$0x2];
	s30 =	smul.u32 $0x27100, s0  }
0x6: {  	[smem:$0x7FF] =	sst s2;
	s6 =	sor.u32 s5, s3;
	s31 =	smul.u32 $0x13880, s5  }
0x7: {  	_ =	strace $0x80000056;
	s9 =	ssub.s32 $0x2, s5;
	s8 =	smul.u32 $0x1388, s6  }
0x8: {  	s3 =	sadd.s32 $0x54E00, s4;
	s10 =	sshrl.u32 s9, $0x1;
	s6 =	smul.u32 $0x13880, s6  }
0x9: {  	s29 =	ssub.s32 s9, s10;
	s9 =	simm.s32 $0x1400;
	s10 =	simm.s32 $0xC8  }
0xa: {  	s8 =	sshrl.u32 s8, $0x3;
	s6 =	sadd.s32 s7, s6;
	s5 =	smax.u32 s29, $0x1  }
0xb: {  	s7 =	sadd.s32 s30, s7;
	s4 =	sadd.s32 s8, s4;
	s6 =	sadd.s32 $0x12C00, s6  }
0xc: {  	s7 =	sadd.s32 s31, s7;
	s8 =	simm.s32 $0x3;
	s4 =	sadd.s32 $0x7ACE00, s4  }
.LBB2_1:
0xd: {  	[tilespmem:s2], [sflag:$0x3] =	stream.linear.gather [hbm4b:s4+s2], $0x1388, $0x38;
	[tilespmem:$0xDC00] =	vst v63  }
0xe: {  	_ =	swait.ge [sflag:s8], $0x1388  }
0xf: {  	[sflag:s8] =	ssyncset.done $0x0  }
0x10: {  	[sflag:s8] =	ssyncadd.s32 $0xFFFFEC78  }
0x11: {  	[tilespmem:s9], [sflag:$0x1] =	stream.indirect.gather [hbm4b:s3+s10], $0x80, s2, s10, $0xb8;
	[tilespmem:$0xDC00] =	vst v63  }
0x12: {  	_ = 	snop  }
0x13: {  	[tilespmem:s11], [sflag:$0x2] =	stream.indirect.gather [hbm4b:s3+s10], $0x80, s10, s10, $0xb8;
	[tilespmem:$0xDC00] =	vst v63  }
0x14: {  	_ =	swait.ge [sflag:s12], $0x6400  }
0x15: {  	[sflag:s12] =	ssyncset.done $0x0  }
0x16: {  	s16 =	sadd.s32 $0x0, s7;
	[sflag:s12] =	ssyncadd.s32 $0xFFFF9C00  }
0x17: {  	[hbm4b:s16+s2] =	stream.linear.scatter [tilespmem:s9], [sflag:$0x4], $0x6400, $0x38;
	[tilespmem:$0xDC00] =	vst v63  }
0x18: {  	_ =	swait.ge [sflag:s13], $0x6400  }
0x19: {  	[sflag:s13] =	ssyncset.done $0x0  }
0x1a: {  	s17 =	simm.s32 $0x190;
	[sflag:s13] =	ssyncadd.s32 $0xFFFF9C00  }
0x1b: {  	[tilespmem:s9], [sflag:$0x1] =	stream.indirect.gather [hbm4b:s3+s10], $0x80, s17, s10, $0xb8;
	[tilespmem:$0xDC00] =	vst v63  }
0x1c: {  	_ =	swait.ge [sflag:s14], $0x6400  }
0x1d: {  	[sflag:s14] =	ssyncset.done $0x0  }
0x1e: {  	s16 =	sadd.s32 $0xC80, s16;
	[sflag:s14] =	ssyncadd.s32 $0xFFFF9C00  }
0x1f: {  	[hbm4b:s16+s2] =	stream.linear.scatter [tilespmem:s11], [sflag:$0x3], $0x6400, $0x38;
	[tilespmem:$0xDC00] =	vst v63  }
0x20: {  	_ =	swait.ge [sflag:s8], $0x6400  }
0x21: {  	s17 =	simm.s32 $0xC8;
	s16 =	simm.s32 $0x1900;
	[sflag:s8] =	ssyncset.done $0x0  }
.LBB2_2:
0x22: {  	p0 =	sne.s32 s16, $0x11300;
	[sflag:s8] =	ssyncadd.s32 $0xFFFF9C00;
	s17 =	sadd.s32 $0x190, s17  }
0x23: {  	[tilespmem:s11], [sflag:$0x2] =	stream.indirect.gather [hbm4b:s3+s10], $0x80, s17, s10, $0xb8;
	[tilespmem:$0xDC00] =	vst v63  }
0x24: {  	s18 =	smov.u32 s16;
	s16 =	sadd.s32 $0x1900, s16;
	_ =	swait.ge [sflag:s12], $0x6400  }
0x25: {  	[sflag:s12] =	ssyncset.done $0x0  }
0x26: {  	s18 =	sadd.s32 s18, s7;
	[sflag:s12] =	ssyncadd.s32 $0xFFFF9C00  }
0x27: {  	[hbm4b:s18+s2] =	stream.linear.scatter [tilespmem:s9], [sflag:$0x4], $0x6400, $0x38;
	[tilespmem:$0xDC00] =	vst v63  }
0x28: {  	_ =	swait.ge [sflag:s13], $0x6400  }
0x29: {  	[sflag:s13] =	ssyncset.done $0x0  }
0x2a: {  	s19 =	sadd.s32 $0xC8, s17;
	[sflag:s13] =	ssyncadd.s32 $0xFFFF9C00  }
0x2b: {  	[tilespmem:s9], [sflag:$0x1] =	stream.indirect.gather [hbm4b:s3+s10], $0x80, s19, s10, $0xb8;
	[tilespmem:$0xDC00] =	vst v63  }
0x2c: {  	_ =	swait.ge [sflag:s14], $0x6400  }
.Ltmp0:
0x2d: {  	[sflag:s14] =	ssyncset.done $0x0;
	(pc) =	sbr.rel @p0 .LBB2_2-.Ltmp0, $4  }
0x2e: {  	s18 =	sadd.s32 $0xC80, s18;
	[sflag:s14] =	ssyncadd.s32 $0xFFFF9C00  }
0x2f: {  	[hbm4b:s18+s2] =	stream.linear.scatter [tilespmem:s11], [sflag:$0x3], $0x6400, $0x38;
	[tilespmem:$0xDC00] =	vst v63  }
0x30: {  	_ =	swait.ge [sflag:s8], $0x6400  }
0x31: {  	[sflag:s8] =	ssyncset.done $0x0  }
0x32: {  	[sflag:s8] =	ssyncadd.s32 $0xFFFF9C00  }
0x33: {  	s15 =	sadd.s32 $0x1, s15;
	_ =	swait.ge [sflag:s12], $0x6400  }
0x34: {  	p0 =	sne.s32 s15, s5;
	[sflag:s12] =	ssyncset.done $0x0  }
.Ltmp1:
0x35: {  	[sflag:s12] =	ssyncadd.s32 $0xFFFF9C00;
	(pc) =	sbr.rel @p0 .LBB2_1-.Ltmp1, $4  }
0x36: {  	[hbm4b:s6+s2] =	stream.linear.scatter [tilespmem:s9], [sflag:$0x4], $0x6400, $0x38;
	[tilespmem:$0xDC00] =	vst v63  }
0x37: {  	_ =	swait.ge [sflag:s13], $0x6400  }
0x38: {  	[sflag:s13] =	ssyncset.done $0x0  }
0x39: {  	[sflag:s13] =	ssyncadd.s32 $0xFFFF9C00  }
0x3a: {  	_ =	sfence.sel $0x180000  }
0x3b: {  	[bflag:$0x0] =	sbarrier.arrive $0xFFFF  }
0x3c: {  	p0 =	sne.s32 s0, $0x0;
	_ =	strace $0x90000056  }
0x3d: {  	s0 =	sadd.s32 @!p0 $0x100000, s1;
	[bflag:$0x2] =	sbarrier.arrive $0xFFFF  }
0x3e: {  	[sflag:s0] =	ssyncadd.tile.s32 @!p0 $0x1;
	_ =	shalt  }
.Lfunc_end2:
_tile_overlayer_lowered:
.L_overlay_start_2:
0x3f: {  	(tag) =	ssettag $0x2  }
0x40: {  	s0 =	rddreg [dreg:$0x0];
	s2 =	stileid.u32  }
0x41: {  	s1 =	rddreg [dreg:$0x1];
	p0 =	sne.s32 s2, $0x0  }
0x42: {  	s3 =	rddreg [dreg:$0x2];
	[bflag:$0x3] =	sbarrier.arrive $0xFFFF;
	s2 =	simm.s32 @!p0 $0x1C03  }
0x43: {  	[timem:s3], [sflag:s2] =	dma.local @!p0 [hbm:s0], s1  }
0x44: {  	s0 =	simm.s32 @!p0 $0x3  }
0x45: {  	_ =	swait.ge @!p0 [sflag:s0], s1  }
0x46: {  	s1 =	ssub.s32 @!p0 $0x0, s1;
	[sflag:s0] =	ssyncset.done @!p0 $0x0  }
0x47: {  	[sflag:s0] =	ssyncadd.s32 @!p0 s1  }
0x48: {  	[bflag:$0x3] =	sbarrier.arrive $0xFFFF  }
0x49: {  	_ =	shalt  }

// kernel: kernel.41.cloned.1.call-start
scs
__scs_entry_jumppad:
0x0: {  	(pc) =	sbr.rel $0x88, $3  }
0x1: {  	(tag) =	ssettag $0x0;
	lr =	simm.s32 $0x1  }
0x2: {  	[smem:$0x3F92] =	sst lr;
	_ =	strace $0xD0000000  }
0x3: {  	_ = 	snop  }
0x4: {  	_ = 	snop  }
0x5: {  	_ = 	snop  }
0x6: {  	_ = 	snop  }
0x7: {  	_ = 	snop  }
__scs_overlays_trampoline_lowered:
0x8: {  	[smem:$0x3FA1] =	sst s0  }
0x9: {  	[smem:$0x3FA2] =	sst s1  }
0xa: {  	[smem:$0x3FA3] =	sst s2  }
0xb: {  	[smem:$0x3FA4] =	sst s3  }
0xc: {  	[smem:$0x3FA5] =	sst s4  }
0xd: {  	[smem:$0x3FA6] =	sst s5  }
0xe: {  	[smem:$0x3FA7] =	sst s6  }
0xf: {  	[smem:$0x3FA8] =	sst s7  }
0x10: {  	[smem:$0x3FA9] =	sst s8  }
0x11: {  	[smem:$0x3FAA] =	sst s9;
	s0 =	simm.s32 @!p0 $0x0  }
0x12: {  	s1 =	sld [smem:$0x3F90];
	s0 =	simm.s32 @p0 $0x1  }
0x13: {  	[smem:$0x3FAB] =	sst s0;
	s0 =	simm.s32 @!p1 $0x0  }
0x14: {  	s2 =	sld [smem:$0x3F8F];
	s0 =	simm.s32 @p1 $0x1  }
0x15: {  	[smem:$0x3FAC] =	sst s0;
	s0 =	simm.s32 @!p2 $0x0  }
0x16: {  	s3 =	sld [smem:$0x3FDB];
	s0 =	simm.s32 @p2 $0x1  }
0x17: {  	s4 =	simm.s32 $0x1BF5;
	[smem:$0x3FAE] =	sst s0  }
0x18: {  	s0 =	sld [smem:$0x3F91];
	_ =	swait.ge [sflag:s4], $0x0  }
0x19: {  	s7 =	sld [smem:$0x3F92]  }
0x1a: {  	s8 =	sadd.s32 $0xFFFFE003, lr  }
0x1b: {  	s9 =	sadd.s32 $0xFFFFFEF7, lr;
	s5 =	simm.s32 $0xFFFFFFFF;
	p2 =	slt.u32 s8, $0xFFFFF086  }
0x1c: {  	p1 =	slt.u32 s9, $0xF7A;
	s5 =	simm.s32 @!p2 $0x0  }
0x1d: {  	s5 =	simm.s32 @p1 $0x1;
	p0 =	seq.s32 s7, s2  }
0x1e: {  	s7 =	smul.u32 @!p0 $0xF7A, s2;
	p2 =	seq.s32 @!p0 s5, $0x0  }
0x1f: {  	s9 =	smul.u32 $0xF7A, s1;
	s8 =	simm.s32 @!p0 $0x1BF5;
	p2 =	por !p2, p0  }
0x20: {  	[sflag:s8] =	ssyncset.s32 @!p0 $0xFFFFF086;
	s6 =	sadd.s32 @!p0 s3, s7;
	s7 =	simm.s32 @!p0 $0x108  }
0x21: {  	s3 =	sadd.s32 s3, s9;
	s6 =	sadd.s32 @!p0 $0x88, s6;
	s7 =	simm.s32 @p2 $0x1082  }
0x22: {  	[simem:s7], [sflag:s8] =	dma.local @!p0 [hbm:s6], $0xF7A  }
0x23: {  	s9 =	sor.u32 $0xD0000000, s2;
	s6 =	simm.s32 $0x108;
	_ =	swait.ge @!p0 [sflag:s8], $0x0  }
0x24: {  	s3 =	sadd.s32 $0x88, s3;
	s6 =	simm.s32 @!p1 $0x1082;
	[sflag:s4] =	ssyncset.s32 $0xFFFFF086  }
0x25: {  	[simem:s6], [sflag:s4] =	dma.local [hbm:s3], $0xF7A  }
0x26: {  	[smem:$0x3F92] =	sst s1;
	(tag) =	ssettag s2;
	_ =	strace s9  }
0x27: {  	s1 =	sld [smem:$0x3FA2]  }
0x28: {  	s2 =	sld [smem:$0x3FA3]  }
0x29: {  	s4 =	sld [smem:$0x3FA5]  }
0x2a: {  	p0 =	seq.s32 s5, $0x0;
	s5 =	sld [smem:$0x3FA6]  }
0x2b: {  	s6 =	sld [smem:$0x3FA7]  }
0x2c: {  	s7 =	sld [smem:$0x3FA8]  }
0x2d: {  	s3 =	simm.s32 $0x108;
	s8 =	sld [smem:$0x3FA9]  }
0x2e: {  	s3 =	simm.s32 @!p0 $0x1082;
	s9 =	sld [smem:$0x3FAA]  }
0x2f: {  	lr =	sadd.s32 s0, s3;
	s0 =	sld [smem:$0x3FA1]  }
0x30: {  	s3 =	sld [smem:$0x3FA4]  }
0x31: {  	[smem:$0x3FAD] =	sst s10  }
0x32: {  	s10 =	sld [smem:$0x3FAB];
	_ =	sdelay $0x3  }
0x33: {  	p0 =	seq.s32 s10, $0x1;
	s10 =	sld [smem:$0x3FAD];
	_ =	sdelay $0x3  }
0x34: {  	[smem:$0x3FAD] =	sst s10  }
0x35: {  	s10 =	sld [smem:$0x3FAC];
	_ =	sdelay $0x3  }
0x36: {  	p1 =	seq.s32 s10, $0x1;
	s10 =	sld [smem:$0x3FAD];
	_ =	sdelay $0x3  }
0x37: {  	[smem:$0x3FAD] =	sst s10  }
0x38: {  	s10 =	sld [smem:$0x3FAE]  }
0x39: {  	_ = 	snop;
	(pc) =	sbr.ind lr, $3  }
0x3a: {  	_ = 	snop  }
0x3b: {  	_ = 	snop  }
0x3c: {  	p2 =	seq.s32 s10, $0x1;
	s10 =	sld [smem:$0x3FAD]  }
0x3d: {  	_ =	shalt  }
0x3e: {  	_ =	shalt  }
0x3f: {  	_ =	shalt  }
0x40: {  	_ =	shalt  }
0x41: {  	_ =	shalt  }
0x42: {  	_ =	shalt  }
0x43: {  	_ =	shalt  }
0x44: {  	_ =	shalt  }
0x45: {  	_ =	shalt  }
0x46: {  	_ =	shalt  }
0x47: {  	_ =	shalt  }
0x48: {  	_ =	shalt  }
0x49: {  	_ =	shalt  }
0x4a: {  	_ =	shalt  }
0x4b: {  	_ =	shalt  }
0x4c: {  	_ =	shalt  }
0x4d: {  	_ =	shalt  }
0x4e: {  	_ =	shalt  }
0x4f: {  	_ =	shalt  }
0x50: {  	_ =	shalt  }
0x51: {  	_ =	shalt  }
0x52: {  	_ =	shalt  }
0x53: {  	_ =	shalt  }
0x54: {  	_ =	shalt  }
0x55: {  	_ =	shalt  }
0x56: {  	_ =	shalt  }
0x57: {  	_ =	shalt  }
0x58: {  	_ =	shalt  }
0x59: {  	_ =	shalt  }
0x5a: {  	_ =	shalt  }
0x5b: {  	_ =	shalt  }
0x5c: {  	_ =	shalt  }
0x5d: {  	_ =	shalt  }
0x5e: {  	_ =	shalt  }
0x5f: {  	_ =	shalt  }
0x60: {  	_ =	shalt  }
0x61: {  	_ =	shalt  }
0x62: {  	_ =	shalt  }
0x63: {  	_ =	shalt  }
0x64: {  	_ =	shalt  }
0x65: {  	_ =	shalt  }
0x66: {  	_ =	shalt  }
0x67: {  	_ =	shalt  }
0x68: {  	_ =	shalt  }
0x69: {  	_ =	shalt  }
0x6a: {  	_ =	shalt  }
0x6b: {  	_ =	shalt  }
0x6c: {  	_ =	shalt  }
0x6d: {  	_ =	shalt  }
0x6e: {  	_ =	shalt  }
0x6f: {  	_ =	shalt  }
0x70: {  	_ =	shalt  }
0x71: {  	_ =	shalt  }
0x72: {  	_ =	shalt  }
0x73: {  	_ =	shalt  }
0x74: {  	_ =	shalt  }
0x75: {  	_ =	shalt  }
0x76: {  	_ =	shalt  }
0x77: {  	_ =	shalt  }
0x78: {  	_ =	shalt  }
0x79: {  	_ =	shalt  }
0x7a: {  	_ =	shalt  }
0x7b: {  	_ =	shalt  }
0x7c: {  	_ =	shalt  }
0x7d: {  	_ =	shalt  }
0x7e: {  	_ =	shalt  }
0x7f: {  	_ =	shalt  }
0x80: {  	_ =	shalt  }
0x81: {  	_ =	shalt  }
0x82: {  	_ =	shalt  }
0x83: {  	_ =	shalt  }
0x84: {  	_ =	shalt  }
0x85: {  	_ =	shalt  }
0x86: {  	_ =	shalt  }
0x87: {  	_ =	shalt  }
.Lfunc_end0:
.L_simem_size_0:
called_computation.6_lowered:
.L_overlay_start_0:
0x88: {  	s2 =	sld [smem:$0x3FD9]  }
0x89: {  	s3 =	sld [smem:$0x3FFE];
	_ =	sdelay $0x1  }
0x8a: {  	s1 =	srdreg.scid  }
0x8b: {  	s0 =	sand.u32 $0x1, s1  }
0x8c: {  	s16 =	sshll.u32 s0, $0xA;
	s2 =	sadd.s32 s3, s2  }
0x8d: {  	s2 =	sadd.s32 s2, s16  }
0x8e: {  	[smem:$0x3FB9] =	sst s2  }
0x8f: {  	_ = 	snop  }
0x90: {  	(tm) =	ssettm $0x1  }
0x91: {  	s17 =	sld [smem:$0x3FFB];
	_ =	sdelay $0x3  }
0x92: {  	_ =	strace s17  }
0x93: {  	s2 =	sld [smem:$0x3FFC];
	_ =	sdelay $0x3  }
0x94: {  	_ =	strace s2  }
0x95: {  	s2 =	sld [smem:$0x3FFD];
	_ =	sdelay $0x3  }
0x96: {  	_ =	strace s2  }
0x97: {  	_ =	strace $0x8FFFFFFF  }
0x98: {  	s18 =	sld [smem:$0x3FDB];
	_ =	sdelay $0x1  }
0x99: {  	s19 =	simm.s32 $_scs_section_size  }
0x9a: {  	s4 =	simm.s32 $_size__tile_overlayer_lowered;
	s5 =	simm.s32 $_tile_overlayer_lowered  }
0x9b: {  	s22 =	simm.s32 $0x1BFF;
	s21 =	sshll.u32 s5, $0x1;
	s2 =	sadd.s32 s19, s18  }
0x9c: {  	s6 =	simm.s32 $0x0;
	s20 =	sshll.u32 s4, $0x1;
	s4 =	sadd.s32 s21, s2  }
0x9d: {  	[timem:s6], [sflag:s22] =	dma.local [hbm:s4], s20  }
0x9e: {  	_ =	swait.ge [sflag:s22], s20  }
0x9f: {  	s3 =	ssub.s32 $0x0, s20;
	[sflag:s22] =	ssyncset.done $0x0  }
0xa0: {  	[sflag:s22] =	ssyncadd.s32 s3;
	_ =	sdelay $0x1  }
0xa1: {  	s23 =	simm.s32 $0x1B8B  }
0xa2: {  	_ =	swait.ge [sflag:s23], $0x1  }
0xa3: {  	[sflag:s23] =	ssyncset.done $0x0  }
0xa4: {  	s25 =	simm.s32 $0x1B8E;
	s24 =	sld [smem:$0x3FFE];
	[sflag:s23] =	ssyncadd.s32 $0xFFFFFFFF  }
0xa5: {  	s26 =	simm.s32 $execute0_lowered;
	[smem:$0x3FD2] =	sst s25  }
0xa6: {  	s4 =	sshll.u32 s26, $0x1;
	_ =	strace $0x80000058;
	[dreg:$0x1] =	wrdreg $0xFFFFFFFF  }
0xa7: {  	s28 =	simm.s32 $_size_execute0_lowered;
	s2 =	sadd.s32 s2, s4;
	[dreg:$0x0] =	wrdreg $0x0  }
0xa8: {  	s4 =	sshll.u32 s28, $0x1;
	[dreg:$0x2] =	wrdreg s2  }
0xa9: {  	[dreg:$0x3] =	wrdreg s4  }
0xaa: {  	[dreg:$0x4] =	wrdreg $0xC0  }
0xab: {  	_ =	task [dreg:s6], $0x5FFFF  }
0xac: {  	[dreg:$0x1] =	wrdreg $0xFFFFFFFF  }
0xad: {  	[dreg:$0x0] =	wrdreg $0x60  }
0xae: {  	[dreg:$0x2] =	wrdreg s24  }
0xaf: {  	[dreg:$0x3] =	wrdreg $0x9  }
0xb0: {  	_ =	task.clear_ibuf [dreg:s6], $0x4FFFF;
	_ =	strace $0x90000058  }
0xb1: {  	s29 =	simm.s32 $0x9;
	_ =	strace $0x8000005A  }
0xb2: {  	_ =	swait.ge [sflag:s29], $0x1  }
0xb3: {  	[sflag:s29] =	ssyncadd.s32 $0xFFFFFFFF  }
0xb4: {  	_ =	strace $0x9000005A  }
0xb5: {  	_ =	sfence  }
0xb6: {  	s30 =	sld [smem:$0x0];
	_ =	sdelay $0x2  }
0xb7: {  	s31 =	sshll.u32 s1, $0xD;
	s1 =	sshrl.u32 s1, $0x2  }
0xb8: {  	s3 =	sand.u32 $0x4000, s31;
	s1 =	sadd.s32 s1, s30  }
0xb9: {  	s0 =	sor.u32 s3, s0;
	s1 =	sshll.u32 s1, $0x11  }
0xba: {  	s0 =	sor.u32 s1, s0  }
0xbb: {  	s0 =	sadd.s32 $0x8F2B, s0  }
0xbc: {  	[sflag:s0] =	ssyncadd.remote.s32 $0x1  }
0xbd: {  	_ =	sfence.sel $0xFFFF  }
0xbe: {  	[dreg:$0x0] =	wrdreg $0xFFFFFFFF;
	(pc) =	sbr.abs _section_cstart, $3  }
0xbf: {  	[dreg:$0x1] =	wrdreg $0xFFFFFFFF  }
0xc0: {  	_ =	task.clear_ibuf [dreg:s6], $0x2FFFF;
	_ =	strace $0x9FFFFFFF  }
0xc1: {  	(tm) =	ssettm $0x7FFFFFFF  }
tec
execute0_lowered:
.L_overlay_start_1:
0x0: {  	(tag) =	ssettag $0x1  }
0x1: {  	s1 =	srdreg.scid;
	s0 =	stileid.u32  }
0x2: {  	s4 =	rddreg [dreg:$0x0];
	s2 =	simm.s32 $0x0;
	s11 =	simm.s32 $0x7800  }
0x3: {  	s12 =	simm.s32 $0x1;
	s13 =	simm.s32 $0x4;
	s14 =	simm.s32 $0x2  }
0x4: {  	s15 =	simm.s32 $0x0;
	s5 =	sand.u32 $0x1, s1;
	s1 =	rddreg [dreg:$0x1]  }
0x5: {  	s3 =	sshll.u32 s0, $0x1;
	[smem:$0x7FF] =	sst s2;
	s29 =	smul.u32 $0x27100, s0  }
0x6: {  	s10 =	sadd.s32 $0x32C00, s4;
	s6 =	sor.u32 s5, s3;
	s30 =	smul.u32 $0x13880, s5  }
0x7: {  	_ =	strace $0x80000059;
	s8 =	ssub.s32 $0x2, s5;
	s7 =	smul.u32 $0x1388, s6  }
0x8: {  	s3 =	sadd.s32 $0xF0EE00, s4;
	s9 =	sshrl.u32 s8, $0x1;
	s6 =	smul.u32 $0x13880, s6  }
0x9: {  	s31 =	sadd.s32 s29, s10;
	s8 =	ssub.s32 s8, s9;
	s9 =	simm.s32 $0x1400  }
0xa: {  	s7 =	sshrl.u32 s7, $0x3;
	s6 =	sadd.s32 s10, s6;
	s5 =	smax.u32 s8, $0x1  }
0xb: {  	s8 =	simm.s32 $0x3;
	s10 =	simm.s32 $0xC8;
	s7 =	sadd.s32 s7, s4  }
0xc: {  	s6 =	sadd.s32 $0x12C00, s6;
	s4 =	sadd.s32 $0x7B6E00, s7;
	s7 =	sadd.s32 s30, s31  }
.LBB2_1:
0xd: {  	[tilespmem:s2], [sflag:$0x3] =	stream.linear.gather [hbm4b:s4+s2], $0x1388, $0x38;
	[tilespmem:$0xDC00] =	vst v63  }
0xe: {  	_ =	swait.ge [sflag:s8], $0x1388  }
0xf: {  	[sflag:s8] =	ssyncset.done $0x0  }
0x10: {  	[sflag:s8] =	ssyncadd.s32 $0xFFFFEC78  }
0x11: {  	[tilespmem:s9], [sflag:$0x1] =	stream.indirect.gather [hbm4b:s3+s10], $0x80, s2, s10, $0xb8;
	[tilespmem:$0xDC00] =	vst v63  }
0x12: {  	_ = 	snop  }
0x13: {  	[tilespmem:s11], [sflag:$0x2] =	stream.indirect.gather [hbm4b:s3+s10], $0x80, s10, s10, $0xb8;
	[tilespmem:$0xDC00] =	vst v63  }
0x14: {  	_ =	swait.ge [sflag:s12], $0x6400  }
0x15: {  	[sflag:s12] =	ssyncset.done $0x0  }
0x16: {  	s16 =	sadd.s32 $0x0, s7;
	[sflag:s12] =	ssyncadd.s32 $0xFFFF9C00  }
0x17: {  	[hbm4b:s16+s2] =	stream.linear.scatter [tilespmem:s9], [sflag:$0x4], $0x6400, $0x38;
	[tilespmem:$0xDC00] =	vst v63  }
0x18: {  	_ =	swait.ge [sflag:s13], $0x6400  }
0x19: {  	[sflag:s13] =	ssyncset.done $0x0  }
0x1a: {  	s17 =	simm.s32 $0x190;
	[sflag:s13] =	ssyncadd.s32 $0xFFFF9C00  }
0x1b: {  	[tilespmem:s9], [sflag:$0x1] =	stream.indirect.gather [hbm4b:s3+s10], $0x80, s17, s10, $0xb8;
	[tilespmem:$0xDC00] =	vst v63  }
0x1c: {  	_ =	swait.ge [sflag:s14], $0x6400  }
0x1d: {  	[sflag:s14] =	ssyncset.done $0x0  }
0x1e: {  	s16 =	sadd.s32 $0xC80, s16;
	[sflag:s14] =	ssyncadd.s32 $0xFFFF9C00  }
0x1f: {  	[hbm4b:s16+s2] =	stream.linear.scatter [tilespmem:s11], [sflag:$0x3], $0x6400, $0x38;
	[tilespmem:$0xDC00] =	vst v63  }
0x20: {  	_ =	swait.ge [sflag:s8], $0x6400  }
0x21: {  	s17 =	simm.s32 $0xC8;
	s16 =	simm.s32 $0x1900;
	[sflag:s8] =	ssyncset.done $0x0  }
.LBB2_2:
0x22: {  	p0 =	sne.s32 s16, $0x11300;
	[sflag:s8] =	ssyncadd.s32 $0xFFFF9C00;
	s17 =	sadd.s32 $0x190, s17  }
0x23: {  	[tilespmem:s11], [sflag:$0x2] =	stream.indirect.gather [hbm4b:s3+s10], $0x80, s17, s10, $0xb8;
	[tilespmem:$0xDC00] =	vst v63  }
0x24: {  	s18 =	smov.u32 s16;
	s16 =	sadd.s32 $0x1900, s16;
	_ =	swait.ge [sflag:s12], $0x6400  }
0x25: {  	[sflag:s12] =	ssyncset.done $0x0  }
0x26: {  	s18 =	sadd.s32 s18, s7;
	[sflag:s12] =	ssyncadd.s32 $0xFFFF9C00  }
0x27: {  	[hbm4b:s18+s2] =	stream.linear.scatter [tilespmem:s9], [sflag:$0x4], $0x6400, $0x38;
	[tilespmem:$0xDC00] =	vst v63  }
0x28: {  	_ =	swait.ge [sflag:s13], $0x6400  }
0x29: {  	[sflag:s13] =	ssyncset.done $0x0  }
0x2a: {  	s19 =	sadd.s32 $0xC8, s17;
	[sflag:s13] =	ssyncadd.s32 $0xFFFF9C00  }
0x2b: {  	[tilespmem:s9], [sflag:$0x1] =	stream.indirect.gather [hbm4b:s3+s10], $0x80, s19, s10, $0xb8;
	[tilespmem:$0xDC00] =	vst v63  }
0x2c: {  	_ =	swait.ge [sflag:s14], $0x6400  }
.Ltmp0:
0x2d: {  	[sflag:s14] =	ssyncset.done $0x0;
	(pc) =	sbr.rel @p0 .LBB2_2-.Ltmp0, $4  }
0x2e: {  	s18 =	sadd.s32 $0xC80, s18;
	[sflag:s14] =	ssyncadd.s32 $0xFFFF9C00  }
0x2f: {  	[hbm4b:s18+s2] =	stream.linear.scatter [tilespmem:s11], [sflag:$0x3], $0x6400, $0x38;
	[tilespmem:$0xDC00] =	vst v63  }
0x30: {  	_ =	swait.ge [sflag:s8], $0x6400  }
0x31: {  	[sflag:s8] =	ssyncset.done $0x0  }
0x32: {  	[sflag:s8] =	ssyncadd.s32 $0xFFFF9C00  }
0x33: {  	s15 =	sadd.s32 $0x1, s15;
	_ =	swait.ge [sflag:s12], $0x6400  }
0x34: {  	p0 =	sne.s32 s15, s5;
	[sflag:s12] =	ssyncset.done $0x0  }
.Ltmp1:
0x35: {  	[sflag:s12] =	ssyncadd.s32 $0xFFFF9C00;
	(pc) =	sbr.rel @p0 .LBB2_1-.Ltmp1, $4  }
0x36: {  	[hbm4b:s6+s2] =	stream.linear.scatter [tilespmem:s9], [sflag:$0x4], $0x6400, $0x38;
	[tilespmem:$0xDC00] =	vst v63  }
0x37: {  	_ =	swait.ge [sflag:s13], $0x6400  }
0x38: {  	[sflag:s13] =	ssyncset.done $0x0  }
0x39: {  	[sflag:s13] =	ssyncadd.s32 $0xFFFF9C00  }
0x3a: {  	_ =	sfence.sel $0x180000  }
0x3b: {  	[bflag:$0x0] =	sbarrier.arrive $0xFFFF  }
0x3c: {  	p0 =	sne.s32 s0, $0x0;
	_ =	strace $0x90000059  }
0x3d: {  	s0 =	sadd.s32 @!p0 $0x100000, s1;
	[bflag:$0x2] =	sbarrier.arrive $0xFFFF  }
0x3e: {  	[sflag:s0] =	ssyncadd.tile.s32 @!p0 $0x1;
	_ =	shalt  }
.Lfunc_end2:
_tile_overlayer_lowered:
.L_overlay_start_2:
0x3f: {  	(tag) =	ssettag $0x2  }
0x40: {  	s0 =	rddreg [dreg:$0x0];
	s2 =	stileid.u32  }
0x41: {  	s1 =	rddreg [dreg:$0x1];
	p0 =	sne.s32 s2, $0x0  }
0x42: {  	s3 =	rddreg [dreg:$0x2];
	[bflag:$0x3] =	sbarrier.arrive $0xFFFF;
	s2 =	simm.s32 @!p0 $0x1C03  }
0x43: {  	[timem:s3], [sflag:s2] =	dma.local @!p0 [hbm:s0], s1  }
0x44: {  	s0 =	simm.s32 @!p0 $0x3  }
0x45: {  	_ =	swait.ge @!p0 [sflag:s0], s1  }
0x46: {  	s1 =	ssub.s32 @!p0 $0x0, s1;
	[sflag:s0] =	ssyncset.done @!p0 $0x0  }
0x47: {  	[sflag:s0] =	ssyncadd.s32 @!p0 s1  }
0x48: {  	[bflag:$0x3] =	sbarrier.arrive $0xFFFF  }
0x49: {  	_ =	shalt  }

// kernel: kernel.44.cloned.1.call-start
scs
__scs_entry_jumppad:
0x0: {  	(pc) =	sbr.rel $0x88, $3  }
0x1: {  	(tag) =	ssettag $0x0;
	lr =	simm.s32 $0x1  }
0x2: {  	[smem:$0x3F92] =	sst lr;
	_ =	strace $0xD0000000  }
0x3: {  	_ = 	snop  }
0x4: {  	_ = 	snop  }
0x5: {  	_ = 	snop  }
0x6: {  	_ = 	snop  }
0x7: {  	_ = 	snop  }
__scs_overlays_trampoline_lowered:
0x8: {  	[smem:$0x3FA1] =	sst s0  }
0x9: {  	[smem:$0x3FA2] =	sst s1  }
0xa: {  	[smem:$0x3FA3] =	sst s2  }
0xb: {  	[smem:$0x3FA4] =	sst s3  }
0xc: {  	[smem:$0x3FA5] =	sst s4  }
0xd: {  	[smem:$0x3FA6] =	sst s5  }
0xe: {  	[smem:$0x3FA7] =	sst s6  }
0xf: {  	[smem:$0x3FA8] =	sst s7  }
0x10: {  	[smem:$0x3FA9] =	sst s8  }
0x11: {  	[smem:$0x3FAA] =	sst s9;
	s0 =	simm.s32 @!p0 $0x0  }
0x12: {  	s1 =	sld [smem:$0x3F90];
	s0 =	simm.s32 @p0 $0x1  }
0x13: {  	[smem:$0x3FAB] =	sst s0;
	s0 =	simm.s32 @!p1 $0x0  }
0x14: {  	s2 =	sld [smem:$0x3F8F];
	s0 =	simm.s32 @p1 $0x1  }
0x15: {  	[smem:$0x3FAC] =	sst s0;
	s0 =	simm.s32 @!p2 $0x0  }
0x16: {  	s3 =	sld [smem:$0x3FDB];
	s0 =	simm.s32 @p2 $0x1  }
0x17: {  	s4 =	simm.s32 $0x1BF5;
	[smem:$0x3FAE] =	sst s0  }
0x18: {  	s0 =	sld [smem:$0x3F91];
	_ =	swait.ge [sflag:s4], $0x0  }
0x19: {  	s7 =	sld [smem:$0x3F92]  }
0x1a: {  	s8 =	sadd.s32 $0xFFFFE003, lr  }
0x1b: {  	s9 =	sadd.s32 $0xFFFFFEF7, lr;
	s5 =	simm.s32 $0xFFFFFFFF;
	p2 =	slt.u32 s8, $0xFFFFF086  }
0x1c: {  	p1 =	slt.u32 s9, $0xF7A;
	s5 =	simm.s32 @!p2 $0x0  }
0x1d: {  	s5 =	simm.s32 @p1 $0x1;
	p0 =	seq.s32 s7, s2  }
0x1e: {  	s7 =	smul.u32 @!p0 $0xF7A, s2;
	p2 =	seq.s32 @!p0 s5, $0x0  }
0x1f: {  	s9 =	smul.u32 $0xF7A, s1;
	s8 =	simm.s32 @!p0 $0x1BF5;
	p2 =	por !p2, p0  }
0x20: {  	[sflag:s8] =	ssyncset.s32 @!p0 $0xFFFFF086;
	s6 =	sadd.s32 @!p0 s3, s7;
	s7 =	simm.s32 @!p0 $0x108  }
0x21: {  	s3 =	sadd.s32 s3, s9;
	s6 =	sadd.s32 @!p0 $0x88, s6;
	s7 =	simm.s32 @p2 $0x1082  }
0x22: {  	[simem:s7], [sflag:s8] =	dma.local @!p0 [hbm:s6], $0xF7A  }
0x23: {  	s9 =	sor.u32 $0xD0000000, s2;
	s6 =	simm.s32 $0x108;
	_ =	swait.ge @!p0 [sflag:s8], $0x0  }
0x24: {  	s3 =	sadd.s32 $0x88, s3;
	s6 =	simm.s32 @!p1 $0x1082;
	[sflag:s4] =	ssyncset.s32 $0xFFFFF086  }
0x25: {  	[simem:s6], [sflag:s4] =	dma.local [hbm:s3], $0xF7A  }
0x26: {  	[smem:$0x3F92] =	sst s1;
	(tag) =	ssettag s2;
	_ =	strace s9  }
0x27: {  	s1 =	sld [smem:$0x3FA2]  }
0x28: {  	s2 =	sld [smem:$0x3FA3]  }
0x29: {  	s4 =	sld [smem:$0x3FA5]  }
0x2a: {  	p0 =	seq.s32 s5, $0x0;
	s5 =	sld [smem:$0x3FA6]  }
0x2b: {  	s6 =	sld [smem:$0x3FA7]  }
0x2c: {  	s7 =	sld [smem:$0x3FA8]  }
0x2d: {  	s3 =	simm.s32 $0x108;
	s8 =	sld [smem:$0x3FA9]  }
0x2e: {  	s3 =	simm.s32 @!p0 $0x1082;
	s9 =	sld [smem:$0x3FAA]  }
0x2f: {  	lr =	sadd.s32 s0, s3;
	s0 =	sld [smem:$0x3FA1]  }
0x30: {  	s3 =	sld [smem:$0x3FA4]  }
0x31: {  	[smem:$0x3FAD] =	sst s10  }
0x32: {  	s10 =	sld [smem:$0x3FAB];
	_ =	sdelay $0x3  }
0x33: {  	p0 =	seq.s32 s10, $0x1;
	s10 =	sld [smem:$0x3FAD];
	_ =	sdelay $0x3  }
0x34: {  	[smem:$0x3FAD] =	sst s10  }
0x35: {  	s10 =	sld [smem:$0x3FAC];
	_ =	sdelay $0x3  }
0x36: {  	p1 =	seq.s32 s10, $0x1;
	s10 =	sld [smem:$0x3FAD];
	_ =	sdelay $0x3  }
0x37: {  	[smem:$0x3FAD] =	sst s10  }
0x38: {  	s10 =	sld [smem:$0x3FAE]  }
0x39: {  	_ = 	snop;
	(pc) =	sbr.ind lr, $3  }
0x3a: {  	_ = 	snop  }
0x3b: {  	_ = 	snop  }
0x3c: {  	p2 =	seq.s32 s10, $0x1;
	s10 =	sld [smem:$0x3FAD]  }
0x3d: {  	_ =	shalt  }
0x3e: {  	_ =	shalt  }
0x3f: {  	_ =	shalt  }
0x40: {  	_ =	shalt  }
0x41: {  	_ =	shalt  }
0x42: {  	_ =	shalt  }
0x43: {  	_ =	shalt  }
0x44: {  	_ =	shalt  }
0x45: {  	_ =	shalt  }
0x46: {  	_ =	shalt  }
0x47: {  	_ =	shalt  }
0x48: {  	_ =	shalt  }
0x49: {  	_ =	shalt  }
0x4a: {  	_ =	shalt  }
0x4b: {  	_ =	shalt  }
0x4c: {  	_ =	shalt  }
0x4d: {  	_ =	shalt  }
0x4e: {  	_ =	shalt  }
0x4f: {  	_ =	shalt  }
0x50: {  	_ =	shalt  }
0x51: {  	_ =	shalt  }
0x52: {  	_ =	shalt  }
0x53: {  	_ =	shalt  }
0x54: {  	_ =	shalt  }
0x55: {  	_ =	shalt  }
0x56: {  	_ =	shalt  }
0x57: {  	_ =	shalt  }
0x58: {  	_ =	shalt  }
0x59: {  	_ =	shalt  }
0x5a: {  	_ =	shalt  }
0x5b: {  	_ =	shalt  }
0x5c: {  	_ =	shalt  }
0x5d: {  	_ =	shalt  }
0x5e: {  	_ =	shalt  }
0x5f: {  	_ =	shalt  }
0x60: {  	_ =	shalt  }
0x61: {  	_ =	shalt  }
0x62: {  	_ =	shalt  }
0x63: {  	_ =	shalt  }
0x64: {  	_ =	shalt  }
0x65: {  	_ =	shalt  }
0x66: {  	_ =	shalt  }
0x67: {  	_ =	shalt  }
0x68: {  	_ =	shalt  }
0x69: {  	_ =	shalt  }
0x6a: {  	_ =	shalt  }
0x6b: {  	_ =	shalt  }
0x6c: {  	_ =	shalt  }
0x6d: {  	_ =	shalt  }
0x6e: {  	_ =	shalt  }
0x6f: {  	_ =	shalt  }
0x70: {  	_ =	shalt  }
0x71: {  	_ =	shalt  }
0x72: {  	_ =	shalt  }
0x73: {  	_ =	shalt  }
0x74: {  	_ =	shalt  }
0x75: {  	_ =	shalt  }
0x76: {  	_ =	shalt  }
0x77: {  	_ =	shalt  }
0x78: {  	_ =	shalt  }
0x79: {  	_ =	shalt  }
0x7a: {  	_ =	shalt  }
0x7b: {  	_ =	shalt  }
0x7c: {  	_ =	shalt  }
0x7d: {  	_ =	shalt  }
0x7e: {  	_ =	shalt  }
0x7f: {  	_ =	shalt  }
0x80: {  	_ =	shalt  }
0x81: {  	_ =	shalt  }
0x82: {  	_ =	shalt  }
0x83: {  	_ =	shalt  }
0x84: {  	_ =	shalt  }
0x85: {  	_ =	shalt  }
0x86: {  	_ =	shalt  }
0x87: {  	_ =	shalt  }
.Lfunc_end0:
.L_simem_size_0:
called_computation.7_lowered:
.L_overlay_start_0:
0x88: {  	s2 =	sld [smem:$0x3FD9]  }
0x89: {  	s3 =	sld [smem:$0x3FFE];
	_ =	sdelay $0x1  }
0x8a: {  	s1 =	srdreg.scid  }
0x8b: {  	s0 =	sand.u32 $0x1, s1  }
0x8c: {  	s17 =	sshll.u32 s0, $0xA;
	s2 =	sadd.s32 s3, s2  }
0x8d: {  	s2 =	sadd.s32 s2, s17  }
0x8e: {  	[smem:$0x3FB9] =	sst s2  }
0x8f: {  	_ = 	snop  }
0x90: {  	(tm) =	ssettm $0x1  }
0x91: {  	s18 =	sld [smem:$0x3FFB];
	_ =	sdelay $0x3  }
0x92: {  	_ =	strace s18  }
0x93: {  	s2 =	sld [smem:$0x3FFC];
	_ =	sdelay $0x3  }
0x94: {  	_ =	strace s2  }
0x95: {  	s2 =	sld [smem:$0x3FFD];
	_ =	sdelay $0x3  }
0x96: {  	_ =	strace s2  }
0x97: {  	_ =	strace $0x8FFFFFFF  }
0x98: {  	s19 =	sld [smem:$0x3FDB];
	_ =	sdelay $0x1  }
0x99: {  	s20 =	simm.s32 $_scs_section_size  }
0x9a: {  	s4 =	simm.s32 $_size__tile_overlayer_lowered;
	s5 =	simm.s32 $_tile_overlayer_lowered  }
0x9b: {  	s6 =	simm.s32 $0x1BFF;
	s21 =	sshll.u32 s5, $0x1;
	s3 =	sadd.s32 s20, s19  }
0x9c: {  	s22 =	simm.s32 $0x0;
	s4 =	sshll.u32 s4, $0x1;
	s5 =	sadd.s32 s21, s3  }
0x9d: {  	[timem:s22], [sflag:s6] =	dma.local [hbm:s5], s4  }
0x9e: {  	_ =	swait.ge [sflag:s6], s4  }
0x9f: {  	s4 =	ssub.s32 $0x0, s4;
	[sflag:s6] =	ssyncset.done $0x0  }
0xa0: {  	[sflag:s6] =	ssyncadd.s32 s4;
	_ =	sdelay $0x1  }
0xa1: {  	s23 =	simm.s32 $0x1B8B  }
0xa2: {  	_ =	swait.ge [sflag:s23], $0x1  }
0xa3: {  	[sflag:s23] =	ssyncset.done $0x0  }
0xa4: {  	[sflag:s23] =	ssyncadd.s32 $0xFFFFFFFF  }
0xa5: {  	s4 =	sld [smem:$0x0]  }
0xa6: {  	s5 =	sand.u32 $0xFFFFFFFE, s1  }
0xa7: {  	p0 =	sne.s32 s1, s5  }
0xa8: {  	s5 =	sshll.u32 @p0 s5, $0xE  }
0xa9: {  	s5 =	sadd.s32 @p0 $0x11B8D, s5;
	s6 =	sshll.u32 @p0 s4, $0x11  }
0xaa: {  	s5 =	sor.u32 @p0 s6, s5  }
0xab: {  	[sflag:s5] =	ssyncadd.remote.s32 @p0 $0x1;
	_ =	sdelay $0x1  }
0xac: {  	s5 =	simm.s32 @p0 $0x1B8D  }
0xad: {  	_ =	swait.eq @p0 [sflag:s5], $0x1  }
0xae: {  	[sflag:s5] =	ssyncadd.s32 @p0 $0xFFFFFFFF  }
0xaf: {  	s6 =	sshll.u32 @!p0 s1, $0xE  }
0xb0: {  	s6 =	sor.u32 @!p0 $0x4000, s6;
	s5 =	simm.s32 @!p0 $0x1B8D  }
0xb1: {  	s4 =	sshll.u32 @!p0 s4, $0x11;
	s6 =	sadd.s32 @!p0 $0x11B8D, s6;
	_ =	swait.eq @!p0 [sflag:s5], $0x1  }
0xb2: {  	s4 =	sor.u32 @!p0 s4, s6;
	[sflag:s5] =	ssyncadd.s32 @!p0 $0xFFFFFFFF  }
0xb3: {  	s25 =	simm.s32 $0x1B8E;
	s24 =	sld [smem:$0x3FFE];
	[sflag:s4] =	ssyncadd.remote.s32 @!p0 $0x1  }
0xb4: {  	s26 =	simm.s32 $execute0_lowered;
	[smem:$0x3FD2] =	sst s25  }
0xb5: {  	s5 =	sshll.u32 s26, $0x1;
	_ =	strace $0x8000005B;
	[dreg:$0x1] =	wrdreg $0xFFFFFFFF  }
0xb6: {  	s28 =	simm.s32 $_size_execute0_lowered;
	s3 =	sadd.s32 s3, s5;
	[dreg:$0x0] =	wrdreg $0x0  }
0xb7: {  	s5 =	sshll.u32 s28, $0x1;
	[dreg:$0x2] =	wrdreg s3  }
0xb8: {  	[dreg:$0x3] =	wrdreg s5  }
0xb9: {  	[dreg:$0x4] =	wrdreg $0xC0  }
0xba: {  	_ =	task [dreg:s22], $0x5FFFF  }
0xbb: {  	[dreg:$0x1] =	wrdreg $0xFFFFFFFF  }
0xbc: {  	[dreg:$0x0] =	wrdreg $0x60  }
0xbd: {  	[dreg:$0x2] =	wrdreg s24  }
0xbe: {  	[dreg:$0x3] =	wrdreg $0xA  }
0xbf: {  	_ =	task.clear_ibuf [dreg:s22], $0x4FFFF;
	_ =	strace $0x9000005B  }
0xc0: {  	s29 =	simm.s32 $0xA;
	_ =	strace $0x8000005D  }
0xc1: {  	_ =	swait.ge [sflag:s29], $0x1  }
0xc2: {  	[sflag:s29] =	ssyncadd.s32 $0xFFFFFFFF  }
0xc3: {  	_ =	strace $0x9000005D  }
0xc4: {  	_ =	sfence  }
0xc5: {  	s30 =	sld [smem:$0x0];
	_ =	sdelay $0x2  }
0xc6: {  	s31 =	sshll.u32 s1, $0xD;
	s1 =	sshrl.u32 s1, $0x2  }
0xc7: {  	s4 =	sand.u32 $0x4000, s31;
	s1 =	sadd.s32 s1, s30  }
0xc8: {  	s0 =	sor.u32 s4, s0;
	s1 =	sshll.u32 s1, $0x11  }
0xc9: {  	s0 =	sor.u32 s1, s0  }
0xca: {  	s0 =	sadd.s32 $0x8F2B, s0  }
0xcb: {  	[sflag:s0] =	ssyncadd.remote.s32 $0x1  }
0xcc: {  	_ =	sfence.sel $0xFFFF  }
0xcd: {  	[dreg:$0x0] =	wrdreg $0xFFFFFFFF;
	(pc) =	sbr.abs _section_cstart, $3  }
0xce: {  	[dreg:$0x1] =	wrdreg $0xFFFFFFFF  }
0xcf: {  	_ =	task.clear_ibuf [dreg:s22], $0x2FFFF;
	_ =	strace $0x9FFFFFFF  }
0xd0: {  	(tm) =	ssettm $0x7FFFFFFF  }
0xd1: {  	_ =	shalt  }
tec
execute0_lowered:
.L_overlay_start_1:
0x0: {  	(tag) =	ssettag $0x1  }
0x1: {  	s1 =	srdreg.scid;
	s0 =	stileid.u32  }
0x2: {  	s4 =	rddreg [dreg:$0x0];
	s2 =	simm.s32 $0x0;
	s11 =	simm.s32 $0x7800  }
0x3: {  	s12 =	simm.s32 $0x1;
	s13 =	simm.s32 $0x4;
	s14 =	simm.s32 $0x2  }
0x4: {  	s15 =	simm.s32 $0x0;
	s5 =	sand.u32 $0x1, s1;
	s1 =	rddreg [dreg:$0x1]  }
0x5: {  	s3 =	sshll.u32 s0, $0x1;
	[smem:$0x7FF] =	sst s2;
	s29 =	smul.u32 $0x27100, s0  }
0x6: {  	s10 =	sadd.s32 $0x7BBE00, s4;
	s6 =	sor.u32 s5, s3;
	s30 =	smul.u32 $0x13880, s5  }
0x7: {  	_ =	strace $0x8000005C;
	s8 =	ssub.s32 $0x2, s5;
	s7 =	smul.u32 $0x1388, s6  }
0x8: {  	s3 =	sadd.s32 $0xF0EE00, s4;
	s9 =	sshrl.u32 s8, $0x1;
	s6 =	smul.u32 $0x13880, s6  }
0x9: {  	s31 =	sadd.s32 s29, s10;
	s8 =	ssub.s32 s8, s9;
	s9 =	simm.s32 $0x1400  }
0xa: {  	s7 =	sshrl.u32 s7, $0x3;
	s6 =	sadd.s32 s10, s6;
	s5 =	smax.u32 s8, $0x1  }
0xb: {  	s8 =	simm.s32 $0x3;
	s10 =	simm.s32 $0xC8;
	s7 =	sadd.s32 s7, s4  }
0xc: {  	s6 =	sadd.s32 $0x12C00, s6;
	s4 =	sadd.s32 $0x2DC00, s7;
	s7 =	sadd.s32 s30, s31  }
.LBB2_1:
0xd: {  	[tilespmem:s2], [sflag:$0x3] =	stream.linear.gather [hbm4b:s4+s2], $0x1388, $0x38;
	[tilespmem:$0xDC00] =	vst v63  }
0xe: {  	_ =	swait.ge [sflag:s8], $0x1388  }
0xf: {  	[sflag:s8] =	ssyncset.done $0x0  }
0x10: {  	[sflag:s8] =	ssyncadd.s32 $0xFFFFEC78  }
0x11: {  	[tilespmem:s9], [sflag:$0x1] =	stream.indirect.gather [hbm4b:s3+s10], $0x80, s2, s10, $0xb8;
	[tilespmem:$0xDC00] =	vst v63  }
0x12: {  	_ = 	snop  }
0x13: {  	[tilespmem:s11], [sflag:$0x2] =	stream.indirect.gather [hbm4b:s3+s10], $0x80, s10, s10, $0xb8;
	[tilespmem:$0xDC00] =	vst v63  }
0x14: {  	_ =	swait.ge [sflag:s12], $0x6400  }
0x15: {  	[sflag:s12] =	ssyncset.done $0x0  }
0x16: {  	s16 =	sadd.s32 $0x0, s7;
	[sflag:s12] =	ssyncadd.s32 $0xFFFF9C00  }
0x17: {  	[hbm4b:s16+s2] =	stream.linear.scatter [tilespmem:s9], [sflag:$0x4], $0x6400, $0x38;
	[tilespmem:$0xDC00] =	vst v63  }
0x18: {  	_ =	swait.ge [sflag:s13], $0x6400  }
0x19: {  	[sflag:s13] =	ssyncset.done $0x0  }
0x1a: {  	s17 =	simm.s32 $0x190;
	[sflag:s13] =	ssyncadd.s32 $0xFFFF9C00  }
0x1b: {  	[tilespmem:s9], [sflag:$0x1] =	stream.indirect.gather [hbm4b:s3+s10], $0x80, s17, s10, $0xb8;
	[tilespmem:$0xDC00] =	vst v63  }
0x1c: {  	_ =	swait.ge [sflag:s14], $0x6400  }
0x1d: {  	[sflag:s14] =	ssyncset.done $0x0  }
0x1e: {  	s16 =	sadd.s32 $0xC80, s16;
	[sflag:s14] =	ssyncadd.s32 $0xFFFF9C00  }
0x1f: {  	[hbm4b:s16+s2] =	stream.linear.scatter [tilespmem:s11], [sflag:$0x3], $0x6400, $0x38;
	[tilespmem:$0xDC00] =	vst v63  }
0x20: {  	_ =	swait.ge [sflag:s8], $0x6400  }
0x21: {  	s17 =	simm.s32 $0xC8;
	s16 =	simm.s32 $0x1900;
	[sflag:s8] =	ssyncset.done $0x0  }
.LBB2_2:
0x22: {  	p0 =	sne.s32 s16, $0x11300;
	[sflag:s8] =	ssyncadd.s32 $0xFFFF9C00;
	s17 =	sadd.s32 $0x190, s17  }
0x23: {  	[tilespmem:s11], [sflag:$0x2] =	stream.indirect.gather [hbm4b:s3+s10], $0x80, s17, s10, $0xb8;
	[tilespmem:$0xDC00] =	vst v63  }
0x24: {  	s18 =	smov.u32 s16;
	s16 =	sadd.s32 $0x1900, s16;
	_ =	swait.ge [sflag:s12], $0x6400  }
0x25: {  	[sflag:s12] =	ssyncset.done $0x0  }
0x26: {  	s18 =	sadd.s32 s18, s7;
	[sflag:s12] =	ssyncadd.s32 $0xFFFF9C00  }
0x27: {  	[hbm4b:s18+s2] =	stream.linear.scatter [tilespmem:s9], [sflag:$0x4], $0x6400, $0x38;
	[tilespmem:$0xDC00] =	vst v63  }
0x28: {  	_ =	swait.ge [sflag:s13], $0x6400  }
0x29: {  	[sflag:s13] =	ssyncset.done $0x0  }
0x2a: {  	s19 =	sadd.s32 $0xC8, s17;
	[sflag:s13] =	ssyncadd.s32 $0xFFFF9C00  }
0x2b: {  	[tilespmem:s9], [sflag:$0x1] =	stream.indirect.gather [hbm4b:s3+s10], $0x80, s19, s10, $0xb8;
	[tilespmem:$0xDC00] =	vst v63  }
0x2c: {  	_ =	swait.ge [sflag:s14], $0x6400  }
.Ltmp0:
0x2d: {  	[sflag:s14] =	ssyncset.done $0x0;
	(pc) =	sbr.rel @p0 .LBB2_2-.Ltmp0, $4  }
0x2e: {  	s18 =	sadd.s32 $0xC80, s18;
	[sflag:s14] =	ssyncadd.s32 $0xFFFF9C00  }
0x2f: {  	[hbm4b:s18+s2] =	stream.linear.scatter [tilespmem:s11], [sflag:$0x3], $0x6400, $0x38;
	[tilespmem:$0xDC00] =	vst v63  }
0x30: {  	_ =	swait.ge [sflag:s8], $0x6400  }
0x31: {  	[sflag:s8] =	ssyncset.done $0x0  }
0x32: {  	[sflag:s8] =	ssyncadd.s32 $0xFFFF9C00  }
0x33: {  	s15 =	sadd.s32 $0x1, s15;
	_ =	swait.ge [sflag:s12], $0x6400  }
0x34: {  	p0 =	sne.s32 s15, s5;
	[sflag:s12] =	ssyncset.done $0x0  }
.Ltmp1:
0x35: {  	[sflag:s12] =	ssyncadd.s32 $0xFFFF9C00;
	(pc) =	sbr.rel @p0 .LBB2_1-.Ltmp1, $4  }
0x36: {  	[hbm4b:s6+s2] =	stream.linear.scatter [tilespmem:s9], [sflag:$0x4], $0x6400, $0x38;
	[tilespmem:$0xDC00] =	vst v63  }
0x37: {  	_ =	swait.ge [sflag:s13], $0x6400  }
0x38: {  	[sflag:s13] =	ssyncset.done $0x0  }
0x39: {  	[sflag:s13] =	ssyncadd.s32 $0xFFFF9C00  }
0x3a: {  	_ =	sfence.sel $0x180000  }
0x3b: {  	[bflag:$0x0] =	sbarrier.arrive $0xFFFF  }
0x3c: {  	p0 =	sne.s32 s0, $0x0;
	_ =	strace $0x9000005C  }
0x3d: {  	s0 =	sadd.s32 @!p0 $0x100000, s1;
	[bflag:$0x2] =	sbarrier.arrive $0xFFFF  }
0x3e: {  	[sflag:s0] =	ssyncadd.tile.s32 @!p0 $0x1;
	_ =	shalt  }
.Lfunc_end2:
_tile_overlayer_lowered:
.L_overlay_start_2:
0x3f: {  	(tag) =	ssettag $0x2  }
0x40: {  	s0 =	rddreg [dreg:$0x0];
	s2 =	stileid.u32  }
0x41: {  	s1 =	rddreg [dreg:$0x1];
	p0 =	sne.s32 s2, $0x0  }
0x42: {  	s3 =	rddreg [dreg:$0x2];
	[bflag:$0x3] =	sbarrier.arrive $0xFFFF;
	s2 =	simm.s32 @!p0 $0x1C03  }
0x43: {  	[timem:s3], [sflag:s2] =	dma.local @!p0 [hbm:s0], s1  }
0x44: {  	s0 =	simm.s32 @!p0 $0x3  }
0x45: {  	_ =	swait.ge @!p0 [sflag:s0], s1  }
0x46: {  	s1 =	ssub.s32 @!p0 $0x0, s1;
	[sflag:s0] =	ssyncset.done @!p0 $0x0  }
0x47: {  	[sflag:s0] =	ssyncadd.s32 @!p0 s1  }
0x48: {  	[bflag:$0x3] =	sbarrier.arrive $0xFFFF  }
0x49: {  	_ =	shalt  }

// kernel: kernel.47.cloned.1.call-start
scs
__scs_entry_jumppad:
0x0: {  	(pc) =	sbr.rel $0x88, $3  }
0x1: {  	(tag) =	ssettag $0x0;
	lr =	simm.s32 $0x1  }
0x2: {  	[smem:$0x3F92] =	sst lr;
	_ =	strace $0xD0000000  }
0x3: {  	_ = 	snop  }
0x4: {  	_ = 	snop  }
0x5: {  	_ = 	snop  }
0x6: {  	_ = 	snop  }
0x7: {  	_ = 	snop  }
__scs_overlays_trampoline_lowered:
0x8: {  	[smem:$0x3FA1] =	sst s0  }
0x9: {  	[smem:$0x3FA2] =	sst s1  }
0xa: {  	[smem:$0x3FA3] =	sst s2  }
0xb: {  	[smem:$0x3FA4] =	sst s3  }
0xc: {  	[smem:$0x3FA5] =	sst s4  }
0xd: {  	[smem:$0x3FA6] =	sst s5  }
0xe: {  	[smem:$0x3FA7] =	sst s6  }
0xf: {  	[smem:$0x3FA8] =	sst s7  }
0x10: {  	[smem:$0x3FA9] =	sst s8  }
0x11: {  	[smem:$0x3FAA] =	sst s9;
	s0 =	simm.s32 @!p0 $0x0  }
0x12: {  	s1 =	sld [smem:$0x3F90];
	s0 =	simm.s32 @p0 $0x1  }
0x13: {  	[smem:$0x3FAB] =	sst s0;
	s0 =	simm.s32 @!p1 $0x0  }
0x14: {  	s2 =	sld [smem:$0x3F8F];
	s0 =	simm.s32 @p1 $0x1  }
0x15: {  	[smem:$0x3FAC] =	sst s0;
	s0 =	simm.s32 @!p2 $0x0  }
0x16: {  	s3 =	sld [smem:$0x3FDB];
	s0 =	simm.s32 @p2 $0x1  }
0x17: {  	s4 =	simm.s32 $0x1BF5;
	[smem:$0x3FAE] =	sst s0  }
0x18: {  	s0 =	sld [smem:$0x3F91];
	_ =	swait.ge [sflag:s4], $0x0  }
0x19: {  	s7 =	sld [smem:$0x3F92]  }
0x1a: {  	s8 =	sadd.s32 $0xFFFFE003, lr  }
0x1b: {  	s9 =	sadd.s32 $0xFFFFFEF7, lr;
	s5 =	simm.s32 $0xFFFFFFFF;
	p2 =	slt.u32 s8, $0xFFFFF086  }
0x1c: {  	p1 =	slt.u32 s9, $0xF7A;
	s5 =	simm.s32 @!p2 $0x0  }
0x1d: {  	s5 =	simm.s32 @p1 $0x1;
	p0 =	seq.s32 s7, s2  }
0x1e: {  	s7 =	smul.u32 @!p0 $0xF7A, s2;
	p2 =	seq.s32 @!p0 s5, $0x0  }
0x1f: {  	s9 =	smul.u32 $0xF7A, s1;
	s8 =	simm.s32 @!p0 $0x1BF5;
	p2 =	por !p2, p0  }
0x20: {  	[sflag:s8] =	ssyncset.s32 @!p0 $0xFFFFF086;
	s6 =	sadd.s32 @!p0 s3, s7;
	s7 =	simm.s32 @!p0 $0x108  }
0x21: {  	s3 =	sadd.s32 s3, s9;
	s6 =	sadd.s32 @!p0 $0x88, s6;
	s7 =	simm.s32 @p2 $0x1082  }
0x22: {  	[simem:s7], [sflag:s8] =	dma.local @!p0 [hbm:s6], $0xF7A  }
0x23: {  	s9 =	sor.u32 $0xD0000000, s2;
	s6 =	simm.s32 $0x108;
	_ =	swait.ge @!p0 [sflag:s8], $0x0  }
0x24: {  	s3 =	sadd.s32 $0x88, s3;
	s6 =	simm.s32 @!p1 $0x1082;
	[sflag:s4] =	ssyncset.s32 $0xFFFFF086  }
0x25: {  	[simem:s6], [sflag:s4] =	dma.local [hbm:s3], $0xF7A  }
0x26: {  	[smem:$0x3F92] =	sst s1;
	(tag) =	ssettag s2;
	_ =	strace s9  }
0x27: {  	s1 =	sld [smem:$0x3FA2]  }
0x28: {  	s2 =	sld [smem:$0x3FA3]  }
0x29: {  	s4 =	sld [smem:$0x3FA5]  }
0x2a: {  	p0 =	seq.s32 s5, $0x0;
	s5 =	sld [smem:$0x3FA6]  }
0x2b: {  	s6 =	sld [smem:$0x3FA7]  }
0x2c: {  	s7 =	sld [smem:$0x3FA8]  }
0x2d: {  	s3 =	simm.s32 $0x108;
	s8 =	sld [smem:$0x3FA9]  }
0x2e: {  	s3 =	simm.s32 @!p0 $0x1082;
	s9 =	sld [smem:$0x3FAA]  }
0x2f: {  	lr =	sadd.s32 s0, s3;
	s0 =	sld [smem:$0x3FA1]  }
0x30: {  	s3 =	sld [smem:$0x3FA4]  }
0x31: {  	[smem:$0x3FAD] =	sst s10  }
0x32: {  	s10 =	sld [smem:$0x3FAB];
	_ =	sdelay $0x3  }
0x33: {  	p0 =	seq.s32 s10, $0x1;
	s10 =	sld [smem:$0x3FAD];
	_ =	sdelay $0x3  }
0x34: {  	[smem:$0x3FAD] =	sst s10  }
0x35: {  	s10 =	sld [smem:$0x3FAC];
	_ =	sdelay $0x3  }
0x36: {  	p1 =	seq.s32 s10, $0x1;
	s10 =	sld [smem:$0x3FAD];
	_ =	sdelay $0x3  }
0x37: {  	[smem:$0x3FAD] =	sst s10  }
0x38: {  	s10 =	sld [smem:$0x3FAE]  }
0x39: {  	_ = 	snop;
	(pc) =	sbr.ind lr, $3  }
0x3a: {  	_ = 	snop  }
0x3b: {  	_ = 	snop  }
0x3c: {  	p2 =	seq.s32 s10, $0x1;
	s10 =	sld [smem:$0x3FAD]  }
0x3d: {  	_ =	shalt  }
0x3e: {  	_ =	shalt  }
0x3f: {  	_ =	shalt  }
0x40: {  	_ =	shalt  }
0x41: {  	_ =	shalt  }
0x42: {  	_ =	shalt  }
0x43: {  	_ =	shalt  }
0x44: {  	_ =	shalt  }
0x45: {  	_ =	shalt  }
0x46: {  	_ =	shalt  }
0x47: {  	_ =	shalt  }
0x48: {  	_ =	shalt  }
0x49: {  	_ =	shalt  }
0x4a: {  	_ =	shalt  }
0x4b: {  	_ =	shalt  }
0x4c: {  	_ =	shalt  }
0x4d: {  	_ =	shalt  }
0x4e: {  	_ =	shalt  }
0x4f: {  	_ =	shalt  }
0x50: {  	_ =	shalt  }
0x51: {  	_ =	shalt  }
0x52: {  	_ =	shalt  }
0x53: {  	_ =	shalt  }
0x54: {  	_ =	shalt  }
0x55: {  	_ =	shalt  }
0x56: {  	_ =	shalt  }
0x57: {  	_ =	shalt  }
0x58: {  	_ =	shalt  }
0x59: {  	_ =	shalt  }
0x5a: {  	_ =	shalt  }
0x5b: {  	_ =	shalt  }
0x5c: {  	_ =	shalt  }
0x5d: {  	_ =	shalt  }
0x5e: {  	_ =	shalt  }
0x5f: {  	_ =	shalt  }
0x60: {  	_ =	shalt  }
0x61: {  	_ =	shalt  }
0x62: {  	_ =	shalt  }
0x63: {  	_ =	shalt  }
0x64: {  	_ =	shalt  }
0x65: {  	_ =	shalt  }
0x66: {  	_ =	shalt  }
0x67: {  	_ =	shalt  }
0x68: {  	_ =	shalt  }
0x69: {  	_ =	shalt  }
0x6a: {  	_ =	shalt  }
0x6b: {  	_ =	shalt  }
0x6c: {  	_ =	shalt  }
0x6d: {  	_ =	shalt  }
0x6e: {  	_ =	shalt  }
0x6f: {  	_ =	shalt  }
0x70: {  	_ =	shalt  }
0x71: {  	_ =	shalt  }
0x72: {  	_ =	shalt  }
0x73: {  	_ =	shalt  }
0x74: {  	_ =	shalt  }
0x75: {  	_ =	shalt  }
0x76: {  	_ =	shalt  }
0x77: {  	_ =	shalt  }
0x78: {  	_ =	shalt  }
0x79: {  	_ =	shalt  }
0x7a: {  	_ =	shalt  }
0x7b: {  	_ =	shalt  }
0x7c: {  	_ =	shalt  }
0x7d: {  	_ =	shalt  }
0x7e: {  	_ =	shalt  }
0x7f: {  	_ =	shalt  }
0x80: {  	_ =	shalt  }
0x81: {  	_ =	shalt  }
0x82: {  	_ =	shalt  }
0x83: {  	_ =	shalt  }
0x84: {  	_ =	shalt  }
0x85: {  	_ =	shalt  }
0x86: {  	_ =	shalt  }
0x87: {  	_ =	shalt  }
.Lfunc_end0:
.L_simem_size_0:
called_computation.8_lowered:
.L_overlay_start_0:
0x88: {  	s2 =	sld [smem:$0x3FD9]  }
0x89: {  	s3 =	sld [smem:$0x3FFE];
	_ =	sdelay $0x1  }
0x8a: {  	s1 =	srdreg.scid  }
0x8b: {  	s0 =	sand.u32 $0x1, s1  }
0x8c: {  	s17 =	sshll.u32 s0, $0xA;
	s2 =	sadd.s32 s3, s2  }
0x8d: {  	s2 =	sadd.s32 s2, s17  }
0x8e: {  	[smem:$0x3FB9] =	sst s2  }
0x8f: {  	_ = 	snop  }
0x90: {  	(tm) =	ssettm $0x1  }
0x91: {  	s18 =	sld [smem:$0x3FFB];
	_ =	sdelay $0x3  }
0x92: {  	_ =	strace s18  }
0x93: {  	s2 =	sld [smem:$0x3FFC];
	_ =	sdelay $0x3  }
0x94: {  	_ =	strace s2  }
0x95: {  	s2 =	sld [smem:$0x3FFD];
	_ =	sdelay $0x3  }
0x96: {  	_ =	strace s2  }
0x97: {  	_ =	strace $0x8FFFFFFF  }
0x98: {  	s19 =	sld [smem:$0x3FDB];
	_ =	sdelay $0x1  }
0x99: {  	s20 =	simm.s32 $_scs_section_size  }
0x9a: {  	s4 =	simm.s32 $_size__tile_overlayer_lowered;
	s5 =	simm.s32 $_tile_overlayer_lowered  }
0x9b: {  	s6 =	simm.s32 $0x1BFF;
	s21 =	sshll.u32 s5, $0x1;
	s3 =	sadd.s32 s20, s19  }
0x9c: {  	s22 =	simm.s32 $0x0;
	s4 =	sshll.u32 s4, $0x1;
	s5 =	sadd.s32 s21, s3  }
0x9d: {  	[timem:s22], [sflag:s6] =	dma.local [hbm:s5], s4  }
0x9e: {  	_ =	swait.ge [sflag:s6], s4  }
0x9f: {  	s4 =	ssub.s32 $0x0, s4;
	[sflag:s6] =	ssyncset.done $0x0  }
0xa0: {  	[sflag:s6] =	ssyncadd.s32 s4;
	_ =	sdelay $0x1  }
0xa1: {  	s23 =	simm.s32 $0x1B8B  }
0xa2: {  	_ =	swait.ge [sflag:s23], $0x1  }
0xa3: {  	[sflag:s23] =	ssyncset.done $0x0  }
0xa4: {  	[sflag:s23] =	ssyncadd.s32 $0xFFFFFFFF  }
0xa5: {  	s4 =	sld [smem:$0x0]  }
0xa6: {  	s5 =	sand.u32 $0xFFFFFFFE, s1  }
0xa7: {  	p0 =	sne.s32 s1, s5  }
0xa8: {  	s5 =	sshll.u32 @p0 s5, $0xE  }
0xa9: {  	s5 =	sadd.s32 @p0 $0x11B8D, s5;
	s6 =	sshll.u32 @p0 s4, $0x11  }
0xaa: {  	s5 =	sor.u32 @p0 s6, s5  }
0xab: {  	[sflag:s5] =	ssyncadd.remote.s32 @p0 $0x1;
	_ =	sdelay $0x1  }
0xac: {  	s5 =	simm.s32 @p0 $0x1B8D  }
0xad: {  	_ =	swait.eq @p0 [sflag:s5], $0x1  }
0xae: {  	[sflag:s5] =	ssyncadd.s32 @p0 $0xFFFFFFFF  }
0xaf: {  	s6 =	sshll.u32 @!p0 s1, $0xE  }
0xb0: {  	s6 =	sor.u32 @!p0 $0x4000, s6;
	s5 =	simm.s32 @!p0 $0x1B8D  }
0xb1: {  	s4 =	sshll.u32 @!p0 s4, $0x11;
	s6 =	sadd.s32 @!p0 $0x11B8D, s6;
	_ =	swait.eq @!p0 [sflag:s5], $0x1  }
0xb2: {  	s4 =	sor.u32 @!p0 s4, s6;
	[sflag:s5] =	ssyncadd.s32 @!p0 $0xFFFFFFFF  }
0xb3: {  	s25 =	simm.s32 $0x1B8E;
	s24 =	sld [smem:$0x3FFE];
	[sflag:s4] =	ssyncadd.remote.s32 @!p0 $0x1  }
0xb4: {  	s26 =	simm.s32 $execute0_lowered;
	[smem:$0x3FD2] =	sst s25  }
0xb5: {  	s5 =	sshll.u32 s26, $0x1;
	_ =	strace $0x8000005E;
	[dreg:$0x1] =	wrdreg $0xFFFFFFFF  }
0xb6: {  	s28 =	simm.s32 $_size_execute0_lowered;
	s3 =	sadd.s32 s3, s5;
	[dreg:$0x0] =	wrdreg $0x0  }
0xb7: {  	s5 =	sshll.u32 s28, $0x1;
	[dreg:$0x2] =	wrdreg s3  }
0xb8: {  	[dreg:$0x3] =	wrdreg s5  }
0xb9: {  	[dreg:$0x4] =	wrdreg $0xC0  }
0xba: {  	_ =	task [dreg:s22], $0x5FFFF  }
0xbb: {  	[dreg:$0x1] =	wrdreg $0xFFFFFFFF  }
0xbc: {  	[dreg:$0x0] =	wrdreg $0x60  }
0xbd: {  	[dreg:$0x2] =	wrdreg s24  }
0xbe: {  	[dreg:$0x3] =	wrdreg $0xB  }
0xbf: {  	_ =	task.clear_ibuf [dreg:s22], $0x4FFFF;
	_ =	strace $0x9000005E  }
0xc0: {  	s29 =	simm.s32 $0xB;
	_ =	strace $0x80000060  }
0xc1: {  	_ =	swait.ge [sflag:s29], $0x1  }
0xc2: {  	[sflag:s29] =	ssyncadd.s32 $0xFFFFFFFF  }
0xc3: {  	_ =	strace $0x90000060  }
0xc4: {  	_ =	sfence  }
0xc5: {  	s30 =	sld [smem:$0x0];
	_ =	sdelay $0x2  }
0xc6: {  	s31 =	sshll.u32 s1, $0xD;
	s1 =	sshrl.u32 s1, $0x2  }
0xc7: {  	s4 =	sand.u32 $0x4000, s31;
	s1 =	sadd.s32 s1, s30  }
0xc8: {  	s0 =	sor.u32 s4, s0;
	s1 =	sshll.u32 s1, $0x11  }
0xc9: {  	s0 =	sor.u32 s1, s0  }
0xca: {  	s0 =	sadd.s32 $0x8F2B, s0  }
0xcb: {  	[sflag:s0] =	ssyncadd.remote.s32 $0x1  }
0xcc: {  	_ =	sfence.sel $0xFFFF  }
0xcd: {  	[dreg:$0x0] =	wrdreg $0xFFFFFFFF;
	(pc) =	sbr.abs _section_cstart, $3  }
0xce: {  	[dreg:$0x1] =	wrdreg $0xFFFFFFFF  }
0xcf: {  	_ =	task.clear_ibuf [dreg:s22], $0x2FFFF;
	_ =	strace $0x9FFFFFFF  }
0xd0: {  	(tm) =	ssettm $0x7FFFFFFF  }
0xd1: {  	_ =	shalt  }
tec
execute0_lowered:
.L_overlay_start_1:
0x0: {  	(tag) =	ssettag $0x1  }
0x1: {  	s1 =	srdreg.scid;
	s0 =	stileid.u32  }
0x2: {  	s4 =	rddreg [dreg:$0x0];
	s2 =	simm.s32 $0x0;
	s11 =	simm.s32 $0x7800  }
0x3: {  	s12 =	simm.s32 $0x1;
	s13 =	simm.s32 $0x4;
	s14 =	simm.s32 $0x2  }
0x4: {  	s15 =	simm.s32 $0x0;
	s5 =	sand.u32 $0x1, s1;
	s1 =	rddreg [dreg:$0x1]  }
0x5: {  	s3 =	sshll.u32 s0, $0x1;
	[smem:$0x7FF] =	sst s2;
	s29 =	smul.u32 $0x27100, s0  }
0x6: {  	s10 =	sadd.s32 $0xA2CE00, s4;
	s6 =	sor.u32 s5, s3;
	s30 =	smul.u32 $0x13880, s5  }
0x7: {  	_ =	strace $0x8000005F;
	s8 =	ssub.s32 $0x2, s5;
	s7 =	smul.u32 $0x1388, s6  }
0x8: {  	s3 =	sadd.s32 $0xF0EE00, s4;
	s9 =	sshrl.u32 s8, $0x1;
	s6 =	smul.u32 $0x13880, s6  }
0x9: {  	s31 =	sadd.s32 s29, s10;
	s8 =	ssub.s32 s8, s9;
	s9 =	simm.s32 $0x1400  }
0xa: {  	s7 =	sshrl.u32 s7, $0x3;
	s6 =	sadd.s32 s10, s6;
	s5 =	smax.u32 s8, $0x1  }
0xb: {  	s8 =	simm.s32 $0x3;
	s10 =	simm.s32 $0xC8;
	s7 =	sadd.s32 s7, s4  }
0xc: {  	s6 =	sadd.s32 $0x12C00, s6;
	s4 =	sadd.s32 $0x7A7E00, s7;
	s7 =	sadd.s32 s30, s31  }
.LBB2_1:
0xd: {  	[tilespmem:s2], [sflag:$0x3] =	stream.linear.gather [hbm4b:s4+s2], $0x1388, $0x38;
	[tilespmem:$0xDC00] =	vst v63  }
0xe: {  	_ =	swait.ge [sflag:s8], $0x1388  }
0xf: {  	[sflag:s8] =	ssyncset.done $0x0  }
0x10: {  	[sflag:s8] =	ssyncadd.s32 $0xFFFFEC78  }
0x11: {  	[tilespmem:s9], [sflag:$0x1] =	stream.indirect.gather [hbm4b:s3+s10], $0x80, s2, s10, $0xb8;
	[tilespmem:$0xDC00] =	vst v63  }
0x12: {  	_ = 	snop  }
0x13: {  	[tilespmem:s11], [sflag:$0x2] =	stream.indirect.gather [hbm4b:s3+s10], $0x80, s10, s10, $0xb8;
	[tilespmem:$0xDC00] =	vst v63  }
0x14: {  	_ =	swait.ge [sflag:s12], $0x6400  }
0x15: {  	[sflag:s12] =	ssyncset.done $0x0  }
0x16: {  	s16 =	sadd.s32 $0x0, s7;
	[sflag:s12] =	ssyncadd.s32 $0xFFFF9C00  }
0x17: {  	[hbm4b:s16+s2] =	stream.linear.scatter [tilespmem:s9], [sflag:$0x4], $0x6400, $0x38;
	[tilespmem:$0xDC00] =	vst v63  }
0x18: {  	_ =	swait.ge [sflag:s13], $0x6400  }
0x19: {  	[sflag:s13] =	ssyncset.done $0x0  }
0x1a: {  	s17 =	simm.s32 $0x190;
	[sflag:s13] =	ssyncadd.s32 $0xFFFF9C00  }
0x1b: {  	[tilespmem:s9], [sflag:$0x1] =	stream.indirect.gather [hbm4b:s3+s10], $0x80, s17, s10, $0xb8;
	[tilespmem:$0xDC00] =	vst v63  }
0x1c: {  	_ =	swait.ge [sflag:s14], $0x6400  }
0x1d: {  	[sflag:s14] =	ssyncset.done $0x0  }
0x1e: {  	s16 =	sadd.s32 $0xC80, s16;
	[sflag:s14] =	ssyncadd.s32 $0xFFFF9C00  }
0x1f: {  	[hbm4b:s16+s2] =	stream.linear.scatter [tilespmem:s11], [sflag:$0x3], $0x6400, $0x38;
	[tilespmem:$0xDC00] =	vst v63  }
0x20: {  	_ =	swait.ge [sflag:s8], $0x6400  }
0x21: {  	s17 =	simm.s32 $0xC8;
	s16 =	simm.s32 $0x1900;
	[sflag:s8] =	ssyncset.done $0x0  }
.LBB2_2:
0x22: {  	p0 =	sne.s32 s16, $0x11300;
	[sflag:s8] =	ssyncadd.s32 $0xFFFF9C00;
	s17 =	sadd.s32 $0x190, s17  }
0x23: {  	[tilespmem:s11], [sflag:$0x2] =	stream.indirect.gather [hbm4b:s3+s10], $0x80, s17, s10, $0xb8;
	[tilespmem:$0xDC00] =	vst v63  }
0x24: {  	s18 =	smov.u32 s16;
	s16 =	sadd.s32 $0x1900, s16;
	_ =	swait.ge [sflag:s12], $0x6400  }
0x25: {  	[sflag:s12] =	ssyncset.done $0x0  }
0x26: {  	s18 =	sadd.s32 s18, s7;
	[sflag:s12] =	ssyncadd.s32 $0xFFFF9C00  }
0x27: {  	[hbm4b:s18+s2] =	stream.linear.scatter [tilespmem:s9], [sflag:$0x4], $0x6400, $0x38;
	[tilespmem:$0xDC00] =	vst v63  }
0x28: {  	_ =	swait.ge [sflag:s13], $0x6400  }
0x29: {  	[sflag:s13] =	ssyncset.done $0x0  }
0x2a: {  	s19 =	sadd.s32 $0xC8, s17;
	[sflag:s13] =	ssyncadd.s32 $0xFFFF9C00  }
0x2b: {  	[tilespmem:s9], [sflag:$0x1] =	stream.indirect.gather [hbm4b:s3+s10], $0x80, s19, s10, $0xb8;
	[tilespmem:$0xDC00] =	vst v63  }
0x2c: {  	_ =	swait.ge [sflag:s14], $0x6400  }
.Ltmp0:
0x2d: {  	[sflag:s14] =	ssyncset.done $0x0;
	(pc) =	sbr.rel @p0 .LBB2_2-.Ltmp0, $4  }
0x2e: {  	s18 =	sadd.s32 $0xC80, s18;
	[sflag:s14] =	ssyncadd.s32 $0xFFFF9C00  }
0x2f: {  	[hbm4b:s18+s2] =	stream.linear.scatter [tilespmem:s11], [sflag:$0x3], $0x6400, $0x38;
	[tilespmem:$0xDC00] =	vst v63  }
0x30: {  	_ =	swait.ge [sflag:s8], $0x6400  }
0x31: {  	[sflag:s8] =	ssyncset.done $0x0  }
0x32: {  	[sflag:s8] =	ssyncadd.s32 $0xFFFF9C00  }
0x33: {  	s15 =	sadd.s32 $0x1, s15;
	_ =	swait.ge [sflag:s12], $0x6400  }
0x34: {  	p0 =	sne.s32 s15, s5;
	[sflag:s12] =	ssyncset.done $0x0  }
.Ltmp1:
0x35: {  	[sflag:s12] =	ssyncadd.s32 $0xFFFF9C00;
	(pc) =	sbr.rel @p0 .LBB2_1-.Ltmp1, $4  }
0x36: {  	[hbm4b:s6+s2] =	stream.linear.scatter [tilespmem:s9], [sflag:$0x4], $0x6400, $0x38;
	[tilespmem:$0xDC00] =	vst v63  }
0x37: {  	_ =	swait.ge [sflag:s13], $0x6400  }
0x38: {  	[sflag:s13] =	ssyncset.done $0x0  }
0x39: {  	[sflag:s13] =	ssyncadd.s32 $0xFFFF9C00  }
0x3a: {  	_ =	sfence.sel $0x180000  }
0x3b: {  	[bflag:$0x0] =	sbarrier.arrive $0xFFFF  }
0x3c: {  	p0 =	sne.s32 s0, $0x0;
	_ =	strace $0x9000005F  }
0x3d: {  	s0 =	sadd.s32 @!p0 $0x100000, s1;
	[bflag:$0x2] =	sbarrier.arrive $0xFFFF  }
0x3e: {  	[sflag:s0] =	ssyncadd.tile.s32 @!p0 $0x1;
	_ =	shalt  }
.Lfunc_end2:
_tile_overlayer_lowered:
.L_overlay_start_2:
0x3f: {  	(tag) =	ssettag $0x2  }
0x40: {  	s0 =	rddreg [dreg:$0x0];
	s2 =	stileid.u32  }
0x41: {  	s1 =	rddreg [dreg:$0x1];
	p0 =	sne.s32 s2, $0x0  }
0x42: {  	s3 =	rddreg [dreg:$0x2];
	[bflag:$0x3] =	sbarrier.arrive $0xFFFF;
	s2 =	simm.s32 @!p0 $0x1C03  }
0x43: {  	[timem:s3], [sflag:s2] =	dma.local @!p0 [hbm:s0], s1  }
0x44: {  	s0 =	simm.s32 @!p0 $0x3  }
0x45: {  	_ =	swait.ge @!p0 [sflag:s0], s1  }
0x46: {  	s1 =	ssub.s32 @!p0 $0x0, s1;
	[sflag:s0] =	ssyncset.done @!p0 $0x0  }
0x47: {  	[sflag:s0] =	ssyncadd.s32 @!p0 s1  }
0x48: {  	[bflag:$0x3] =	sbarrier.arrive $0xFFFF  }
0x49: {  	_ =	shalt  }

// kernel: kernel.50.cloned.1.call-start
scs
__scs_entry_jumppad:
0x0: {  	(pc) =	sbr.rel $0x88, $3  }
0x1: {  	(tag) =	ssettag $0x0;
	lr =	simm.s32 $0x1  }
0x2: {  	[smem:$0x3F92] =	sst lr;
	_ =	strace $0xD0000000  }
0x3: {  	_ = 	snop  }
0x4: {  	_ = 	snop  }
0x5: {  	_ = 	snop  }
0x6: {  	_ = 	snop  }
0x7: {  	_ = 	snop  }
__scs_overlays_trampoline_lowered:
0x8: {  	[smem:$0x3FA1] =	sst s0  }
0x9: {  	[smem:$0x3FA2] =	sst s1  }
0xa: {  	[smem:$0x3FA3] =	sst s2  }
0xb: {  	[smem:$0x3FA4] =	sst s3  }
0xc: {  	[smem:$0x3FA5] =	sst s4  }
0xd: {  	[smem:$0x3FA6] =	sst s5  }
0xe: {  	[smem:$0x3FA7] =	sst s6  }
0xf: {  	[smem:$0x3FA8] =	sst s7  }
0x10: {  	[smem:$0x3FA9] =	sst s8  }
0x11: {  	[smem:$0x3FAA] =	sst s9;
	s0 =	simm.s32 @!p0 $0x0  }
0x12: {  	s1 =	sld [smem:$0x3F90];
	s0 =	simm.s32 @p0 $0x1  }
0x13: {  	[smem:$0x3FAB] =	sst s0;
	s0 =	simm.s32 @!p1 $0x0  }
0x14: {  	s2 =	sld [smem:$0x3F8F];
	s0 =	simm.s32 @p1 $0x1  }
0x15: {  	[smem:$0x3FAC] =	sst s0;
	s0 =	simm.s32 @!p2 $0x0  }
0x16: {  	s3 =	sld [smem:$0x3FDB];
	s0 =	simm.s32 @p2 $0x1  }
0x17: {  	s4 =	simm.s32 $0x1BF5;
	[smem:$0x3FAE] =	sst s0  }
0x18: {  	s0 =	sld [smem:$0x3F91];
	_ =	swait.ge [sflag:s4], $0x0  }
0x19: {  	s7 =	sld [smem:$0x3F92]  }
0x1a: {  	s8 =	sadd.s32 $0xFFFFE003, lr  }
0x1b: {  	s9 =	sadd.s32 $0xFFFFFEF7, lr;
	s5 =	simm.s32 $0xFFFFFFFF;
	p2 =	slt.u32 s8, $0xFFFFF086  }
0x1c: {  	p1 =	slt.u32 s9, $0xF7A;
	s5 =	simm.s32 @!p2 $0x0  }
0x1d: {  	s5 =	simm.s32 @p1 $0x1;
	p0 =	seq.s32 s7, s2  }
0x1e: {  	s7 =	smul.u32 @!p0 $0xF7A, s2;
	p2 =	seq.s32 @!p0 s5, $0x0  }
0x1f: {  	s9 =	smul.u32 $0xF7A, s1;
	s8 =	simm.s32 @!p0 $0x1BF5;
	p2 =	por !p2, p0  }
0x20: {  	[sflag:s8] =	ssyncset.s32 @!p0 $0xFFFFF086;
	s6 =	sadd.s32 @!p0 s3, s7;
	s7 =	simm.s32 @!p0 $0x108  }
0x21: {  	s3 =	sadd.s32 s3, s9;
	s6 =	sadd.s32 @!p0 $0x88, s6;
	s7 =	simm.s32 @p2 $0x1082  }
0x22: {  	[simem:s7], [sflag:s8] =	dma.local @!p0 [hbm:s6], $0xF7A  }
0x23: {  	s9 =	sor.u32 $0xD0000000, s2;
	s6 =	simm.s32 $0x108;
	_ =	swait.ge @!p0 [sflag:s8], $0x0  }
0x24: {  	s3 =	sadd.s32 $0x88, s3;
	s6 =	simm.s32 @!p1 $0x1082;
	[sflag:s4] =	ssyncset.s32 $0xFFFFF086  }
0x25: {  	[simem:s6], [sflag:s4] =	dma.local [hbm:s3], $0xF7A  }
0x26: {  	[smem:$0x3F92] =	sst s1;
	(tag) =	ssettag s2;
	_ =	strace s9  }
0x27: {  	s1 =	sld [smem:$0x3FA2]  }
0x28: {  	s2 =	sld [smem:$0x3FA3]  }
0x29: {  	s4 =	sld [smem:$0x3FA5]  }
0x2a: {  	p0 =	seq.s32 s5, $0x0;
	s5 =	sld [smem:$0x3FA6]  }
0x2b: {  	s6 =	sld [smem:$0x3FA7]  }
0x2c: {  	s7 =	sld [smem:$0x3FA8]  }
0x2d: {  	s3 =	simm.s32 $0x108;
	s8 =	sld [smem:$0x3FA9]  }
0x2e: {  	s3 =	simm.s32 @!p0 $0x1082;
	s9 =	sld [smem:$0x3FAA]  }
0x2f: {  	lr =	sadd.s32 s0, s3;
	s0 =	sld [smem:$0x3FA1]  }
0x30: {  	s3 =	sld [smem:$0x3FA4]  }
0x31: {  	[smem:$0x3FAD] =	sst s10  }
0x32: {  	s10 =	sld [smem:$0x3FAB];
	_ =	sdelay $0x3  }
0x33: {  	p0 =	seq.s32 s10, $0x1;
	s10 =	sld [smem:$0x3FAD];
	_ =	sdelay $0x3  }
0x34: {  	[smem:$0x3FAD] =	sst s10  }
0x35: {  	s10 =	sld [smem:$0x3FAC];
	_ =	sdelay $0x3  }
0x36: {  	p1 =	seq.s32 s10, $0x1;
	s10 =	sld [smem:$0x3FAD];
	_ =	sdelay $0x3  }
0x37: {  	[smem:$0x3FAD] =	sst s10  }
0x38: {  	s10 =	sld [smem:$0x3FAE]  }
0x39: {  	_ = 	snop;
	(pc) =	sbr.ind lr, $3  }
0x3a: {  	_ = 	snop  }
0x3b: {  	_ = 	snop  }
0x3c: {  	p2 =	seq.s32 s10, $0x1;
	s10 =	sld [smem:$0x3FAD]  }
0x3d: {  	_ =	shalt  }
0x3e: {  	_ =	shalt  }
0x3f: {  	_ =	shalt  }
0x40: {  	_ =	shalt  }
0x41: {  	_ =	shalt  }
0x42: {  	_ =	shalt  }
0x43: {  	_ =	shalt  }
0x44: {  	_ =	shalt  }
0x45: {  	_ =	shalt  }
0x46: {  	_ =	shalt  }
0x47: {  	_ =	shalt  }
0x48: {  	_ =	shalt  }
0x49: {  	_ =	shalt  }
0x4a: {  	_ =	shalt  }
0x4b: {  	_ =	shalt  }
0x4c: {  	_ =	shalt  }
0x4d: {  	_ =	shalt  }
0x4e: {  	_ =	shalt  }
0x4f: {  	_ =	shalt  }
0x50: {  	_ =	shalt  }
0x51: {  	_ =	shalt  }
0x52: {  	_ =	shalt  }
0x53: {  	_ =	shalt  }
0x54: {  	_ =	shalt  }
0x55: {  	_ =	shalt  }
0x56: {  	_ =	shalt  }
0x57: {  	_ =	shalt  }
0x58: {  	_ =	shalt  }
0x59: {  	_ =	shalt  }
0x5a: {  	_ =	shalt  }
0x5b: {  	_ =	shalt  }
0x5c: {  	_ =	shalt  }
0x5d: {  	_ =	shalt  }
0x5e: {  	_ =	shalt  }
0x5f: {  	_ =	shalt  }
0x60: {  	_ =	shalt  }
0x61: {  	_ =	shalt  }
0x62: {  	_ =	shalt  }
0x63: {  	_ =	shalt  }
0x64: {  	_ =	shalt  }
0x65: {  	_ =	shalt  }
0x66: {  	_ =	shalt  }
0x67: {  	_ =	shalt  }
0x68: {  	_ =	shalt  }
0x69: {  	_ =	shalt  }
0x6a: {  	_ =	shalt  }
0x6b: {  	_ =	shalt  }
0x6c: {  	_ =	shalt  }
0x6d: {  	_ =	shalt  }
0x6e: {  	_ =	shalt  }
0x6f: {  	_ =	shalt  }
0x70: {  	_ =	shalt  }
0x71: {  	_ =	shalt  }
0x72: {  	_ =	shalt  }
0x73: {  	_ =	shalt  }
0x74: {  	_ =	shalt  }
0x75: {  	_ =	shalt  }
0x76: {  	_ =	shalt  }
0x77: {  	_ =	shalt  }
0x78: {  	_ =	shalt  }
0x79: {  	_ =	shalt  }
0x7a: {  	_ =	shalt  }
0x7b: {  	_ =	shalt  }
0x7c: {  	_ =	shalt  }
0x7d: {  	_ =	shalt  }
0x7e: {  	_ =	shalt  }
0x7f: {  	_ =	shalt  }
0x80: {  	_ =	shalt  }
0x81: {  	_ =	shalt  }
0x82: {  	_ =	shalt  }
0x83: {  	_ =	shalt  }
0x84: {  	_ =	shalt  }
0x85: {  	_ =	shalt  }
0x86: {  	_ =	shalt  }
0x87: {  	_ =	shalt  }
.Lfunc_end0:
.L_simem_size_0:
called_computation.9_lowered:
.L_overlay_start_0:
0x88: {  	s2 =	sld [smem:$0x3FD9]  }
0x89: {  	s3 =	sld [smem:$0x3FFE];
	_ =	sdelay $0x1  }
0x8a: {  	s1 =	srdreg.scid  }
0x8b: {  	s0 =	sand.u32 $0x1, s1  }
0x8c: {  	s17 =	sshll.u32 s0, $0xA;
	s2 =	sadd.s32 s3, s2  }
0x8d: {  	s2 =	sadd.s32 s2, s17  }
0x8e: {  	[smem:$0x3FB9] =	sst s2  }
0x8f: {  	_ = 	snop  }
0x90: {  	(tm) =	ssettm $0x1  }
0x91: {  	s18 =	sld [smem:$0x3FFB];
	_ =	sdelay $0x3  }
0x92: {  	_ =	strace s18  }
0x93: {  	s2 =	sld [smem:$0x3FFC];
	_ =	sdelay $0x3  }
0x94: {  	_ =	strace s2  }
0x95: {  	s2 =	sld [smem:$0x3FFD];
	_ =	sdelay $0x3  }
0x96: {  	_ =	strace s2  }
0x97: {  	_ =	strace $0x8FFFFFFF  }
0x98: {  	s19 =	sld [smem:$0x3FDB];
	_ =	sdelay $0x1  }
0x99: {  	s20 =	simm.s32 $_scs_section_size  }
0x9a: {  	s4 =	simm.s32 $_size__tile_overlayer_lowered;
	s5 =	simm.s32 $_tile_overlayer_lowered  }
0x9b: {  	s6 =	simm.s32 $0x1BFF;
	s21 =	sshll.u32 s5, $0x1;
	s3 =	sadd.s32 s20, s19  }
0x9c: {  	s22 =	simm.s32 $0x0;
	s4 =	sshll.u32 s4, $0x1;
	s5 =	sadd.s32 s21, s3  }
0x9d: {  	[timem:s22], [sflag:s6] =	dma.local [hbm:s5], s4  }
0x9e: {  	_ =	swait.ge [sflag:s6], s4  }
0x9f: {  	s4 =	ssub.s32 $0x0, s4;
	[sflag:s6] =	ssyncset.done $0x0  }
0xa0: {  	[sflag:s6] =	ssyncadd.s32 s4;
	_ =	sdelay $0x1  }
0xa1: {  	s23 =	simm.s32 $0x1B8B  }
0xa2: {  	_ =	swait.ge [sflag:s23], $0x1  }
0xa3: {  	[sflag:s23] =	ssyncset.done $0x0  }
0xa4: {  	[sflag:s23] =	ssyncadd.s32 $0xFFFFFFFF  }
0xa5: {  	s4 =	sld [smem:$0x0]  }
0xa6: {  	s5 =	sand.u32 $0xFFFFFFFE, s1  }
0xa7: {  	p0 =	sne.s32 s1, s5  }
0xa8: {  	s5 =	sshll.u32 @p0 s5, $0xE  }
0xa9: {  	s5 =	sadd.s32 @p0 $0x11B8D, s5;
	s6 =	sshll.u32 @p0 s4, $0x11  }
0xaa: {  	s5 =	sor.u32 @p0 s6, s5  }
0xab: {  	[sflag:s5] =	ssyncadd.remote.s32 @p0 $0x1;
	_ =	sdelay $0x1  }
0xac: {  	s5 =	simm.s32 @p0 $0x1B8D  }
0xad: {  	_ =	swait.eq @p0 [sflag:s5], $0x1  }
0xae: {  	[sflag:s5] =	ssyncadd.s32 @p0 $0xFFFFFFFF  }
0xaf: {  	s6 =	sshll.u32 @!p0 s1, $0xE  }
0xb0: {  	s6 =	sor.u32 @!p0 $0x4000, s6;
	s5 =	simm.s32 @!p0 $0x1B8D  }
0xb1: {  	s4 =	sshll.u32 @!p0 s4, $0x11;
	s6 =	sadd.s32 @!p0 $0x11B8D, s6;
	_ =	swait.eq @!p0 [sflag:s5], $0x1  }
0xb2: {  	s4 =	sor.u32 @!p0 s4, s6;
	[sflag:s5] =	ssyncadd.s32 @!p0 $0xFFFFFFFF  }
0xb3: {  	s25 =	simm.s32 $0x1B8E;
	s24 =	sld [smem:$0x3FFE];
	[sflag:s4] =	ssyncadd.remote.s32 @!p0 $0x1  }
0xb4: {  	s26 =	simm.s32 $execute0_lowered;
	[smem:$0x3FD2] =	sst s25  }
0xb5: {  	s5 =	sshll.u32 s26, $0x1;
	_ =	strace $0x80000061;
	[dreg:$0x1] =	wrdreg $0xFFFFFFFF  }
0xb6: {  	s28 =	simm.s32 $_size_execute0_lowered;
	s3 =	sadd.s32 s3, s5;
	[dreg:$0x0] =	wrdreg $0x0  }
0xb7: {  	s5 =	sshll.u32 s28, $0x1;
	[dreg:$0x2] =	wrdreg s3  }
0xb8: {  	[dreg:$0x3] =	wrdreg s5  }
0xb9: {  	[dreg:$0x4] =	wrdreg $0xC0  }
0xba: {  	_ =	task [dreg:s22], $0x5FFFF  }
0xbb: {  	[dreg:$0x1] =	wrdreg $0xFFFFFFFF  }
0xbc: {  	[dreg:$0x0] =	wrdreg $0x60  }
0xbd: {  	[dreg:$0x2] =	wrdreg s24  }
0xbe: {  	[dreg:$0x3] =	wrdreg $0xC  }
0xbf: {  	_ =	task.clear_ibuf [dreg:s22], $0x4FFFF;
	_ =	strace $0x90000061  }
0xc0: {  	s29 =	simm.s32 $0xC;
	_ =	strace $0x80000063  }
0xc1: {  	_ =	swait.ge [sflag:s29], $0x1  }
0xc2: {  	[sflag:s29] =	ssyncadd.s32 $0xFFFFFFFF  }
0xc3: {  	_ =	strace $0x90000063  }
0xc4: {  	_ =	sfence  }
0xc5: {  	s30 =	sld [smem:$0x0];
	_ =	sdelay $0x2  }
0xc6: {  	s31 =	sshll.u32 s1, $0xD;
	s1 =	sshrl.u32 s1, $0x2  }
0xc7: {  	s4 =	sand.u32 $0x4000, s31;
	s1 =	sadd.s32 s1, s30  }
0xc8: {  	s0 =	sor.u32 s4, s0;
	s1 =	sshll.u32 s1, $0x11  }
0xc9: {  	s0 =	sor.u32 s1, s0  }
0xca: {  	s0 =	sadd.s32 $0x8F2B, s0  }
0xcb: {  	[sflag:s0] =	ssyncadd.remote.s32 $0x1  }
0xcc: {  	_ =	sfence.sel $0xFFFF  }
0xcd: {  	[dreg:$0x0] =	wrdreg $0xFFFFFFFF;
	(pc) =	sbr.abs _section_cstart, $3  }
0xce: {  	[dreg:$0x1] =	wrdreg $0xFFFFFFFF  }
0xcf: {  	_ =	task.clear_ibuf [dreg:s22], $0x2FFFF;
	_ =	strace $0x9FFFFFFF  }
0xd0: {  	(tm) =	ssettm $0x7FFFFFFF  }
0xd1: {  	_ =	shalt  }
tec
execute0_lowered:
.L_overlay_start_1:
0x0: {  	(tag) =	ssettag $0x1  }
0x1: {  	s1 =	srdreg.scid;
	s0 =	stileid.u32  }
0x2: {  	s4 =	rddreg [dreg:$0x0];
	s2 =	simm.s32 $0x0;
	s11 =	simm.s32 $0x7800  }
0x3: {  	s12 =	simm.s32 $0x1;
	s13 =	simm.s32 $0x4;
	s14 =	simm.s32 $0x2  }
0x4: {  	s15 =	simm.s32 $0x0;
	s5 =	sand.u32 $0x1, s1;
	s1 =	rddreg [dreg:$0x1]  }
0x5: {  	s3 =	sshll.u32 s0, $0x1;
	[smem:$0x7FF] =	sst s2;
	s29 =	smul.u32 $0x27100, s0  }
0x6: {  	s10 =	sadd.s32 $0xC9DE00, s4;
	s6 =	sor.u32 s5, s3;
	s30 =	smul.u32 $0x13880, s5  }
0x7: {  	_ =	strace $0x80000062;
	s8 =	ssub.s32 $0x2, s5;
	s7 =	smul.u32 $0x1388, s6  }
0x8: {  	s3 =	sadd.s32 $0xF0EE00, s4;
	s9 =	sshrl.u32 s8, $0x1;
	s6 =	smul.u32 $0x13880, s6  }
0x9: {  	s31 =	sadd.s32 s29, s10;
	s8 =	ssub.s32 s8, s9;
	s9 =	simm.s32 $0x1400  }
0xa: {  	s7 =	sshrl.u32 s7, $0x3;
	s6 =	sadd.s32 s10, s6;
	s5 =	smax.u32 s8, $0x1  }
0xb: {  	s8 =	simm.s32 $0x3;
	s10 =	simm.s32 $0xC8;
	s7 =	sadd.s32 s7, s4  }
0xc: {  	s6 =	sadd.s32 $0x12C00, s6;
	s4 =	sadd.s32 $0x7ACE00, s7;
	s7 =	sadd.s32 s30, s31  }
.LBB2_1:
0xd: {  	[tilespmem:s2], [sflag:$0x3] =	stream.linear.gather [hbm4b:s4+s2], $0x1388, $0x38;
	[tilespmem:$0xDC00] =	vst v63  }
0xe: {  	_ =	swait.ge [sflag:s8], $0x1388  }
0xf: {  	[sflag:s8] =	ssyncset.done $0x0  }
0x10: {  	[sflag:s8] =	ssyncadd.s32 $0xFFFFEC78  }
0x11: {  	[tilespmem:s9], [sflag:$0x1] =	stream.indirect.gather [hbm4b:s3+s10], $0x80, s2, s10, $0xb8;
	[tilespmem:$0xDC00] =	vst v63  }
0x12: {  	_ = 	snop  }
0x13: {  	[tilespmem:s11], [sflag:$0x2] =	stream.indirect.gather [hbm4b:s3+s10], $0x80, s10, s10, $0xb8;
	[tilespmem:$0xDC00] =	vst v63  }
0x14: {  	_ =	swait.ge [sflag:s12], $0x6400  }
0x15: {  	[sflag:s12] =	ssyncset.done $0x0  }
0x16: {  	s16 =	sadd.s32 $0x0, s7;
	[sflag:s12] =	ssyncadd.s32 $0xFFFF9C00  }
0x17: {  	[hbm4b:s16+s2] =	stream.linear.scatter [tilespmem:s9], [sflag:$0x4], $0x6400, $0x38;
	[tilespmem:$0xDC00] =	vst v63  }
0x18: {  	_ =	swait.ge [sflag:s13], $0x6400  }
0x19: {  	[sflag:s13] =	ssyncset.done $0x0  }
0x1a: {  	s17 =	simm.s32 $0x190;
	[sflag:s13] =	ssyncadd.s32 $0xFFFF9C00  }
0x1b: {  	[tilespmem:s9], [sflag:$0x1] =	stream.indirect.gather [hbm4b:s3+s10], $0x80, s17, s10, $0xb8;
	[tilespmem:$0xDC00] =	vst v63  }
0x1c: {  	_ =	swait.ge [sflag:s14], $0x6400  }
0x1d: {  	[sflag:s14] =	ssyncset.done $0x0  }
0x1e: {  	s16 =	sadd.s32 $0xC80, s16;
	[sflag:s14] =	ssyncadd.s32 $0xFFFF9C00  }
0x1f: {  	[hbm4b:s16+s2] =	stream.linear.scatter [tilespmem:s11], [sflag:$0x3], $0x6400, $0x38;
	[tilespmem:$0xDC00] =	vst v63  }
0x20: {  	_ =	swait.ge [sflag:s8], $0x6400  }
0x21: {  	s17 =	simm.s32 $0xC8;
	s16 =	simm.s32 $0x1900;
	[sflag:s8] =	ssyncset.done $0x0  }
.LBB2_2:
0x22: {  	p0 =	sne.s32 s16, $0x11300;
	[sflag:s8] =	ssyncadd.s32 $0xFFFF9C00;
	s17 =	sadd.s32 $0x190, s17  }
0x23: {  	[tilespmem:s11], [sflag:$0x2] =	stream.indirect.gather [hbm4b:s3+s10], $0x80, s17, s10, $0xb8;
	[tilespmem:$0xDC00] =	vst v63  }
0x24: {  	s18 =	smov.u32 s16;
	s16 =	sadd.s32 $0x1900, s16;
	_ =	swait.ge [sflag:s12], $0x6400  }
0x25: {  	[sflag:s12] =	ssyncset.done $0x0  }
0x26: {  	s18 =	sadd.s32 s18, s7;
	[sflag:s12] =	ssyncadd.s32 $0xFFFF9C00  }
0x27: {  	[hbm4b:s18+s2] =	stream.linear.scatter [tilespmem:s9], [sflag:$0x4], $0x6400, $0x38;
	[tilespmem:$0xDC00] =	vst v63  }
0x28: {  	_ =	swait.ge [sflag:s13], $0x6400  }
0x29: {  	[sflag:s13] =	ssyncset.done $0x0  }
0x2a: {  	s19 =	sadd.s32 $0xC8, s17;
	[sflag:s13] =	ssyncadd.s32 $0xFFFF9C00  }
0x2b: {  	[tilespmem:s9], [sflag:$0x1] =	stream.indirect.gather [hbm4b:s3+s10], $0x80, s19, s10, $0xb8;
	[tilespmem:$0xDC00] =	vst v63  }
0x2c: {  	_ =	swait.ge [sflag:s14], $0x6400  }
.Ltmp0:
0x2d: {  	[sflag:s14] =	ssyncset.done $0x0;
	(pc) =	sbr.rel @p0 .LBB2_2-.Ltmp0, $4  }
0x2e: {  	s18 =	sadd.s32 $0xC80, s18;
	[sflag:s14] =	ssyncadd.s32 $0xFFFF9C00  }
0x2f: {  	[hbm4b:s18+s2] =	stream.linear.scatter [tilespmem:s11], [sflag:$0x3], $0x6400, $0x38;
	[tilespmem:$0xDC00] =	vst v63  }
0x30: {  	_ =	swait.ge [sflag:s8], $0x6400  }
0x31: {  	[sflag:s8] =	ssyncset.done $0x0  }
0x32: {  	[sflag:s8] =	ssyncadd.s32 $0xFFFF9C00  }
0x33: {  	s15 =	sadd.s32 $0x1, s15;
	_ =	swait.ge [sflag:s12], $0x6400  }
0x34: {  	p0 =	sne.s32 s15, s5;
	[sflag:s12] =	ssyncset.done $0x0  }
.Ltmp1:
0x35: {  	[sflag:s12] =	ssyncadd.s32 $0xFFFF9C00;
	(pc) =	sbr.rel @p0 .LBB2_1-.Ltmp1, $4  }
0x36: {  	[hbm4b:s6+s2] =	stream.linear.scatter [tilespmem:s9], [sflag:$0x4], $0x6400, $0x38;
	[tilespmem:$0xDC00] =	vst v63  }
0x37: {  	_ =	swait.ge [sflag:s13], $0x6400  }
0x38: {  	[sflag:s13] =	ssyncset.done $0x0  }
0x39: {  	[sflag:s13] =	ssyncadd.s32 $0xFFFF9C00  }
0x3a: {  	_ =	sfence.sel $0x180000  }
0x3b: {  	[bflag:$0x0] =	sbarrier.arrive $0xFFFF  }
0x3c: {  	p0 =	sne.s32 s0, $0x0;
	_ =	strace $0x90000062  }
0x3d: {  	s0 =	sadd.s32 @!p0 $0x100000, s1;
	[bflag:$0x2] =	sbarrier.arrive $0xFFFF  }
0x3e: {  	[sflag:s0] =	ssyncadd.tile.s32 @!p0 $0x1;
	_ =	shalt  }
.Lfunc_end2:
_tile_overlayer_lowered:
.L_overlay_start_2:
0x3f: {  	(tag) =	ssettag $0x2  }
0x40: {  	s0 =	rddreg [dreg:$0x0];
	s2 =	stileid.u32  }
0x41: {  	s1 =	rddreg [dreg:$0x1];
	p0 =	sne.s32 s2, $0x0  }
0x42: {  	s3 =	rddreg [dreg:$0x2];
	[bflag:$0x3] =	sbarrier.arrive $0xFFFF;
	s2 =	simm.s32 @!p0 $0x1C03  }
0x43: {  	[timem:s3], [sflag:s2] =	dma.local @!p0 [hbm:s0], s1  }
0x44: {  	s0 =	simm.s32 @!p0 $0x3  }
0x45: {  	_ =	swait.ge @!p0 [sflag:s0], s1  }
0x46: {  	s1 =	ssub.s32 @!p0 $0x0, s1;
	[sflag:s0] =	ssyncset.done @!p0 $0x0  }
0x47: {  	[sflag:s0] =	ssyncadd.s32 @!p0 s1  }
0x48: {  	[bflag:$0x3] =	sbarrier.arrive $0xFFFF  }
0x49: {  	_ =	shalt  }

// kernel: kernel.53.cloned.1.call-start
scs
__scs_entry_jumppad:
0x0: {  	(pc) =	sbr.rel $0x88, $3  }
0x1: {  	(tag) =	ssettag $0x0;
	lr =	simm.s32 $0x1  }
0x2: {  	[smem:$0x3F92] =	sst lr;
	_ =	strace $0xD0000000  }
0x3: {  	_ = 	snop  }
0x4: {  	_ = 	snop  }
0x5: {  	_ = 	snop  }
0x6: {  	_ = 	snop  }
0x7: {  	_ = 	snop  }
__scs_overlays_trampoline_lowered:
0x8: {  	[smem:$0x3FA1] =	sst s0  }
0x9: {  	[smem:$0x3FA2] =	sst s1  }
0xa: {  	[smem:$0x3FA3] =	sst s2  }
0xb: {  	[smem:$0x3FA4] =	sst s3  }
0xc: {  	[smem:$0x3FA5] =	sst s4  }
0xd: {  	[smem:$0x3FA6] =	sst s5  }
0xe: {  	[smem:$0x3FA7] =	sst s6  }
0xf: {  	[smem:$0x3FA8] =	sst s7  }
0x10: {  	[smem:$0x3FA9] =	sst s8  }
0x11: {  	[smem:$0x3FAA] =	sst s9;
	s0 =	simm.s32 @!p0 $0x0  }
0x12: {  	s1 =	sld [smem:$0x3F90];
	s0 =	simm.s32 @p0 $0x1  }
0x13: {  	[smem:$0x3FAB] =	sst s0;
	s0 =	simm.s32 @!p1 $0x0  }
0x14: {  	s2 =	sld [smem:$0x3F8F];
	s0 =	simm.s32 @p1 $0x1  }
0x15: {  	[smem:$0x3FAC] =	sst s0;
	s0 =	simm.s32 @!p2 $0x0  }
0x16: {  	s3 =	sld [smem:$0x3FDB];
	s0 =	simm.s32 @p2 $0x1  }
0x17: {  	s4 =	simm.s32 $0x1BF5;
	[smem:$0x3FAE] =	sst s0  }
0x18: {  	s0 =	sld [smem:$0x3F91];
	_ =	swait.ge [sflag:s4], $0x0  }
0x19: {  	s7 =	sld [smem:$0x3F92]  }
0x1a: {  	s8 =	sadd.s32 $0xFFFFE003, lr  }
0x1b: {  	s9 =	sadd.s32 $0xFFFFFEF7, lr;
	s5 =	simm.s32 $0xFFFFFFFF;
	p2 =	slt.u32 s8, $0xFFFFF086  }
0x1c: {  	p1 =	slt.u32 s9, $0xF7A;
	s5 =	simm.s32 @!p2 $0x0  }
0x1d: {  	s5 =	simm.s32 @p1 $0x1;
	p0 =	seq.s32 s7, s2  }
0x1e: {  	s7 =	smul.u32 @!p0 $0xF7A, s2;
	p2 =	seq.s32 @!p0 s5, $0x0  }
0x1f: {  	s9 =	smul.u32 $0xF7A, s1;
	s8 =	simm.s32 @!p0 $0x1BF5;
	p2 =	por !p2, p0  }
0x20: {  	[sflag:s8] =	ssyncset.s32 @!p0 $0xFFFFF086;
	s6 =	sadd.s32 @!p0 s3, s7;
	s7 =	simm.s32 @!p0 $0x108  }
0x21: {  	s3 =	sadd.s32 s3, s9;
	s6 =	sadd.s32 @!p0 $0x88, s6;
	s7 =	simm.s32 @p2 $0x1082  }
0x22: {  	[simem:s7], [sflag:s8] =	dma.local @!p0 [hbm:s6], $0xF7A  }
0x23: {  	s9 =	sor.u32 $0xD0000000, s2;
	s6 =	simm.s32 $0x108;
	_ =	swait.ge @!p0 [sflag:s8], $0x0  }
0x24: {  	s3 =	sadd.s32 $0x88, s3;
	s6 =	simm.s32 @!p1 $0x1082;
	[sflag:s4] =	ssyncset.s32 $0xFFFFF086  }
0x25: {  	[simem:s6], [sflag:s4] =	dma.local [hbm:s3], $0xF7A  }
0x26: {  	[smem:$0x3F92] =	sst s1;
	(tag) =	ssettag s2;
	_ =	strace s9  }
0x27: {  	s1 =	sld [smem:$0x3FA2]  }
0x28: {  	s2 =	sld [smem:$0x3FA3]  }
0x29: {  	s4 =	sld [smem:$0x3FA5]  }
0x2a: {  	p0 =	seq.s32 s5, $0x0;
	s5 =	sld [smem:$0x3FA6]  }
0x2b: {  	s6 =	sld [smem:$0x3FA7]  }
0x2c: {  	s7 =	sld [smem:$0x3FA8]  }
0x2d: {  	s3 =	simm.s32 $0x108;
	s8 =	sld [smem:$0x3FA9]  }
0x2e: {  	s3 =	simm.s32 @!p0 $0x1082;
	s9 =	sld [smem:$0x3FAA]  }
0x2f: {  	lr =	sadd.s32 s0, s3;
	s0 =	sld [smem:$0x3FA1]  }
0x30: {  	s3 =	sld [smem:$0x3FA4]  }
0x31: {  	[smem:$0x3FAD] =	sst s10  }
0x32: {  	s10 =	sld [smem:$0x3FAB];
	_ =	sdelay $0x3  }
0x33: {  	p0 =	seq.s32 s10, $0x1;
	s10 =	sld [smem:$0x3FAD];
	_ =	sdelay $0x3  }
0x34: {  	[smem:$0x3FAD] =	sst s10  }
0x35: {  	s10 =	sld [smem:$0x3FAC];
	_ =	sdelay $0x3  }
0x36: {  	p1 =	seq.s32 s10, $0x1;
	s10 =	sld [smem:$0x3FAD];
	_ =	sdelay $0x3  }
0x37: {  	[smem:$0x3FAD] =	sst s10  }
0x38: {  	s10 =	sld [smem:$0x3FAE]  }
0x39: {  	_ = 	snop;
	(pc) =	sbr.ind lr, $3  }
0x3a: {  	_ = 	snop  }
0x3b: {  	_ = 	snop  }
0x3c: {  	p2 =	seq.s32 s10, $0x1;
	s10 =	sld [smem:$0x3FAD]  }
0x3d: {  	_ =	shalt  }
0x3e: {  	_ =	shalt  }
0x3f: {  	_ =	shalt  }
0x40: {  	_ =	shalt  }
0x41: {  	_ =	shalt  }
0x42: {  	_ =	shalt  }
0x43: {  	_ =	shalt  }
0x44: {  	_ =	shalt  }
0x45: {  	_ =	shalt  }
0x46: {  	_ =	shalt  }
0x47: {  	_ =	shalt  }
0x48: {  	_ =	shalt  }
0x49: {  	_ =	shalt  }
0x4a: {  	_ =	shalt  }
0x4b: {  	_ =	shalt  }
0x4c: {  	_ =	shalt  }
0x4d: {  	_ =	shalt  }
0x4e: {  	_ =	shalt  }
0x4f: {  	_ =	shalt  }
0x50: {  	_ =	shalt  }
0x51: {  	_ =	shalt  }
0x52: {  	_ =	shalt  }
0x53: {  	_ =	shalt  }
0x54: {  	_ =	shalt  }
0x55: {  	_ =	shalt  }
0x56: {  	_ =	shalt  }
0x57: {  	_ =	shalt  }
0x58: {  	_ =	shalt  }
0x59: {  	_ =	shalt  }
0x5a: {  	_ =	shalt  }
0x5b: {  	_ =	shalt  }
0x5c: {  	_ =	shalt  }
0x5d: {  	_ =	shalt  }
0x5e: {  	_ =	shalt  }
0x5f: {  	_ =	shalt  }
0x60: {  	_ =	shalt  }
0x61: {  	_ =	shalt  }
0x62: {  	_ =	shalt  }
0x63: {  	_ =	shalt  }
0x64: {  	_ =	shalt  }
0x65: {  	_ =	shalt  }
0x66: {  	_ =	shalt  }
0x67: {  	_ =	shalt  }
0x68: {  	_ =	shalt  }
0x69: {  	_ =	shalt  }
0x6a: {  	_ =	shalt  }
0x6b: {  	_ =	shalt  }
0x6c: {  	_ =	shalt  }
0x6d: {  	_ =	shalt  }
0x6e: {  	_ =	shalt  }
0x6f: {  	_ =	shalt  }
0x70: {  	_ =	shalt  }
0x71: {  	_ =	shalt  }
0x72: {  	_ =	shalt  }
0x73: {  	_ =	shalt  }
0x74: {  	_ =	shalt  }
0x75: {  	_ =	shalt  }
0x76: {  	_ =	shalt  }
0x77: {  	_ =	shalt  }
0x78: {  	_ =	shalt  }
0x79: {  	_ =	shalt  }
0x7a: {  	_ =	shalt  }
0x7b: {  	_ =	shalt  }
0x7c: {  	_ =	shalt  }
0x7d: {  	_ =	shalt  }
0x7e: {  	_ =	shalt  }
0x7f: {  	_ =	shalt  }
0x80: {  	_ =	shalt  }
0x81: {  	_ =	shalt  }
0x82: {  	_ =	shalt  }
0x83: {  	_ =	shalt  }
0x84: {  	_ =	shalt  }
0x85: {  	_ =	shalt  }
0x86: {  	_ =	shalt  }
0x87: {  	_ =	shalt  }
.Lfunc_end0:
.L_simem_size_0:
called_computation.10_lowered:
.L_overlay_start_0:
0x88: {  	s2 =	sld [smem:$0x3FD9]  }
0x89: {  	s3 =	sld [smem:$0x3FFE];
	_ =	sdelay $0x1  }
0x8a: {  	s1 =	srdreg.scid  }
0x8b: {  	s0 =	sand.u32 $0x1, s1  }
0x8c: {  	s14 =	sshll.u32 s0, $0xA;
	s2 =	sadd.s32 s3, s2  }
0x8d: {  	s2 =	sadd.s32 s2, s14  }
0x8e: {  	[smem:$0x3FB9] =	sst s2  }
0x8f: {  	_ = 	snop  }
0x90: {  	s2 =	sld [smem:$0x3FD0];
	_ =	sdelay $0x2  }
0x91: {  	s15 =	simm.s32 $0xD;
	s4 =	simm.s32 $0x10  }
0x92: {  	[smem:s4], [sflag:s15] =	dma.local [hbm:s2], $0x1  }
0x93: {  	_ =	swait.eq [sflag:s15], $0x1  }
0x94: {  	[sflag:s15] =	ssyncset.done $0x0  }
0x95: {  	s16 =	sld [smem:$0x10];
	[sflag:s15] =	ssyncadd.s32 $0xFFFFFFFF  }
0x96: {  	s17 =	sld [smem:$0x11];
	(tm) =	ssettm $0x1  }
0x97: {  	s18 =	sld [smem:$0x3FFB];
	_ =	sdelay $0x3  }
0x98: {  	_ =	strace s18  }
0x99: {  	s4 =	sld [smem:$0x3FFC];
	_ =	sdelay $0x3  }
0x9a: {  	_ =	strace s4  }
0x9b: {  	s4 =	sld [smem:$0x3FFD];
	_ =	sdelay $0x3  }
0x9c: {  	_ =	strace s4  }
0x9d: {  	_ =	strace $0x8FFFFFFF  }
0x9e: {  	s19 =	sld [smem:$0x3FDB];
	_ =	sdelay $0x1  }
0x9f: {  	s5 =	simm.s32 $_scs_section_size  }
0xa0: {  	s6 =	simm.s32 $_size__tile_overlayer_lowered;
	s7 =	simm.s32 $_tile_overlayer_lowered  }
0xa1: {  	s22 =	simm.s32 $0x1BFF;
	s21 =	sshll.u32 s7, $0x1;
	s4 =	sadd.s32 s5, s19  }
0xa2: {  	s8 =	simm.s32 $0x0;
	s20 =	sshll.u32 s6, $0x1;
	s6 =	sadd.s32 s21, s4  }
0xa3: {  	[timem:s8], [sflag:s22] =	dma.local [hbm:s6], s20  }
0xa4: {  	_ =	swait.ge [sflag:s22], s20  }
0xa5: {  	s5 =	ssub.s32 $0x0, s20;
	[sflag:s22] =	ssyncset.done $0x0  }
0xa6: {  	[sflag:s22] =	ssyncadd.s32 s5;
	_ =	sdelay $0x1  }
0xa7: {  	s23 =	simm.s32 $0x1B8B  }
0xa8: {  	_ =	swait.ge [sflag:s23], $0x1  }
0xa9: {  	[sflag:s23] =	ssyncset.done $0x0  }
0xaa: {  	s25 =	simm.s32 $0x1B8E;
	s24 =	sld [smem:$0x3FFE];
	[sflag:s23] =	ssyncadd.s32 $0xFFFFFFFF  }
0xab: {  	s26 =	simm.s32 $execute0_lowered;
	[smem:$0x3FD2] =	sst s25  }
0xac: {  	s6 =	sshll.u32 s26, $0x1;
	_ =	strace $0x80000064;
	[dreg:$0x1] =	wrdreg $0xFFFFFFFF  }
0xad: {  	s28 =	simm.s32 $_size_execute0_lowered;
	s4 =	sadd.s32 s4, s6;
	[dreg:$0x0] =	wrdreg $0x0  }
0xae: {  	s6 =	sshll.u32 s28, $0x1;
	[dreg:$0x2] =	wrdreg s4  }
0xaf: {  	[dreg:$0x3] =	wrdreg s6  }
0xb0: {  	[dreg:$0x4] =	wrdreg $0xC0  }
0xb1: {  	_ =	task [dreg:s8], $0x5FFFF  }
0xb2: {  	[dreg:$0x1] =	wrdreg $0xFFFFFFFF  }
0xb3: {  	[dreg:$0x0] =	wrdreg $0x60  }
0xb4: {  	[dreg:$0x2] =	wrdreg s17  }
0xb5: {  	[dreg:$0x3] =	wrdreg s24  }
0xb6: {  	[dreg:$0x4] =	wrdreg s16  }
0xb7: {  	[dreg:$0x5] =	wrdreg $0x9  }
0xb8: {  	_ =	task.clear_ibuf [dreg:s8], $0x6FFFF;
	_ =	strace $0x90000064  }
0xb9: {  	s29 =	simm.s32 $0x9;
	_ =	strace $0x80000066  }
0xba: {  	_ =	swait.ge [sflag:s29], $0x1  }
0xbb: {  	[sflag:s29] =	ssyncadd.s32 $0xFFFFFFFF  }
0xbc: {  	_ =	strace $0x90000066  }
0xbd: {  	_ =	sfence  }
0xbe: {  	s30 =	sld [smem:$0x0];
	_ =	sdelay $0x2  }
0xbf: {  	s31 =	sshll.u32 s1, $0xD;
	s1 =	sshrl.u32 s1, $0x2  }
0xc0: {  	s3 =	sand.u32 $0x4000, s31;
	s1 =	sadd.s32 s1, s30  }
0xc1: {  	s0 =	sor.u32 s3, s0;
	s1 =	sshll.u32 s1, $0x11  }
0xc2: {  	s0 =	sor.u32 s1, s0  }
0xc3: {  	s0 =	sadd.s32 $0x8F2B, s0  }
0xc4: {  	[sflag:s0] =	ssyncadd.remote.s32 $0x1  }
0xc5: {  	_ =	sfence.sel $0xFFFF  }
0xc6: {  	[dreg:$0x0] =	wrdreg $0xFFFFFFFF;
	(pc) =	sbr.abs _section_cstart, $3  }
0xc7: {  	[dreg:$0x1] =	wrdreg $0xFFFFFFFF  }
0xc8: {  	_ =	task.clear_ibuf [dreg:s8], $0x2FFFF;
	_ =	strace $0x9FFFFFFF  }
0xc9: {  	(tm) =	ssettm $0x7FFFFFFF  }
tec
execute0_lowered:
.L_overlay_start_1:
0x0: {  	(tag) =	ssettag $0x1  }
0x1: {  	s1 =	srdreg.scid;
	s0 =	stileid.u32  }
0x2: {  	s2 =	rddreg [dreg:$0x0];
	s15 =	sand.u32 $0x1, s1;
	s31 =	sshll.u32 s0, $0x1  }
0x3: {  	s14 =	rddreg [dreg:$0x1];
	s19 =	sor.u32 s15, s31  }
0x4: {  	s18 =	rddreg [dreg:$0x2];
	s3 =	simm.s32 $0x0;
	s4 =	sshll.u32 s19, $0x2  }
0x5: {  	s5 =	simm.s32 $0x2;
	[smem:$0x7FF] =	sst s3;
	s4 =	sadd.s32 s4, s14  }
0x6: {  	s1 =	rddreg [dreg:$0x3];
	_ =	strace $0x80000065;
	s4 =	sadd.s32 $0x7B2000, s4  }
0x7: {  	[tilespmem:s3], [sflag:$0x2] =	stream.linear.gather [hbm4b:s4+s3], $0x20, $0x38;
	[tilespmem:$0x1900] =	vst v63  }
0x8: {  	s6 =	simm.s32 $0x20;
	s7 =	simm.s32 $0x80;
	_ =	swait.ge [sflag:s5], $0x20  }
0x9: {  	s8 =	simm.s32 $0x1;
	p0 =	sgt.u32 s0, $0x7;
	[sflag:s5] =	ssyncset.done $0x0  }
0xa: {  	s12 =	simm.s32 @!p0 $0x0;
	s13 =	simm.s32 @!p0 $0x1080;
	[sflag:s5] =	ssyncadd.s32 $0xFFFFFFE0  }
0xb: {  	[tilespmem:s7], [sflag:$0x1] =	stream.indirect.gather [hbm4b:s2+s6], $0x80, s3, s6, $0xb8;
	[tilespmem:$0x1900] =	vst v63  }
0xc: {  	s20 =	ssub.s32 $0x2, s15;
	s9 =	sshll.u32 s19, $0x9;
	_ =	swait.ge [sflag:s8], $0x1000  }
0xd: {  	s15 =	simm.s32 @!p0 $0x1;
	s9 =	sadd.s32 s9, s14;
	[sflag:s8] =	ssyncset.done $0x0  }
0xe: {  	s16 =	simm.s32 @!p0 $0x10;
	s9 =	sadd.s32 $0x2D400, s9;
	[sflag:s8] =	ssyncadd.s32 $0xFFFFF000  }
0xf: {  	[hbm4b:s9+s3] =	stream.linear.scatter [tilespmem:s7], [sflag:$0x2], $0x1000, $0x38;
	[tilespmem:$0x1900] =	vst v63  }
0x10: {  	s17 =	simm.s32 @!p0 $0x1100;
	s10 =	sshll.u32 s19, $0x1;
	_ =	swait.ge [sflag:s5], $0x1000  }
0x11: {  	s21 =	sshrl.u32 s20, $0x1;
	s10 =	sadd.s32 s10, s14;
	[sflag:s5] =	ssyncset.done $0x0  }
0x12: {  	s11 =	sadd.s32 $0x7B1E00, s10;
	s10 =	simm.s32 @!p0 $0x2;
	[sflag:s5] =	ssyncadd.s32 $0xFFFFF000  }
0x13: {  	[tilespmem:s13], [sflag:$0x2] =	stream.linear.gather @!p0 [hbm4b:s11+s12], $0x10, $0x38;
	[tilespmem:$0x1900] =	vst v63  }
0x14: {  	s19 =	sshll.u32 s19, $0x8;
	s20 =	ssub.s32 s20, s21;
	_ =	swait.ge @!p0 [sflag:s10], $0x10  }
0x15: {  	s14 =	sadd.s32 $0x6200, s14;
	s20 =	smax.u32 s20, $0x1;
	[sflag:s10] =	ssyncset.done @!p0 $0x0  }
0x16: {  	s18 =	sadd.s32 s18, s19;
	s19 =	sadd.s32 $0xFFFFFFFF, s20;
	[sflag:s10] =	ssyncadd.s32 @!p0 $0xFFFFFFF0  }
0x17: {  	[tilespmem:s17], [sflag:$0x1] =	stream.indirect.gather @!p0 [hbm4b:s14+s16], $0x80, s13, s16, $0xb8;
	[tilespmem:$0x1900] =	vst v63  }
0x18: {  	p1 =	sne.s32 s19, $0x0;
	_ =	swait.ge @!p0 [sflag:s15], $0x800  }
.Ltmp0:
0x19: {  	[sflag:s15] =	ssyncset.done @!p0 $0x0;
	(pc) =	sbr.rel @!p1 .LBB2_2-.Ltmp0, $4  }
0x1a: {  	[sflag:s15] =	ssyncadd.s32 @!p0 $0xFFFFF800  }
0x1b: {  	[hbm4b:s18+s12] =	stream.linear.scatter @!p0 [tilespmem:s17], [sflag:$0x2], $0x800, $0x38;
	[tilespmem:$0x1900] =	vst v63  }
0x1c: {  	_ =	swait.ge @!p0 [sflag:s10], $0x800  }
0x1d: {  	[sflag:s10] =	ssyncset.done @!p0 $0x0  }
.LBB2_1:
0x1e: {  	s19 =	sadd.s32 $0xFFFFFFFF, s19;
	[sflag:s10] =	ssyncadd.s32 @!p0 $0xFFFFF800  }
0x1f: {  	[tilespmem:s3], [sflag:$0x2] =	stream.linear.gather [hbm4b:s4+s3], $0x20, $0x38;
	[tilespmem:$0x1900] =	vst v63  }
0x20: {  	p1 =	sne.s32 s19, $0x0;
	_ =	swait.ge [sflag:s5], $0x20  }
0x21: {  	[sflag:s5] =	ssyncset.done $0x0  }
0x22: {  	[sflag:s5] =	ssyncadd.s32 $0xFFFFFFE0  }
0x23: {  	[tilespmem:s7], [sflag:$0x1] =	stream.indirect.gather [hbm4b:s2+s6], $0x80, s3, s6, $0xb8;
	[tilespmem:$0x1900] =	vst v63  }
0x24: {  	_ =	swait.ge [sflag:s8], $0x1000  }
0x25: {  	[sflag:s8] =	ssyncset.done $0x0  }
0x26: {  	[sflag:s8] =	ssyncadd.s32 $0xFFFFF000  }
0x27: {  	[hbm4b:s9+s3] =	stream.linear.scatter [tilespmem:s7], [sflag:$0x2], $0x1000, $0x38;
	[tilespmem:$0x1900] =	vst v63  }
0x28: {  	_ =	swait.ge [sflag:s5], $0x1000  }
0x29: {  	[sflag:s5] =	ssyncset.done $0x0  }
0x2a: {  	[sflag:s5] =	ssyncadd.s32 $0xFFFFF000  }
0x2b: {  	[tilespmem:s13], [sflag:$0x2] =	stream.linear.gather @!p0 [hbm4b:s11+s12], $0x10, $0x38;
	[tilespmem:$0x1900] =	vst v63  }
0x2c: {  	_ =	swait.ge @!p0 [sflag:s10], $0x10  }
0x2d: {  	[sflag:s10] =	ssyncset.done @!p0 $0x0  }
0x2e: {  	[sflag:s10] =	ssyncadd.s32 @!p0 $0xFFFFFFF0  }
0x2f: {  	[tilespmem:s17], [sflag:$0x1] =	stream.indirect.gather @!p0 [hbm4b:s14+s16], $0x80, s13, s16, $0xb8;
	[tilespmem:$0x1900] =	vst v63  }
0x30: {  	_ =	swait.ge @!p0 [sflag:s15], $0x800  }
.Ltmp1:
0x31: {  	[sflag:s15] =	ssyncset.done @!p0 $0x0;
	(pc) =	sbr.rel @p1 .LBB2_1-.Ltmp1, $4  }
0x32: {  	[sflag:s15] =	ssyncadd.s32 @!p0 $0xFFFFF800  }
0x33: {  	[hbm4b:s18+s12] =	stream.linear.scatter @!p0 [tilespmem:s17], [sflag:$0x2], $0x800, $0x38;
	[tilespmem:$0x1900] =	vst v63  }
0x34: {  	_ =	swait.ge @!p0 [sflag:s10], $0x800  }
0x35: {  	[sflag:s10] =	ssyncset.done @!p0 $0x0  }
.LBB2_2:
0x36: {  	[sflag:s10] =	ssyncadd.s32 @!p0 $0xFFFFF800  }
0x37: {  	_ =	sfence.sel $0x180000  }
0x38: {  	[bflag:$0x0] =	sbarrier.arrive $0xFFFF  }
0x39: {  	p0 =	sne.s32 s0, $0x0;
	_ =	strace $0x90000065  }
0x3a: {  	s0 =	sadd.s32 @!p0 $0x100000, s1;
	[bflag:$0x2] =	sbarrier.arrive $0xFFFF  }
0x3b: {  	[sflag:s0] =	ssyncadd.tile.s32 @!p0 $0x1;
	_ =	shalt  }
.Lfunc_end2:
_tile_overlayer_lowered:
.L_overlay_start_2:
0x3c: {  	(tag) =	ssettag $0x2  }
0x3d: {  	s0 =	rddreg [dreg:$0x0];
	s2 =	stileid.u32  }
0x3e: {  	s1 =	rddreg [dreg:$0x1];
	p0 =	sne.s32 s2, $0x0  }
0x3f: {  	s3 =	rddreg [dreg:$0x2];
	[bflag:$0x3] =	sbarrier.arrive $0xFFFF;
	s2 =	simm.s32 @!p0 $0x1C02  }
0x40: {  	[timem:s3], [sflag:s2] =	dma.local @!p0 [hbm:s0], s1  }
0x41: {  	s0 =	simm.s32 @!p0 $0x2  }
0x42: {  	_ =	swait.ge @!p0 [sflag:s0], s1  }
0x43: {  	s1 =	ssub.s32 @!p0 $0x0, s1;
	[sflag:s0] =	ssyncset.done @!p0 $0x0  }
0x44: {  	[sflag:s0] =	ssyncadd.s32 @!p0 s1  }
0x45: {  	[bflag:$0x3] =	sbarrier.arrive $0xFFFF  }
0x46: {  	_ =	shalt  }

</sc_bundles>
